<compile_context>
chip_gen: v7x
topology: tpu7x:2x2x1
jax: 0.10.2.dev20260603
libtpu: 0.0.44.dev20260713+nightly
codegen_flags: <defaults>
</compile_context>

<pallas_src>
import functools

import jax
import jax.numpy as jnp
from jax import lax
from jax.experimental import pallas as pl
from jax.experimental.pallas import tpu as pltpu
from jax.experimental.pallas import tpu_sc as plsc

N1 = 12000
N2 = 10000
E1 = 384000
E2 = 320000
D0 = 64
D1 = 128
D2 = 64
NLEFT = 64

CK = 128
NTILES = 32
E1P = 385024
E2P = 327680
NC1 = E1P // (NTILES * CK)
NC2 = E2P // (NTILES * CK)
ACC_G1 = 12032
ACC_G2 = 10112
WROW = 128

_f32 = jnp.float32



def _sc_mesh():
    return plsc.VectorSubcoreMesh(core_axis_name="c", subcore_axis_name="s")


def _make_concept_scatter():
    rps = ACC_G1 // 16

    def body(tbl, src, dst, zeros, out, sidx, didx, rows, acc, sem0, sem1):
        c = lax.axis_index("c")
        s = lax.axis_index("s")
        wid = s * 2 + c
        sems = (sem0, sem1)
        pltpu.sync_copy(zeros.at[pl.ds(s * rps, rps)], acc.at[pl.ds(s * rps, rps)])

        def load(i, b):
            base = (wid * NC1 + i) * CK
            pltpu.sync_copy(src.at[pl.ds(base, CK)], sidx.at[b])
            pltpu.sync_copy(dst.at[pl.ds(base, CK)], didx.at[b])

        load(0, 0)
        pltpu.async_copy(tbl.at[sidx.at[0]], rows.at[0], sems[0])
        plsc.subcore_barrier()

        def pair(k, carry):
            i0 = k * 2
            for b in range(2):
                i = i0 + b
                nb = 1 - b

                @pl.when(i + 1 < NC1)
                def _():
                    load(i + 1, nb)
                    pltpu.async_copy(tbl.at[sidx.at[nb]], rows.at[nb], sems[nb])

                pltpu.make_async_copy(tbl.at[sidx.at[b]], rows.at[b],
                                      sems[b]).wait()
                pltpu.sync_copy(rows.at[b], acc.at[didx.at[b]], add=True)
            return carry

        lax.fori_loop(0, NC1 // 2, pair, 0)
        plsc.subcore_barrier()
        pltpu.sync_copy(acc.at[pl.ds(s * rps, rps)], out.at[c, pl.ds(s * rps, rps)])

    return pl.kernel(
        body,
        out_type=jax.ShapeDtypeStruct((2, ACC_G1, WROW), _f32),
        mesh=_sc_mesh(),
        scratch_types=[
            pltpu.VMEM((2, CK), jnp.int32),
            pltpu.VMEM((2, CK), jnp.int32),
            pltpu.VMEM((2, CK, WROW), _f32),
            pltpu.VMEM_SHARED((ACC_G1, WROW), _f32),
            pltpu.SemaphoreType.DMA,
            pltpu.SemaphoreType.DMA,
        ],
    )


def _make_rgcn_scatter(grab_ty, tstride):
    rps = ACC_G2 // 16

    def body(*refs):
        it = iter(refs)
        tbl = next(it); src = next(it); et = next(it); dst = next(it)
        zeros = next(it)
        if grab_ty:
            xg1 = next(it); lc = next(it)
        out = next(it)
        if grab_ty:
            ty_out = next(it)
        sidx = next(it); eidx = next(it); gidx = next(it); didx = next(it)
        rows = next(it)
        acc = next(it)
        if grab_ty:
            lidx = next(it); lrows = next(it)
        sem0 = next(it); sem1 = next(it)
        sems = (sem0, sem1)

        c = lax.axis_index("c")
        s = lax.axis_index("s")
        wid = s * 2 + c
        pltpu.sync_copy(zeros.at[pl.ds(s * rps, rps)], acc.at[pl.ds(s * rps, rps)])
        if grab_ty:
            @pl.when(wid == 0)
            def _():
                pltpu.sync_copy(lc, lidx)
                pltpu.async_copy(xg1.at[lidx], lrows, sems[0]).wait()
                pltpu.sync_copy(lrows, ty_out)

        def load(i, b):
            base = (wid * NC2 + i) * CK
            pltpu.sync_copy(src.at[pl.ds(base, CK)], sidx.at[b])
            pltpu.sync_copy(et.at[pl.ds(base, CK)], eidx.at[b])
            pltpu.sync_copy(dst.at[pl.ds(base, CK)], didx.at[b])
            for j in range(CK // 16):
                sl = pl.ds(j * 16, 16)
                gidx[b, sl] = eidx[b, sl] * tstride + sidx[b, sl]

        load(0, 0)
        pltpu.async_copy(tbl.at[gidx.at[0]], rows.at[0], sems[0])
        plsc.subcore_barrier()

        def pair(k, carry):
            i0 = k * 2
            for b in range(2):
                i = i0 + b
                nb = 1 - b

                @pl.when(i + 1 < NC2)
                def _():
                    load(i + 1, nb)
                    pltpu.async_copy(tbl.at[gidx.at[nb]], rows.at[nb], sems[nb])

                pltpu.make_async_copy(tbl.at[gidx.at[b]], rows.at[b],
                                      sems[b]).wait()
                pltpu.sync_copy(rows.at[b], acc.at[didx.at[b]], add=True)
            return carry

        lax.fori_loop(0, NC2 // 2, pair, 0)
        plsc.subcore_barrier()
        pltpu.sync_copy(acc.at[pl.ds(s * rps, rps)], out.at[c, pl.ds(s * rps, rps)])

    out_type = [jax.ShapeDtypeStruct((2, ACC_G2, WROW), _f32)]
    if grab_ty:
        out_type.append(jax.ShapeDtypeStruct((NLEFT, WROW), _f32))
    scratch = [
        pltpu.VMEM((2, CK), jnp.int32),
        pltpu.VMEM((2, CK), jnp.int32),
        pltpu.VMEM((2, CK), jnp.int32),
        pltpu.VMEM((2, CK), jnp.int32),
        pltpu.VMEM((2, CK, WROW), _f32),
        pltpu.VMEM_SHARED((ACC_G2, WROW), _f32),
    ]
    if grab_ty:
        scratch += [pltpu.VMEM((NLEFT,), jnp.int32),
                    pltpu.VMEM((NLEFT, WROW), _f32)]
    scratch += [pltpu.SemaphoreType.DMA, pltpu.SemaphoreType.DMA]
    return pl.kernel(body, out_type=tuple(out_type), mesh=_sc_mesh(),
                     scratch_types=scratch)


def _make_deg_scatter():
    rps = ACC_G2 // 16

    def body(dst, ones, zeros, out, didx, ones_v, acc, sem0, sem1):
        c = lax.axis_index("c")
        s = lax.axis_index("s")
        wid = s * 2 + c
        sems = (sem0, sem1)
        pltpu.sync_copy(zeros.at[pl.ds(s * rps, rps)], acc.at[pl.ds(s * rps, rps)])
        pltpu.sync_copy(ones, ones_v)

        def start(i, b):
            base = (wid * NC2 + i) * CK
            pltpu.async_copy(dst.at[pl.ds(base, CK)], didx.at[b], sems[b])

        start(0, 0)
        plsc.subcore_barrier()

        def pair(k, carry):
            i0 = k * 2
            for b in range(2):
                i = i0 + b
                nb = 1 - b

                @pl.when(i + 1 < NC2)
                def _():
                    start(i + 1, nb)

                base = (wid * NC2 + i) * CK
                pltpu.make_async_copy(dst.at[pl.ds(base, CK)], didx.at[b],
                                      sems[b]).wait()
                pltpu.sync_copy(ones_v, acc.at[didx.at[b]], add=True)
            return carry

        lax.fori_loop(0, NC2 // 2, pair, 0)
        plsc.subcore_barrier()
        pltpu.sync_copy(acc.at[pl.ds(s * rps, rps)], out.at[c, pl.ds(s * rps, rps)])

    return pl.kernel(
        body,
        out_type=jax.ShapeDtypeStruct((2, ACC_G2, WROW), _f32),
        mesh=_sc_mesh(),
        scratch_types=[
            pltpu.VMEM((2, CK), jnp.int32),
            pltpu.VMEM((CK, WROW), _f32),
            pltpu.VMEM_SHARED((ACC_G2, WROW), _f32),
            pltpu.SemaphoreType.DMA,
            pltpu.SemaphoreType.DMA,
        ],
    )



_BN = 400


def _kt1x_body(acc_ref, coeff_ref, bases_ref, tbl_ref, x_ref):
    a = acc_ref[0] + acc_ref[1]
    deg = jnp.maximum(a[:, D0:D0 + 1], 1.0)
    x = jnp.maximum(a[:, :D0] / deg, 0.0)
    x_ref[...] = jnp.concatenate(
        [x, jnp.zeros((x.shape[0], WROW - D0), _f32)], axis=1)
    w = bases_ref[0] * coeff_ref[0, 0, 0]
    for b in range(1, 4):
        w = w + bases_ref[b] * coeff_ref[0, 0, b]
    tbl_ref[...] = jnp.dot(x, w, preferred_element_type=_f32)


def _kht2_body(acc_ref, dg_ref, x_ref, ws_ref, b_ref, coeff_ref, bases_ref,
               tbl_ref, h_ref, deg_ref):
    a = acc_ref[0] + acc_ref[1]
    deg = jnp.maximum(dg_ref[0, :, 0:1] + dg_ref[1, :, 0:1], 1.0)
    deg_ref[...] = deg
    h = jnp.maximum(a / deg + jnp.dot(x_ref[:, :D0], ws_ref[...],
                                      preferred_element_type=_f32) + b_ref[...],
                    0.0)
    h_ref[...] = h
    w = bases_ref[0] * coeff_ref[0, 0, 0]
    for b in range(1, 4):
        w = w + bases_ref[b] * coeff_ref[0, 0, b]
    xt = jnp.dot(h, w, preferred_element_type=_f32)
    tbl_ref[...] = jnp.concatenate(
        [xt, jnp.zeros((xt.shape[0], WROW - D2), _f32)], axis=1)


def _kt_body(din, dout, x_ref, coeff_ref, bases_ref, out_ref):
    w = bases_ref[0] * coeff_ref[0, 0, 0]
    for b in range(1, 4):
        w = w + bases_ref[b] * coeff_ref[0, 0, b]
    xt = jnp.dot(x_ref[:, :din], w, preferred_element_type=_f32)
    if dout < WROW:
        xt = jnp.concatenate(
            [xt, jnp.zeros((xt.shape[0], WROW - dout), _f32)], axis=1)
    out_ref[...] = xt


def _kh_body(acc_ref, dg_ref, x_ref, ws_ref, b_ref, h_ref, deg_ref):
    a = acc_ref[0] + acc_ref[1]
    deg = jnp.maximum(dg_ref[0, :, 0:1] + dg_ref[1, :, 0:1], 1.0)
    deg_ref[...] = deg
    h = a / deg + jnp.dot(x_ref[:, :D0], ws_ref[...],
                          preferred_element_type=_f32) + b_ref[...]
    h_ref[...] = jnp.maximum(h, 0.0)


def _kf_body(acc_ref, deg_ref, h_ref, ws_ref, b_ref, ty_ref, w_ref, o_ref):
    a = acc_ref[0, :, :D2] + acc_ref[1, :, :D2]
    x = a / deg_ref[...] + jnp.dot(h_ref[...], ws_ref[...],
                                   preferred_element_type=_f32) + b_ref[...]
    vm = ty_ref[:, :D2] * w_ref[...]
    sc = jnp.dot(x, vm.T, preferred_element_type=_f32)
    m = jnp.max(sc, axis=1, keepdims=True)
    e = jnp.exp(sc - m)
    o_ref[...] = e / jnp.sum(e, axis=1, keepdims=True)


def _full(shape):
    return pl.BlockSpec(shape, lambda *_: tuple(0 for _ in shape))



def kernel(edge_index_g2, edge_type_g2, edge_index_g1, all_node_embedding,
           bases1, coeff1, w_self1, bias1, bases2, coeff2, w_self2, bias2,
           weights, left_common):
    i32 = jnp.int32
    src1 = jnp.concatenate([edge_index_g1[0].astype(i32),
                            jnp.zeros((E1P - E1,), i32)])
    dst1 = jnp.concatenate([edge_index_g1[1].astype(i32),
                            jnp.full((E1P - E1,), N1, i32)])
    src2 = jnp.concatenate([edge_index_g2[0].astype(i32),
                            jnp.zeros((E2P - E2,), i32)])
    et2 = jnp.concatenate([edge_type_g2.astype(i32),
                           jnp.zeros((E2P - E2,), i32)])
    dst2 = jnp.concatenate([edge_index_g2[1].astype(i32),
                            jnp.full((E2P - E2,), N2, i32)])
    xpad = jnp.concatenate(
        [all_node_embedding, jnp.ones((N1, 1), _f32),
         jnp.zeros((N1, WROW - D0 - 1), _f32)], axis=1)

    acc_g1 = _make_concept_scatter()(
        xpad, src1, dst1, jnp.zeros((ACC_G1, WROW), _f32))

    degp = _make_deg_scatter()(
        dst2, jnp.ones((CK, WROW), _f32), jnp.zeros((ACC_G2, WROW), _f32))

    nj = N2 // _BN
    nj1 = N1 // _BN
    table1, x_g1 = pl.pallas_call(
        _kt1x_body,
        grid=(8, nj1),
        in_specs=[
            pl.BlockSpec((2, _BN, WROW), lambda r, j: (0, j, 0)),
            pl.BlockSpec((1, 1, 4), lambda r, j: (r, 0, 0)),
            pl.BlockSpec((4, D0, D1), lambda r, j: (0, 0, 0)),
        ],
        out_specs=[pl.BlockSpec((_BN, WROW), lambda r, j: (r * nj1 + j, 0)),
                   pl.BlockSpec((_BN, WROW), lambda r, j: (j, 0))],
        out_shape=[jax.ShapeDtypeStruct((8 * N1, WROW), _f32),
                   jax.ShapeDtypeStruct((N1, WROW), _f32)],
    )(acc_g1, coeff1.reshape(8, 1, 4), bases1)

    acc1 = _make_rgcn_scatter(False, N1)(
        table1, src2, et2, dst2, jnp.zeros((ACC_G2, WROW), _f32))[0]

    table2, h, deg2 = pl.pallas_call(
        _kht2_body,
        grid=(8, nj),
        in_specs=[
            pl.BlockSpec((2, _BN, WROW), lambda r, j: (0, j, 0)),
            pl.BlockSpec((2, _BN, WROW), lambda r, j: (0, j, 0)),
            pl.BlockSpec((_BN, WROW), lambda r, j: (j, 0)),
            _full((D0, D1)),
            _full((1, D1)),
            pl.BlockSpec((1, 1, 4), lambda r, j: (r, 0, 0)),
            _full((4, D1, D2)),
        ],
        out_specs=[pl.BlockSpec((_BN, WROW), lambda r, j: (r * nj + j, 0)),
                   pl.BlockSpec((_BN, D1), lambda r, j: (j, 0)),
                   pl.BlockSpec((_BN, 1), lambda r, j: (j, 0))],
        out_shape=[jax.ShapeDtypeStruct((8 * N2, WROW), _f32),
                   jax.ShapeDtypeStruct((N2, D1), _f32),
                   jax.ShapeDtypeStruct((N2, 1), _f32)],
    )(acc1, degp, x_g1, w_self1, bias1.reshape(1, D1),
      coeff2.reshape(8, 1, 4), bases2)

    acc2, ty = _make_rgcn_scatter(True, N2)(
        table2, src2, et2, dst2,
        jnp.zeros((ACC_G2, WROW), _f32),
        x_g1, left_common.astype(i32))

    out = pl.pallas_call(
        _kf_body,
        grid=(nj,),
        in_specs=[
            pl.BlockSpec((2, _BN, WROW), lambda j: (0, j, 0)),
            pl.BlockSpec((_BN, 1), lambda j: (j, 0)),
            pl.BlockSpec((_BN, D1), lambda j: (j, 0)),
            _full((D1, D2)),
            _full((1, D2)),
            _full((NLEFT, WROW)),
            _full((1, D2)),
        ],
        out_specs=pl.BlockSpec((_BN, NLEFT), lambda j: (j, 0)),
        out_shape=jax.ShapeDtypeStruct((N2, NLEFT), _f32),
    )(acc2, deg2, h, w_self2, bias2.reshape(1, D2), ty,
      weights.reshape(1, D2))
    return out

# --- scband reference (transcript-rebuilt; emitter-appended) ---
"""Pipeline reference for scband-model-72919954752197 (READ-ONLY COPY).

The authoritative reference and input builder live on the scoring server;
editing this copy changes nothing except your own understanding.
"""

import jax, jax.numpy as jnp
import numpy as np

N_G1 = 12000
N_G2 = 10000
E_G2 = 320000
E_G1 = 384000
NODE_DIM = 64
HIDDEN_DIM = 128
FINAL_DIM = 64
NUM_REL = 8
NUM_BASES = 4
N_LEFT = 64


def setup_inputs(seed: int = 0):
    key = jax.random.key(seed)
    ks = jax.random.split(key, 14)
    return {
        "edge_index_g2": jax.random.randint(ks[0], (2, E_G2), 0, N_G2),
        "edge_type_g2": jax.random.randint(ks[1], (E_G2,), 0, NUM_REL),
        "edge_index_g1": jax.random.randint(ks[2], (2, E_G1), 0, N_G1),
        "all_node_embedding": jax.random.normal(ks[3], (N_G1, NODE_DIM), dtype=jnp.float32) * 0.1,
        "bases1": jax.random.normal(ks[4], (NUM_BASES, NODE_DIM, HIDDEN_DIM), dtype=jnp.float32) * 0.05,
        "coeff1": jax.random.normal(ks[5], (NUM_REL, NUM_BASES), dtype=jnp.float32),
        "w_self1": jax.random.normal(ks[6], (NODE_DIM, HIDDEN_DIM), dtype=jnp.float32) * 0.05,
        "bias1": jnp.zeros((HIDDEN_DIM,), dtype=jnp.float32),
        "bases2": jax.random.normal(ks[7], (NUM_BASES, HIDDEN_DIM, FINAL_DIM), dtype=jnp.float32) * 0.05,
        "coeff2": jax.random.normal(ks[8], (NUM_REL, NUM_BASES), dtype=jnp.float32),
        "w_self2": jax.random.normal(ks[9], (HIDDEN_DIM, FINAL_DIM), dtype=jnp.float32) * 0.05,
        "bias2": jnp.zeros((FINAL_DIM,), dtype=jnp.float32),
        "weights": jax.random.uniform(ks[10], (FINAL_DIM, 1), dtype=jnp.float32),
        "left_common": jax.random.randint(ks[11], (N_LEFT,), 0, N_G1),
    }


def _concept_layer(x, edge_index, n):
    # mean aggregation of source-node features into destination nodes
    src = edge_index[0]
    dst = edge_index[1]
    agg = jax.ops.segment_sum(x[src], dst, num_segments=n)
    deg = jax.ops.segment_sum(jnp.ones((edge_index.shape[1],), dtype=x.dtype), dst, num_segments=n)
    return agg / jnp.clip(deg, 1.0)[:, None]


def _rgcn_layer(x, edge_index, edge_type, bases, coeff, w_self, bias, n):
    # basis-decomposition RGCN layer
    W = jnp.einsum('rb,bio->rio', coeff, bases)          # [R, in, out]
    xt = jnp.einsum('ni,rio->rno', x, W)                  # [R, N, out]
    src = edge_index[0]
    dst = edge_index[1]
    msgs = xt[edge_type, src]                             # gather per-edge messages [E, out]
    agg = jax.ops.segment_sum(msgs, dst, num_segments=n)  # scatter-add
    deg = jax.ops.segment_sum(jnp.ones((edge_index.shape[1],), dtype=x.dtype), dst, num_segments=n)
    return agg / jnp.clip(deg, 1.0)[:, None] + x @ w_self + bias


def reference(edge_index_g2, edge_type_g2, edge_index_g1, all_node_embedding,
              bases1, coeff1, w_self1, bias1, bases2, coeff2, w_self2, bias2,
              weights, left_common):
    x_g1 = _concept_layer(all_node_embedding, edge_index_g1, N_G1)
    x_g1 = jax.nn.relu(x_g1)
    node_embedding_g2 = x_g1[0:N_G2, :]
    x_g2 = _rgcn_layer(node_embedding_g2, edge_index_g2, edge_type_g2, bases1, coeff1, w_self1, bias1, N_G2)
    x_g2 = jax.nn.relu(x_g2)  # relu_use == 1
    x_g2 = _rgcn_layer(x_g2, edge_index_g2, edge_type_g2, bases2, coeff2, w_self2, bias2, N_G2)
    ty_embedding_matrix = x_g1[left_common, :]            # [L, FINAL_DIM]
    tmp = x_g2[:, None, :] * ty_embedding_matrix[None, :, :]  # mul_def -> [N, L, FINAL_DIM]
    x_final = jnp.matmul(tmp, weights).squeeze(-1)        # [N, L]
    return jax.nn.softmax(x_final, axis=1)

if __name__ == "__main__":
    import jax
    _d = setup_inputs()
    print(jax.jit(kernel)(*tuple(_d.values())))

</pallas_src>

<mosaic_0001>
#map = affine_map<(d0, d1) -> (0)>
#map1 = affine_map<(d0, d1) -> (0, 0)>
#map2 = affine_map<(d0, d1) -> (0, 0, 0)>
module attributes {stable_mosaic.version = 14 : i64} {
  func.func @body(%arg0: i32, %arg1: i32, %arg2: memref<327680xi32, #tpu.memory_space<hbm>>, %arg3: memref<128x128xf32, #tpu.memory_space<hbm>>, %arg4: memref<10112x128xf32, #tpu.memory_space<hbm>>, %arg5: memref<2x10112x128xf32, #tpu.memory_space<hbm>>, %arg6: memref<2x128xi32, #tpu.memory_space<vmem>>, %arg7: memref<128x128xf32, #tpu.memory_space<vmem>>, %arg8: memref<10112x128xf32, #tpu.memory_space<vmem_shared>>, %arg9: memref<!tpu.dma_semaphore, #tpu.memory_space<semaphore_mem>>, %arg10: memref<!tpu.dma_semaphore, #tpu.memory_space<semaphore_mem>>) attributes {dimension_semantics = [#tpu.dimension_semantics<core_parallel>, #tpu.dimension_semantics<subcore_parallel>], iteration_bounds = array<i64: 2, 16>, scalar_prefetch = 0 : i64, scratch_operands = 5 : i64, tpu.core_type = #tpu.core_type<sc_vector_subcore>, window_params = [{transform_indices = #map}, {transform_indices = #map1}, {transform_indices = #map1}, {transform_indices = #map2}]} {
    %mul3A = arith.constant 2 : i32
    %mul3A_0 = arith.muli %arg1, %mul3A : i32
    %add3A = arith.addi %mul3A_0, %arg0 : i32
    %mul3A_1 = arith.constant 632 : i32
    %mul3A_2 = arith.muli %arg1, %mul3A_1 : i32
    %mul3A_3 = arith.constant 632 : i32
    %mul3A_4 = arith.muli %arg1, %mul3A_3 : i32
    "tpu.region"() ({
      %run_scoped3A = tpu.sem_alloc : memref<!tpu.dma_semaphore, #tpu.memory_space<semaphore_mem>>
      %dma_start3A_29 = arith.constant 0 : i32
      %dma_start3A_30 = tpu.memref_slice %arg8[%mul3A_4, %dma_start3A_29] : memref<10112x128xf32, #tpu.memory_space<vmem_shared>> -> memref<632x128xf32, #tpu.memory_space<vmem_shared>>
      %dma_start3A_31 = arith.constant 0 : i32
      %dma_start3A_32 = tpu.memref_slice %arg4[%mul3A_2, %dma_start3A_31] : memref<10112x128xf32, #tpu.memory_space<hbm>> -> memref<632x128xf32, #tpu.memory_space<hbm>>
      tpu.enqueue_dma source(%dma_start3A_32 : memref<632x128xf32, #tpu.memory_space<hbm>>) target(%dma_start3A_30 : memref<632x128xf32, #tpu.memory_space<vmem_shared>>) target_semaphore(%run_scoped3A : memref<!tpu.dma_semaphore, #tpu.memory_space<semaphore_mem>>)
      %dma_wait3A = arith.constant 0 : i32
      %dma_wait3A_33 = tpu.memref_slice %arg8[%mul3A_4, %dma_wait3A] : memref<10112x128xf32, #tpu.memory_space<vmem_shared>> -> memref<632x128xf32, #tpu.memory_space<vmem_shared>>
      %dma_wait3A_34 = arith.constant 0 : i32
      %dma_wait3A_35 = tpu.memref_slice %arg4[%mul3A_2, %dma_wait3A_34] : memref<10112x128xf32, #tpu.memory_space<hbm>> -> memref<632x128xf32, #tpu.memory_space<hbm>>
      tpu.wait_dma2 semaphore(%run_scoped3A : memref<!tpu.dma_semaphore, #tpu.memory_space<semaphore_mem>>) src(%dma_wait3A_35 : memref<632x128xf32, #tpu.memory_space<hbm>>) dst(%dma_wait3A_33 : memref<632x128xf32, #tpu.memory_space<vmem_shared>>)
      tpu.yield
    }) : () -> ()
    "tpu.region"() ({
      %run_scoped3A = tpu.sem_alloc : memref<!tpu.dma_semaphore, #tpu.memory_space<semaphore_mem>>
      tpu.enqueue_dma source(%arg3 : memref<128x128xf32, #tpu.memory_space<hbm>>) target(%arg7 : memref<128x128xf32, #tpu.memory_space<vmem>>) target_semaphore(%run_scoped3A : memref<!tpu.dma_semaphore, #tpu.memory_space<semaphore_mem>>)
      tpu.wait_dma2 semaphore(%run_scoped3A : memref<!tpu.dma_semaphore, #tpu.memory_space<semaphore_mem>>) src(%arg3 : memref<128x128xf32, #tpu.memory_space<hbm>>) dst(%arg7 : memref<128x128xf32, #tpu.memory_space<vmem>>)
      tpu.yield
    }) : () -> ()
    %mul3A_5 = arith.constant 80 : i32
    %mul3A_6 = arith.muli %add3A, %mul3A_5 : i32
    %add3A_7 = arith.constant 0 : i32
    %add3A_8 = arith.addi %mul3A_6, %add3A_7 : i32
    %mul3A_9 = arith.constant 128 : i32
    %mul3A_10 = arith.muli %add3A_8, %mul3A_9 : i32
    %dma_start3A = arith.constant 0 : i32
    %dma_start3A_11 = arith.constant 0 : i32
    %dma_start3A_12 = tpu.memref_slice %arg6[%dma_start3A, %dma_start3A_11] : memref<2x128xi32, #tpu.memory_space<vmem>> -> memref<1x128xi32, #tpu.memory_space<vmem>>
    %dma_start3A_13 = tpu.memref_squeeze %dma_start3A_12 : memref<1x128xi32, #tpu.memory_space<vmem>> -> memref<128xi32, #tpu.memory_space<vmem>>
    %dma_start3A_14 = tpu.memref_slice %arg2[%mul3A_10] : memref<327680xi32, #tpu.memory_space<hbm>> -> memref<128xi32, #tpu.memory_space<hbm>>
    %dma_start3A_15 = arith.constant 0 : i32
    %dma_start3A_16 = tpu.memref_slice %arg6[%dma_start3A, %dma_start3A_15] : memref<2x128xi32, #tpu.memory_space<vmem>> -> memref<1x128xi32, #tpu.memory_space<vmem>>
    %dma_start3A_17 = tpu.memref_squeeze %dma_start3A_16 : memref<1x128xi32, #tpu.memory_space<vmem>> -> memref<128xi32, #tpu.memory_space<vmem>>
    %dma_start3A_18 = tpu.memref_slice %arg2[%mul3A_10] : memref<327680xi32, #tpu.memory_space<hbm>> -> memref<128xi32, #tpu.memory_space<hbm>>
    tpu.enqueue_dma source(%dma_start3A_18 : memref<128xi32, #tpu.memory_space<hbm>>) target(%dma_start3A_17 : memref<128xi32, #tpu.memory_space<vmem>>) target_semaphore(%arg9 : memref<!tpu.dma_semaphore, #tpu.memory_space<semaphore_mem>>)
    %barrier3A = arith.constant 0 : index
    tpu.barrier barrier_id(%barrier3A)
    %scan3A = arith.constant 0 : i32
    %scan3A_19 = arith.constant 0 : i32
    %scan3A_20 = arith.constant 40 : i32
    %scan3A_21 = arith.addi %scan3A_19, %scan3A_20 : i32
    %scan3A_22 = arith.constant 1 : i32
    scf.for %scan3A_29 = %scan3A_19 to %scan3A_21 step %scan3A_22  : i32 {
      %mul3A_30 = arith.constant 2 : i32
      %mul3A_31 = arith.muli %scan3A_29, %mul3A_30 : i32
      %add3A_32 = arith.constant 0 : i32
      %add3A_33 = arith.addi %mul3A_31, %add3A_32 : i32
      %add3A_34 = arith.constant 1 : i32
      %add3A_35 = arith.addi %add3A_33, %add3A_34 : i32
      %lt3A = arith.constant 80 : i32
      %lt3A_36 = arith.cmpi slt, %add3A_35, %lt3A : i32
      %convert_element_type3A = arith.extui %lt3A_36 : i1 to i32
      %cond3A = arith.constant 0 : i32
      %cond3A_37 = arith.cmpi ne, %convert_element_type3A, %cond3A : i32
      scf.if %cond3A_37 {
        %add3A_75 = arith.constant 1 : i32
        %add3A_76 = arith.addi %add3A_33, %add3A_75 : i32
        %mul3A_77 = arith.constant 80 : i32
        %mul3A_78 = arith.muli %add3A, %mul3A_77 : i32
        %add3A_79 = arith.addi %mul3A_78, %add3A_76 : i32
        %mul3A_80 = arith.constant 128 : i32
        %mul3A_81 = arith.muli %add3A_79, %mul3A_80 : i32
        %dma_start3A_82 = arith.constant 1 : i32
        %dma_start3A_83 = arith.constant 0 : i32
        %dma_start3A_84 = tpu.memref_slice %arg6[%dma_start3A_82, %dma_start3A_83] : memref<2x128xi32, #tpu.memory_space<vmem>> -> memref<1x128xi32, #tpu.memory_space<vmem>>
        %dma_start3A_85 = tpu.memref_squeeze %dma_start3A_84 : memref<1x128xi32, #tpu.memory_space<vmem>> -> memref<128xi32, #tpu.memory_space<vmem>>
        %dma_start3A_86 = tpu.memref_slice %arg2[%mul3A_81] : memref<327680xi32, #tpu.memory_space<hbm>> -> memref<128xi32, #tpu.memory_space<hbm>>
        %dma_start3A_87 = arith.constant 0 : i32
        %dma_start3A_88 = tpu.memref_slice %arg6[%dma_start3A_82, %dma_start3A_87] : memref<2x128xi32, #tpu.memory_space<vmem>> -> memref<1x128xi32, #tpu.memory_space<vmem>>
        %dma_start3A_89 = tpu.memref_squeeze %dma_start3A_88 : memref<1x128xi32, #tpu.memory_space<vmem>> -> memref<128xi32, #tpu.memory_space<vmem>>
        %dma_start3A_90 = tpu.memref_slice %arg2[%mul3A_81] : memref<327680xi32, #tpu.memory_space<hbm>> -> memref<128xi32, #tpu.memory_space<hbm>>
        tpu.enqueue_dma source(%dma_start3A_90 : memref<128xi32, #tpu.memory_space<hbm>>) target(%dma_start3A_89 : memref<128xi32, #tpu.memory_space<vmem>>) target_semaphore(%arg10 : memref<!tpu.dma_semaphore, #tpu.memory_space<semaphore_mem>>)
      } else {
      }
      %mul3A_38 = arith.constant 80 : i32
      %mul3A_39 = arith.muli %add3A, %mul3A_38 : i32
      %add3A_40 = arith.addi %mul3A_39, %add3A_33 : i32
      %mul3A_41 = arith.constant 128 : i32
      %mul3A_42 = arith.muli %add3A_40, %mul3A_41 : i32
      %dma_wait3A = arith.constant 0 : i32
      %dma_wait3A_43 = arith.constant 0 : i32
      %dma_wait3A_44 = tpu.memref_slice %arg6[%dma_wait3A, %dma_wait3A_43] : memref<2x128xi32, #tpu.memory_space<vmem>> -> memref<1x128xi32, #tpu.memory_space<vmem>>
      %dma_wait3A_45 = tpu.memref_squeeze %dma_wait3A_44 : memref<1x128xi32, #tpu.memory_space<vmem>> -> memref<128xi32, #tpu.memory_space<vmem>>
      %dma_wait3A_46 = tpu.memref_slice %arg2[%mul3A_42] : memref<327680xi32, #tpu.memory_space<hbm>> -> memref<128xi32, #tpu.memory_space<hbm>>
      %dma_wait3A_47 = arith.constant 0 : i32
      %dma_wait3A_48 = tpu.memref_slice %arg6[%dma_wait3A, %dma_wait3A_47] : memref<2x128xi32, #tpu.memory_space<vmem>> -> memref<1x128xi32, #tpu.memory_space<vmem>>
      %dma_wait3A_49 = tpu.memref_squeeze %dma_wait3A_48 : memref<1x128xi32, #tpu.memory_space<vmem>> -> memref<128xi32, #tpu.memory_space<vmem>>
      %dma_wait3A_50 = tpu.memref_slice %arg2[%mul3A_42] : memref<327680xi32, #tpu.memory_space<hbm>> -> memref<128xi32, #tpu.memory_space<hbm>>
      tpu.wait_dma2 semaphore(%arg9 : memref<!tpu.dma_semaphore, #tpu.memory_space<semaphore_mem>>) src(%dma_wait3A_50 : memref<128xi32, #tpu.memory_space<hbm>>) dst(%dma_wait3A_49 : memref<128xi32, #tpu.memory_space<vmem>>)
      %run_scoped3A = arith.constant 0 : i32
      "tpu.region"() ({
        %run_scoped3A_75 = tpu.sem_alloc : memref<!tpu.dma_semaphore, #tpu.memory_space<semaphore_mem>>
        %dma_start3A_76 = arith.constant 0 : i32
        %dma_start3A_77 = tpu.memref_slice %arg6[%run_scoped3A, %dma_start3A_76] : memref<2x128xi32, #tpu.memory_space<vmem>> -> memref<1x128xi32, #tpu.memory_space<vmem>>
        %dma_start3A_78 = tpu.memref_squeeze %dma_start3A_77 : memref<1x128xi32, #tpu.memory_space<vmem>> -> memref<128xi32, #tpu.memory_space<vmem>>
        %dma_start3A_79 = arith.constant 0 : i32
        %dma_start3A_80 = arith.constant 0 : i32
        %dma_start3A_81 = tpu.memref_slice %arg8[%dma_start3A_79, %dma_start3A_80] : memref<10112x128xf32, #tpu.memory_space<vmem_shared>> -> memref<10112x128xf32, #tpu.memory_space<vmem_shared>>
        tpu.enqueue_indirect_dma source(%arg7 : memref<128x128xf32, #tpu.memory_space<vmem>>) target(%dma_start3A_81 : memref<10112x128xf32, #tpu.memory_space<vmem_shared>>) offsets(%dma_start3A_78 : memref<128xi32, #tpu.memory_space<vmem>>) semaphore(%run_scoped3A_75 : memref<!tpu.dma_semaphore, #tpu.memory_space<semaphore_mem>>) {add = true}
        %dma_wait3A_82 = arith.constant 0 : i32
        %dma_wait3A_83 = tpu.memref_slice %arg6[%run_scoped3A, %dma_wait3A_82] : memref<2x128xi32, #tpu.memory_space<vmem>> -> memref<1x128xi32, #tpu.memory_space<vmem>>
        %dma_wait3A_84 = tpu.memref_squeeze %dma_wait3A_83 : memref<1x128xi32, #tpu.memory_space<vmem>> -> memref<128xi32, #tpu.memory_space<vmem>>
        %dma_wait3A_85 = arith.constant 0 : i32
        %dma_wait3A_86 = arith.constant 0 : i32
        %dma_wait3A_87 = tpu.memref_slice %arg8[%dma_wait3A_85, %dma_wait3A_86] : memref<10112x128xf32, #tpu.memory_space<vmem_shared>> -> memref<10112x128xf32, #tpu.memory_space<vmem_shared>>
        tpu.wait_indirect_dma semaphore(%run_scoped3A_75 : memref<!tpu.dma_semaphore, #tpu.memory_space<semaphore_mem>>) src(%arg7 : memref<128x128xf32, #tpu.memory_space<vmem>>) dst(%dma_wait3A_87 : memref<10112x128xf32, #tpu.memory_space<vmem_shared>>)
        tpu.yield
      }) : () -> ()
      %add3A_51 = arith.constant 1 : i32
      %add3A_52 = arith.addi %mul3A_31, %add3A_51 : i32
      %add3A_53 = arith.constant 1 : i32
      %add3A_54 = arith.addi %add3A_52, %add3A_53 : i32
      %lt3A_55 = arith.constant 80 : i32
      %lt3A_56 = arith.cmpi slt, %add3A_54, %lt3A_55 : i32
      %convert_element_type3A_57 = arith.extui %lt3A_56 : i1 to i32
      %cond3A_58 = arith.constant 0 : i32
      %cond3A_59 = arith.cmpi ne, %convert_element_type3A_57, %cond3A_58 : i32
      scf.if %cond3A_59 {
        %add3A_75 = arith.constant 1 : i32
        %add3A_76 = arith.addi %add3A_52, %add3A_75 : i32
        %mul3A_77 = arith.constant 80 : i32
        %mul3A_78 = arith.muli %add3A, %mul3A_77 : i32
        %add3A_79 = arith.addi %mul3A_78, %add3A_76 : i32
        %mul3A_80 = arith.constant 128 : i32
        %mul3A_81 = arith.muli %add3A_79, %mul3A_80 : i32
        %dma_start3A_82 = arith.constant 0 : i32
        %dma_start3A_83 = arith.constant 0 : i32
        %dma_start3A_84 = tpu.memref_slice %arg6[%dma_start3A_82, %dma_start3A_83] : memref<2x128xi32, #tpu.memory_space<vmem>> -> memref<1x128xi32, #tpu.memory_space<vmem>>
        %dma_start3A_85 = tpu.memref_squeeze %dma_start3A_84 : memref<1x128xi32, #tpu.memory_space<vmem>> -> memref<128xi32, #tpu.memory_space<vmem>>
        %dma_start3A_86 = tpu.memref_slice %arg2[%mul3A_81] : memref<327680xi32, #tpu.memory_space<hbm>> -> memref<128xi32, #tpu.memory_space<hbm>>
        %dma_start3A_87 = arith.constant 0 : i32
        %dma_start3A_88 = tpu.memref_slice %arg6[%dma_start3A_82, %dma_start3A_87] : memref<2x128xi32, #tpu.memory_space<vmem>> -> memref<1x128xi32, #tpu.memory_space<vmem>>
        %dma_start3A_89 = tpu.memref_squeeze %dma_start3A_88 : memref<1x128xi32, #tpu.memory_space<vmem>> -> memref<128xi32, #tpu.memory_space<vmem>>
        %dma_start3A_90 = tpu.memref_slice %arg2[%mul3A_81] : memref<327680xi32, #tpu.memory_space<hbm>> -> memref<128xi32, #tpu.memory_space<hbm>>
        tpu.enqueue_dma source(%dma_start3A_90 : memref<128xi32, #tpu.memory_space<hbm>>) target(%dma_start3A_89 : memref<128xi32, #tpu.memory_space<vmem>>) target_semaphore(%arg9 : memref<!tpu.dma_semaphore, #tpu.memory_space<semaphore_mem>>)
      } else {
      }
      %mul3A_60 = arith.constant 80 : i32
      %mul3A_61 = arith.muli %add3A, %mul3A_60 : i32
      %add3A_62 = arith.addi %mul3A_61, %add3A_52 : i32
      %mul3A_63 = arith.constant 128 : i32
      %mul3A_64 = arith.muli %add3A_62, %mul3A_63 : i32
      %dma_wait3A_65 = arith.constant 1 : i32
      %dma_wait3A_66 = arith.constant 0 : i32
      %dma_wait3A_67 = tpu.memref_slice %arg6[%dma_wait3A_65, %dma_wait3A_66] : memref<2x128xi32, #tpu.memory_space<vmem>> -> memref<1x128xi32, #tpu.memory_space<vmem>>
      %dma_wait3A_68 = tpu.memref_squeeze %dma_wait3A_67 : memref<1x128xi32, #tpu.memory_space<vmem>> -> memref<128xi32, #tpu.memory_space<vmem>>
      %dma_wait3A_69 = tpu.memref_slice %arg2[%mul3A_64] : memref<327680xi32, #tpu.memory_space<hbm>> -> memref<128xi32, #tpu.memory_space<hbm>>
      %dma_wait3A_70 = arith.constant 0 : i32
      %dma_wait3A_71 = tpu.memref_slice %arg6[%dma_wait3A_65, %dma_wait3A_70] : memref<2x128xi32, #tpu.memory_space<vmem>> -> memref<1x128xi32, #tpu.memory_space<vmem>>
      %dma_wait3A_72 = tpu.memref_squeeze %dma_wait3A_71 : memref<1x128xi32, #tpu.memory_space<vmem>> -> memref<128xi32, #tpu.memory_space<vmem>>
      %dma_wait3A_73 = tpu.memref_slice %arg2[%mul3A_64] : memref<327680xi32, #tpu.memory_space<hbm>> -> memref<128xi32, #tpu.memory_space<hbm>>
      tpu.wait_dma2 semaphore(%arg10 : memref<!tpu.dma_semaphore, #tpu.memory_space<semaphore_mem>>) src(%dma_wait3A_73 : memref<128xi32, #tpu.memory_space<hbm>>) dst(%dma_wait3A_72 : memref<128xi32, #tpu.memory_space<vmem>>)
      %run_scoped3A_74 = arith.constant 1 : i32
      "tpu.region"() ({
        %run_scoped3A_75 = tpu.sem_alloc : memref<!tpu.dma_semaphore, #tpu.memory_space<semaphore_mem>>
        %dma_start3A_76 = arith.constant 0 : i32
        %dma_start3A_77 = tpu.memref_slice %arg6[%run_scoped3A_74, %dma_start3A_76] : memref<2x128xi32, #tpu.memory_space<vmem>> -> memref<1x128xi32, #tpu.memory_space<vmem>>
        %dma_start3A_78 = tpu.memref_squeeze %dma_start3A_77 : memref<1x128xi32, #tpu.memory_space<vmem>> -> memref<128xi32, #tpu.memory_space<vmem>>
        %dma_start3A_79 = arith.constant 0 : i32
        %dma_start3A_80 = arith.constant 0 : i32
        %dma_start3A_81 = tpu.memref_slice %arg8[%dma_start3A_79, %dma_start3A_80] : memref<10112x128xf32, #tpu.memory_space<vmem_shared>> -> memref<10112x128xf32, #tpu.memory_space<vmem_shared>>
        tpu.enqueue_indirect_dma source(%arg7 : memref<128x128xf32, #tpu.memory_space<vmem>>) target(%dma_start3A_81 : memref<10112x128xf32, #tpu.memory_space<vmem_shared>>) offsets(%dma_start3A_78 : memref<128xi32, #tpu.memory_space<vmem>>) semaphore(%run_scoped3A_75 : memref<!tpu.dma_semaphore, #tpu.memory_space<semaphore_mem>>) {add = true}
        %dma_wait3A_82 = arith.constant 0 : i32
        %dma_wait3A_83 = tpu.memref_slice %arg6[%run_scoped3A_74, %dma_wait3A_82] : memref<2x128xi32, #tpu.memory_space<vmem>> -> memref<1x128xi32, #tpu.memory_space<vmem>>
        %dma_wait3A_84 = tpu.memref_squeeze %dma_wait3A_83 : memref<1x128xi32, #tpu.memory_space<vmem>> -> memref<128xi32, #tpu.memory_space<vmem>>
        %dma_wait3A_85 = arith.constant 0 : i32
        %dma_wait3A_86 = arith.constant 0 : i32
        %dma_wait3A_87 = tpu.memref_slice %arg8[%dma_wait3A_85, %dma_wait3A_86] : memref<10112x128xf32, #tpu.memory_space<vmem_shared>> -> memref<10112x128xf32, #tpu.memory_space<vmem_shared>>
        tpu.wait_indirect_dma semaphore(%run_scoped3A_75 : memref<!tpu.dma_semaphore, #tpu.memory_space<semaphore_mem>>) src(%arg7 : memref<128x128xf32, #tpu.memory_space<vmem>>) dst(%dma_wait3A_87 : memref<10112x128xf32, #tpu.memory_space<vmem_shared>>)
        tpu.yield
      }) : () -> ()
    }
    %scan3A_23 = arith.constant 40 : i32
    %barrier3A_24 = arith.constant 0 : index
    tpu.barrier barrier_id(%barrier3A_24)
    %mul3A_25 = arith.constant 632 : i32
    %mul3A_26 = arith.muli %arg1, %mul3A_25 : i32
    %mul3A_27 = arith.constant 632 : i32
    %mul3A_28 = arith.muli %arg1, %mul3A_27 : i32
    "tpu.region"() ({
      %run_scoped3A = tpu.sem_alloc : memref<!tpu.dma_semaphore, #tpu.memory_space<semaphore_mem>>
      %dma_start3A_29 = arith.constant 0 : i32
      %dma_start3A_30 = tpu.memref_slice %arg5[%arg0, %mul3A_28, %dma_start3A_29] : memref<2x10112x128xf32, #tpu.memory_space<hbm>> -> memref<1x632x128xf32, #tpu.memory_space<hbm>>
      %dma_start3A_31 = tpu.memref_squeeze %dma_start3A_30 : memref<1x632x128xf32, #tpu.memory_space<hbm>> -> memref<632x128xf32, #tpu.memory_space<hbm>>
      %dma_start3A_32 = arith.constant 0 : i32
      %dma_start3A_33 = tpu.memref_slice %arg8[%mul3A_26, %dma_start3A_32] : memref<10112x128xf32, #tpu.memory_space<vmem_shared>> -> memref<632x128xf32, #tpu.memory_space<vmem_shared>>
      tpu.enqueue_dma source(%dma_start3A_33 : memref<632x128xf32, #tpu.memory_space<vmem_shared>>) target(%dma_start3A_31 : memref<632x128xf32, #tpu.memory_space<hbm>>) target_semaphore(%run_scoped3A : memref<!tpu.dma_semaphore, #tpu.memory_space<semaphore_mem>>)
      %dma_wait3A = arith.constant 0 : i32
      %dma_wait3A_34 = tpu.memref_slice %arg5[%arg0, %mul3A_28, %dma_wait3A] : memref<2x10112x128xf32, #tpu.memory_space<hbm>> -> memref<1x632x128xf32, #tpu.memory_space<hbm>>
      %dma_wait3A_35 = tpu.memref_squeeze %dma_wait3A_34 : memref<1x632x128xf32, #tpu.memory_space<hbm>> -> memref<632x128xf32, #tpu.memory_space<hbm>>
      %dma_wait3A_36 = arith.constant 0 : i32
      %dma_wait3A_37 = tpu.memref_slice %arg8[%mul3A_26, %dma_wait3A_36] : memref<10112x128xf32, #tpu.memory_space<vmem_shared>> -> memref<632x128xf32, #tpu.memory_space<vmem_shared>>
      tpu.wait_dma2 semaphore(%run_scoped3A : memref<!tpu.dma_semaphore, #tpu.memory_space<semaphore_mem>>) src(%dma_wait3A_37 : memref<632x128xf32, #tpu.memory_space<vmem_shared>>) dst(%dma_wait3A_35 : memref<632x128xf32, #tpu.memory_space<hbm>>)
      tpu.yield
    }) : () -> ()
    return
  }
}

#map = affine_map<(d0, d1) -> (0, 0)>
#map1 = affine_map<(d0, d1) -> (0)>
#map2 = affine_map<(d0, d1) -> (0, 0, 0)>
module attributes {stable_mosaic.version = 14 : i64} {
  func.func @body(%arg0: i32, %arg1: i32, %arg2: memref<80000x128xf32, #tpu.memory_space<hbm>>, %arg3: memref<327680xi32, #tpu.memory_space<hbm>>, %arg4: memref<327680xi32, #tpu.memory_space<hbm>>, %arg5: memref<327680xi32, #tpu.memory_space<hbm>>, %arg6: memref<10112x128xf32, #tpu.memory_space<hbm>>, %arg7: memref<12000x128xf32, #tpu.memory_space<hbm>>, %arg8: memref<64xi32, #tpu.memory_space<hbm>>, %arg9: memref<2x10112x128xf32, #tpu.memory_space<hbm>>, %arg10: memref<64x128xf32, #tpu.memory_space<hbm>>, %arg11: memref<2x128xi32, #tpu.memory_space<vmem>>, %arg12: memref<2x128xi32, #tpu.memory_space<vmem>>, %arg13: memref<2x128xi32, #tpu.memory_space<vmem>>, %arg14: memref<2x128xi32, #tpu.memory_space<vmem>>, %arg15: memref<2x128x128xf32, #tpu.memory_space<vmem>>, %arg16: memref<10112x128xf32, #tpu.memory_space<vmem_shared>>, %arg17: memref<64xi32, #tpu.memory_space<vmem>>, %arg18: memref<64x128xf32, #tpu.memory_space<vmem>>, %arg19: memref<!tpu.dma_semaphore, #tpu.memory_space<semaphore_mem>>, %arg20: memref<!tpu.dma_semaphore, #tpu.memory_space<semaphore_mem>>) attributes {dimension_semantics = [#tpu.dimension_semantics<core_parallel>, #tpu.dimension_semantics<subcore_parallel>], iteration_bounds = array<i64: 2, 16>, scalar_prefetch = 0 : i64, scratch_operands = 10 : i64, tpu.core_type = #tpu.core_type<sc_vector_subcore>, window_params = [{transform_indices = #map}, {transform_indices = #map1}, {transform_indices = #map1}, {transform_indices = #map1}, {transform_indices = #map}, {transform_indices = #map}, {transform_indices = #map1}, {transform_indices = #map2}, {transform_indices = #map}]} {
    %mul3A = arith.constant 2 : i32
    %mul3A_0 = arith.muli %arg1, %mul3A : i32
    %add3A = arith.addi %mul3A_0, %arg0 : i32
    %mul3A_1 = arith.constant 632 : i32
    %mul3A_2 = arith.muli %arg1, %mul3A_1 : i32
    %mul3A_3 = arith.constant 632 : i32
    %mul3A_4 = arith.muli %arg1, %mul3A_3 : i32
    "tpu.region"() ({
      %run_scoped3A_194 = tpu.sem_alloc : memref<!tpu.dma_semaphore, #tpu.memory_space<semaphore_mem>>
      %dma_start3A_195 = arith.constant 0 : i32
      %dma_start3A_196 = tpu.memref_slice %arg16[%mul3A_4, %dma_start3A_195] : memref<10112x128xf32, #tpu.memory_space<vmem_shared>> -> memref<632x128xf32, #tpu.memory_space<vmem_shared>>
      %dma_start3A_197 = arith.constant 0 : i32
      %dma_start3A_198 = tpu.memref_slice %arg6[%mul3A_2, %dma_start3A_197] : memref<10112x128xf32, #tpu.memory_space<hbm>> -> memref<632x128xf32, #tpu.memory_space<hbm>>
      tpu.enqueue_dma source(%dma_start3A_198 : memref<632x128xf32, #tpu.memory_space<hbm>>) target(%dma_start3A_196 : memref<632x128xf32, #tpu.memory_space<vmem_shared>>) target_semaphore(%run_scoped3A_194 : memref<!tpu.dma_semaphore, #tpu.memory_space<semaphore_mem>>)
      %dma_wait3A = arith.constant 0 : i32
      %dma_wait3A_199 = tpu.memref_slice %arg16[%mul3A_4, %dma_wait3A] : memref<10112x128xf32, #tpu.memory_space<vmem_shared>> -> memref<632x128xf32, #tpu.memory_space<vmem_shared>>
      %dma_wait3A_200 = arith.constant 0 : i32
      %dma_wait3A_201 = tpu.memref_slice %arg6[%mul3A_2, %dma_wait3A_200] : memref<10112x128xf32, #tpu.memory_space<hbm>> -> memref<632x128xf32, #tpu.memory_space<hbm>>
      tpu.wait_dma2 semaphore(%run_scoped3A_194 : memref<!tpu.dma_semaphore, #tpu.memory_space<semaphore_mem>>) src(%dma_wait3A_201 : memref<632x128xf32, #tpu.memory_space<hbm>>) dst(%dma_wait3A_199 : memref<632x128xf32, #tpu.memory_space<vmem_shared>>)
      tpu.yield
    }) : () -> ()
    %eq3A = arith.constant 0 : i32
    %eq3A_5 = arith.cmpi eq, %add3A, %eq3A : i32
    %convert_element_type3A = arith.extui %eq3A_5 : i1 to i32
    %cond3A = arith.constant 0 : i32
    %cond3A_6 = arith.cmpi ne, %convert_element_type3A, %cond3A : i32
    scf.if %cond3A_6 {
      "tpu.region"() ({
        %run_scoped3A_199 = tpu.sem_alloc : memref<!tpu.dma_semaphore, #tpu.memory_space<semaphore_mem>>
        tpu.enqueue_dma source(%arg8 : memref<64xi32, #tpu.memory_space<hbm>>) target(%arg17 : memref<64xi32, #tpu.memory_space<vmem>>) target_semaphore(%run_scoped3A_199 : memref<!tpu.dma_semaphore, #tpu.memory_space<semaphore_mem>>)
        tpu.wait_dma2 semaphore(%run_scoped3A_199 : memref<!tpu.dma_semaphore, #tpu.memory_space<semaphore_mem>>) src(%arg8 : memref<64xi32, #tpu.memory_space<hbm>>) dst(%arg17 : memref<64xi32, #tpu.memory_space<vmem>>)
        tpu.yield
      }) : () -> ()
      %dma_start3A_194 = arith.constant 0 : i32
      %dma_start3A_195 = arith.constant 0 : i32
      %dma_start3A_196 = tpu.memref_slice %arg7[%dma_start3A_194, %dma_start3A_195] : memref<12000x128xf32, #tpu.memory_space<hbm>> -> memref<12000x128xf32, #tpu.memory_space<hbm>>
      tpu.enqueue_indirect_dma source(%dma_start3A_196 : memref<12000x128xf32, #tpu.memory_space<hbm>>) target(%arg18 : memref<64x128xf32, #tpu.memory_space<vmem>>) offsets(%arg17 : memref<64xi32, #tpu.memory_space<vmem>>) semaphore(%arg19 : memref<!tpu.dma_semaphore, #tpu.memory_space<semaphore_mem>>)
      %dma_wait3A = arith.constant 0 : i32
      %dma_wait3A_197 = arith.constant 0 : i32
      %dma_wait3A_198 = tpu.memref_slice %arg7[%dma_wait3A, %dma_wait3A_197] : memref<12000x128xf32, #tpu.memory_space<hbm>> -> memref<12000x128xf32, #tpu.memory_space<hbm>>
      tpu.wait_indirect_dma semaphore(%arg19 : memref<!tpu.dma_semaphore, #tpu.memory_space<semaphore_mem>>) src(%dma_wait3A_198 : memref<12000x128xf32, #tpu.memory_space<hbm>>) dst(%arg18 : memref<64x128xf32, #tpu.memory_space<vmem>>)
      "tpu.region"() ({
        %run_scoped3A_199 = tpu.sem_alloc : memref<!tpu.dma_semaphore, #tpu.memory_space<semaphore_mem>>
        tpu.enqueue_dma source(%arg18 : memref<64x128xf32, #tpu.memory_space<vmem>>) target(%arg10 : memref<64x128xf32, #tpu.memory_space<hbm>>) target_semaphore(%run_scoped3A_199 : memref<!tpu.dma_semaphore, #tpu.memory_space<semaphore_mem>>)
        tpu.wait_dma2 semaphore(%run_scoped3A_199 : memref<!tpu.dma_semaphore, #tpu.memory_space<semaphore_mem>>) src(%arg18 : memref<64x128xf32, #tpu.memory_space<vmem>>) dst(%arg10 : memref<64x128xf32, #tpu.memory_space<hbm>>)
        tpu.yield
      }) : () -> ()
    } else {
    }
    %mul3A_7 = arith.constant 80 : i32
    %mul3A_8 = arith.muli %add3A, %mul3A_7 : i32
    %add3A_9 = arith.constant 0 : i32
    %add3A_10 = arith.addi %mul3A_8, %add3A_9 : i32
    %mul3A_11 = arith.constant 128 : i32
    %mul3A_12 = arith.muli %add3A_10, %mul3A_11 : i32
    %run_scoped3A = arith.constant 0 : i32
    "tpu.region"() ({
      %run_scoped3A_194 = tpu.sem_alloc : memref<!tpu.dma_semaphore, #tpu.memory_space<semaphore_mem>>
      %dma_start3A_195 = arith.constant 0 : i32
      %dma_start3A_196 = tpu.memref_slice %arg11[%run_scoped3A, %dma_start3A_195] : memref<2x128xi32, #tpu.memory_space<vmem>> -> memref<1x128xi32, #tpu.memory_space<vmem>>
      %dma_start3A_197 = tpu.memref_squeeze %dma_start3A_196 : memref<1x128xi32, #tpu.memory_space<vmem>> -> memref<128xi32, #tpu.memory_space<vmem>>
      %dma_start3A_198 = tpu.memref_slice %arg3[%mul3A_12] : memref<327680xi32, #tpu.memory_space<hbm>> -> memref<128xi32, #tpu.memory_space<hbm>>
      %dma_start3A_199 = arith.constant 0 : i32
      %dma_start3A_200 = tpu.memref_slice %arg11[%run_scoped3A, %dma_start3A_199] : memref<2x128xi32, #tpu.memory_space<vmem>> -> memref<1x128xi32, #tpu.memory_space<vmem>>
      %dma_start3A_201 = tpu.memref_squeeze %dma_start3A_200 : memref<1x128xi32, #tpu.memory_space<vmem>> -> memref<128xi32, #tpu.memory_space<vmem>>
      %dma_start3A_202 = tpu.memref_slice %arg3[%mul3A_12] : memref<327680xi32, #tpu.memory_space<hbm>> -> memref<128xi32, #tpu.memory_space<hbm>>
      tpu.enqueue_dma source(%dma_start3A_202 : memref<128xi32, #tpu.memory_space<hbm>>) target(%dma_start3A_201 : memref<128xi32, #tpu.memory_space<vmem>>) target_semaphore(%run_scoped3A_194 : memref<!tpu.dma_semaphore, #tpu.memory_space<semaphore_mem>>)
      %dma_wait3A = arith.constant 0 : i32
      %dma_wait3A_203 = tpu.memref_slice %arg11[%run_scoped3A, %dma_wait3A] : memref<2x128xi32, #tpu.memory_space<vmem>> -> memref<1x128xi32, #tpu.memory_space<vmem>>
      %dma_wait3A_204 = tpu.memref_squeeze %dma_wait3A_203 : memref<1x128xi32, #tpu.memory_space<vmem>> -> memref<128xi32, #tpu.memory_space<vmem>>
      %dma_wait3A_205 = tpu.memref_slice %arg3[%mul3A_12] : memref<327680xi32, #tpu.memory_space<hbm>> -> memref<128xi32, #tpu.memory_space<hbm>>
      %dma_wait3A_206 = arith.constant 0 : i32
      %dma_wait3A_207 = tpu.memref_slice %arg11[%run_scoped3A, %dma_wait3A_206] : memref<2x128xi32, #tpu.memory_space<vmem>> -> memref<1x128xi32, #tpu.memory_space<vmem>>
      %dma_wait3A_208 = tpu.memref_squeeze %dma_wait3A_207 : memref<1x128xi32, #tpu.memory_space<vmem>> -> memref<128xi32, #tpu.memory_space<vmem>>
      %dma_wait3A_209 = tpu.memref_slice %arg3[%mul3A_12] : memref<327680xi32, #tpu.memory_space<hbm>> -> memref<128xi32, #tpu.memory_space<hbm>>
      tpu.wait_dma2 semaphore(%run_scoped3A_194 : memref<!tpu.dma_semaphore, #tpu.memory_space<semaphore_mem>>) src(%dma_wait3A_209 : memref<128xi32, #tpu.memory_space<hbm>>) dst(%dma_wait3A_208 : memref<128xi32, #tpu.memory_space<vmem>>)
      tpu.yield
    }) : () -> ()
    %run_scoped3A_13 = arith.constant 0 : i32
    "tpu.region"() ({
      %run_scoped3A_194 = tpu.sem_alloc : memref<!tpu.dma_semaphore, #tpu.memory_space<semaphore_mem>>
      %dma_start3A_195 = arith.constant 0 : i32
      %dma_start3A_196 = tpu.memref_slice %arg12[%run_scoped3A_13, %dma_start3A_195] : memref<2x128xi32, #tpu.memory_space<vmem>> -> memref<1x128xi32, #tpu.memory_space<vmem>>
      %dma_start3A_197 = tpu.memref_squeeze %dma_start3A_196 : memref<1x128xi32, #tpu.memory_space<vmem>> -> memref<128xi32, #tpu.memory_space<vmem>>
      %dma_start3A_198 = tpu.memref_slice %arg4[%mul3A_12] : memref<327680xi32, #tpu.memory_space<hbm>> -> memref<128xi32, #tpu.memory_space<hbm>>
      %dma_start3A_199 = arith.constant 0 : i32
      %dma_start3A_200 = tpu.memref_slice %arg12[%run_scoped3A_13, %dma_start3A_199] : memref<2x128xi32, #tpu.memory_space<vmem>> -> memref<1x128xi32, #tpu.memory_space<vmem>>
      %dma_start3A_201 = tpu.memref_squeeze %dma_start3A_200 : memref<1x128xi32, #tpu.memory_space<vmem>> -> memref<128xi32, #tpu.memory_space<vmem>>
      %dma_start3A_202 = tpu.memref_slice %arg4[%mul3A_12] : memref<327680xi32, #tpu.memory_space<hbm>> -> memref<128xi32, #tpu.memory_space<hbm>>
      tpu.enqueue_dma source(%dma_start3A_202 : memref<128xi32, #tpu.memory_space<hbm>>) target(%dma_start3A_201 : memref<128xi32, #tpu.memory_space<vmem>>) target_semaphore(%run_scoped3A_194 : memref<!tpu.dma_semaphore, #tpu.memory_space<semaphore_mem>>)
      %dma_wait3A = arith.constant 0 : i32
      %dma_wait3A_203 = tpu.memref_slice %arg12[%run_scoped3A_13, %dma_wait3A] : memref<2x128xi32, #tpu.memory_space<vmem>> -> memref<1x128xi32, #tpu.memory_space<vmem>>
      %dma_wait3A_204 = tpu.memref_squeeze %dma_wait3A_203 : memref<1x128xi32, #tpu.memory_space<vmem>> -> memref<128xi32, #tpu.memory_space<vmem>>
      %dma_wait3A_205 = tpu.memref_slice %arg4[%mul3A_12] : memref<327680xi32, #tpu.memory_space<hbm>> -> memref<128xi32, #tpu.memory_space<hbm>>
      %dma_wait3A_206 = arith.constant 0 : i32
      %dma_wait3A_207 = tpu.memref_slice %arg12[%run_scoped3A_13, %dma_wait3A_206] : memref<2x128xi32, #tpu.memory_space<vmem>> -> memref<1x128xi32, #tpu.memory_space<vmem>>
      %dma_wait3A_208 = tpu.memref_squeeze %dma_wait3A_207 : memref<1x128xi32, #tpu.memory_space<vmem>> -> memref<128xi32, #tpu.memory_space<vmem>>
      %dma_wait3A_209 = tpu.memref_slice %arg4[%mul3A_12] : memref<327680xi32, #tpu.memory_space<hbm>> -> memref<128xi32, #tpu.memory_space<hbm>>
      tpu.wait_dma2 semaphore(%run_scoped3A_194 : memref<!tpu.dma_semaphore, #tpu.memory_space<semaphore_mem>>) src(%dma_wait3A_209 : memref<128xi32, #tpu.memory_space<hbm>>) dst(%dma_wait3A_208 : memref<128xi32, #tpu.memory_space<vmem>>)
      tpu.yield
    }) : () -> ()
    %run_scoped3A_14 = arith.constant 0 : i32
    "tpu.region"() ({
      %run_scoped3A_194 = tpu.sem_alloc : memref<!tpu.dma_semaphore, #tpu.memory_space<semaphore_mem>>
      %dma_start3A_195 = arith.constant 0 : i32
      %dma_start3A_196 = tpu.memref_slice %arg14[%run_scoped3A_14, %dma_start3A_195] : memref<2x128xi32, #tpu.memory_space<vmem>> -> memref<1x128xi32, #tpu.memory_space<vmem>>
      %dma_start3A_197 = tpu.memref_squeeze %dma_start3A_196 : memref<1x128xi32, #tpu.memory_space<vmem>> -> memref<128xi32, #tpu.memory_space<vmem>>
      %dma_start3A_198 = tpu.memref_slice %arg5[%mul3A_12] : memref<327680xi32, #tpu.memory_space<hbm>> -> memref<128xi32, #tpu.memory_space<hbm>>
      %dma_start3A_199 = arith.constant 0 : i32
      %dma_start3A_200 = tpu.memref_slice %arg14[%run_scoped3A_14, %dma_start3A_199] : memref<2x128xi32, #tpu.memory_space<vmem>> -> memref<1x128xi32, #tpu.memory_space<vmem>>
      %dma_start3A_201 = tpu.memref_squeeze %dma_start3A_200 : memref<1x128xi32, #tpu.memory_space<vmem>> -> memref<128xi32, #tpu.memory_space<vmem>>
      %dma_start3A_202 = tpu.memref_slice %arg5[%mul3A_12] : memref<327680xi32, #tpu.memory_space<hbm>> -> memref<128xi32, #tpu.memory_space<hbm>>
      tpu.enqueue_dma source(%dma_start3A_202 : memref<128xi32, #tpu.memory_space<hbm>>) target(%dma_start3A_201 : memref<128xi32, #tpu.memory_space<vmem>>) target_semaphore(%run_scoped3A_194 : memref<!tpu.dma_semaphore, #tpu.memory_space<semaphore_mem>>)
      %dma_wait3A = arith.constant 0 : i32
      %dma_wait3A_203 = tpu.memref_slice %arg14[%run_scoped3A_14, %dma_wait3A] : memref<2x128xi32, #tpu.memory_space<vmem>> -> memref<1x128xi32, #tpu.memory_space<vmem>>
      %dma_wait3A_204 = tpu.memref_squeeze %dma_wait3A_203 : memref<1x128xi32, #tpu.memory_space<vmem>> -> memref<128xi32, #tpu.memory_space<vmem>>
      %dma_wait3A_205 = tpu.memref_slice %arg5[%mul3A_12] : memref<327680xi32, #tpu.memory_space<hbm>> -> memref<128xi32, #tpu.memory_space<hbm>>
      %dma_wait3A_206 = arith.constant 0 : i32
      %dma_wait3A_207 = tpu.memref_slice %arg14[%run_scoped3A_14, %dma_wait3A_206] : memref<2x128xi32, #tpu.memory_space<vmem>> -> memref<1x128xi32, #tpu.memory_space<vmem>>
      %dma_wait3A_208 = tpu.memref_squeeze %dma_wait3A_207 : memref<1x128xi32, #tpu.memory_space<vmem>> -> memref<128xi32, #tpu.memory_space<vmem>>
      %dma_wait3A_209 = tpu.memref_slice %arg5[%mul3A_12] : memref<327680xi32, #tpu.memory_space<hbm>> -> memref<128xi32, #tpu.memory_space<hbm>>
      tpu.wait_dma2 semaphore(%run_scoped3A_194 : memref<!tpu.dma_semaphore, #tpu.memory_space<semaphore_mem>>) src(%dma_wait3A_209 : memref<128xi32, #tpu.memory_space<hbm>>) dst(%dma_wait3A_208 : memref<128xi32, #tpu.memory_space<vmem>>)
      tpu.yield
    }) : () -> ()
    %get3A = arith.constant 0 : i32
    %get3A_15 = arith.index_cast %get3A : i32 to index
    %get3A_16 = arith.constant 0 : index
    %get3A_17 = tpu.vector_load %arg12[%get3A_15, %get3A_16] {strides = array<i32>} : memref<2x128xi32, #tpu.memory_space<vmem>>, vector<1x16xi32>,
    %get3A_18 = vector.shape_cast %get3A_17 : vector<1x16xi32> to vector<16xi32>
    %mul3A_19 = arith.constant 10000 : i32
    %mul3A_20 = vector.broadcast %mul3A_19 : i32 to vector<16xi32>
    %mul3A_21 = arith.muli %get3A_18, %mul3A_20 : vector<16xi32>
    %get3A_22 = arith.constant 0 : i32
    %get3A_23 = arith.index_cast %get3A_22 : i32 to index
    %get3A_24 = arith.constant 0 : index
    %get3A_25 = tpu.vector_load %arg11[%get3A_23, %get3A_24] {strides = array<i32>} : memref<2x128xi32, #tpu.memory_space<vmem>>, vector<1x16xi32>,
    %get3A_26 = vector.shape_cast %get3A_25 : vector<1x16xi32> to vector<16xi32>
    %add3A_27 = arith.addi %mul3A_21, %get3A_26 : vector<16xi32>
    %swap3A = arith.constant 0 : i32
    %swap3A_28 = arith.index_cast %swap3A : i32 to index
    %swap3A_29 = arith.constant 0 : index
    %swap3A_30 = tpu.vector_load %arg13[%swap3A_28, %swap3A_29] {strides = array<i32>} : memref<2x128xi32, #tpu.memory_space<vmem>>, vector<1x16xi32>,
    %swap3A_31 = vector.shape_cast %swap3A_30 : vector<1x16xi32> to vector<16xi32>
    %swap3A_32 = vector.shape_cast %add3A_27 : vector<16xi32> to vector<1x16xi32>
    tpu.vector_store %arg13[%swap3A_28, %swap3A_29], %swap3A_32 {strides = array<i32>} : memref<2x128xi32, #tpu.memory_space<vmem>>, vector<1x16xi32>,
    %get3A_33 = arith.constant 0 : i32
    %get3A_34 = arith.index_cast %get3A_33 : i32 to index
    %get3A_35 = arith.constant 16 : index
    %get3A_36 = tpu.vector_load %arg12[%get3A_34, %get3A_35] {strides = array<i32>} : memref<2x128xi32, #tpu.memory_space<vmem>>, vector<1x16xi32>,
    %get3A_37 = vector.shape_cast %get3A_36 : vector<1x16xi32> to vector<16xi32>
    %mul3A_38 = arith.constant 10000 : i32
    %mul3A_39 = vector.broadcast %mul3A_38 : i32 to vector<16xi32>
    %mul3A_40 = arith.muli %get3A_37, %mul3A_39 : vector<16xi32>
    %get3A_41 = arith.constant 0 : i32
    %get3A_42 = arith.index_cast %get3A_41 : i32 to index
    %get3A_43 = arith.constant 16 : index
    %get3A_44 = tpu.vector_load %arg11[%get3A_42, %get3A_43] {strides = array<i32>} : memref<2x128xi32, #tpu.memory_space<vmem>>, vector<1x16xi32>,
    %get3A_45 = vector.shape_cast %get3A_44 : vector<1x16xi32> to vector<16xi32>
    %add3A_46 = arith.addi %mul3A_40, %get3A_45 : vector<16xi32>
    %swap3A_47 = arith.constant 0 : i32
    %swap3A_48 = arith.index_cast %swap3A_47 : i32 to index
    %swap3A_49 = arith.constant 16 : index
    %swap3A_50 = tpu.vector_load %arg13[%swap3A_48, %swap3A_49] {strides = array<i32>} : memref<2x128xi32, #tpu.memory_space<vmem>>, vector<1x16xi32>,
    %swap3A_51 = vector.shape_cast %swap3A_50 : vector<1x16xi32> to vector<16xi32>
    %swap3A_52 = vector.shape_cast %add3A_46 : vector<16xi32> to vector<1x16xi32>
    tpu.vector_store %arg13[%swap3A_48, %swap3A_49], %swap3A_52 {strides = array<i32>} : memref<2x128xi32, #tpu.memory_space<vmem>>, vector<1x16xi32>,
    %get3A_53 = arith.constant 0 : i32
    %get3A_54 = arith.index_cast %get3A_53 : i32 to index
    %get3A_55 = arith.constant 32 : index
    %get3A_56 = tpu.vector_load %arg12[%get3A_54, %get3A_55] {strides = array<i32>} : memref<2x128xi32, #tpu.memory_space<vmem>>, vector<1x16xi32>,
    %get3A_57 = vector.shape_cast %get3A_56 : vector<1x16xi32> to vector<16xi32>
    %mul3A_58 = arith.constant 10000 : i32
    %mul3A_59 = vector.broadcast %mul3A_58 : i32 to vector<16xi32>
    %mul3A_60 = arith.muli %get3A_57, %mul3A_59 : vector<16xi32>
    %get3A_61 = arith.constant 0 : i32
    %get3A_62 = arith.index_cast %get3A_61 : i32 to index
    %get3A_63 = arith.constant 32 : index
    %get3A_64 = tpu.vector_load %arg11[%get3A_62, %get3A_63] {strides = array<i32>} : memref<2x128xi32, #tpu.memory_space<vmem>>, vector<1x16xi32>,
    %get3A_65 = vector.shape_cast %get3A_64 : vector<1x16xi32> to vector<16xi32>
    %add3A_66 = arith.addi %mul3A_60, %get3A_65 : vector<16xi32>
    %swap3A_67 = arith.constant 0 : i32
    %swap3A_68 = arith.index_cast %swap3A_67 : i32 to index
    %swap3A_69 = arith.constant 32 : index
    %swap3A_70 = tpu.vector_load %arg13[%swap3A_68, %swap3A_69] {strides = array<i32>} : memref<2x128xi32, #tpu.memory_space<vmem>>, vector<1x16xi32>,
    %swap3A_71 = vector.shape_cast %swap3A_70 : vector<1x16xi32> to vector<16xi32>
    %swap3A_72 = vector.shape_cast %add3A_66 : vector<16xi32> to vector<1x16xi32>
    tpu.vector_store %arg13[%swap3A_68, %swap3A_69], %swap3A_72 {strides = array<i32>} : memref<2x128xi32, #tpu.memory_space<vmem>>, vector<1x16xi32>,
    %get3A_73 = arith.constant 0 : i32
    %get3A_74 = arith.index_cast %get3A_73 : i32 to index
    %get3A_75 = arith.constant 48 : index
    %get3A_76 = tpu.vector_load %arg12[%get3A_74, %get3A_75] {strides = array<i32>} : memref<2x128xi32, #tpu.memory_space<vmem>>, vector<1x16xi32>,
    %get3A_77 = vector.shape_cast %get3A_76 : vector<1x16xi32> to vector<16xi32>
    %mul3A_78 = arith.constant 10000 : i32
    %mul3A_79 = vector.broadcast %mul3A_78 : i32 to vector<16xi32>
    %mul3A_80 = arith.muli %get3A_77, %mul3A_79 : vector<16xi32>
    %get3A_81 = arith.constant 0 : i32
    %get3A_82 = arith.index_cast %get3A_81 : i32 to index
    %get3A_83 = arith.constant 48 : index
    %get3A_84 = tpu.vector_load %arg11[%get3A_82, %get3A_83] {strides = array<i32>} : memref<2x128xi32, #tpu.memory_space<vmem>>, vector<1x16xi32>,
    %get3A_85 = vector.shape_cast %get3A_84 : vector<1x16xi32> to vector<16xi32>
    %add3A_86 = arith.addi %mul3A_80, %get3A_85 : vector<16xi32>
    %swap3A_87 = arith.constant 0 : i32
    %swap3A_88 = arith.index_cast %swap3A_87 : i32 to index
    %swap3A_89 = arith.constant 48 : index
    %swap3A_90 = tpu.vector_load %arg13[%swap3A_88, %swap3A_89] {strides = array<i32>} : memref<2x128xi32, #tpu.memory_space<vmem>>, vector<1x16xi32>,
    %swap3A_91 = vector.shape_cast %swap3A_90 : vector<1x16xi32> to vector<16xi32>
    %swap3A_92 = vector.shape_cast %add3A_86 : vector<16xi32> to vector<1x16xi32>
    tpu.vector_store %arg13[%swap3A_88, %swap3A_89], %swap3A_92 {strides = array<i32>} : memref<2x128xi32, #tpu.memory_space<vmem>>, vector<1x16xi32>,
    %get3A_93 = arith.constant 0 : i32
    %get3A_94 = arith.index_cast %get3A_93 : i32 to index
    %get3A_95 = arith.constant 64 : index
    %get3A_96 = tpu.vector_load %arg12[%get3A_94, %get3A_95] {strides = array<i32>} : memref<2x128xi32, #tpu.memory_space<vmem>>, vector<1x16xi32>,
    %get3A_97 = vector.shape_cast %get3A_96 : vector<1x16xi32> to vector<16xi32>
    %mul3A_98 = arith.constant 10000 : i32
    %mul3A_99 = vector.broadcast %mul3A_98 : i32 to vector<16xi32>
    %mul3A_100 = arith.muli %get3A_97, %mul3A_99 : vector<16xi32>
    %get3A_101 = arith.constant 0 : i32
    %get3A_102 = arith.index_cast %get3A_101 : i32 to index
    %get3A_103 = arith.constant 64 : index
    %get3A_104 = tpu.vector_load %arg11[%get3A_102, %get3A_103] {strides = array<i32>} : memref<2x128xi32, #tpu.memory_space<vmem>>, vector<1x16xi32>,
    %get3A_105 = vector.shape_cast %get3A_104 : vector<1x16xi32> to vector<16xi32>
    %add3A_106 = arith.addi %mul3A_100, %get3A_105 : vector<16xi32>
    %swap3A_107 = arith.constant 0 : i32
    %swap3A_108 = arith.index_cast %swap3A_107 : i32 to index
    %swap3A_109 = arith.constant 64 : index
    %swap3A_110 = tpu.vector_load %arg13[%swap3A_108, %swap3A_109] {strides = array<i32>} : memref<2x128xi32, #tpu.memory_space<vmem>>, vector<1x16xi32>,
    %swap3A_111 = vector.shape_cast %swap3A_110 : vector<1x16xi32> to vector<16xi32>
    %swap3A_112 = vector.shape_cast %add3A_106 : vector<16xi32> to vector<1x16xi32>
    tpu.vector_store %arg13[%swap3A_108, %swap3A_109], %swap3A_112 {strides = array<i32>} : memref<2x128xi32, #tpu.memory_space<vmem>>, vector<1x16xi32>,
    %get3A_113 = arith.constant 0 : i32
    %get3A_114 = arith.index_cast %get3A_113 : i32 to index
    %get3A_115 = arith.constant 80 : index
    %get3A_116 = tpu.vector_load %arg12[%get3A_114, %get3A_115] {strides = array<i32>} : memref<2x128xi32, #tpu.memory_space<vmem>>, vector<1x16xi32>,
    %get3A_117 = vector.shape_cast %get3A_116 : vector<1x16xi32> to vector<16xi32>
    %mul3A_118 = arith.constant 10000 : i32
    %mul3A_119 = vector.broadcast %mul3A_118 : i32 to vector<16xi32>
    %mul3A_120 = arith.muli %get3A_117, %mul3A_119 : vector<16xi32>
    %get3A_121 = arith.constant 0 : i32
    %get3A_122 = arith.index_cast %get3A_121 : i32 to index
    %get3A_123 = arith.constant 80 : index
    %get3A_124 = tpu.vector_load %arg11[%get3A_122, %get3A_123] {strides = array<i32>} : memref<2x128xi32, #tpu.memory_space<vmem>>, vector<1x16xi32>,
    %get3A_125 = vector.shape_cast %get3A_124 : vector<1x16xi32> to vector<16xi32>
    %add3A_126 = arith.addi %mul3A_120, %get3A_125 : vector<16xi32>
    %swap3A_127 = arith.constant 0 : i32
    %swap3A_128 = arith.index_cast %swap3A_127 : i32 to index
    %swap3A_129 = arith.constant 80 : index
    %swap3A_130 = tpu.vector_load %arg13[%swap3A_128, %swap3A_129] {strides = array<i32>} : memref<2x128xi32, #tpu.memory_space<vmem>>, vector<1x16xi32>,
    %swap3A_131 = vector.shape_cast %swap3A_130 : vector<1x16xi32> to vector<16xi32>
    %swap3A_132 = vector.shape_cast %add3A_126 : vector<16xi32> to vector<1x16xi32>
    tpu.vector_store %arg13[%swap3A_128, %swap3A_129], %swap3A_132 {strides = array<i32>} : memref<2x128xi32, #tpu.memory_space<vmem>>, vector<1x16xi32>,
    %get3A_133 = arith.constant 0 : i32
    %get3A_134 = arith.index_cast %get3A_133 : i32 to index
    %get3A_135 = arith.constant 96 : index
    %get3A_136 = tpu.vector_load %arg12[%get3A_134, %get3A_135] {strides = array<i32>} : memref<2x128xi32, #tpu.memory_space<vmem>>, vector<1x16xi32>,
    %get3A_137 = vector.shape_cast %get3A_136 : vector<1x16xi32> to vector<16xi32>
    %mul3A_138 = arith.constant 10000 : i32
    %mul3A_139 = vector.broadcast %mul3A_138 : i32 to vector<16xi32>
    %mul3A_140 = arith.muli %get3A_137, %mul3A_139 : vector<16xi32>
    %get3A_141 = arith.constant 0 : i32
    %get3A_142 = arith.index_cast %get3A_141 : i32 to index
    %get3A_143 = arith.constant 96 : index
    %get3A_144 = tpu.vector_load %arg11[%get3A_142, %get3A_143] {strides = array<i32>} : memref<2x128xi32, #tpu.memory_space<vmem>>, vector<1x16xi32>,
    %get3A_145 = vector.shape_cast %get3A_144 : vector<1x16xi32> to vector<16xi32>
    %add3A_146 = arith.addi %mul3A_140, %get3A_145 : vector<16xi32>
    %swap3A_147 = arith.constant 0 : i32
    %swap3A_148 = arith.index_cast %swap3A_147 : i32 to index
    %swap3A_149 = arith.constant 96 : index
    %swap3A_150 = tpu.vector_load %arg13[%swap3A_148, %swap3A_149] {strides = array<i32>} : memref<2x128xi32, #tpu.memory_space<vmem>>, vector<1x16xi32>,
    %swap3A_151 = vector.shape_cast %swap3A_150 : vector<1x16xi32> to vector<16xi32>
    %swap3A_152 = vector.shape_cast %add3A_146 : vector<16xi32> to vector<1x16xi32>
    tpu.vector_store %arg13[%swap3A_148, %swap3A_149], %swap3A_152 {strides = array<i32>} : memref<2x128xi32, #tpu.memory_space<vmem>>, vector<1x16xi32>,
    %get3A_153 = arith.constant 0 : i32
    %get3A_154 = arith.index_cast %get3A_153 : i32 to index
    %get3A_155 = arith.constant 112 : index
    %get3A_156 = tpu.vector_load %arg12[%get3A_154, %get3A_155] {strides = array<i32>} : memref<2x128xi32, #tpu.memory_space<vmem>>, vector<1x16xi32>,
    %get3A_157 = vector.shape_cast %get3A_156 : vector<1x16xi32> to vector<16xi32>
    %mul3A_158 = arith.constant 10000 : i32
    %mul3A_159 = vector.broadcast %mul3A_158 : i32 to vector<16xi32>
    %mul3A_160 = arith.muli %get3A_157, %mul3A_159 : vector<16xi32>
    %get3A_161 = arith.constant 0 : i32
    %get3A_162 = arith.index_cast %get3A_161 : i32 to index
    %get3A_163 = arith.constant 112 : index
    %get3A_164 = tpu.vector_load %arg11[%get3A_162, %get3A_163] {strides = array<i32>} : memref<2x128xi32, #tpu.memory_space<vmem>>, vector<1x16xi32>,
    %get3A_165 = vector.shape_cast %get3A_164 : vector<1x16xi32> to vector<16xi32>
    %add3A_166 = arith.addi %mul3A_160, %get3A_165 : vector<16xi32>
    %swap3A_167 = arith.constant 0 : i32
    %swap3A_168 = arith.index_cast %swap3A_167 : i32 to index
    %swap3A_169 = arith.constant 112 : index
    %swap3A_170 = tpu.vector_load %arg13[%swap3A_168, %swap3A_169] {strides = array<i32>} : memref<2x128xi32, #tpu.memory_space<vmem>>, vector<1x16xi32>,
    %swap3A_171 = vector.shape_cast %swap3A_170 : vector<1x16xi32> to vector<16xi32>
    %swap3A_172 = vector.shape_cast %add3A_166 : vector<16xi32> to vector<1x16xi32>
    tpu.vector_store %arg13[%swap3A_168, %swap3A_169], %swap3A_172 {strides = array<i32>} : memref<2x128xi32, #tpu.memory_space<vmem>>, vector<1x16xi32>,
    %dma_start3A = arith.constant 0 : i32
    %dma_start3A_173 = arith.constant 0 : i32
    %dma_start3A_174 = arith.constant 0 : i32
    %dma_start3A_175 = arith.constant 0 : i32
    %dma_start3A_176 = tpu.memref_slice %arg15[%dma_start3A_173, %dma_start3A_174, %dma_start3A_175] : memref<2x128x128xf32, #tpu.memory_space<vmem>> -> memref<1x128x128xf32, #tpu.memory_space<vmem>>
    %dma_start3A_177 = tpu.memref_squeeze %dma_start3A_176 : memref<1x128x128xf32, #tpu.memory_space<vmem>> -> memref<128x128xf32, #tpu.memory_space<vmem>>
    %dma_start3A_178 = arith.constant 0 : i32
    %dma_start3A_179 = tpu.memref_slice %arg13[%dma_start3A, %dma_start3A_178] : memref<2x128xi32, #tpu.memory_space<vmem>> -> memref<1x128xi32, #tpu.memory_space<vmem>>
    %dma_start3A_180 = tpu.memref_squeeze %dma_start3A_179 : memref<1x128xi32, #tpu.memory_space<vmem>> -> memref<128xi32, #tpu.memory_space<vmem>>
    %dma_start3A_181 = arith.constant 0 : i32
    %dma_start3A_182 = arith.constant 0 : i32
    %dma_start3A_183 = tpu.memref_slice %arg2[%dma_start3A_181, %dma_start3A_182] : memref<80000x128xf32, #tpu.memory_space<hbm>> -> memref<80000x128xf32, #tpu.memory_space<hbm>>
    tpu.enqueue_indirect_dma source(%dma_start3A_183 : memref<80000x128xf32, #tpu.memory_space<hbm>>) target(%dma_start3A_177 : memref<128x128xf32, #tpu.memory_space<vmem>>) offsets(%dma_start3A_180 : memref<128xi32, #tpu.memory_space<vmem>>) semaphore(%arg19 : memref<!tpu.dma_semaphore, #tpu.memory_space<semaphore_mem>>)
    %barrier3A = arith.constant 0 : index
    tpu.barrier barrier_id(%barrier3A)
    %scan3A = arith.constant 0 : i32
    %scan3A_184 = arith.constant 0 : i32
    %scan3A_185 = arith.constant 40 : i32
    %scan3A_186 = arith.addi %scan3A_184, %scan3A_185 : i32
    %scan3A_187 = arith.constant 1 : i32
    scf.for %scan3A_194 = %scan3A_184 to %scan3A_186 step %scan3A_187  : i32 {
      %mul3A_195 = arith.constant 2 : i32
      %mul3A_196 = arith.muli %scan3A_194, %mul3A_195 : i32
      %add3A_197 = arith.constant 0 : i32
      %add3A_198 = arith.addi %mul3A_196, %add3A_197 : i32
      %add3A_199 = arith.constant 1 : i32
      %add3A_200 = arith.addi %add3A_198, %add3A_199 : i32
      %lt3A = arith.constant 80 : i32
      %lt3A_201 = arith.cmpi slt, %add3A_200, %lt3A : i32
      %convert_element_type3A_202 = arith.extui %lt3A_201 : i1 to i32
      %cond3A_203 = arith.constant 0 : i32
      %cond3A_204 = arith.cmpi ne, %convert_element_type3A_202, %cond3A_203 : i32
      scf.if %cond3A_204 {
        %add3A_241 = arith.constant 1 : i32
        %add3A_242 = arith.addi %add3A_198, %add3A_241 : i32
        %mul3A_243 = arith.constant 80 : i32
        %mul3A_244 = arith.muli %add3A, %mul3A_243 : i32
        %add3A_245 = arith.addi %mul3A_244, %add3A_242 : i32
        %mul3A_246 = arith.constant 128 : i32
        %mul3A_247 = arith.muli %add3A_245, %mul3A_246 : i32
        %run_scoped3A_248 = arith.constant 1 : i32
        "tpu.region"() ({
          %run_scoped3A_423 = tpu.sem_alloc : memref<!tpu.dma_semaphore, #tpu.memory_space<semaphore_mem>>
          %dma_start3A_424 = arith.constant 0 : i32
          %dma_start3A_425 = tpu.memref_slice %arg11[%run_scoped3A_248, %dma_start3A_424] : memref<2x128xi32, #tpu.memory_space<vmem>> -> memref<1x128xi32, #tpu.memory_space<vmem>>
          %dma_start3A_426 = tpu.memref_squeeze %dma_start3A_425 : memref<1x128xi32, #tpu.memory_space<vmem>> -> memref<128xi32, #tpu.memory_space<vmem>>
          %dma_start3A_427 = tpu.memref_slice %arg3[%mul3A_247] : memref<327680xi32, #tpu.memory_space<hbm>> -> memref<128xi32, #tpu.memory_space<hbm>>
          %dma_start3A_428 = arith.constant 0 : i32
          %dma_start3A_429 = tpu.memref_slice %arg11[%run_scoped3A_248, %dma_start3A_428] : memref<2x128xi32, #tpu.memory_space<vmem>> -> memref<1x128xi32, #tpu.memory_space<vmem>>
          %dma_start3A_430 = tpu.memref_squeeze %dma_start3A_429 : memref<1x128xi32, #tpu.memory_space<vmem>> -> memref<128xi32, #tpu.memory_space<vmem>>
          %dma_start3A_431 = tpu.memref_slice %arg3[%mul3A_247] : memref<327680xi32, #tpu.memory_space<hbm>> -> memref<128xi32, #tpu.memory_space<hbm>>
          tpu.enqueue_dma source(%dma_start3A_431 : memref<128xi32, #tpu.memory_space<hbm>>) target(%dma_start3A_430 : memref<128xi32, #tpu.memory_space<vmem>>) target_semaphore(%run_scoped3A_423 : memref<!tpu.dma_semaphore, #tpu.memory_space<semaphore_mem>>)
          %dma_wait3A_432 = arith.constant 0 : i32
          %dma_wait3A_433 = tpu.memref_slice %arg11[%run_scoped3A_248, %dma_wait3A_432] : memref<2x128xi32, #tpu.memory_space<vmem>> -> memref<1x128xi32, #tpu.memory_space<vmem>>
          %dma_wait3A_434 = tpu.memref_squeeze %dma_wait3A_433 : memref<1x128xi32, #tpu.memory_space<vmem>> -> memref<128xi32, #tpu.memory_space<vmem>>
          %dma_wait3A_435 = tpu.memref_slice %arg3[%mul3A_247] : memref<327680xi32, #tpu.memory_space<hbm>> -> memref<128xi32, #tpu.memory_space<hbm>>
          %dma_wait3A_436 = arith.constant 0 : i32
          %dma_wait3A_437 = tpu.memref_slice %arg11[%run_scoped3A_248, %dma_wait3A_436] : memref<2x128xi32, #tpu.memory_space<vmem>> -> memref<1x128xi32, #tpu.memory_space<vmem>>
          %dma_wait3A_438 = tpu.memref_squeeze %dma_wait3A_437 : memref<1x128xi32, #tpu.memory_space<vmem>> -> memref<128xi32, #tpu.memory_space<vmem>>
          %dma_wait3A_439 = tpu.memref_slice %arg3[%mul3A_247] : memref<327680xi32, #tpu.memory_space<hbm>> -> memref<128xi32, #tpu.memory_space<hbm>>
          tpu.wait_dma2 semaphore(%run_scoped3A_423 : memref<!tpu.dma_semaphore, #tpu.memory_space<semaphore_mem>>) src(%dma_wait3A_439 : memref<128xi32, #tpu.memory_space<hbm>>) dst(%dma_wait3A_438 : memref<128xi32, #tpu.memory_space<vmem>>)
          tpu.yield
        }) : () -> ()
        %run_scoped3A_249 = arith.constant 1 : i32
        "tpu.region"() ({
          %run_scoped3A_423 = tpu.sem_alloc : memref<!tpu.dma_semaphore, #tpu.memory_space<semaphore_mem>>
          %dma_start3A_424 = arith.constant 0 : i32
          %dma_start3A_425 = tpu.memref_slice %arg12[%run_scoped3A_249, %dma_start3A_424] : memref<2x128xi32, #tpu.memory_space<vmem>> -> memref<1x128xi32, #tpu.memory_space<vmem>>
          %dma_start3A_426 = tpu.memref_squeeze %dma_start3A_425 : memref<1x128xi32, #tpu.memory_space<vmem>> -> memref<128xi32, #tpu.memory_space<vmem>>
          %dma_start3A_427 = tpu.memref_slice %arg4[%mul3A_247] : memref<327680xi32, #tpu.memory_space<hbm>> -> memref<128xi32, #tpu.memory_space<hbm>>
          %dma_start3A_428 = arith.constant 0 : i32
          %dma_start3A_429 = tpu.memref_slice %arg12[%run_scoped3A_249, %dma_start3A_428] : memref<2x128xi32, #tpu.memory_space<vmem>> -> memref<1x128xi32, #tpu.memory_space<vmem>>
          %dma_start3A_430 = tpu.memref_squeeze %dma_start3A_429 : memref<1x128xi32, #tpu.memory_space<vmem>> -> memref<128xi32, #tpu.memory_space<vmem>>
          %dma_start3A_431 = tpu.memref_slice %arg4[%mul3A_247] : memref<327680xi32, #tpu.memory_space<hbm>> -> memref<128xi32, #tpu.memory_space<hbm>>
          tpu.enqueue_dma source(%dma_start3A_431 : memref<128xi32, #tpu.memory_space<hbm>>) target(%dma_start3A_430 : memref<128xi32, #tpu.memory_space<vmem>>) target_semaphore(%run_scoped3A_423 : memref<!tpu.dma_semaphore, #tpu.memory_space<semaphore_mem>>)
          %dma_wait3A_432 = arith.constant 0 : i32
          %dma_wait3A_433 = tpu.memref_slice %arg12[%run_scoped3A_249, %dma_wait3A_432] : memref<2x128xi32, #tpu.memory_space<vmem>> -> memref<1x128xi32, #tpu.memory_space<vmem>>
          %dma_wait3A_434 = tpu.memref_squeeze %dma_wait3A_433 : memref<1x128xi32, #tpu.memory_space<vmem>> -> memref<128xi32, #tpu.memory_space<vmem>>
          %dma_wait3A_435 = tpu.memref_slice %arg4[%mul3A_247] : memref<327680xi32, #tpu.memory_space<hbm>> -> memref<128xi32, #tpu.memory_space<hbm>>
          %dma_wait3A_436 = arith.constant 0 : i32
          %dma_wait3A_437 = tpu.memref_slice %arg12[%run_scoped3A_249, %dma_wait3A_436] : memref<2x128xi32, #tpu.memory_space<vmem>> -> memref<1x128xi32, #tpu.memory_space<vmem>>
          %dma_wait3A_438 = tpu.memref_squeeze %dma_wait3A_437 : memref<1x128xi32, #tpu.memory_space<vmem>> -> memref<128xi32, #tpu.memory_space<vmem>>
          %dma_wait3A_439 = tpu.memref_slice %arg4[%mul3A_247] : memref<327680xi32, #tpu.memory_space<hbm>> -> memref<128xi32, #tpu.memory_space<hbm>>
          tpu.wait_dma2 semaphore(%run_scoped3A_423 : memref<!tpu.dma_semaphore, #tpu.memory_space<semaphore_mem>>) src(%dma_wait3A_439 : memref<128xi32, #tpu.memory_space<hbm>>) dst(%dma_wait3A_438 : memref<128xi32, #tpu.memory_space<vmem>>)
          tpu.yield
        }) : () -> ()
        %run_scoped3A_250 = arith.constant 1 : i32
        "tpu.region"() ({
          %run_scoped3A_423 = tpu.sem_alloc : memref<!tpu.dma_semaphore, #tpu.memory_space<semaphore_mem>>
          %dma_start3A_424 = arith.constant 0 : i32
          %dma_start3A_425 = tpu.memref_slice %arg14[%run_scoped3A_250, %dma_start3A_424] : memref<2x128xi32, #tpu.memory_space<vmem>> -> memref<1x128xi32, #tpu.memory_space<vmem>>
          %dma_start3A_426 = tpu.memref_squeeze %dma_start3A_425 : memref<1x128xi32, #tpu.memory_space<vmem>> -> memref<128xi32, #tpu.memory_space<vmem>>
          %dma_start3A_427 = tpu.memref_slice %arg5[%mul3A_247] : memref<327680xi32, #tpu.memory_space<hbm>> -> memref<128xi32, #tpu.memory_space<hbm>>
          %dma_start3A_428 = arith.constant 0 : i32
          %dma_start3A_429 = tpu.memref_slice %arg14[%run_scoped3A_250, %dma_start3A_428] : memref<2x128xi32, #tpu.memory_space<vmem>> -> memref<1x128xi32, #tpu.memory_space<vmem>>
          %dma_start3A_430 = tpu.memref_squeeze %dma_start3A_429 : memref<1x128xi32, #tpu.memory_space<vmem>> -> memref<128xi32, #tpu.memory_space<vmem>>
          %dma_start3A_431 = tpu.memref_slice %arg5[%mul3A_247] : memref<327680xi32, #tpu.memory_space<hbm>> -> memref<128xi32, #tpu.memory_space<hbm>>
          tpu.enqueue_dma source(%dma_start3A_431 : memref<128xi32, #tpu.memory_space<hbm>>) target(%dma_start3A_430 : memref<128xi32, #tpu.memory_space<vmem>>) target_semaphore(%run_scoped3A_423 : memref<!tpu.dma_semaphore, #tpu.memory_space<semaphore_mem>>)
          %dma_wait3A_432 = arith.constant 0 : i32
          %dma_wait3A_433 = tpu.memref_slice %arg14[%run_scoped3A_250, %dma_wait3A_432] : memref<2x128xi32, #tpu.memory_space<vmem>> -> memref<1x128xi32, #tpu.memory_space<vmem>>
          %dma_wait3A_434 = tpu.memref_squeeze %dma_wait3A_433 : memref<1x128xi32, #tpu.memory_space<vmem>> -> memref<128xi32, #tpu.memory_space<vmem>>
          %dma_wait3A_435 = tpu.memref_slice %arg5[%mul3A_247] : memref<327680xi32, #tpu.memory_space<hbm>> -> memref<128xi32, #tpu.memory_space<hbm>>
          %dma_wait3A_436 = arith.constant 0 : i32
          %dma_wait3A_437 = tpu.memref_slice %arg14[%run_scoped3A_250, %dma_wait3A_436] : memref<2x128xi32, #tpu.memory_space<vmem>> -> memref<1x128xi32, #tpu.memory_space<vmem>>
          %dma_wait3A_438 = tpu.memref_squeeze %dma_wait3A_437 : memref<1x128xi32, #tpu.memory_space<vmem>> -> memref<128xi32, #tpu.memory_space<vmem>>
          %dma_wait3A_439 = tpu.memref_slice %arg5[%mul3A_247] : memref<327680xi32, #tpu.memory_space<hbm>> -> memref<128xi32, #tpu.memory_space<hbm>>
          tpu.wait_dma2 semaphore(%run_scoped3A_423 : memref<!tpu.dma_semaphore, #tpu.memory_space<semaphore_mem>>) src(%dma_wait3A_439 : memref<128xi32, #tpu.memory_space<hbm>>) dst(%dma_wait3A_438 : memref<128xi32, #tpu.memory_space<vmem>>)
          tpu.yield
        }) : () -> ()
        %get3A_251 = arith.constant 1 : i32
        %get3A_252 = arith.index_cast %get3A_251 : i32 to index
        %get3A_253 = arith.constant 0 : index
        %get3A_254 = tpu.vector_load %arg12[%get3A_252, %get3A_253] {strides = array<i32>} : memref<2x128xi32, #tpu.memory_space<vmem>>, vector<1x16xi32>,
        %get3A_255 = vector.shape_cast %get3A_254 : vector<1x16xi32> to vector<16xi32>
        %mul3A_256 = arith.constant 10000 : i32
        %mul3A_257 = vector.broadcast %mul3A_256 : i32 to vector<16xi32>
        %mul3A_258 = arith.muli %get3A_255, %mul3A_257 : vector<16xi32>
        %get3A_259 = arith.constant 1 : i32
        %get3A_260 = arith.index_cast %get3A_259 : i32 to index
        %get3A_261 = arith.constant 0 : index
        %get3A_262 = tpu.vector_load %arg11[%get3A_260, %get3A_261] {strides = array<i32>} : memref<2x128xi32, #tpu.memory_space<vmem>>, vector<1x16xi32>,
        %get3A_263 = vector.shape_cast %get3A_262 : vector<1x16xi32> to vector<16xi32>
        %add3A_264 = arith.addi %mul3A_258, %get3A_263 : vector<16xi32>
        %swap3A_265 = arith.constant 1 : i32
        %swap3A_266 = arith.index_cast %swap3A_265 : i32 to index
        %swap3A_267 = arith.constant 0 : index
        %swap3A_268 = tpu.vector_load %arg13[%swap3A_266, %swap3A_267] {strides = array<i32>} : memref<2x128xi32, #tpu.memory_space<vmem>>, vector<1x16xi32>,
        %swap3A_269 = vector.shape_cast %swap3A_268 : vector<1x16xi32> to vector<16xi32>
        %swap3A_270 = vector.shape_cast %add3A_264 : vector<16xi32> to vector<1x16xi32>
        tpu.vector_store %arg13[%swap3A_266, %swap3A_267], %swap3A_270 {strides = array<i32>} : memref<2x128xi32, #tpu.memory_space<vmem>>, vector<1x16xi32>,
        %get3A_271 = arith.constant 1 : i32
        %get3A_272 = arith.index_cast %get3A_271 : i32 to index
        %get3A_273 = arith.constant 16 : index
        %get3A_274 = tpu.vector_load %arg12[%get3A_272, %get3A_273] {strides = array<i32>} : memref<2x128xi32, #tpu.memory_space<vmem>>, vector<1x16xi32>,
        %get3A_275 = vector.shape_cast %get3A_274 : vector<1x16xi32> to vector<16xi32>
        %mul3A_276 = arith.constant 10000 : i32
        %mul3A_277 = vector.broadcast %mul3A_276 : i32 to vector<16xi32>
        %mul3A_278 = arith.muli %get3A_275, %mul3A_277 : vector<16xi32>
        %get3A_279 = arith.constant 1 : i32
        %get3A_280 = arith.index_cast %get3A_279 : i32 to index
        %get3A_281 = arith.constant 16 : index
        %get3A_282 = tpu.vector_load %arg11[%get3A_280, %get3A_281] {strides = array<i32>} : memref<2x128xi32, #tpu.memory_space<vmem>>, vector<1x16xi32>,
        %get3A_283 = vector.shape_cast %get3A_282 : vector<1x16xi32> to vector<16xi32>
        %add3A_284 = arith.addi %mul3A_278, %get3A_283 : vector<16xi32>
        %swap3A_285 = arith.constant 1 : i32
        %swap3A_286 = arith.index_cast %swap3A_285 : i32 to index
        %swap3A_287 = arith.constant 16 : index
        %swap3A_288 = tpu.vector_load %arg13[%swap3A_286, %swap3A_287] {strides = array<i32>} : memref<2x128xi32, #tpu.memory_space<vmem>>, vector<1x16xi32>,
        %swap3A_289 = vector.shape_cast %swap3A_288 : vector<1x16xi32> to vector<16xi32>
        %swap3A_290 = vector.shape_cast %add3A_284 : vector<16xi32> to vector<1x16xi32>
        tpu.vector_store %arg13[%swap3A_286, %swap3A_287], %swap3A_290 {strides = array<i32>} : memref<2x128xi32, #tpu.memory_space<vmem>>, vector<1x16xi32>,
        %get3A_291 = arith.constant 1 : i32
        %get3A_292 = arith.index_cast %get3A_291 : i32 to index
        %get3A_293 = arith.constant 32 : index
        %get3A_294 = tpu.vector_load %arg12[%get3A_292, %get3A_293] {strides = array<i32>} : memref<2x128xi32, #tpu.memory_space<vmem>>, vector<1x16xi32>,
        %get3A_295 = vector.shape_cast %get3A_294 : vector<1x16xi32> to vector<16xi32>
        %mul3A_296 = arith.constant 10000 : i32
        %mul3A_297 = vector.broadcast %mul3A_296 : i32 to vector<16xi32>
        %mul3A_298 = arith.muli %get3A_295, %mul3A_297 : vector<16xi32>
        %get3A_299 = arith.constant 1 : i32
        %get3A_300 = arith.index_cast %get3A_299 : i32 to index
        %get3A_301 = arith.constant 32 : index
        %get3A_302 = tpu.vector_load %arg11[%get3A_300, %get3A_301] {strides = array<i32>} : memref<2x128xi32, #tpu.memory_space<vmem>>, vector<1x16xi32>,
        %get3A_303 = vector.shape_cast %get3A_302 : vector<1x16xi32> to vector<16xi32>
        %add3A_304 = arith.addi %mul3A_298, %get3A_303 : vector<16xi32>
        %swap3A_305 = arith.constant 1 : i32
        %swap3A_306 = arith.index_cast %swap3A_305 : i32 to index
        %swap3A_307 = arith.constant 32 : index
        %swap3A_308 = tpu.vector_load %arg13[%swap3A_306, %swap3A_307] {strides = array<i32>} : memref<2x128xi32, #tpu.memory_space<vmem>>, vector<1x16xi32>,
        %swap3A_309 = vector.shape_cast %swap3A_308 : vector<1x16xi32> to vector<16xi32>
        %swap3A_310 = vector.shape_cast %add3A_304 : vector<16xi32> to vector<1x16xi32>
        tpu.vector_store %arg13[%swap3A_306, %swap3A_307], %swap3A_310 {strides = array<i32>} : memref<2x128xi32, #tpu.memory_space<vmem>>, vector<1x16xi32>,
        %get3A_311 = arith.constant 1 : i32
        %get3A_312 = arith.index_cast %get3A_311 : i32 to index
        %get3A_313 = arith.constant 48 : index
        %get3A_314 = tpu.vector_load %arg12[%get3A_312, %get3A_313] {strides = array<i32>} : memref<2x128xi32, #tpu.memory_space<vmem>>, vector<1x16xi32>,
        %get3A_315 = vector.shape_cast %get3A_314 : vector<1x16xi32> to vector<16xi32>
        %mul3A_316 = arith.constant 10000 : i32
        %mul3A_317 = vector.broadcast %mul3A_316 : i32 to vector<16xi32>
        %mul3A_318 = arith.muli %get3A_315, %mul3A_317 : vector<16xi32>
        %get3A_319 = arith.constant 1 : i32
        %get3A_320 = arith.index_cast %get3A_319 : i32 to index
        %get3A_321 = arith.constant 48 : index
        %get3A_322 = tpu.vector_load %arg11[%get3A_320, %get3A_321] {strides = array<i32>} : memref<2x128xi32, #tpu.memory_space<vmem>>, vector<1x16xi32>,
        %get3A_323 = vector.shape_cast %get3A_322 : vector<1x16xi32> to vector<16xi32>
        %add3A_324 = arith.addi %mul3A_318, %get3A_323 : vector<16xi32>
        %swap3A_325 = arith.constant 1 : i32
        %swap3A_326 = arith.index_cast %swap3A_325 : i32 to index
        %swap3A_327 = arith.constant 48 : index
        %swap3A_328 = tpu.vector_load %arg13[%swap3A_326, %swap3A_327] {strides = array<i32>} : memref<2x128xi32, #tpu.memory_space<vmem>>, vector<1x16xi32>,
        %swap3A_329 = vector.shape_cast %swap3A_328 : vector<1x16xi32> to vector<16xi32>
        %swap3A_330 = vector.shape_cast %add3A_324 : vector<16xi32> to vector<1x16xi32>
        tpu.vector_store %arg13[%swap3A_326, %swap3A_327], %swap3A_330 {strides = array<i32>} : memref<2x128xi32, #tpu.memory_space<vmem>>, vector<1x16xi32>,
        %get3A_331 = arith.constant 1 : i32
        %get3A_332 = arith.index_cast %get3A_331 : i32 to index
        %get3A_333 = arith.constant 64 : index
        %get3A_334 = tpu.vector_load %arg12[%get3A_332, %get3A_333] {strides = array<i32>} : memref<2x128xi32, #tpu.memory_space<vmem>>, vector<1x16xi32>,
        %get3A_335 = vector.shape_cast %get3A_334 : vector<1x16xi32> to vector<16xi32>
        %mul3A_336 = arith.constant 10000 : i32
        %mul3A_337 = vector.broadcast %mul3A_336 : i32 to vector<16xi32>
        %mul3A_338 = arith.muli %get3A_335, %mul3A_337 : vector<16xi32>
        %get3A_339 = arith.constant 1 : i32
        %get3A_340 = arith.index_cast %get3A_339 : i32 to index
        %get3A_341 = arith.constant 64 : index
        %get3A_342 = tpu.vector_load %arg11[%get3A_340, %get3A_341] {strides = array<i32>} : memref<2x128xi32, #tpu.memory_space<vmem>>, vector<1x16xi32>,
        %get3A_343 = vector.shape_cast %get3A_342 : vector<1x16xi32> to vector<16xi32>
        %add3A_344 = arith.addi %mul3A_338, %get3A_343 : vector<16xi32>
        %swap3A_345 = arith.constant 1 : i32
        %swap3A_346 = arith.index_cast %swap3A_345 : i32 to index
        %swap3A_347 = arith.constant 64 : index
        %swap3A_348 = tpu.vector_load %arg13[%swap3A_346, %swap3A_347] {strides = array<i32>} : memref<2x128xi32, #tpu.memory_space<vmem>>, vector<1x16xi32>,
        %swap3A_349 = vector.shape_cast %swap3A_348 : vector<1x16xi32> to vector<16xi32>
        %swap3A_350 = vector.shape_cast %add3A_344 : vector<16xi32> to vector<1x16xi32>
        tpu.vector_store %arg13[%swap3A_346, %swap3A_347], %swap3A_350 {strides = array<i32>} : memref<2x128xi32, #tpu.memory_space<vmem>>, vector<1x16xi32>,
        %get3A_351 = arith.constant 1 : i32
        %get3A_352 = arith.index_cast %get3A_351 : i32 to index
        %get3A_353 = arith.constant 80 : index
        %get3A_354 = tpu.vector_load %arg12[%get3A_352, %get3A_353] {strides = array<i32>} : memref<2x128xi32, #tpu.memory_space<vmem>>, vector<1x16xi32>,
        %get3A_355 = vector.shape_cast %get3A_354 : vector<1x16xi32> to vector<16xi32>
        %mul3A_356 = arith.constant 10000 : i32
        %mul3A_357 = vector.broadcast %mul3A_356 : i32 to vector<16xi32>
        %mul3A_358 = arith.muli %get3A_355, %mul3A_357 : vector<16xi32>
        %get3A_359 = arith.constant 1 : i32
        %get3A_360 = arith.index_cast %get3A_359 : i32 to index
        %get3A_361 = arith.constant 80 : index
        %get3A_362 = tpu.vector_load %arg11[%get3A_360, %get3A_361] {strides = array<i32>} : memref<2x128xi32, #tpu.memory_space<vmem>>, vector<1x16xi32>,
        %get3A_363 = vector.shape_cast %get3A_362 : vector<1x16xi32> to vector<16xi32>
        %add3A_364 = arith.addi %mul3A_358, %get3A_363 : vector<16xi32>
        %swap3A_365 = arith.constant 1 : i32
        %swap3A_366 = arith.index_cast %swap3A_365 : i32 to index
        %swap3A_367 = arith.constant 80 : index
        %swap3A_368 = tpu.vector_load %arg13[%swap3A_366, %swap3A_367] {strides = array<i32>} : memref<2x128xi32, #tpu.memory_space<vmem>>, vector<1x16xi32>,
        %swap3A_369 = vector.shape_cast %swap3A_368 : vector<1x16xi32> to vector<16xi32>
        %swap3A_370 = vector.shape_cast %add3A_364 : vector<16xi32> to vector<1x16xi32>
        tpu.vector_store %arg13[%swap3A_366, %swap3A_367], %swap3A_370 {strides = array<i32>} : memref<2x128xi32, #tpu.memory_space<vmem>>, vector<1x16xi32>,
        %get3A_371 = arith.constant 1 : i32
        %get3A_372 = arith.index_cast %get3A_371 : i32 to index
        %get3A_373 = arith.constant 96 : index
        %get3A_374 = tpu.vector_load %arg12[%get3A_372, %get3A_373] {strides = array<i32>} : memref<2x128xi32, #tpu.memory_space<vmem>>, vector<1x16xi32>,
        %get3A_375 = vector.shape_cast %get3A_374 : vector<1x16xi32> to vector<16xi32>
        %mul3A_376 = arith.constant 10000 : i32
        %mul3A_377 = vector.broadcast %mul3A_376 : i32 to vector<16xi32>
        %mul3A_378 = arith.muli %get3A_375, %mul3A_377 : vector<16xi32>
        %get3A_379 = arith.constant 1 : i32
        %get3A_380 = arith.index_cast %get3A_379 : i32 to index
        %get3A_381 = arith.constant 96 : index
        %get3A_382 = tpu.vector_load %arg11[%get3A_380, %get3A_381] {strides = array<i32>} : memref<2x128xi32, #tpu.memory_space<vmem>>, vector<1x16xi32>,
        %get3A_383 = vector.shape_cast %get3A_382 : vector<1x16xi32> to vector<16xi32>
        %add3A_384 = arith.addi %mul3A_378, %get3A_383 : vector<16xi32>
        %swap3A_385 = arith.constant 1 : i32
        %swap3A_386 = arith.index_cast %swap3A_385 : i32 to index
        %swap3A_387 = arith.constant 96 : index
        %swap3A_388 = tpu.vector_load %arg13[%swap3A_386, %swap3A_387] {strides = array<i32>} : memref<2x128xi32, #tpu.memory_space<vmem>>, vector<1x16xi32>,
        %swap3A_389 = vector.shape_cast %swap3A_388 : vector<1x16xi32> to vector<16xi32>
        %swap3A_390 = vector.shape_cast %add3A_384 : vector<16xi32> to vector<1x16xi32>
        tpu.vector_store %arg13[%swap3A_386, %swap3A_387], %swap3A_390 {strides = array<i32>} : memref<2x128xi32, #tpu.memory_space<vmem>>, vector<1x16xi32>,
        %get3A_391 = arith.constant 1 : i32
        %get3A_392 = arith.index_cast %get3A_391 : i32 to index
        %get3A_393 = arith.constant 112 : index
        %get3A_394 = tpu.vector_load %arg12[%get3A_392, %get3A_393] {strides = array<i32>} : memref<2x128xi32, #tpu.memory_space<vmem>>, vector<1x16xi32>,
        %get3A_395 = vector.shape_cast %get3A_394 : vector<1x16xi32> to vector<16xi32>
        %mul3A_396 = arith.constant 10000 : i32
        %mul3A_397 = vector.broadcast %mul3A_396 : i32 to vector<16xi32>
        %mul3A_398 = arith.muli %get3A_395, %mul3A_397 : vector<16xi32>
        %get3A_399 = arith.constant 1 : i32
        %get3A_400 = arith.index_cast %get3A_399 : i32 to index
        %get3A_401 = arith.constant 112 : index
        %get3A_402 = tpu.vector_load %arg11[%get3A_400, %get3A_401] {strides = array<i32>} : memref<2x128xi32, #tpu.memory_space<vmem>>, vector<1x16xi32>,
        %get3A_403 = vector.shape_cast %get3A_402 : vector<1x16xi32> to vector<16xi32>
        %add3A_404 = arith.addi %mul3A_398, %get3A_403 : vector<16xi32>
        %swap3A_405 = arith.constant 1 : i32
        %swap3A_406 = arith.index_cast %swap3A_405 : i32 to index
        %swap3A_407 = arith.constant 112 : index
        %swap3A_408 = tpu.vector_load %arg13[%swap3A_406, %swap3A_407] {strides = array<i32>} : memref<2x128xi32, #tpu.memory_space<vmem>>, vector<1x16xi32>,
        %swap3A_409 = vector.shape_cast %swap3A_408 : vector<1x16xi32> to vector<16xi32>
        %swap3A_410 = vector.shape_cast %add3A_404 : vector<16xi32> to vector<1x16xi32>
        tpu.vector_store %arg13[%swap3A_406, %swap3A_407], %swap3A_410 {strides = array<i32>} : memref<2x128xi32, #tpu.memory_space<vmem>>, vector<1x16xi32>,
        %dma_start3A_411 = arith.constant 1 : i32
        %dma_start3A_412 = arith.constant 1 : i32
        %dma_start3A_413 = arith.constant 0 : i32
        %dma_start3A_414 = arith.constant 0 : i32
        %dma_start3A_415 = tpu.memref_slice %arg15[%dma_start3A_412, %dma_start3A_413, %dma_start3A_414] : memref<2x128x128xf32, #tpu.memory_space<vmem>> -> memref<1x128x128xf32, #tpu.memory_space<vmem>>
        %dma_start3A_416 = tpu.memref_squeeze %dma_start3A_415 : memref<1x128x128xf32, #tpu.memory_space<vmem>> -> memref<128x128xf32, #tpu.memory_space<vmem>>
        %dma_start3A_417 = arith.constant 0 : i32
        %dma_start3A_418 = tpu.memref_slice %arg13[%dma_start3A_411, %dma_start3A_417] : memref<2x128xi32, #tpu.memory_space<vmem>> -> memref<1x128xi32, #tpu.memory_space<vmem>>
        %dma_start3A_419 = tpu.memref_squeeze %dma_start3A_418 : memref<1x128xi32, #tpu.memory_space<vmem>> -> memref<128xi32, #tpu.memory_space<vmem>>
        %dma_start3A_420 = arith.constant 0 : i32
        %dma_start3A_421 = arith.constant 0 : i32
        %dma_start3A_422 = tpu.memref_slice %arg2[%dma_start3A_420, %dma_start3A_421] : memref<80000x128xf32, #tpu.memory_space<hbm>> -> memref<80000x128xf32, #tpu.memory_space<hbm>>
        tpu.enqueue_indirect_dma source(%dma_start3A_422 : memref<80000x128xf32, #tpu.memory_space<hbm>>) target(%dma_start3A_416 : memref<128x128xf32, #tpu.memory_space<vmem>>) offsets(%dma_start3A_419 : memref<128xi32, #tpu.memory_space<vmem>>) semaphore(%arg20 : memref<!tpu.dma_semaphore, #tpu.memory_space<semaphore_mem>>)
      } else {
      }
      %dma_wait3A = arith.constant 0 : i32
      %dma_wait3A_205 = arith.constant 0 : i32
      %dma_wait3A_206 = arith.constant 0 : i32
      %dma_wait3A_207 = arith.constant 0 : i32
      %dma_wait3A_208 = tpu.memref_slice %arg15[%dma_wait3A_205, %dma_wait3A_206, %dma_wait3A_207] : memref<2x128x128xf32, #tpu.memory_space<vmem>> -> memref<1x128x128xf32, #tpu.memory_space<vmem>>
      %dma_wait3A_209 = tpu.memref_squeeze %dma_wait3A_208 : memref<1x128x128xf32, #tpu.memory_space<vmem>> -> memref<128x128xf32, #tpu.memory_space<vmem>>
      %dma_wait3A_210 = arith.constant 0 : i32
      %dma_wait3A_211 = tpu.memref_slice %arg13[%dma_wait3A, %dma_wait3A_210] : memref<2x128xi32, #tpu.memory_space<vmem>> -> memref<1x128xi32, #tpu.memory_space<vmem>>
      %dma_wait3A_212 = tpu.memref_squeeze %dma_wait3A_211 : memref<1x128xi32, #tpu.memory_space<vmem>> -> memref<128xi32, #tpu.memory_space<vmem>>
      %dma_wait3A_213 = arith.constant 0 : i32
      %dma_wait3A_214 = arith.constant 0 : i32
      %dma_wait3A_215 = tpu.memref_slice %arg2[%dma_wait3A_213, %dma_wait3A_214] : memref<80000x128xf32, #tpu.memory_space<hbm>> -> memref<80000x128xf32, #tpu.memory_space<hbm>>
      tpu.wait_indirect_dma semaphore(%arg19 : memref<!tpu.dma_semaphore, #tpu.memory_space<semaphore_mem>>) src(%dma_wait3A_215 : memref<80000x128xf32, #tpu.memory_space<hbm>>) dst(%dma_wait3A_209 : memref<128x128xf32, #tpu.memory_space<vmem>>)
      %run_scoped3A_216 = arith.constant 0 : i32
      %run_scoped3A_217 = arith.constant 0 : i32
      "tpu.region"() ({
        %run_scoped3A_241 = tpu.sem_alloc : memref<!tpu.dma_semaphore, #tpu.memory_space<semaphore_mem>>
        %dma_start3A_242 = arith.constant 0 : i32
        %dma_start3A_243 = arith.constant 0 : i32
        %dma_start3A_244 = tpu.memref_slice %arg15[%run_scoped3A_216, %dma_start3A_242, %dma_start3A_243] : memref<2x128x128xf32, #tpu.memory_space<vmem>> -> memref<1x128x128xf32, #tpu.memory_space<vmem>>
        %dma_start3A_245 = tpu.memref_squeeze %dma_start3A_244 : memref<1x128x128xf32, #tpu.memory_space<vmem>> -> memref<128x128xf32, #tpu.memory_space<vmem>>
        %dma_start3A_246 = arith.constant 0 : i32
        %dma_start3A_247 = tpu.memref_slice %arg14[%run_scoped3A_217, %dma_start3A_246] : memref<2x128xi32, #tpu.memory_space<vmem>> -> memref<1x128xi32, #tpu.memory_space<vmem>>
        %dma_start3A_248 = tpu.memref_squeeze %dma_start3A_247 : memref<1x128xi32, #tpu.memory_space<vmem>> -> memref<128xi32, #tpu.memory_space<vmem>>
        %dma_start3A_249 = arith.constant 0 : i32
        %dma_start3A_250 = arith.constant 0 : i32
        %dma_start3A_251 = tpu.memref_slice %arg16[%dma_start3A_249, %dma_start3A_250] : memref<10112x128xf32, #tpu.memory_space<vmem_shared>> -> memref<10112x128xf32, #tpu.memory_space<vmem_shared>>
        tpu.enqueue_indirect_dma source(%dma_start3A_245 : memref<128x128xf32, #tpu.memory_space<vmem>>) target(%dma_start3A_251 : memref<10112x128xf32, #tpu.memory_space<vmem_shared>>) offsets(%dma_start3A_248 : memref<128xi32, #tpu.memory_space<vmem>>) semaphore(%run_scoped3A_241 : memref<!tpu.dma_semaphore, #tpu.memory_space<semaphore_mem>>) {add = true}
        %dma_wait3A_252 = arith.constant 0 : i32
        %dma_wait3A_253 = arith.constant 0 : i32
        %dma_wait3A_254 = tpu.memref_slice %arg15[%run_scoped3A_216, %dma_wait3A_252, %dma_wait3A_253] : memref<2x128x128xf32, #tpu.memory_space<vmem>> -> memref<1x128x128xf32, #tpu.memory_space<vmem>>
        %dma_wait3A_255 = tpu.memref_squeeze %dma_wait3A_254 : memref<1x128x128xf32, #tpu.memory_space<vmem>> -> memref<128x128xf32, #tpu.memory_space<vmem>>
        %dma_wait3A_256 = arith.constant 0 : i32
        %dma_wait3A_257 = tpu.memref_slice %arg14[%run_scoped3A_217, %dma_wait3A_256] : memref<2x128xi32, #tpu.memory_space<vmem>> -> memref<1x128xi32, #tpu.memory_space<vmem>>
        %dma_wait3A_258 = tpu.memref_squeeze %dma_wait3A_257 : memref<1x128xi32, #tpu.memory_space<vmem>> -> memref<128xi32, #tpu.memory_space<vmem>>
        %dma_wait3A_259 = arith.constant 0 : i32
        %dma_wait3A_260 = arith.constant 0 : i32
        %dma_wait3A_261 = tpu.memref_slice %arg16[%dma_wait3A_259, %dma_wait3A_260] : memref<10112x128xf32, #tpu.memory_space<vmem_shared>> -> memref<10112x128xf32, #tpu.memory_space<vmem_shared>>
        tpu.wait_indirect_dma semaphore(%run_scoped3A_241 : memref<!tpu.dma_semaphore, #tpu.memory_space<semaphore_mem>>) src(%dma_wait3A_255 : memref<128x128xf32, #tpu.memory_space<vmem>>) dst(%dma_wait3A_261 : memref<10112x128xf32, #tpu.memory_space<vmem_shared>>)
        tpu.yield
      }) : () -> ()
      %add3A_218 = arith.constant 1 : i32
      %add3A_219 = arith.addi %mul3A_196, %add3A_218 : i32
      %add3A_220 = arith.constant 1 : i32
      %add3A_221 = arith.addi %add3A_219, %add3A_220 : i32
      %lt3A_222 = arith.constant 80 : i32
      %lt3A_223 = arith.cmpi slt, %add3A_221, %lt3A_222 : i32
      %convert_element_type3A_224 = arith.extui %lt3A_223 : i1 to i32
      %cond3A_225 = arith.constant 0 : i32
      %cond3A_226 = arith.cmpi ne, %convert_element_type3A_224, %cond3A_225 : i32
      scf.if %cond3A_226 {
        %add3A_241 = arith.constant 1 : i32
        %add3A_242 = arith.addi %add3A_219, %add3A_241 : i32
        %mul3A_243 = arith.constant 80 : i32
        %mul3A_244 = arith.muli %add3A, %mul3A_243 : i32
        %add3A_245 = arith.addi %mul3A_244, %add3A_242 : i32
        %mul3A_246 = arith.constant 128 : i32
        %mul3A_247 = arith.muli %add3A_245, %mul3A_246 : i32
        %run_scoped3A_248 = arith.constant 0 : i32
        "tpu.region"() ({
          %run_scoped3A_423 = tpu.sem_alloc : memref<!tpu.dma_semaphore, #tpu.memory_space<semaphore_mem>>
          %dma_start3A_424 = arith.constant 0 : i32
          %dma_start3A_425 = tpu.memref_slice %arg11[%run_scoped3A_248, %dma_start3A_424] : memref<2x128xi32, #tpu.memory_space<vmem>> -> memref<1x128xi32, #tpu.memory_space<vmem>>
          %dma_start3A_426 = tpu.memref_squeeze %dma_start3A_425 : memref<1x128xi32, #tpu.memory_space<vmem>> -> memref<128xi32, #tpu.memory_space<vmem>>
          %dma_start3A_427 = tpu.memref_slice %arg3[%mul3A_247] : memref<327680xi32, #tpu.memory_space<hbm>> -> memref<128xi32, #tpu.memory_space<hbm>>
          %dma_start3A_428 = arith.constant 0 : i32
          %dma_start3A_429 = tpu.memref_slice %arg11[%run_scoped3A_248, %dma_start3A_428] : memref<2x128xi32, #tpu.memory_space<vmem>> -> memref<1x128xi32, #tpu.memory_space<vmem>>
          %dma_start3A_430 = tpu.memref_squeeze %dma_start3A_429 : memref<1x128xi32, #tpu.memory_space<vmem>> -> memref<128xi32, #tpu.memory_space<vmem>>
          %dma_start3A_431 = tpu.memref_slice %arg3[%mul3A_247] : memref<327680xi32, #tpu.memory_space<hbm>> -> memref<128xi32, #tpu.memory_space<hbm>>
          tpu.enqueue_dma source(%dma_start3A_431 : memref<128xi32, #tpu.memory_space<hbm>>) target(%dma_start3A_430 : memref<128xi32, #tpu.memory_space<vmem>>) target_semaphore(%run_scoped3A_423 : memref<!tpu.dma_semaphore, #tpu.memory_space<semaphore_mem>>)
          %dma_wait3A_432 = arith.constant 0 : i32
          %dma_wait3A_433 = tpu.memref_slice %arg11[%run_scoped3A_248, %dma_wait3A_432] : memref<2x128xi32, #tpu.memory_space<vmem>> -> memref<1x128xi32, #tpu.memory_space<vmem>>
          %dma_wait3A_434 = tpu.memref_squeeze %dma_wait3A_433 : memref<1x128xi32, #tpu.memory_space<vmem>> -> memref<128xi32, #tpu.memory_space<vmem>>
          %dma_wait3A_435 = tpu.memref_slice %arg3[%mul3A_247] : memref<327680xi32, #tpu.memory_space<hbm>> -> memref<128xi32, #tpu.memory_space<hbm>>
          %dma_wait3A_436 = arith.constant 0 : i32
          %dma_wait3A_437 = tpu.memref_slice %arg11[%run_scoped3A_248, %dma_wait3A_436] : memref<2x128xi32, #tpu.memory_space<vmem>> -> memref<1x128xi32, #tpu.memory_space<vmem>>
          %dma_wait3A_438 = tpu.memref_squeeze %dma_wait3A_437 : memref<1x128xi32, #tpu.memory_space<vmem>> -> memref<128xi32, #tpu.memory_space<vmem>>
          %dma_wait3A_439 = tpu.memref_slice %arg3[%mul3A_247] : memref<327680xi32, #tpu.memory_space<hbm>> -> memref<128xi32, #tpu.memory_space<hbm>>
          tpu.wait_dma2 semaphore(%run_scoped3A_423 : memref<!tpu.dma_semaphore, #tpu.memory_space<semaphore_mem>>) src(%dma_wait3A_439 : memref<128xi32, #tpu.memory_space<hbm>>) dst(%dma_wait3A_438 : memref<128xi32, #tpu.memory_space<vmem>>)
          tpu.yield
        }) : () -> ()
        %run_scoped3A_249 = arith.constant 0 : i32
        "tpu.region"() ({
          %run_scoped3A_423 = tpu.sem_alloc : memref<!tpu.dma_semaphore, #tpu.memory_space<semaphore_mem>>
          %dma_start3A_424 = arith.constant 0 : i32
          %dma_start3A_425 = tpu.memref_slice %arg12[%run_scoped3A_249, %dma_start3A_424] : memref<2x128xi32, #tpu.memory_space<vmem>> -> memref<1x128xi32, #tpu.memory_space<vmem>>
          %dma_start3A_426 = tpu.memref_squeeze %dma_start3A_425 : memref<1x128xi32, #tpu.memory_space<vmem>> -> memref<128xi32, #tpu.memory_space<vmem>>
          %dma_start3A_427 = tpu.memref_slice %arg4[%mul3A_247] : memref<327680xi32, #tpu.memory_space<hbm>> -> memref<128xi32, #tpu.memory_space<hbm>>
          %dma_start3A_428 = arith.constant 0 : i32
          %dma_start3A_429 = tpu.memref_slice %arg12[%run_scoped3A_249, %dma_start3A_428] : memref<2x128xi32, #tpu.memory_space<vmem>> -> memref<1x128xi32, #tpu.memory_space<vmem>>
          %dma_start3A_430 = tpu.memref_squeeze %dma_start3A_429 : memref<1x128xi32, #tpu.memory_space<vmem>> -> memref<128xi32, #tpu.memory_space<vmem>>
          %dma_start3A_431 = tpu.memref_slice %arg4[%mul3A_247] : memref<327680xi32, #tpu.memory_space<hbm>> -> memref<128xi32, #tpu.memory_space<hbm>>
          tpu.enqueue_dma source(%dma_start3A_431 : memref<128xi32, #tpu.memory_space<hbm>>) target(%dma_start3A_430 : memref<128xi32, #tpu.memory_space<vmem>>) target_semaphore(%run_scoped3A_423 : memref<!tpu.dma_semaphore, #tpu.memory_space<semaphore_mem>>)
          %dma_wait3A_432 = arith.constant 0 : i32
          %dma_wait3A_433 = tpu.memref_slice %arg12[%run_scoped3A_249, %dma_wait3A_432] : memref<2x128xi32, #tpu.memory_space<vmem>> -> memref<1x128xi32, #tpu.memory_space<vmem>>
          %dma_wait3A_434 = tpu.memref_squeeze %dma_wait3A_433 : memref<1x128xi32, #tpu.memory_space<vmem>> -> memref<128xi32, #tpu.memory_space<vmem>>
          %dma_wait3A_435 = tpu.memref_slice %arg4[%mul3A_247] : memref<327680xi32, #tpu.memory_space<hbm>> -> memref<128xi32, #tpu.memory_space<hbm>>
          %dma_wait3A_436 = arith.constant 0 : i32
          %dma_wait3A_437 = tpu.memref_slice %arg12[%run_scoped3A_249, %dma_wait3A_436] : memref<2x128xi32, #tpu.memory_space<vmem>> -> memref<1x128xi32, #tpu.memory_space<vmem>>
          %dma_wait3A_438 = tpu.memref_squeeze %dma_wait3A_437 : memref<1x128xi32, #tpu.memory_space<vmem>> -> memref<128xi32, #tpu.memory_space<vmem>>
          %dma_wait3A_439 = tpu.memref_slice %arg4[%mul3A_247] : memref<327680xi32, #tpu.memory_space<hbm>> -> memref<128xi32, #tpu.memory_space<hbm>>
          tpu.wait_dma2 semaphore(%run_scoped3A_423 : memref<!tpu.dma_semaphore, #tpu.memory_space<semaphore_mem>>) src(%dma_wait3A_439 : memref<128xi32, #tpu.memory_space<hbm>>) dst(%dma_wait3A_438 : memref<128xi32, #tpu.memory_space<vmem>>)
          tpu.yield
        }) : () -> ()
        %run_scoped3A_250 = arith.constant 0 : i32
        "tpu.region"() ({
          %run_scoped3A_423 = tpu.sem_alloc : memref<!tpu.dma_semaphore, #tpu.memory_space<semaphore_mem>>
          %dma_start3A_424 = arith.constant 0 : i32
          %dma_start3A_425 = tpu.memref_slice %arg14[%run_scoped3A_250, %dma_start3A_424] : memref<2x128xi32, #tpu.memory_space<vmem>> -> memref<1x128xi32, #tpu.memory_space<vmem>>
          %dma_start3A_426 = tpu.memref_squeeze %dma_start3A_425 : memref<1x128xi32, #tpu.memory_space<vmem>> -> memref<128xi32, #tpu.memory_space<vmem>>
          %dma_start3A_427 = tpu.memref_slice %arg5[%mul3A_247] : memref<327680xi32, #tpu.memory_space<hbm>> -> memref<128xi32, #tpu.memory_space<hbm>>
          %dma_start3A_428 = arith.constant 0 : i32
          %dma_start3A_429 = tpu.memref_slice %arg14[%run_scoped3A_250, %dma_start3A_428] : memref<2x128xi32, #tpu.memory_space<vmem>> -> memref<1x128xi32, #tpu.memory_space<vmem>>
          %dma_start3A_430 = tpu.memref_squeeze %dma_start3A_429 : memref<1x128xi32, #tpu.memory_space<vmem>> -> memref<128xi32, #tpu.memory_space<vmem>>
          %dma_start3A_431 = tpu.memref_slice %arg5[%mul3A_247] : memref<327680xi32, #tpu.memory_space<hbm>> -> memref<128xi32, #tpu.memory_space<hbm>>
          tpu.enqueue_dma source(%dma_start3A_431 : memref<128xi32, #tpu.memory_space<hbm>>) target(%dma_start3A_430 : memref<128xi32, #tpu.memory_space<vmem>>) target_semaphore(%run_scoped3A_423 : memref<!tpu.dma_semaphore, #tpu.memory_space<semaphore_mem>>)
          %dma_wait3A_432 = arith.constant 0 : i32
          %dma_wait3A_433 = tpu.memref_slice %arg14[%run_scoped3A_250, %dma_wait3A_432] : memref<2x128xi32, #tpu.memory_space<vmem>> -> memref<1x128xi32, #tpu.memory_space<vmem>>
          %dma_wait3A_434 = tpu.memref_squeeze %dma_wait3A_433 : memref<1x128xi32, #tpu.memory_space<vmem>> -> memref<128xi32, #tpu.memory_space<vmem>>
          %dma_wait3A_435 = tpu.memref_slice %arg5[%mul3A_247] : memref<327680xi32, #tpu.memory_space<hbm>> -> memref<128xi32, #tpu.memory_space<hbm>>
          %dma_wait3A_436 = arith.constant 0 : i32
          %dma_wait3A_437 = tpu.memref_slice %arg14[%run_scoped3A_250, %dma_wait3A_436] : memref<2x128xi32, #tpu.memory_space<vmem>> -> memref<1x128xi32, #tpu.memory_space<vmem>>
          %dma_wait3A_438 = tpu.memref_squeeze %dma_wait3A_437 : memref<1x128xi32, #tpu.memory_space<vmem>> -> memref<128xi32, #tpu.memory_space<vmem>>
          %dma_wait3A_439 = tpu.memref_slice %arg5[%mul3A_247] : memref<327680xi32, #tpu.memory_space<hbm>> -> memref<128xi32, #tpu.memory_space<hbm>>
          tpu.wait_dma2 semaphore(%run_scoped3A_423 : memref<!tpu.dma_semaphore, #tpu.memory_space<semaphore_mem>>) src(%dma_wait3A_439 : memref<128xi32, #tpu.memory_space<hbm>>) dst(%dma_wait3A_438 : memref<128xi32, #tpu.memory_space<vmem>>)
          tpu.yield
        }) : () -> ()
        %get3A_251 = arith.constant 0 : i32
        %get3A_252 = arith.index_cast %get3A_251 : i32 to index
        %get3A_253 = arith.constant 0 : index
        %get3A_254 = tpu.vector_load %arg12[%get3A_252, %get3A_253] {strides = array<i32>} : memref<2x128xi32, #tpu.memory_space<vmem>>, vector<1x16xi32>,
        %get3A_255 = vector.shape_cast %get3A_254 : vector<1x16xi32> to vector<16xi32>
        %mul3A_256 = arith.constant 10000 : i32
        %mul3A_257 = vector.broadcast %mul3A_256 : i32 to vector<16xi32>
        %mul3A_258 = arith.muli %get3A_255, %mul3A_257 : vector<16xi32>
        %get3A_259 = arith.constant 0 : i32
        %get3A_260 = arith.index_cast %get3A_259 : i32 to index
        %get3A_261 = arith.constant 0 : index
        %get3A_262 = tpu.vector_load %arg11[%get3A_260, %get3A_261] {strides = array<i32>} : memref<2x128xi32, #tpu.memory_space<vmem>>, vector<1x16xi32>,
        %get3A_263 = vector.shape_cast %get3A_262 : vector<1x16xi32> to vector<16xi32>
        %add3A_264 = arith.addi %mul3A_258, %get3A_263 : vector<16xi32>
        %swap3A_265 = arith.constant 0 : i32
        %swap3A_266 = arith.index_cast %swap3A_265 : i32 to index
        %swap3A_267 = arith.constant 0 : index
        %swap3A_268 = tpu.vector_load %arg13[%swap3A_266, %swap3A_267] {strides = array<i32>} : memref<2x128xi32, #tpu.memory_space<vmem>>, vector<1x16xi32>,
        %swap3A_269 = vector.shape_cast %swap3A_268 : vector<1x16xi32> to vector<16xi32>
        %swap3A_270 = vector.shape_cast %add3A_264 : vector<16xi32> to vector<1x16xi32>
        tpu.vector_store %arg13[%swap3A_266, %swap3A_267], %swap3A_270 {strides = array<i32>} : memref<2x128xi32, #tpu.memory_space<vmem>>, vector<1x16xi32>,
        %get3A_271 = arith.constant 0 : i32
        %get3A_272 = arith.index_cast %get3A_271 : i32 to index
        %get3A_273 = arith.constant 16 : index
        %get3A_274 = tpu.vector_load %arg12[%get3A_272, %get3A_273] {strides = array<i32>} : memref<2x128xi32, #tpu.memory_space<vmem>>, vector<1x16xi32>,
        %get3A_275 = vector.shape_cast %get3A_274 : vector<1x16xi32> to vector<16xi32>
        %mul3A_276 = arith.constant 10000 : i32
        %mul3A_277 = vector.broadcast %mul3A_276 : i32 to vector<16xi32>
        %mul3A_278 = arith.muli %get3A_275, %mul3A_277 : vector<16xi32>
        %get3A_279 = arith.constant 0 : i32
        %get3A_280 = arith.index_cast %get3A_279 : i32 to index
        %get3A_281 = arith.constant 16 : index
        %get3A_282 = tpu.vector_load %arg11[%get3A_280, %get3A_281] {strides = array<i32>} : memref<2x128xi32, #tpu.memory_space<vmem>>, vector<1x16xi32>,
        %get3A_283 = vector.shape_cast %get3A_282 : vector<1x16xi32> to vector<16xi32>
        %add3A_284 = arith.addi %mul3A_278, %get3A_283 : vector<16xi32>
        %swap3A_285 = arith.constant 0 : i32
        %swap3A_286 = arith.index_cast %swap3A_285 : i32 to index
        %swap3A_287 = arith.constant 16 : index
        %swap3A_288 = tpu.vector_load %arg13[%swap3A_286, %swap3A_287] {strides = array<i32>} : memref<2x128xi32, #tpu.memory_space<vmem>>, vector<1x16xi32>,
        %swap3A_289 = vector.shape_cast %swap3A_288 : vector<1x16xi32> to vector<16xi32>
        %swap3A_290 = vector.shape_cast %add3A_284 : vector<16xi32> to vector<1x16xi32>
        tpu.vector_store %arg13[%swap3A_286, %swap3A_287], %swap3A_290 {strides = array<i32>} : memref<2x128xi32, #tpu.memory_space<vmem>>, vector<1x16xi32>,
        %get3A_291 = arith.constant 0 : i32
        %get3A_292 = arith.index_cast %get3A_291 : i32 to index
        %get3A_293 = arith.constant 32 : index
        %get3A_294 = tpu.vector_load %arg12[%get3A_292, %get3A_293] {strides = array<i32>} : memref<2x128xi32, #tpu.memory_space<vmem>>, vector<1x16xi32>,
        %get3A_295 = vector.shape_cast %get3A_294 : vector<1x16xi32> to vector<16xi32>
        %mul3A_296 = arith.constant 10000 : i32
        %mul3A_297 = vector.broadcast %mul3A_296 : i32 to vector<16xi32>
        %mul3A_298 = arith.muli %get3A_295, %mul3A_297 : vector<16xi32>
        %get3A_299 = arith.constant 0 : i32
        %get3A_300 = arith.index_cast %get3A_299 : i32 to index
        %get3A_301 = arith.constant 32 : index
        %get3A_302 = tpu.vector_load %arg11[%get3A_300, %get3A_301] {strides = array<i32>} : memref<2x128xi32, #tpu.memory_space<vmem>>, vector<1x16xi32>,
        %get3A_303 = vector.shape_cast %get3A_302 : vector<1x16xi32> to vector<16xi32>
        %add3A_304 = arith.addi %mul3A_298, %get3A_303 : vector<16xi32>
        %swap3A_305 = arith.constant 0 : i32
        %swap3A_306 = arith.index_cast %swap3A_305 : i32 to index
        %swap3A_307 = arith.constant 32 : index
        %swap3A_308 = tpu.vector_load %arg13[%swap3A_306, %swap3A_307] {strides = array<i32>} : memref<2x128xi32, #tpu.memory_space<vmem>>, vector<1x16xi32>,
        %swap3A_309 = vector.shape_cast %swap3A_308 : vector<1x16xi32> to vector<16xi32>
        %swap3A_310 = vector.shape_cast %add3A_304 : vector<16xi32> to vector<1x16xi32>
        tpu.vector_store %arg13[%swap3A_306, %swap3A_307], %swap3A_310 {strides = array<i32>} : memref<2x128xi32, #tpu.memory_space<vmem>>, vector<1x16xi32>,
        %get3A_311 = arith.constant 0 : i32
        %get3A_312 = arith.index_cast %get3A_311 : i32 to index
        %get3A_313 = arith.constant 48 : index
        %get3A_314 = tpu.vector_load %arg12[%get3A_312, %get3A_313] {strides = array<i32>} : memref<2x128xi32, #tpu.memory_space<vmem>>, vector<1x16xi32>,
        %get3A_315 = vector.shape_cast %get3A_314 : vector<1x16xi32> to vector<16xi32>
        %mul3A_316 = arith.constant 10000 : i32
        %mul3A_317 = vector.broadcast %mul3A_316 : i32 to vector<16xi32>
        %mul3A_318 = arith.muli %get3A_315, %mul3A_317 : vector<16xi32>
        %get3A_319 = arith.constant 0 : i32
        %get3A_320 = arith.index_cast %get3A_319 : i32 to index
        %get3A_321 = arith.constant 48 : index
        %get3A_322 = tpu.vector_load %arg11[%get3A_320, %get3A_321] {strides = array<i32>} : memref<2x128xi32, #tpu.memory_space<vmem>>, vector<1x16xi32>,
        %get3A_323 = vector.shape_cast %get3A_322 : vector<1x16xi32> to vector<16xi32>
        %add3A_324 = arith.addi %mul3A_318, %get3A_323 : vector<16xi32>
        %swap3A_325 = arith.constant 0 : i32
        %swap3A_326 = arith.index_cast %swap3A_325 : i32 to index
        %swap3A_327 = arith.constant 48 : index
        %swap3A_328 = tpu.vector_load %arg13[%swap3A_326, %swap3A_327] {strides = array<i32>} : memref<2x128xi32, #tpu.memory_space<vmem>>, vector<1x16xi32>,
        %swap3A_329 = vector.shape_cast %swap3A_328 : vector<1x16xi32> to vector<16xi32>
        %swap3A_330 = vector.shape_cast %add3A_324 : vector<16xi32> to vector<1x16xi32>
        tpu.vector_store %arg13[%swap3A_326, %swap3A_327], %swap3A_330 {strides = array<i32>} : memref<2x128xi32, #tpu.memory_space<vmem>>, vector<1x16xi32>,
        %get3A_331 = arith.constant 0 : i32
        %get3A_332 = arith.index_cast %get3A_331 : i32 to index
        %get3A_333 = arith.constant 64 : index
        %get3A_334 = tpu.vector_load %arg12[%get3A_332, %get3A_333] {strides = array<i32>} : memref<2x128xi32, #tpu.memory_space<vmem>>, vector<1x16xi32>,
        %get3A_335 = vector.shape_cast %get3A_334 : vector<1x16xi32> to vector<16xi32>
        %mul3A_336 = arith.constant 10000 : i32
        %mul3A_337 = vector.broadcast %mul3A_336 : i32 to vector<16xi32>
        %mul3A_338 = arith.muli %get3A_335, %mul3A_337 : vector<16xi32>
        %get3A_339 = arith.constant 0 : i32
        %get3A_340 = arith.index_cast %get3A_339 : i32 to index
        %get3A_341 = arith.constant 64 : index
        %get3A_342 = tpu.vector_load %arg11[%get3A_340, %get3A_341] {strides = array<i32>} : memref<2x128xi32, #tpu.memory_space<vmem>>, vector<1x16xi32>,
        %get3A_343 = vector.shape_cast %get3A_342 : vector<1x16xi32> to vector<16xi32>
        %add3A_344 = arith.addi %mul3A_338, %get3A_343 : vector<16xi32>
        %swap3A_345 = arith.constant 0 : i32
        %swap3A_346 = arith.index_cast %swap3A_345 : i32 to index
        %swap3A_347 = arith.constant 64 : index
        %swap3A_348 = tpu.vector_load %arg13[%swap3A_346, %swap3A_347] {strides = array<i32>} : memref<2x128xi32, #tpu.memory_space<vmem>>, vector<1x16xi32>,
        %swap3A_349 = vector.shape_cast %swap3A_348 : vector<1x16xi32> to vector<16xi32>
        %swap3A_350 = vector.shape_cast %add3A_344 : vector<16xi32> to vector<1x16xi32>
        tpu.vector_store %arg13[%swap3A_346, %swap3A_347], %swap3A_350 {strides = array<i32>} : memref<2x128xi32, #tpu.memory_space<vmem>>, vector<1x16xi32>,
        %get3A_351 = arith.constant 0 : i32
        %get3A_352 = arith.index_cast %get3A_351 : i32 to index
        %get3A_353 = arith.constant 80 : index
        %get3A_354 = tpu.vector_load %arg12[%get3A_352, %get3A_353] {strides = array<i32>} : memref<2x128xi32, #tpu.memory_space<vmem>>, vector<1x16xi32>,
        %get3A_355 = vector.shape_cast %get3A_354 : vector<1x16xi32> to vector<16xi32>
        %mul3A_356 = arith.constant 10000 : i32
        %mul3A_357 = vector.broadcast %mul3A_356 : i32 to vector<16xi32>
        %mul3A_358 = arith.muli %get3A_355, %mul3A_357 : vector<16xi32>
        %get3A_359 = arith.constant 0 : i32
        %get3A_360 = arith.index_cast %get3A_359 : i32 to index
        %get3A_361 = arith.constant 80 : index
        %get3A_362 = tpu.vector_load %arg11[%get3A_360, %get3A_361] {strides = array<i32>} : memref<2x128xi32, #tpu.memory_space<vmem>>, vector<1x16xi32>,
        %get3A_363 = vector.shape_cast %get3A_362 : vector<1x16xi32> to vector<16xi32>
        %add3A_364 = arith.addi %mul3A_358, %get3A_363 : vector<16xi32>
        %swap3A_365 = arith.constant 0 : i32
        %swap3A_366 = arith.index_cast %swap3A_365 : i32 to index
        %swap3A_367 = arith.constant 80 : index
        %swap3A_368 = tpu.vector_load %arg13[%swap3A_366, %swap3A_367] {strides = array<i32>} : memref<2x128xi32, #tpu.memory_space<vmem>>, vector<1x16xi32>,
        %swap3A_369 = vector.shape_cast %swap3A_368 : vector<1x16xi32> to vector<16xi32>
        %swap3A_370 = vector.shape_cast %add3A_364 : vector<16xi32> to vector<1x16xi32>
        tpu.vector_store %arg13[%swap3A_366, %swap3A_367], %swap3A_370 {strides = array<i32>} : memref<2x128xi32, #tpu.memory_space<vmem>>, vector<1x16xi32>,
        %get3A_371 = arith.constant 0 : i32
        %get3A_372 = arith.index_cast %get3A_371 : i32 to index
        %get3A_373 = arith.constant 96 : index
        %get3A_374 = tpu.vector_load %arg12[%get3A_372, %get3A_373] {strides = array<i32>} : memref<2x128xi32, #tpu.memory_space<vmem>>, vector<1x16xi32>,
        %get3A_375 = vector.shape_cast %get3A_374 : vector<1x16xi32> to vector<16xi32>
        %mul3A_376 = arith.constant 10000 : i32
        %mul3A_377 = vector.broadcast %mul3A_376 : i32 to vector<16xi32>
        %mul3A_378 = arith.muli %get3A_375, %mul3A_377 : vector<16xi32>
        %get3A_379 = arith.constant 0 : i32
        %get3A_380 = arith.index_cast %get3A_379 : i32 to index
        %get3A_381 = arith.constant 96 : index
        %get3A_382 = tpu.vector_load %arg11[%get3A_380, %get3A_381] {strides = array<i32>} : memref<2x128xi32, #tpu.memory_space<vmem>>, vector<1x16xi32>,
        %get3A_383 = vector.shape_cast %get3A_382 : vector<1x16xi32> to vector<16xi32>
        %add3A_384 = arith.addi %mul3A_378, %get3A_383 : vector<16xi32>
        %swap3A_385 = arith.constant 0 : i32
        %swap3A_386 = arith.index_cast %swap3A_385 : i32 to index
        %swap3A_387 = arith.constant 96 : index
        %swap3A_388 = tpu.vector_load %arg13[%swap3A_386, %swap3A_387] {strides = array<i32>} : memref<2x128xi32, #tpu.memory_space<vmem>>, vector<1x16xi32>,
        %swap3A_389 = vector.shape_cast %swap3A_388 : vector<1x16xi32> to vector<16xi32>
        %swap3A_390 = vector.shape_cast %add3A_384 : vector<16xi32> to vector<1x16xi32>
        tpu.vector_store %arg13[%swap3A_386, %swap3A_387], %swap3A_390 {strides = array<i32>} : memref<2x128xi32, #tpu.memory_space<vmem>>, vector<1x16xi32>,
        %get3A_391 = arith.constant 0 : i32
        %get3A_392 = arith.index_cast %get3A_391 : i32 to index
        %get3A_393 = arith.constant 112 : index
        %get3A_394 = tpu.vector_load %arg12[%get3A_392, %get3A_393] {strides = array<i32>} : memref<2x128xi32, #tpu.memory_space<vmem>>, vector<1x16xi32>,
        %get3A_395 = vector.shape_cast %get3A_394 : vector<1x16xi32> to vector<16xi32>
        %mul3A_396 = arith.constant 10000 : i32
        %mul3A_397 = vector.broadcast %mul3A_396 : i32 to vector<16xi32>
        %mul3A_398 = arith.muli %get3A_395, %mul3A_397 : vector<16xi32>
        %get3A_399 = arith.constant 0 : i32
        %get3A_400 = arith.index_cast %get3A_399 : i32 to index
        %get3A_401 = arith.constant 112 : index
        %get3A_402 = tpu.vector_load %arg11[%get3A_400, %get3A_401] {strides = array<i32>} : memref<2x128xi32, #tpu.memory_space<vmem>>, vector<1x16xi32>,
        %get3A_403 = vector.shape_cast %get3A_402 : vector<1x16xi32> to vector<16xi32>
        %add3A_404 = arith.addi %mul3A_398, %get3A_403 : vector<16xi32>
        %swap3A_405 = arith.constant 0 : i32
        %swap3A_406 = arith.index_cast %swap3A_405 : i32 to index
        %swap3A_407 = arith.constant 112 : index
        %swap3A_408 = tpu.vector_load %arg13[%swap3A_406, %swap3A_407] {strides = array<i32>} : memref<2x128xi32, #tpu.memory_space<vmem>>, vector<1x16xi32>,
        %swap3A_409 = vector.shape_cast %swap3A_408 : vector<1x16xi32> to vector<16xi32>
        %swap3A_410 = vector.shape_cast %add3A_404 : vector<16xi32> to vector<1x16xi32>
        tpu.vector_store %arg13[%swap3A_406, %swap3A_407], %swap3A_410 {strides = array<i32>} : memref<2x128xi32, #tpu.memory_space<vmem>>, vector<1x16xi32>,
        %dma_start3A_411 = arith.constant 0 : i32
        %dma_start3A_412 = arith.constant 0 : i32
        %dma_start3A_413 = arith.constant 0 : i32
        %dma_start3A_414 = arith.constant 0 : i32
        %dma_start3A_415 = tpu.memref_slice %arg15[%dma_start3A_412, %dma_start3A_413, %dma_start3A_414] : memref<2x128x128xf32, #tpu.memory_space<vmem>> -> memref<1x128x128xf32, #tpu.memory_space<vmem>>
        %dma_start3A_416 = tpu.memref_squeeze %dma_start3A_415 : memref<1x128x128xf32, #tpu.memory_space<vmem>> -> memref<128x128xf32, #tpu.memory_space<vmem>>
        %dma_start3A_417 = arith.constant 0 : i32
        %dma_start3A_418 = tpu.memref_slice %arg13[%dma_start3A_411, %dma_start3A_417] : memref<2x128xi32, #tpu.memory_space<vmem>> -> memref<1x128xi32, #tpu.memory_space<vmem>>
        %dma_start3A_419 = tpu.memref_squeeze %dma_start3A_418 : memref<1x128xi32, #tpu.memory_space<vmem>> -> memref<128xi32, #tpu.memory_space<vmem>>
        %dma_start3A_420 = arith.constant 0 : i32
        %dma_start3A_421 = arith.constant 0 : i32
        %dma_start3A_422 = tpu.memref_slice %arg2[%dma_start3A_420, %dma_start3A_421] : memref<80000x128xf32, #tpu.memory_space<hbm>> -> memref<80000x128xf32, #tpu.memory_space<hbm>>
        tpu.enqueue_indirect_dma source(%dma_start3A_422 : memref<80000x128xf32, #tpu.memory_space<hbm>>) target(%dma_start3A_416 : memref<128x128xf32, #tpu.memory_space<vmem>>) offsets(%dma_start3A_419 : memref<128xi32, #tpu.memory_space<vmem>>) semaphore(%arg19 : memref<!tpu.dma_semaphore, #tpu.memory_space<semaphore_mem>>)
      } else {
      }
      %dma_wait3A_227 = arith.constant 1 : i32
      %dma_wait3A_228 = arith.constant 1 : i32
      %dma_wait3A_229 = arith.constant 0 : i32
      %dma_wait3A_230 = arith.constant 0 : i32
      %dma_wait3A_231 = tpu.memref_slice %arg15[%dma_wait3A_228, %dma_wait3A_229, %dma_wait3A_230] : memref<2x128x128xf32, #tpu.memory_space<vmem>> -> memref<1x128x128xf32, #tpu.memory_space<vmem>>
      %dma_wait3A_232 = tpu.memref_squeeze %dma_wait3A_231 : memref<1x128x128xf32, #tpu.memory_space<vmem>> -> memref<128x128xf32, #tpu.memory_space<vmem>>
      %dma_wait3A_233 = arith.constant 0 : i32
      %dma_wait3A_234 = tpu.memref_slice %arg13[%dma_wait3A_227, %dma_wait3A_233] : memref<2x128xi32, #tpu.memory_space<vmem>> -> memref<1x128xi32, #tpu.memory_space<vmem>>
      %dma_wait3A_235 = tpu.memref_squeeze %dma_wait3A_234 : memref<1x128xi32, #tpu.memory_space<vmem>> -> memref<128xi32, #tpu.memory_space<vmem>>
      %dma_wait3A_236 = arith.constant 0 : i32
      %dma_wait3A_237 = arith.constant 0 : i32
      %dma_wait3A_238 = tpu.memref_slice %arg2[%dma_wait3A_236, %dma_wait3A_237] : memref<80000x128xf32, #tpu.memory_space<hbm>> -> memref<80000x128xf32, #tpu.memory_space<hbm>>
      tpu.wait_indirect_dma semaphore(%arg20 : memref<!tpu.dma_semaphore, #tpu.memory_space<semaphore_mem>>) src(%dma_wait3A_238 : memref<80000x128xf32, #tpu.memory_space<hbm>>) dst(%dma_wait3A_232 : memref<128x128xf32, #tpu.memory_space<vmem>>)
      %run_scoped3A_239 = arith.constant 1 : i32
      %run_scoped3A_240 = arith.constant 1 : i32
      "tpu.region"() ({
        %run_scoped3A_241 = tpu.sem_alloc : memref<!tpu.dma_semaphore, #tpu.memory_space<semaphore_mem>>
        %dma_start3A_242 = arith.constant 0 : i32
        %dma_start3A_243 = arith.constant 0 : i32
        %dma_start3A_244 = tpu.memref_slice %arg15[%run_scoped3A_239, %dma_start3A_242, %dma_start3A_243] : memref<2x128x128xf32, #tpu.memory_space<vmem>> -> memref<1x128x128xf32, #tpu.memory_space<vmem>>
        %dma_start3A_245 = tpu.memref_squeeze %dma_start3A_244 : memref<1x128x128xf32, #tpu.memory_space<vmem>> -> memref<128x128xf32, #tpu.memory_space<vmem>>
        %dma_start3A_246 = arith.constant 0 : i32
        %dma_start3A_247 = tpu.memref_slice %arg14[%run_scoped3A_240, %dma_start3A_246] : memref<2x128xi32, #tpu.memory_space<vmem>> -> memref<1x128xi32, #tpu.memory_space<vmem>>
        %dma_start3A_248 = tpu.memref_squeeze %dma_start3A_247 : memref<1x128xi32, #tpu.memory_space<vmem>> -> memref<128xi32, #tpu.memory_space<vmem>>
        %dma_start3A_249 = arith.constant 0 : i32
        %dma_start3A_250 = arith.constant 0 : i32
        %dma_start3A_251 = tpu.memref_slice %arg16[%dma_start3A_249, %dma_start3A_250] : memref<10112x128xf32, #tpu.memory_space<vmem_shared>> -> memref<10112x128xf32, #tpu.memory_space<vmem_shared>>
        tpu.enqueue_indirect_dma source(%dma_start3A_245 : memref<128x128xf32, #tpu.memory_space<vmem>>) target(%dma_start3A_251 : memref<10112x128xf32, #tpu.memory_space<vmem_shared>>) offsets(%dma_start3A_248 : memref<128xi32, #tpu.memory_space<vmem>>) semaphore(%run_scoped3A_241 : memref<!tpu.dma_semaphore, #tpu.memory_space<semaphore_mem>>) {add = true}
        %dma_wait3A_252 = arith.constant 0 : i32
        %dma_wait3A_253 = arith.constant 0 : i32
        %dma_wait3A_254 = tpu.memref_slice %arg15[%run_scoped3A_239, %dma_wait3A_252, %dma_wait3A_253] : memref<2x128x128xf32, #tpu.memory_space<vmem>> -> memref<1x128x128xf32, #tpu.memory_space<vmem>>
        %dma_wait3A_255 = tpu.memref_squeeze %dma_wait3A_254 : memref<1x128x128xf32, #tpu.memory_space<vmem>> -> memref<128x128xf32, #tpu.memory_space<vmem>>
        %dma_wait3A_256 = arith.constant 0 : i32
        %dma_wait3A_257 = tpu.memref_slice %arg14[%run_scoped3A_240, %dma_wait3A_256] : memref<2x128xi32, #tpu.memory_space<vmem>> -> memref<1x128xi32, #tpu.memory_space<vmem>>
        %dma_wait3A_258 = tpu.memref_squeeze %dma_wait3A_257 : memref<1x128xi32, #tpu.memory_space<vmem>> -> memref<128xi32, #tpu.memory_space<vmem>>
        %dma_wait3A_259 = arith.constant 0 : i32
        %dma_wait3A_260 = arith.constant 0 : i32
        %dma_wait3A_261 = tpu.memref_slice %arg16[%dma_wait3A_259, %dma_wait3A_260] : memref<10112x128xf32, #tpu.memory_space<vmem_shared>> -> memref<10112x128xf32, #tpu.memory_space<vmem_shared>>
        tpu.wait_indirect_dma semaphore(%run_scoped3A_241 : memref<!tpu.dma_semaphore, #tpu.memory_space<semaphore_mem>>) src(%dma_wait3A_255 : memref<128x128xf32, #tpu.memory_space<vmem>>) dst(%dma_wait3A_261 : memref<10112x128xf32, #tpu.memory_space<vmem_shared>>)
        tpu.yield
      }) : () -> ()
    }
    %scan3A_188 = arith.constant 40 : i32
    %barrier3A_189 = arith.constant 0 : index
    tpu.barrier barrier_id(%barrier3A_189)
    %mul3A_190 = arith.constant 632 : i32
    %mul3A_191 = arith.muli %arg1, %mul3A_190 : i32
    %mul3A_192 = arith.constant 632 : i32
    %mul3A_193 = arith.muli %arg1, %mul3A_192 : i32
    "tpu.region"() ({
      %run_scoped3A_194 = tpu.sem_alloc : memref<!tpu.dma_semaphore, #tpu.memory_space<semaphore_mem>>
      %dma_start3A_195 = arith.constant 0 : i32
      %dma_start3A_196 = tpu.memref_slice %arg9[%arg0, %mul3A_193, %dma_start3A_195] : memref<2x10112x128xf32, #tpu.memory_space<hbm>> -> memref<1x632x128xf32, #tpu.memory_space<hbm>>
      %dma_start3A_197 = tpu.memref_squeeze %dma_start3A_196 : memref<1x632x128xf32, #tpu.memory_space<hbm>> -> memref<632x128xf32, #tpu.memory_space<hbm>>
      %dma_start3A_198 = arith.constant 0 : i32
      %dma_start3A_199 = tpu.memref_slice %arg16[%mul3A_191, %dma_start3A_198] : memref<10112x128xf32, #tpu.memory_space<vmem_shared>> -> memref<632x128xf32, #tpu.memory_space<vmem_shared>>
      tpu.enqueue_dma source(%dma_start3A_199 : memref<632x128xf32, #tpu.memory_space<vmem_shared>>) target(%dma_start3A_197 : memref<632x128xf32, #tpu.memory_space<hbm>>) target_semaphore(%run_scoped3A_194 : memref<!tpu.dma_semaphore, #tpu.memory_space<semaphore_mem>>)
      %dma_wait3A = arith.constant 0 : i32
      %dma_wait3A_200 = tpu.memref_slice %arg9[%arg0, %mul3A_193, %dma_wait3A] : memref<2x10112x128xf32, #tpu.memory_space<hbm>> -> memref<1x632x128xf32, #tpu.memory_space<hbm>>
      %dma_wait3A_201 = tpu.memref_squeeze %dma_wait3A_200 : memref<1x632x128xf32, #tpu.memory_space<hbm>> -> memref<632x128xf32, #tpu.memory_space<hbm>>
      %dma_wait3A_202 = arith.constant 0 : i32
      %dma_wait3A_203 = tpu.memref_slice %arg16[%mul3A_191, %dma_wait3A_202] : memref<10112x128xf32, #tpu.memory_space<vmem_shared>> -> memref<632x128xf32, #tpu.memory_space<vmem_shared>>
      tpu.wait_dma2 semaphore(%run_scoped3A_194 : memref<!tpu.dma_semaphore, #tpu.memory_space<semaphore_mem>>) src(%dma_wait3A_203 : memref<632x128xf32, #tpu.memory_space<vmem_shared>>) dst(%dma_wait3A_201 : memref<632x128xf32, #tpu.memory_space<hbm>>)
      tpu.yield
    }) : () -> ()
    return
  }
}

#map = affine_map<(d0, d1) -> (0, 0)>
#map1 = affine_map<(d0, d1) -> (0)>
#map2 = affine_map<(d0, d1) -> (0, 0, 0)>
module attributes {stable_mosaic.version = 14 : i64} {
  func.func @body(%arg0: i32, %arg1: i32, %arg2: memref<12000x128xf32, #tpu.memory_space<hbm>>, %arg3: memref<385024xi32, #tpu.memory_space<hbm>>, %arg4: memref<385024xi32, #tpu.memory_space<hbm>>, %arg5: memref<12032x128xf32, #tpu.memory_space<hbm>>, %arg6: memref<2x12032x128xf32, #tpu.memory_space<hbm>>, %arg7: memref<2x128xi32, #tpu.memory_space<vmem>>, %arg8: memref<2x128xi32, #tpu.memory_space<vmem>>, %arg9: memref<2x128x128xf32, #tpu.memory_space<vmem>>, %arg10: memref<12032x128xf32, #tpu.memory_space<vmem_shared>>, %arg11: memref<!tpu.dma_semaphore, #tpu.memory_space<semaphore_mem>>, %arg12: memref<!tpu.dma_semaphore, #tpu.memory_space<semaphore_mem>>) attributes {dimension_semantics = [#tpu.dimension_semantics<core_parallel>, #tpu.dimension_semantics<subcore_parallel>], iteration_bounds = array<i64: 2, 16>, scalar_prefetch = 0 : i64, scratch_operands = 6 : i64, tpu.core_type = #tpu.core_type<sc_vector_subcore>, window_params = [{transform_indices = #map}, {transform_indices = #map1}, {transform_indices = #map1}, {transform_indices = #map}, {transform_indices = #map2}]} {
    %mul3A = arith.constant 2 : i32
    %mul3A_0 = arith.muli %arg1, %mul3A : i32
    %add3A = arith.addi %mul3A_0, %arg0 : i32
    %mul3A_1 = arith.constant 752 : i32
    %mul3A_2 = arith.muli %arg1, %mul3A_1 : i32
    %mul3A_3 = arith.constant 752 : i32
    %mul3A_4 = arith.muli %arg1, %mul3A_3 : i32
    "tpu.region"() ({
      %run_scoped3A_33 = tpu.sem_alloc : memref<!tpu.dma_semaphore, #tpu.memory_space<semaphore_mem>>
      %dma_start3A_34 = arith.constant 0 : i32
      %dma_start3A_35 = tpu.memref_slice %arg10[%mul3A_4, %dma_start3A_34] : memref<12032x128xf32, #tpu.memory_space<vmem_shared>> -> memref<752x128xf32, #tpu.memory_space<vmem_shared>>
      %dma_start3A_36 = arith.constant 0 : i32
      %dma_start3A_37 = tpu.memref_slice %arg5[%mul3A_2, %dma_start3A_36] : memref<12032x128xf32, #tpu.memory_space<hbm>> -> memref<752x128xf32, #tpu.memory_space<hbm>>
      tpu.enqueue_dma source(%dma_start3A_37 : memref<752x128xf32, #tpu.memory_space<hbm>>) target(%dma_start3A_35 : memref<752x128xf32, #tpu.memory_space<vmem_shared>>) target_semaphore(%run_scoped3A_33 : memref<!tpu.dma_semaphore, #tpu.memory_space<semaphore_mem>>)
      %dma_wait3A = arith.constant 0 : i32
      %dma_wait3A_38 = tpu.memref_slice %arg10[%mul3A_4, %dma_wait3A] : memref<12032x128xf32, #tpu.memory_space<vmem_shared>> -> memref<752x128xf32, #tpu.memory_space<vmem_shared>>
      %dma_wait3A_39 = arith.constant 0 : i32
      %dma_wait3A_40 = tpu.memref_slice %arg5[%mul3A_2, %dma_wait3A_39] : memref<12032x128xf32, #tpu.memory_space<hbm>> -> memref<752x128xf32, #tpu.memory_space<hbm>>
      tpu.wait_dma2 semaphore(%run_scoped3A_33 : memref<!tpu.dma_semaphore, #tpu.memory_space<semaphore_mem>>) src(%dma_wait3A_40 : memref<752x128xf32, #tpu.memory_space<hbm>>) dst(%dma_wait3A_38 : memref<752x128xf32, #tpu.memory_space<vmem_shared>>)
      tpu.yield
    }) : () -> ()
    %mul3A_5 = arith.constant 94 : i32
    %mul3A_6 = arith.muli %add3A, %mul3A_5 : i32
    %add3A_7 = arith.constant 0 : i32
    %add3A_8 = arith.addi %mul3A_6, %add3A_7 : i32
    %mul3A_9 = arith.constant 128 : i32
    %mul3A_10 = arith.muli %add3A_8, %mul3A_9 : i32
    %run_scoped3A = arith.constant 0 : i32
    "tpu.region"() ({
      %run_scoped3A_33 = tpu.sem_alloc : memref<!tpu.dma_semaphore, #tpu.memory_space<semaphore_mem>>
      %dma_start3A_34 = arith.constant 0 : i32
      %dma_start3A_35 = tpu.memref_slice %arg7[%run_scoped3A, %dma_start3A_34] : memref<2x128xi32, #tpu.memory_space<vmem>> -> memref<1x128xi32, #tpu.memory_space<vmem>>
      %dma_start3A_36 = tpu.memref_squeeze %dma_start3A_35 : memref<1x128xi32, #tpu.memory_space<vmem>> -> memref<128xi32, #tpu.memory_space<vmem>>
      %dma_start3A_37 = tpu.memref_slice %arg3[%mul3A_10] : memref<385024xi32, #tpu.memory_space<hbm>> -> memref<128xi32, #tpu.memory_space<hbm>>
      %dma_start3A_38 = arith.constant 0 : i32
      %dma_start3A_39 = tpu.memref_slice %arg7[%run_scoped3A, %dma_start3A_38] : memref<2x128xi32, #tpu.memory_space<vmem>> -> memref<1x128xi32, #tpu.memory_space<vmem>>
      %dma_start3A_40 = tpu.memref_squeeze %dma_start3A_39 : memref<1x128xi32, #tpu.memory_space<vmem>> -> memref<128xi32, #tpu.memory_space<vmem>>
      %dma_start3A_41 = tpu.memref_slice %arg3[%mul3A_10] : memref<385024xi32, #tpu.memory_space<hbm>> -> memref<128xi32, #tpu.memory_space<hbm>>
      tpu.enqueue_dma source(%dma_start3A_41 : memref<128xi32, #tpu.memory_space<hbm>>) target(%dma_start3A_40 : memref<128xi32, #tpu.memory_space<vmem>>) target_semaphore(%run_scoped3A_33 : memref<!tpu.dma_semaphore, #tpu.memory_space<semaphore_mem>>)
      %dma_wait3A = arith.constant 0 : i32
      %dma_wait3A_42 = tpu.memref_slice %arg7[%run_scoped3A, %dma_wait3A] : memref<2x128xi32, #tpu.memory_space<vmem>> -> memref<1x128xi32, #tpu.memory_space<vmem>>
      %dma_wait3A_43 = tpu.memref_squeeze %dma_wait3A_42 : memref<1x128xi32, #tpu.memory_space<vmem>> -> memref<128xi32, #tpu.memory_space<vmem>>
      %dma_wait3A_44 = tpu.memref_slice %arg3[%mul3A_10] : memref<385024xi32, #tpu.memory_space<hbm>> -> memref<128xi32, #tpu.memory_space<hbm>>
      %dma_wait3A_45 = arith.constant 0 : i32
      %dma_wait3A_46 = tpu.memref_slice %arg7[%run_scoped3A, %dma_wait3A_45] : memref<2x128xi32, #tpu.memory_space<vmem>> -> memref<1x128xi32, #tpu.memory_space<vmem>>
      %dma_wait3A_47 = tpu.memref_squeeze %dma_wait3A_46 : memref<1x128xi32, #tpu.memory_space<vmem>> -> memref<128xi32, #tpu.memory_space<vmem>>
      %dma_wait3A_48 = tpu.memref_slice %arg3[%mul3A_10] : memref<385024xi32, #tpu.memory_space<hbm>> -> memref<128xi32, #tpu.memory_space<hbm>>
      tpu.wait_dma2 semaphore(%run_scoped3A_33 : memref<!tpu.dma_semaphore, #tpu.memory_space<semaphore_mem>>) src(%dma_wait3A_48 : memref<128xi32, #tpu.memory_space<hbm>>) dst(%dma_wait3A_47 : memref<128xi32, #tpu.memory_space<vmem>>)
      tpu.yield
    }) : () -> ()
    %run_scoped3A_11 = arith.constant 0 : i32
    "tpu.region"() ({
      %run_scoped3A_33 = tpu.sem_alloc : memref<!tpu.dma_semaphore, #tpu.memory_space<semaphore_mem>>
      %dma_start3A_34 = arith.constant 0 : i32
      %dma_start3A_35 = tpu.memref_slice %arg8[%run_scoped3A_11, %dma_start3A_34] : memref<2x128xi32, #tpu.memory_space<vmem>> -> memref<1x128xi32, #tpu.memory_space<vmem>>
      %dma_start3A_36 = tpu.memref_squeeze %dma_start3A_35 : memref<1x128xi32, #tpu.memory_space<vmem>> -> memref<128xi32, #tpu.memory_space<vmem>>
      %dma_start3A_37 = tpu.memref_slice %arg4[%mul3A_10] : memref<385024xi32, #tpu.memory_space<hbm>> -> memref<128xi32, #tpu.memory_space<hbm>>
      %dma_start3A_38 = arith.constant 0 : i32
      %dma_start3A_39 = tpu.memref_slice %arg8[%run_scoped3A_11, %dma_start3A_38] : memref<2x128xi32, #tpu.memory_space<vmem>> -> memref<1x128xi32, #tpu.memory_space<vmem>>
      %dma_start3A_40 = tpu.memref_squeeze %dma_start3A_39 : memref<1x128xi32, #tpu.memory_space<vmem>> -> memref<128xi32, #tpu.memory_space<vmem>>
      %dma_start3A_41 = tpu.memref_slice %arg4[%mul3A_10] : memref<385024xi32, #tpu.memory_space<hbm>> -> memref<128xi32, #tpu.memory_space<hbm>>
      tpu.enqueue_dma source(%dma_start3A_41 : memref<128xi32, #tpu.memory_space<hbm>>) target(%dma_start3A_40 : memref<128xi32, #tpu.memory_space<vmem>>) target_semaphore(%run_scoped3A_33 : memref<!tpu.dma_semaphore, #tpu.memory_space<semaphore_mem>>)
      %dma_wait3A = arith.constant 0 : i32
      %dma_wait3A_42 = tpu.memref_slice %arg8[%run_scoped3A_11, %dma_wait3A] : memref<2x128xi32, #tpu.memory_space<vmem>> -> memref<1x128xi32, #tpu.memory_space<vmem>>
      %dma_wait3A_43 = tpu.memref_squeeze %dma_wait3A_42 : memref<1x128xi32, #tpu.memory_space<vmem>> -> memref<128xi32, #tpu.memory_space<vmem>>
      %dma_wait3A_44 = tpu.memref_slice %arg4[%mul3A_10] : memref<385024xi32, #tpu.memory_space<hbm>> -> memref<128xi32, #tpu.memory_space<hbm>>
      %dma_wait3A_45 = arith.constant 0 : i32
      %dma_wait3A_46 = tpu.memref_slice %arg8[%run_scoped3A_11, %dma_wait3A_45] : memref<2x128xi32, #tpu.memory_space<vmem>> -> memref<1x128xi32, #tpu.memory_space<vmem>>
      %dma_wait3A_47 = tpu.memref_squeeze %dma_wait3A_46 : memref<1x128xi32, #tpu.memory_space<vmem>> -> memref<128xi32, #tpu.memory_space<vmem>>
      %dma_wait3A_48 = tpu.memref_slice %arg4[%mul3A_10] : memref<385024xi32, #tpu.memory_space<hbm>> -> memref<128xi32, #tpu.memory_space<hbm>>
      tpu.wait_dma2 semaphore(%run_scoped3A_33 : memref<!tpu.dma_semaphore, #tpu.memory_space<semaphore_mem>>) src(%dma_wait3A_48 : memref<128xi32, #tpu.memory_space<hbm>>) dst(%dma_wait3A_47 : memref<128xi32, #tpu.memory_space<vmem>>)
      tpu.yield
    }) : () -> ()
    %dma_start3A = arith.constant 0 : i32
    %dma_start3A_12 = arith.constant 0 : i32
    %dma_start3A_13 = arith.constant 0 : i32
    %dma_start3A_14 = arith.constant 0 : i32
    %dma_start3A_15 = tpu.memref_slice %arg9[%dma_start3A_12, %dma_start3A_13, %dma_start3A_14] : memref<2x128x128xf32, #tpu.memory_space<vmem>> -> memref<1x128x128xf32, #tpu.memory_space<vmem>>
    %dma_start3A_16 = tpu.memref_squeeze %dma_start3A_15 : memref<1x128x128xf32, #tpu.memory_space<vmem>> -> memref<128x128xf32, #tpu.memory_space<vmem>>
    %dma_start3A_17 = arith.constant 0 : i32
    %dma_start3A_18 = tpu.memref_slice %arg7[%dma_start3A, %dma_start3A_17] : memref<2x128xi32, #tpu.memory_space<vmem>> -> memref<1x128xi32, #tpu.memory_space<vmem>>
    %dma_start3A_19 = tpu.memref_squeeze %dma_start3A_18 : memref<1x128xi32, #tpu.memory_space<vmem>> -> memref<128xi32, #tpu.memory_space<vmem>>
    %dma_start3A_20 = arith.constant 0 : i32
    %dma_start3A_21 = arith.constant 0 : i32
    %dma_start3A_22 = tpu.memref_slice %arg2[%dma_start3A_20, %dma_start3A_21] : memref<12000x128xf32, #tpu.memory_space<hbm>> -> memref<12000x128xf32, #tpu.memory_space<hbm>>
    tpu.enqueue_indirect_dma source(%dma_start3A_22 : memref<12000x128xf32, #tpu.memory_space<hbm>>) target(%dma_start3A_16 : memref<128x128xf32, #tpu.memory_space<vmem>>) offsets(%dma_start3A_19 : memref<128xi32, #tpu.memory_space<vmem>>) semaphore(%arg11 : memref<!tpu.dma_semaphore, #tpu.memory_space<semaphore_mem>>)
    %barrier3A = arith.constant 0 : index
    tpu.barrier barrier_id(%barrier3A)
    %scan3A = arith.constant 0 : i32
    %scan3A_23 = arith.constant 0 : i32
    %scan3A_24 = arith.constant 47 : i32
    %scan3A_25 = arith.addi %scan3A_23, %scan3A_24 : i32
    %scan3A_26 = arith.constant 1 : i32
    scf.for %scan3A_33 = %scan3A_23 to %scan3A_25 step %scan3A_26  : i32 {
      %mul3A_34 = arith.constant 2 : i32
      %mul3A_35 = arith.muli %scan3A_33, %mul3A_34 : i32
      %add3A_36 = arith.constant 0 : i32
      %add3A_37 = arith.addi %mul3A_35, %add3A_36 : i32
      %add3A_38 = arith.constant 1 : i32
      %add3A_39 = arith.addi %add3A_37, %add3A_38 : i32
      %lt3A = arith.constant 94 : i32
      %lt3A_40 = arith.cmpi slt, %add3A_39, %lt3A : i32
      %convert_element_type3A = arith.extui %lt3A_40 : i1 to i32
      %cond3A = arith.constant 0 : i32
      %cond3A_41 = arith.cmpi ne, %convert_element_type3A, %cond3A : i32
      scf.if %cond3A_41 {
        %add3A_78 = arith.constant 1 : i32
        %add3A_79 = arith.addi %add3A_37, %add3A_78 : i32
        %mul3A_80 = arith.constant 94 : i32
        %mul3A_81 = arith.muli %add3A, %mul3A_80 : i32
        %add3A_82 = arith.addi %mul3A_81, %add3A_79 : i32
        %mul3A_83 = arith.constant 128 : i32
        %mul3A_84 = arith.muli %add3A_82, %mul3A_83 : i32
        %run_scoped3A_85 = arith.constant 1 : i32
        "tpu.region"() ({
          %run_scoped3A_99 = tpu.sem_alloc : memref<!tpu.dma_semaphore, #tpu.memory_space<semaphore_mem>>
          %dma_start3A_100 = arith.constant 0 : i32
          %dma_start3A_101 = tpu.memref_slice %arg7[%run_scoped3A_85, %dma_start3A_100] : memref<2x128xi32, #tpu.memory_space<vmem>> -> memref<1x128xi32, #tpu.memory_space<vmem>>
          %dma_start3A_102 = tpu.memref_squeeze %dma_start3A_101 : memref<1x128xi32, #tpu.memory_space<vmem>> -> memref<128xi32, #tpu.memory_space<vmem>>
          %dma_start3A_103 = tpu.memref_slice %arg3[%mul3A_84] : memref<385024xi32, #tpu.memory_space<hbm>> -> memref<128xi32, #tpu.memory_space<hbm>>
          %dma_start3A_104 = arith.constant 0 : i32
          %dma_start3A_105 = tpu.memref_slice %arg7[%run_scoped3A_85, %dma_start3A_104] : memref<2x128xi32, #tpu.memory_space<vmem>> -> memref<1x128xi32, #tpu.memory_space<vmem>>
          %dma_start3A_106 = tpu.memref_squeeze %dma_start3A_105 : memref<1x128xi32, #tpu.memory_space<vmem>> -> memref<128xi32, #tpu.memory_space<vmem>>
          %dma_start3A_107 = tpu.memref_slice %arg3[%mul3A_84] : memref<385024xi32, #tpu.memory_space<hbm>> -> memref<128xi32, #tpu.memory_space<hbm>>
          tpu.enqueue_dma source(%dma_start3A_107 : memref<128xi32, #tpu.memory_space<hbm>>) target(%dma_start3A_106 : memref<128xi32, #tpu.memory_space<vmem>>) target_semaphore(%run_scoped3A_99 : memref<!tpu.dma_semaphore, #tpu.memory_space<semaphore_mem>>)
          %dma_wait3A_108 = arith.constant 0 : i32
          %dma_wait3A_109 = tpu.memref_slice %arg7[%run_scoped3A_85, %dma_wait3A_108] : memref<2x128xi32, #tpu.memory_space<vmem>> -> memref<1x128xi32, #tpu.memory_space<vmem>>
          %dma_wait3A_110 = tpu.memref_squeeze %dma_wait3A_109 : memref<1x128xi32, #tpu.memory_space<vmem>> -> memref<128xi32, #tpu.memory_space<vmem>>
          %dma_wait3A_111 = tpu.memref_slice %arg3[%mul3A_84] : memref<385024xi32, #tpu.memory_space<hbm>> -> memref<128xi32, #tpu.memory_space<hbm>>
          %dma_wait3A_112 = arith.constant 0 : i32
          %dma_wait3A_113 = tpu.memref_slice %arg7[%run_scoped3A_85, %dma_wait3A_112] : memref<2x128xi32, #tpu.memory_space<vmem>> -> memref<1x128xi32, #tpu.memory_space<vmem>>
          %dma_wait3A_114 = tpu.memref_squeeze %dma_wait3A_113 : memref<1x128xi32, #tpu.memory_space<vmem>> -> memref<128xi32, #tpu.memory_space<vmem>>
          %dma_wait3A_115 = tpu.memref_slice %arg3[%mul3A_84] : memref<385024xi32, #tpu.memory_space<hbm>> -> memref<128xi32, #tpu.memory_space<hbm>>
          tpu.wait_dma2 semaphore(%run_scoped3A_99 : memref<!tpu.dma_semaphore, #tpu.memory_space<semaphore_mem>>) src(%dma_wait3A_115 : memref<128xi32, #tpu.memory_space<hbm>>) dst(%dma_wait3A_114 : memref<128xi32, #tpu.memory_space<vmem>>)
          tpu.yield
        }) : () -> ()
        %run_scoped3A_86 = arith.constant 1 : i32
        "tpu.region"() ({
          %run_scoped3A_99 = tpu.sem_alloc : memref<!tpu.dma_semaphore, #tpu.memory_space<semaphore_mem>>
          %dma_start3A_100 = arith.constant 0 : i32
          %dma_start3A_101 = tpu.memref_slice %arg8[%run_scoped3A_86, %dma_start3A_100] : memref<2x128xi32, #tpu.memory_space<vmem>> -> memref<1x128xi32, #tpu.memory_space<vmem>>
          %dma_start3A_102 = tpu.memref_squeeze %dma_start3A_101 : memref<1x128xi32, #tpu.memory_space<vmem>> -> memref<128xi32, #tpu.memory_space<vmem>>
          %dma_start3A_103 = tpu.memref_slice %arg4[%mul3A_84] : memref<385024xi32, #tpu.memory_space<hbm>> -> memref<128xi32, #tpu.memory_space<hbm>>
          %dma_start3A_104 = arith.constant 0 : i32
          %dma_start3A_105 = tpu.memref_slice %arg8[%run_scoped3A_86, %dma_start3A_104] : memref<2x128xi32, #tpu.memory_space<vmem>> -> memref<1x128xi32, #tpu.memory_space<vmem>>
          %dma_start3A_106 = tpu.memref_squeeze %dma_start3A_105 : memref<1x128xi32, #tpu.memory_space<vmem>> -> memref<128xi32, #tpu.memory_space<vmem>>
          %dma_start3A_107 = tpu.memref_slice %arg4[%mul3A_84] : memref<385024xi32, #tpu.memory_space<hbm>> -> memref<128xi32, #tpu.memory_space<hbm>>
          tpu.enqueue_dma source(%dma_start3A_107 : memref<128xi32, #tpu.memory_space<hbm>>) target(%dma_start3A_106 : memref<128xi32, #tpu.memory_space<vmem>>) target_semaphore(%run_scoped3A_99 : memref<!tpu.dma_semaphore, #tpu.memory_space<semaphore_mem>>)
          %dma_wait3A_108 = arith.constant 0 : i32
          %dma_wait3A_109 = tpu.memref_slice %arg8[%run_scoped3A_86, %dma_wait3A_108] : memref<2x128xi32, #tpu.memory_space<vmem>> -> memref<1x128xi32, #tpu.memory_space<vmem>>
          %dma_wait3A_110 = tpu.memref_squeeze %dma_wait3A_109 : memref<1x128xi32, #tpu.memory_space<vmem>> -> memref<128xi32, #tpu.memory_space<vmem>>
          %dma_wait3A_111 = tpu.memref_slice %arg4[%mul3A_84] : memref<385024xi32, #tpu.memory_space<hbm>> -> memref<128xi32, #tpu.memory_space<hbm>>
          %dma_wait3A_112 = arith.constant 0 : i32
          %dma_wait3A_113 = tpu.memref_slice %arg8[%run_scoped3A_86, %dma_wait3A_112] : memref<2x128xi32, #tpu.memory_space<vmem>> -> memref<1x128xi32, #tpu.memory_space<vmem>>
          %dma_wait3A_114 = tpu.memref_squeeze %dma_wait3A_113 : memref<1x128xi32, #tpu.memory_space<vmem>> -> memref<128xi32, #tpu.memory_space<vmem>>
          %dma_wait3A_115 = tpu.memref_slice %arg4[%mul3A_84] : memref<385024xi32, #tpu.memory_space<hbm>> -> memref<128xi32, #tpu.memory_space<hbm>>
          tpu.wait_dma2 semaphore(%run_scoped3A_99 : memref<!tpu.dma_semaphore, #tpu.memory_space<semaphore_mem>>) src(%dma_wait3A_115 : memref<128xi32, #tpu.memory_space<hbm>>) dst(%dma_wait3A_114 : memref<128xi32, #tpu.memory_space<vmem>>)
          tpu.yield
        }) : () -> ()
        %dma_start3A_87 = arith.constant 1 : i32
        %dma_start3A_88 = arith.constant 1 : i32
        %dma_start3A_89 = arith.constant 0 : i32
        %dma_start3A_90 = arith.constant 0 : i32
        %dma_start3A_91 = tpu.memref_slice %arg9[%dma_start3A_88, %dma_start3A_89, %dma_start3A_90] : memref<2x128x128xf32, #tpu.memory_space<vmem>> -> memref<1x128x128xf32, #tpu.memory_space<vmem>>
        %dma_start3A_92 = tpu.memref_squeeze %dma_start3A_91 : memref<1x128x128xf32, #tpu.memory_space<vmem>> -> memref<128x128xf32, #tpu.memory_space<vmem>>
        %dma_start3A_93 = arith.constant 0 : i32
        %dma_start3A_94 = tpu.memref_slice %arg7[%dma_start3A_87, %dma_start3A_93] : memref<2x128xi32, #tpu.memory_space<vmem>> -> memref<1x128xi32, #tpu.memory_space<vmem>>
        %dma_start3A_95 = tpu.memref_squeeze %dma_start3A_94 : memref<1x128xi32, #tpu.memory_space<vmem>> -> memref<128xi32, #tpu.memory_space<vmem>>
        %dma_start3A_96 = arith.constant 0 : i32
        %dma_start3A_97 = arith.constant 0 : i32
        %dma_start3A_98 = tpu.memref_slice %arg2[%dma_start3A_96, %dma_start3A_97] : memref<12000x128xf32, #tpu.memory_space<hbm>> -> memref<12000x128xf32, #tpu.memory_space<hbm>>
        tpu.enqueue_indirect_dma source(%dma_start3A_98 : memref<12000x128xf32, #tpu.memory_space<hbm>>) target(%dma_start3A_92 : memref<128x128xf32, #tpu.memory_space<vmem>>) offsets(%dma_start3A_95 : memref<128xi32, #tpu.memory_space<vmem>>) semaphore(%arg12 : memref<!tpu.dma_semaphore, #tpu.memory_space<semaphore_mem>>)
      } else {
      }
      %dma_wait3A = arith.constant 0 : i32
      %dma_wait3A_42 = arith.constant 0 : i32
      %dma_wait3A_43 = arith.constant 0 : i32
      %dma_wait3A_44 = arith.constant 0 : i32
      %dma_wait3A_45 = tpu.memref_slice %arg9[%dma_wait3A_42, %dma_wait3A_43, %dma_wait3A_44] : memref<2x128x128xf32, #tpu.memory_space<vmem>> -> memref<1x128x128xf32, #tpu.memory_space<vmem>>
      %dma_wait3A_46 = tpu.memref_squeeze %dma_wait3A_45 : memref<1x128x128xf32, #tpu.memory_space<vmem>> -> memref<128x128xf32, #tpu.memory_space<vmem>>
      %dma_wait3A_47 = arith.constant 0 : i32
      %dma_wait3A_48 = tpu.memref_slice %arg7[%dma_wait3A, %dma_wait3A_47] : memref<2x128xi32, #tpu.memory_space<vmem>> -> memref<1x128xi32, #tpu.memory_space<vmem>>
      %dma_wait3A_49 = tpu.memref_squeeze %dma_wait3A_48 : memref<1x128xi32, #tpu.memory_space<vmem>> -> memref<128xi32, #tpu.memory_space<vmem>>
      %dma_wait3A_50 = arith.constant 0 : i32
      %dma_wait3A_51 = arith.constant 0 : i32
      %dma_wait3A_52 = tpu.memref_slice %arg2[%dma_wait3A_50, %dma_wait3A_51] : memref<12000x128xf32, #tpu.memory_space<hbm>> -> memref<12000x128xf32, #tpu.memory_space<hbm>>
      tpu.wait_indirect_dma semaphore(%arg11 : memref<!tpu.dma_semaphore, #tpu.memory_space<semaphore_mem>>) src(%dma_wait3A_52 : memref<12000x128xf32, #tpu.memory_space<hbm>>) dst(%dma_wait3A_46 : memref<128x128xf32, #tpu.memory_space<vmem>>)
      %run_scoped3A_53 = arith.constant 0 : i32
      %run_scoped3A_54 = arith.constant 0 : i32
      "tpu.region"() ({
        %run_scoped3A_78 = tpu.sem_alloc : memref<!tpu.dma_semaphore, #tpu.memory_space<semaphore_mem>>
        %dma_start3A_79 = arith.constant 0 : i32
        %dma_start3A_80 = arith.constant 0 : i32
        %dma_start3A_81 = tpu.memref_slice %arg9[%run_scoped3A_53, %dma_start3A_79, %dma_start3A_80] : memref<2x128x128xf32, #tpu.memory_space<vmem>> -> memref<1x128x128xf32, #tpu.memory_space<vmem>>
        %dma_start3A_82 = tpu.memref_squeeze %dma_start3A_81 : memref<1x128x128xf32, #tpu.memory_space<vmem>> -> memref<128x128xf32, #tpu.memory_space<vmem>>
        %dma_start3A_83 = arith.constant 0 : i32
        %dma_start3A_84 = tpu.memref_slice %arg8[%run_scoped3A_54, %dma_start3A_83] : memref<2x128xi32, #tpu.memory_space<vmem>> -> memref<1x128xi32, #tpu.memory_space<vmem>>
        %dma_start3A_85 = tpu.memref_squeeze %dma_start3A_84 : memref<1x128xi32, #tpu.memory_space<vmem>> -> memref<128xi32, #tpu.memory_space<vmem>>
        %dma_start3A_86 = arith.constant 0 : i32
        %dma_start3A_87 = arith.constant 0 : i32
        %dma_start3A_88 = tpu.memref_slice %arg10[%dma_start3A_86, %dma_start3A_87] : memref<12032x128xf32, #tpu.memory_space<vmem_shared>> -> memref<12032x128xf32, #tpu.memory_space<vmem_shared>>
        tpu.enqueue_indirect_dma source(%dma_start3A_82 : memref<128x128xf32, #tpu.memory_space<vmem>>) target(%dma_start3A_88 : memref<12032x128xf32, #tpu.memory_space<vmem_shared>>) offsets(%dma_start3A_85 : memref<128xi32, #tpu.memory_space<vmem>>) semaphore(%run_scoped3A_78 : memref<!tpu.dma_semaphore, #tpu.memory_space<semaphore_mem>>) {add = true}
        %dma_wait3A_89 = arith.constant 0 : i32
        %dma_wait3A_90 = arith.constant 0 : i32
        %dma_wait3A_91 = tpu.memref_slice %arg9[%run_scoped3A_53, %dma_wait3A_89, %dma_wait3A_90] : memref<2x128x128xf32, #tpu.memory_space<vmem>> -> memref<1x128x128xf32, #tpu.memory_space<vmem>>
        %dma_wait3A_92 = tpu.memref_squeeze %dma_wait3A_91 : memref<1x128x128xf32, #tpu.memory_space<vmem>> -> memref<128x128xf32, #tpu.memory_space<vmem>>
        %dma_wait3A_93 = arith.constant 0 : i32
        %dma_wait3A_94 = tpu.memref_slice %arg8[%run_scoped3A_54, %dma_wait3A_93] : memref<2x128xi32, #tpu.memory_space<vmem>> -> memref<1x128xi32, #tpu.memory_space<vmem>>
        %dma_wait3A_95 = tpu.memref_squeeze %dma_wait3A_94 : memref<1x128xi32, #tpu.memory_space<vmem>> -> memref<128xi32, #tpu.memory_space<vmem>>
        %dma_wait3A_96 = arith.constant 0 : i32
        %dma_wait3A_97 = arith.constant 0 : i32
        %dma_wait3A_98 = tpu.memref_slice %arg10[%dma_wait3A_96, %dma_wait3A_97] : memref<12032x128xf32, #tpu.memory_space<vmem_shared>> -> memref<12032x128xf32, #tpu.memory_space<vmem_shared>>
        tpu.wait_indirect_dma semaphore(%run_scoped3A_78 : memref<!tpu.dma_semaphore, #tpu.memory_space<semaphore_mem>>) src(%dma_wait3A_92 : memref<128x128xf32, #tpu.memory_space<vmem>>) dst(%dma_wait3A_98 : memref<12032x128xf32, #tpu.memory_space<vmem_shared>>)
        tpu.yield
      }) : () -> ()
      %add3A_55 = arith.constant 1 : i32
      %add3A_56 = arith.addi %mul3A_35, %add3A_55 : i32
      %add3A_57 = arith.constant 1 : i32
      %add3A_58 = arith.addi %add3A_56, %add3A_57 : i32
      %lt3A_59 = arith.constant 94 : i32
      %lt3A_60 = arith.cmpi slt, %add3A_58, %lt3A_59 : i32
      %convert_element_type3A_61 = arith.extui %lt3A_60 : i1 to i32
      %cond3A_62 = arith.constant 0 : i32
      %cond3A_63 = arith.cmpi ne, %convert_element_type3A_61, %cond3A_62 : i32
      scf.if %cond3A_63 {
        %add3A_78 = arith.constant 1 : i32
        %add3A_79 = arith.addi %add3A_56, %add3A_78 : i32
        %mul3A_80 = arith.constant 94 : i32
        %mul3A_81 = arith.muli %add3A, %mul3A_80 : i32
        %add3A_82 = arith.addi %mul3A_81, %add3A_79 : i32
        %mul3A_83 = arith.constant 128 : i32
        %mul3A_84 = arith.muli %add3A_82, %mul3A_83 : i32
        %run_scoped3A_85 = arith.constant 0 : i32
        "tpu.region"() ({
          %run_scoped3A_99 = tpu.sem_alloc : memref<!tpu.dma_semaphore, #tpu.memory_space<semaphore_mem>>
          %dma_start3A_100 = arith.constant 0 : i32
          %dma_start3A_101 = tpu.memref_slice %arg7[%run_scoped3A_85, %dma_start3A_100] : memref<2x128xi32, #tpu.memory_space<vmem>> -> memref<1x128xi32, #tpu.memory_space<vmem>>
          %dma_start3A_102 = tpu.memref_squeeze %dma_start3A_101 : memref<1x128xi32, #tpu.memory_space<vmem>> -> memref<128xi32, #tpu.memory_space<vmem>>
          %dma_start3A_103 = tpu.memref_slice %arg3[%mul3A_84] : memref<385024xi32, #tpu.memory_space<hbm>> -> memref<128xi32, #tpu.memory_space<hbm>>
          %dma_start3A_104 = arith.constant 0 : i32
          %dma_start3A_105 = tpu.memref_slice %arg7[%run_scoped3A_85, %dma_start3A_104] : memref<2x128xi32, #tpu.memory_space<vmem>> -> memref<1x128xi32, #tpu.memory_space<vmem>>
          %dma_start3A_106 = tpu.memref_squeeze %dma_start3A_105 : memref<1x128xi32, #tpu.memory_space<vmem>> -> memref<128xi32, #tpu.memory_space<vmem>>
          %dma_start3A_107 = tpu.memref_slice %arg3[%mul3A_84] : memref<385024xi32, #tpu.memory_space<hbm>> -> memref<128xi32, #tpu.memory_space<hbm>>
          tpu.enqueue_dma source(%dma_start3A_107 : memref<128xi32, #tpu.memory_space<hbm>>) target(%dma_start3A_106 : memref<128xi32, #tpu.memory_space<vmem>>) target_semaphore(%run_scoped3A_99 : memref<!tpu.dma_semaphore, #tpu.memory_space<semaphore_mem>>)
          %dma_wait3A_108 = arith.constant 0 : i32
          %dma_wait3A_109 = tpu.memref_slice %arg7[%run_scoped3A_85, %dma_wait3A_108] : memref<2x128xi32, #tpu.memory_space<vmem>> -> memref<1x128xi32, #tpu.memory_space<vmem>>
          %dma_wait3A_110 = tpu.memref_squeeze %dma_wait3A_109 : memref<1x128xi32, #tpu.memory_space<vmem>> -> memref<128xi32, #tpu.memory_space<vmem>>
          %dma_wait3A_111 = tpu.memref_slice %arg3[%mul3A_84] : memref<385024xi32, #tpu.memory_space<hbm>> -> memref<128xi32, #tpu.memory_space<hbm>>
          %dma_wait3A_112 = arith.constant 0 : i32
          %dma_wait3A_113 = tpu.memref_slice %arg7[%run_scoped3A_85, %dma_wait3A_112] : memref<2x128xi32, #tpu.memory_space<vmem>> -> memref<1x128xi32, #tpu.memory_space<vmem>>
          %dma_wait3A_114 = tpu.memref_squeeze %dma_wait3A_113 : memref<1x128xi32, #tpu.memory_space<vmem>> -> memref<128xi32, #tpu.memory_space<vmem>>
          %dma_wait3A_115 = tpu.memref_slice %arg3[%mul3A_84] : memref<385024xi32, #tpu.memory_space<hbm>> -> memref<128xi32, #tpu.memory_space<hbm>>
          tpu.wait_dma2 semaphore(%run_scoped3A_99 : memref<!tpu.dma_semaphore, #tpu.memory_space<semaphore_mem>>) src(%dma_wait3A_115 : memref<128xi32, #tpu.memory_space<hbm>>) dst(%dma_wait3A_114 : memref<128xi32, #tpu.memory_space<vmem>>)
          tpu.yield
        }) : () -> ()
        %run_scoped3A_86 = arith.constant 0 : i32
        "tpu.region"() ({
          %run_scoped3A_99 = tpu.sem_alloc : memref<!tpu.dma_semaphore, #tpu.memory_space<semaphore_mem>>
          %dma_start3A_100 = arith.constant 0 : i32
          %dma_start3A_101 = tpu.memref_slice %arg8[%run_scoped3A_86, %dma_start3A_100] : memref<2x128xi32, #tpu.memory_space<vmem>> -> memref<1x128xi32, #tpu.memory_space<vmem>>
          %dma_start3A_102 = tpu.memref_squeeze %dma_start3A_101 : memref<1x128xi32, #tpu.memory_space<vmem>> -> memref<128xi32, #tpu.memory_space<vmem>>
          %dma_start3A_103 = tpu.memref_slice %arg4[%mul3A_84] : memref<385024xi32, #tpu.memory_space<hbm>> -> memref<128xi32, #tpu.memory_space<hbm>>
          %dma_start3A_104 = arith.constant 0 : i32
          %dma_start3A_105 = tpu.memref_slice %arg8[%run_scoped3A_86, %dma_start3A_104] : memref<2x128xi32, #tpu.memory_space<vmem>> -> memref<1x128xi32, #tpu.memory_space<vmem>>
          %dma_start3A_106 = tpu.memref_squeeze %dma_start3A_105 : memref<1x128xi32, #tpu.memory_space<vmem>> -> memref<128xi32, #tpu.memory_space<vmem>>
          %dma_start3A_107 = tpu.memref_slice %arg4[%mul3A_84] : memref<385024xi32, #tpu.memory_space<hbm>> -> memref<128xi32, #tpu.memory_space<hbm>>
          tpu.enqueue_dma source(%dma_start3A_107 : memref<128xi32, #tpu.memory_space<hbm>>) target(%dma_start3A_106 : memref<128xi32, #tpu.memory_space<vmem>>) target_semaphore(%run_scoped3A_99 : memref<!tpu.dma_semaphore, #tpu.memory_space<semaphore_mem>>)
          %dma_wait3A_108 = arith.constant 0 : i32
          %dma_wait3A_109 = tpu.memref_slice %arg8[%run_scoped3A_86, %dma_wait3A_108] : memref<2x128xi32, #tpu.memory_space<vmem>> -> memref<1x128xi32, #tpu.memory_space<vmem>>
          %dma_wait3A_110 = tpu.memref_squeeze %dma_wait3A_109 : memref<1x128xi32, #tpu.memory_space<vmem>> -> memref<128xi32, #tpu.memory_space<vmem>>
          %dma_wait3A_111 = tpu.memref_slice %arg4[%mul3A_84] : memref<385024xi32, #tpu.memory_space<hbm>> -> memref<128xi32, #tpu.memory_space<hbm>>
          %dma_wait3A_112 = arith.constant 0 : i32
          %dma_wait3A_113 = tpu.memref_slice %arg8[%run_scoped3A_86, %dma_wait3A_112] : memref<2x128xi32, #tpu.memory_space<vmem>> -> memref<1x128xi32, #tpu.memory_space<vmem>>
          %dma_wait3A_114 = tpu.memref_squeeze %dma_wait3A_113 : memref<1x128xi32, #tpu.memory_space<vmem>> -> memref<128xi32, #tpu.memory_space<vmem>>
          %dma_wait3A_115 = tpu.memref_slice %arg4[%mul3A_84] : memref<385024xi32, #tpu.memory_space<hbm>> -> memref<128xi32, #tpu.memory_space<hbm>>
          tpu.wait_dma2 semaphore(%run_scoped3A_99 : memref<!tpu.dma_semaphore, #tpu.memory_space<semaphore_mem>>) src(%dma_wait3A_115 : memref<128xi32, #tpu.memory_space<hbm>>) dst(%dma_wait3A_114 : memref<128xi32, #tpu.memory_space<vmem>>)
          tpu.yield
        }) : () -> ()
        %dma_start3A_87 = arith.constant 0 : i32
        %dma_start3A_88 = arith.constant 0 : i32
        %dma_start3A_89 = arith.constant 0 : i32
        %dma_start3A_90 = arith.constant 0 : i32
        %dma_start3A_91 = tpu.memref_slice %arg9[%dma_start3A_88, %dma_start3A_89, %dma_start3A_90] : memref<2x128x128xf32, #tpu.memory_space<vmem>> -> memref<1x128x128xf32, #tpu.memory_space<vmem>>
        %dma_start3A_92 = tpu.memref_squeeze %dma_start3A_91 : memref<1x128x128xf32, #tpu.memory_space<vmem>> -> memref<128x128xf32, #tpu.memory_space<vmem>>
        %dma_start3A_93 = arith.constant 0 : i32
        %dma_start3A_94 = tpu.memref_slice %arg7[%dma_start3A_87, %dma_start3A_93] : memref<2x128xi32, #tpu.memory_space<vmem>> -> memref<1x128xi32, #tpu.memory_space<vmem>>
        %dma_start3A_95 = tpu.memref_squeeze %dma_start3A_94 : memref<1x128xi32, #tpu.memory_space<vmem>> -> memref<128xi32, #tpu.memory_space<vmem>>
        %dma_start3A_96 = arith.constant 0 : i32
        %dma_start3A_97 = arith.constant 0 : i32
        %dma_start3A_98 = tpu.memref_slice %arg2[%dma_start3A_96, %dma_start3A_97] : memref<12000x128xf32, #tpu.memory_space<hbm>> -> memref<12000x128xf32, #tpu.memory_space<hbm>>
        tpu.enqueue_indirect_dma source(%dma_start3A_98 : memref<12000x128xf32, #tpu.memory_space<hbm>>) target(%dma_start3A_92 : memref<128x128xf32, #tpu.memory_space<vmem>>) offsets(%dma_start3A_95 : memref<128xi32, #tpu.memory_space<vmem>>) semaphore(%arg11 : memref<!tpu.dma_semaphore, #tpu.memory_space<semaphore_mem>>)
      } else {
      }
      %dma_wait3A_64 = arith.constant 1 : i32
      %dma_wait3A_65 = arith.constant 1 : i32
      %dma_wait3A_66 = arith.constant 0 : i32
      %dma_wait3A_67 = arith.constant 0 : i32
      %dma_wait3A_68 = tpu.memref_slice %arg9[%dma_wait3A_65, %dma_wait3A_66, %dma_wait3A_67] : memref<2x128x128xf32, #tpu.memory_space<vmem>> -> memref<1x128x128xf32, #tpu.memory_space<vmem>>
      %dma_wait3A_69 = tpu.memref_squeeze %dma_wait3A_68 : memref<1x128x128xf32, #tpu.memory_space<vmem>> -> memref<128x128xf32, #tpu.memory_space<vmem>>
      %dma_wait3A_70 = arith.constant 0 : i32
      %dma_wait3A_71 = tpu.memref_slice %arg7[%dma_wait3A_64, %dma_wait3A_70] : memref<2x128xi32, #tpu.memory_space<vmem>> -> memref<1x128xi32, #tpu.memory_space<vmem>>
      %dma_wait3A_72 = tpu.memref_squeeze %dma_wait3A_71 : memref<1x128xi32, #tpu.memory_space<vmem>> -> memref<128xi32, #tpu.memory_space<vmem>>
      %dma_wait3A_73 = arith.constant 0 : i32
      %dma_wait3A_74 = arith.constant 0 : i32
      %dma_wait3A_75 = tpu.memref_slice %arg2[%dma_wait3A_73, %dma_wait3A_74] : memref<12000x128xf32, #tpu.memory_space<hbm>> -> memref<12000x128xf32, #tpu.memory_space<hbm>>
      tpu.wait_indirect_dma semaphore(%arg12 : memref<!tpu.dma_semaphore, #tpu.memory_space<semaphore_mem>>) src(%dma_wait3A_75 : memref<12000x128xf32, #tpu.memory_space<hbm>>) dst(%dma_wait3A_69 : memref<128x128xf32, #tpu.memory_space<vmem>>)
      %run_scoped3A_76 = arith.constant 1 : i32
      %run_scoped3A_77 = arith.constant 1 : i32
      "tpu.region"() ({
        %run_scoped3A_78 = tpu.sem_alloc : memref<!tpu.dma_semaphore, #tpu.memory_space<semaphore_mem>>
        %dma_start3A_79 = arith.constant 0 : i32
        %dma_start3A_80 = arith.constant 0 : i32
        %dma_start3A_81 = tpu.memref_slice %arg9[%run_scoped3A_76, %dma_start3A_79, %dma_start3A_80] : memref<2x128x128xf32, #tpu.memory_space<vmem>> -> memref<1x128x128xf32, #tpu.memory_space<vmem>>
        %dma_start3A_82 = tpu.memref_squeeze %dma_start3A_81 : memref<1x128x128xf32, #tpu.memory_space<vmem>> -> memref<128x128xf32, #tpu.memory_space<vmem>>
        %dma_start3A_83 = arith.constant 0 : i32
        %dma_start3A_84 = tpu.memref_slice %arg8[%run_scoped3A_77, %dma_start3A_83] : memref<2x128xi32, #tpu.memory_space<vmem>> -> memref<1x128xi32, #tpu.memory_space<vmem>>
        %dma_start3A_85 = tpu.memref_squeeze %dma_start3A_84 : memref<1x128xi32, #tpu.memory_space<vmem>> -> memref<128xi32, #tpu.memory_space<vmem>>
        %dma_start3A_86 = arith.constant 0 : i32
        %dma_start3A_87 = arith.constant 0 : i32
        %dma_start3A_88 = tpu.memref_slice %arg10[%dma_start3A_86, %dma_start3A_87] : memref<12032x128xf32, #tpu.memory_space<vmem_shared>> -> memref<12032x128xf32, #tpu.memory_space<vmem_shared>>
        tpu.enqueue_indirect_dma source(%dma_start3A_82 : memref<128x128xf32, #tpu.memory_space<vmem>>) target(%dma_start3A_88 : memref<12032x128xf32, #tpu.memory_space<vmem_shared>>) offsets(%dma_start3A_85 : memref<128xi32, #tpu.memory_space<vmem>>) semaphore(%run_scoped3A_78 : memref<!tpu.dma_semaphore, #tpu.memory_space<semaphore_mem>>) {add = true}
        %dma_wait3A_89 = arith.constant 0 : i32
        %dma_wait3A_90 = arith.constant 0 : i32
        %dma_wait3A_91 = tpu.memref_slice %arg9[%run_scoped3A_76, %dma_wait3A_89, %dma_wait3A_90] : memref<2x128x128xf32, #tpu.memory_space<vmem>> -> memref<1x128x128xf32, #tpu.memory_space<vmem>>
        %dma_wait3A_92 = tpu.memref_squeeze %dma_wait3A_91 : memref<1x128x128xf32, #tpu.memory_space<vmem>> -> memref<128x128xf32, #tpu.memory_space<vmem>>
        %dma_wait3A_93 = arith.constant 0 : i32
        %dma_wait3A_94 = tpu.memref_slice %arg8[%run_scoped3A_77, %dma_wait3A_93] : memref<2x128xi32, #tpu.memory_space<vmem>> -> memref<1x128xi32, #tpu.memory_space<vmem>>
        %dma_wait3A_95 = tpu.memref_squeeze %dma_wait3A_94 : memref<1x128xi32, #tpu.memory_space<vmem>> -> memref<128xi32, #tpu.memory_space<vmem>>
        %dma_wait3A_96 = arith.constant 0 : i32
        %dma_wait3A_97 = arith.constant 0 : i32
        %dma_wait3A_98 = tpu.memref_slice %arg10[%dma_wait3A_96, %dma_wait3A_97] : memref<12032x128xf32, #tpu.memory_space<vmem_shared>> -> memref<12032x128xf32, #tpu.memory_space<vmem_shared>>
        tpu.wait_indirect_dma semaphore(%run_scoped3A_78 : memref<!tpu.dma_semaphore, #tpu.memory_space<semaphore_mem>>) src(%dma_wait3A_92 : memref<128x128xf32, #tpu.memory_space<vmem>>) dst(%dma_wait3A_98 : memref<12032x128xf32, #tpu.memory_space<vmem_shared>>)
        tpu.yield
      }) : () -> ()
    }
    %scan3A_27 = arith.constant 47 : i32
    %barrier3A_28 = arith.constant 0 : index
    tpu.barrier barrier_id(%barrier3A_28)
    %mul3A_29 = arith.constant 752 : i32
    %mul3A_30 = arith.muli %arg1, %mul3A_29 : i32
    %mul3A_31 = arith.constant 752 : i32
    %mul3A_32 = arith.muli %arg1, %mul3A_31 : i32
    "tpu.region"() ({
      %run_scoped3A_33 = tpu.sem_alloc : memref<!tpu.dma_semaphore, #tpu.memory_space<semaphore_mem>>
      %dma_start3A_34 = arith.constant 0 : i32
      %dma_start3A_35 = tpu.memref_slice %arg6[%arg0, %mul3A_32, %dma_start3A_34] : memref<2x12032x128xf32, #tpu.memory_space<hbm>> -> memref<1x752x128xf32, #tpu.memory_space<hbm>>
      %dma_start3A_36 = tpu.memref_squeeze %dma_start3A_35 : memref<1x752x128xf32, #tpu.memory_space<hbm>> -> memref<752x128xf32, #tpu.memory_space<hbm>>
      %dma_start3A_37 = arith.constant 0 : i32
      %dma_start3A_38 = tpu.memref_slice %arg10[%mul3A_30, %dma_start3A_37] : memref<12032x128xf32, #tpu.memory_space<vmem_shared>> -> memref<752x128xf32, #tpu.memory_space<vmem_shared>>
      tpu.enqueue_dma source(%dma_start3A_38 : memref<752x128xf32, #tpu.memory_space<vmem_shared>>) target(%dma_start3A_36 : memref<752x128xf32, #tpu.memory_space<hbm>>) target_semaphore(%run_scoped3A_33 : memref<!tpu.dma_semaphore, #tpu.memory_space<semaphore_mem>>)
      %dma_wait3A = arith.constant 0 : i32
      %dma_wait3A_39 = tpu.memref_slice %arg6[%arg0, %mul3A_32, %dma_wait3A] : memref<2x12032x128xf32, #tpu.memory_space<hbm>> -> memref<1x752x128xf32, #tpu.memory_space<hbm>>
      %dma_wait3A_40 = tpu.memref_squeeze %dma_wait3A_39 : memref<1x752x128xf32, #tpu.memory_space<hbm>> -> memref<752x128xf32, #tpu.memory_space<hbm>>
      %dma_wait3A_41 = arith.constant 0 : i32
      %dma_wait3A_42 = tpu.memref_slice %arg10[%mul3A_30, %dma_wait3A_41] : memref<12032x128xf32, #tpu.memory_space<vmem_shared>> -> memref<752x128xf32, #tpu.memory_space<vmem_shared>>
      tpu.wait_dma2 semaphore(%run_scoped3A_33 : memref<!tpu.dma_semaphore, #tpu.memory_space<semaphore_mem>>) src(%dma_wait3A_42 : memref<752x128xf32, #tpu.memory_space<vmem_shared>>) dst(%dma_wait3A_40 : memref<752x128xf32, #tpu.memory_space<hbm>>)
      tpu.yield
    }) : () -> ()
    return
  }
}

#map = affine_map<(d0, d1) -> (0, 0)>
#map1 = affine_map<(d0, d1) -> (0)>
#map2 = affine_map<(d0, d1) -> (0, 0, 0)>
module attributes {stable_mosaic.version = 14 : i64} {
  func.func @body(%arg0: i32, %arg1: i32, %arg2: memref<96000x128xf32, #tpu.memory_space<hbm>>, %arg3: memref<327680xi32, #tpu.memory_space<hbm>>, %arg4: memref<327680xi32, #tpu.memory_space<hbm>>, %arg5: memref<327680xi32, #tpu.memory_space<hbm>>, %arg6: memref<10112x128xf32, #tpu.memory_space<hbm>>, %arg7: memref<2x10112x128xf32, #tpu.memory_space<hbm>>, %arg8: memref<2x128xi32, #tpu.memory_space<vmem>>, %arg9: memref<2x128xi32, #tpu.memory_space<vmem>>, %arg10: memref<2x128xi32, #tpu.memory_space<vmem>>, %arg11: memref<2x128xi32, #tpu.memory_space<vmem>>, %arg12: memref<2x128x128xf32, #tpu.memory_space<vmem>>, %arg13: memref<10112x128xf32, #tpu.memory_space<vmem_shared>>, %arg14: memref<!tpu.dma_semaphore, #tpu.memory_space<semaphore_mem>>, %arg15: memref<!tpu.dma_semaphore, #tpu.memory_space<semaphore_mem>>) attributes {dimension_semantics = [#tpu.dimension_semantics<core_parallel>, #tpu.dimension_semantics<subcore_parallel>], iteration_bounds = array<i64: 2, 16>, scalar_prefetch = 0 : i64, scratch_operands = 8 : i64, tpu.core_type = #tpu.core_type<sc_vector_subcore>, window_params = [{transform_indices = #map}, {transform_indices = #map1}, {transform_indices = #map1}, {transform_indices = #map1}, {transform_indices = #map}, {transform_indices = #map2}]} {
    %mul3A = arith.constant 2 : i32
    %mul3A_0 = arith.muli %arg1, %mul3A : i32
    %add3A = arith.addi %mul3A_0, %arg0 : i32
    %mul3A_1 = arith.constant 632 : i32
    %mul3A_2 = arith.muli %arg1, %mul3A_1 : i32
    %mul3A_3 = arith.constant 632 : i32
    %mul3A_4 = arith.muli %arg1, %mul3A_3 : i32
    "tpu.region"() ({
      %run_scoped3A_192 = tpu.sem_alloc : memref<!tpu.dma_semaphore, #tpu.memory_space<semaphore_mem>>
      %dma_start3A_193 = arith.constant 0 : i32
      %dma_start3A_194 = tpu.memref_slice %arg13[%mul3A_4, %dma_start3A_193] : memref<10112x128xf32, #tpu.memory_space<vmem_shared>> -> memref<632x128xf32, #tpu.memory_space<vmem_shared>>
      %dma_start3A_195 = arith.constant 0 : i32
      %dma_start3A_196 = tpu.memref_slice %arg6[%mul3A_2, %dma_start3A_195] : memref<10112x128xf32, #tpu.memory_space<hbm>> -> memref<632x128xf32, #tpu.memory_space<hbm>>
      tpu.enqueue_dma source(%dma_start3A_196 : memref<632x128xf32, #tpu.memory_space<hbm>>) target(%dma_start3A_194 : memref<632x128xf32, #tpu.memory_space<vmem_shared>>) target_semaphore(%run_scoped3A_192 : memref<!tpu.dma_semaphore, #tpu.memory_space<semaphore_mem>>)
      %dma_wait3A = arith.constant 0 : i32
      %dma_wait3A_197 = tpu.memref_slice %arg13[%mul3A_4, %dma_wait3A] : memref<10112x128xf32, #tpu.memory_space<vmem_shared>> -> memref<632x128xf32, #tpu.memory_space<vmem_shared>>
      %dma_wait3A_198 = arith.constant 0 : i32
      %dma_wait3A_199 = tpu.memref_slice %arg6[%mul3A_2, %dma_wait3A_198] : memref<10112x128xf32, #tpu.memory_space<hbm>> -> memref<632x128xf32, #tpu.memory_space<hbm>>
      tpu.wait_dma2 semaphore(%run_scoped3A_192 : memref<!tpu.dma_semaphore, #tpu.memory_space<semaphore_mem>>) src(%dma_wait3A_199 : memref<632x128xf32, #tpu.memory_space<hbm>>) dst(%dma_wait3A_197 : memref<632x128xf32, #tpu.memory_space<vmem_shared>>)
      tpu.yield
    }) : () -> ()
    %mul3A_5 = arith.constant 80 : i32
    %mul3A_6 = arith.muli %add3A, %mul3A_5 : i32
    %add3A_7 = arith.constant 0 : i32
    %add3A_8 = arith.addi %mul3A_6, %add3A_7 : i32
    %mul3A_9 = arith.constant 128 : i32
    %mul3A_10 = arith.muli %add3A_8, %mul3A_9 : i32
    %run_scoped3A = arith.constant 0 : i32
    "tpu.region"() ({
      %run_scoped3A_192 = tpu.sem_alloc : memref<!tpu.dma_semaphore, #tpu.memory_space<semaphore_mem>>
      %dma_start3A_193 = arith.constant 0 : i32
      %dma_start3A_194 = tpu.memref_slice %arg8[%run_scoped3A, %dma_start3A_193] : memref<2x128xi32, #tpu.memory_space<vmem>> -> memref<1x128xi32, #tpu.memory_space<vmem>>
      %dma_start3A_195 = tpu.memref_squeeze %dma_start3A_194 : memref<1x128xi32, #tpu.memory_space<vmem>> -> memref<128xi32, #tpu.memory_space<vmem>>
      %dma_start3A_196 = tpu.memref_slice %arg3[%mul3A_10] : memref<327680xi32, #tpu.memory_space<hbm>> -> memref<128xi32, #tpu.memory_space<hbm>>
      %dma_start3A_197 = arith.constant 0 : i32
      %dma_start3A_198 = tpu.memref_slice %arg8[%run_scoped3A, %dma_start3A_197] : memref<2x128xi32, #tpu.memory_space<vmem>> -> memref<1x128xi32, #tpu.memory_space<vmem>>
      %dma_start3A_199 = tpu.memref_squeeze %dma_start3A_198 : memref<1x128xi32, #tpu.memory_space<vmem>> -> memref<128xi32, #tpu.memory_space<vmem>>
      %dma_start3A_200 = tpu.memref_slice %arg3[%mul3A_10] : memref<327680xi32, #tpu.memory_space<hbm>> -> memref<128xi32, #tpu.memory_space<hbm>>
      tpu.enqueue_dma source(%dma_start3A_200 : memref<128xi32, #tpu.memory_space<hbm>>) target(%dma_start3A_199 : memref<128xi32, #tpu.memory_space<vmem>>) target_semaphore(%run_scoped3A_192 : memref<!tpu.dma_semaphore, #tpu.memory_space<semaphore_mem>>)
      %dma_wait3A = arith.constant 0 : i32
      %dma_wait3A_201 = tpu.memref_slice %arg8[%run_scoped3A, %dma_wait3A] : memref<2x128xi32, #tpu.memory_space<vmem>> -> memref<1x128xi32, #tpu.memory_space<vmem>>
      %dma_wait3A_202 = tpu.memref_squeeze %dma_wait3A_201 : memref<1x128xi32, #tpu.memory_space<vmem>> -> memref<128xi32, #tpu.memory_space<vmem>>
      %dma_wait3A_203 = tpu.memref_slice %arg3[%mul3A_10] : memref<327680xi32, #tpu.memory_space<hbm>> -> memref<128xi32, #tpu.memory_space<hbm>>
      %dma_wait3A_204 = arith.constant 0 : i32
      %dma_wait3A_205 = tpu.memref_slice %arg8[%run_scoped3A, %dma_wait3A_204] : memref<2x128xi32, #tpu.memory_space<vmem>> -> memref<1x128xi32, #tpu.memory_space<vmem>>
      %dma_wait3A_206 = tpu.memref_squeeze %dma_wait3A_205 : memref<1x128xi32, #tpu.memory_space<vmem>> -> memref<128xi32, #tpu.memory_space<vmem>>
      %dma_wait3A_207 = tpu.memref_slice %arg3[%mul3A_10] : memref<327680xi32, #tpu.memory_space<hbm>> -> memref<128xi32, #tpu.memory_space<hbm>>
      tpu.wait_dma2 semaphore(%run_scoped3A_192 : memref<!tpu.dma_semaphore, #tpu.memory_space<semaphore_mem>>) src(%dma_wait3A_207 : memref<128xi32, #tpu.memory_space<hbm>>) dst(%dma_wait3A_206 : memref<128xi32, #tpu.memory_space<vmem>>)
      tpu.yield
    }) : () -> ()
    %run_scoped3A_11 = arith.constant 0 : i32
    "tpu.region"() ({
      %run_scoped3A_192 = tpu.sem_alloc : memref<!tpu.dma_semaphore, #tpu.memory_space<semaphore_mem>>
      %dma_start3A_193 = arith.constant 0 : i32
      %dma_start3A_194 = tpu.memref_slice %arg9[%run_scoped3A_11, %dma_start3A_193] : memref<2x128xi32, #tpu.memory_space<vmem>> -> memref<1x128xi32, #tpu.memory_space<vmem>>
      %dma_start3A_195 = tpu.memref_squeeze %dma_start3A_194 : memref<1x128xi32, #tpu.memory_space<vmem>> -> memref<128xi32, #tpu.memory_space<vmem>>
      %dma_start3A_196 = tpu.memref_slice %arg4[%mul3A_10] : memref<327680xi32, #tpu.memory_space<hbm>> -> memref<128xi32, #tpu.memory_space<hbm>>
      %dma_start3A_197 = arith.constant 0 : i32
      %dma_start3A_198 = tpu.memref_slice %arg9[%run_scoped3A_11, %dma_start3A_197] : memref<2x128xi32, #tpu.memory_space<vmem>> -> memref<1x128xi32, #tpu.memory_space<vmem>>
      %dma_start3A_199 = tpu.memref_squeeze %dma_start3A_198 : memref<1x128xi32, #tpu.memory_space<vmem>> -> memref<128xi32, #tpu.memory_space<vmem>>
      %dma_start3A_200 = tpu.memref_slice %arg4[%mul3A_10] : memref<327680xi32, #tpu.memory_space<hbm>> -> memref<128xi32, #tpu.memory_space<hbm>>
      tpu.enqueue_dma source(%dma_start3A_200 : memref<128xi32, #tpu.memory_space<hbm>>) target(%dma_start3A_199 : memref<128xi32, #tpu.memory_space<vmem>>) target_semaphore(%run_scoped3A_192 : memref<!tpu.dma_semaphore, #tpu.memory_space<semaphore_mem>>)
      %dma_wait3A = arith.constant 0 : i32
      %dma_wait3A_201 = tpu.memref_slice %arg9[%run_scoped3A_11, %dma_wait3A] : memref<2x128xi32, #tpu.memory_space<vmem>> -> memref<1x128xi32, #tpu.memory_space<vmem>>
      %dma_wait3A_202 = tpu.memref_squeeze %dma_wait3A_201 : memref<1x128xi32, #tpu.memory_space<vmem>> -> memref<128xi32, #tpu.memory_space<vmem>>
      %dma_wait3A_203 = tpu.memref_slice %arg4[%mul3A_10] : memref<327680xi32, #tpu.memory_space<hbm>> -> memref<128xi32, #tpu.memory_space<hbm>>
      %dma_wait3A_204 = arith.constant 0 : i32
      %dma_wait3A_205 = tpu.memref_slice %arg9[%run_scoped3A_11, %dma_wait3A_204] : memref<2x128xi32, #tpu.memory_space<vmem>> -> memref<1x128xi32, #tpu.memory_space<vmem>>
      %dma_wait3A_206 = tpu.memref_squeeze %dma_wait3A_205 : memref<1x128xi32, #tpu.memory_space<vmem>> -> memref<128xi32, #tpu.memory_space<vmem>>
      %dma_wait3A_207 = tpu.memref_slice %arg4[%mul3A_10] : memref<327680xi32, #tpu.memory_space<hbm>> -> memref<128xi32, #tpu.memory_space<hbm>>
      tpu.wait_dma2 semaphore(%run_scoped3A_192 : memref<!tpu.dma_semaphore, #tpu.memory_space<semaphore_mem>>) src(%dma_wait3A_207 : memref<128xi32, #tpu.memory_space<hbm>>) dst(%dma_wait3A_206 : memref<128xi32, #tpu.memory_space<vmem>>)
      tpu.yield
    }) : () -> ()
    %run_scoped3A_12 = arith.constant 0 : i32
    "tpu.region"() ({
      %run_scoped3A_192 = tpu.sem_alloc : memref<!tpu.dma_semaphore, #tpu.memory_space<semaphore_mem>>
      %dma_start3A_193 = arith.constant 0 : i32
      %dma_start3A_194 = tpu.memref_slice %arg11[%run_scoped3A_12, %dma_start3A_193] : memref<2x128xi32, #tpu.memory_space<vmem>> -> memref<1x128xi32, #tpu.memory_space<vmem>>
      %dma_start3A_195 = tpu.memref_squeeze %dma_start3A_194 : memref<1x128xi32, #tpu.memory_space<vmem>> -> memref<128xi32, #tpu.memory_space<vmem>>
      %dma_start3A_196 = tpu.memref_slice %arg5[%mul3A_10] : memref<327680xi32, #tpu.memory_space<hbm>> -> memref<128xi32, #tpu.memory_space<hbm>>
      %dma_start3A_197 = arith.constant 0 : i32
      %dma_start3A_198 = tpu.memref_slice %arg11[%run_scoped3A_12, %dma_start3A_197] : memref<2x128xi32, #tpu.memory_space<vmem>> -> memref<1x128xi32, #tpu.memory_space<vmem>>
      %dma_start3A_199 = tpu.memref_squeeze %dma_start3A_198 : memref<1x128xi32, #tpu.memory_space<vmem>> -> memref<128xi32, #tpu.memory_space<vmem>>
      %dma_start3A_200 = tpu.memref_slice %arg5[%mul3A_10] : memref<327680xi32, #tpu.memory_space<hbm>> -> memref<128xi32, #tpu.memory_space<hbm>>
      tpu.enqueue_dma source(%dma_start3A_200 : memref<128xi32, #tpu.memory_space<hbm>>) target(%dma_start3A_199 : memref<128xi32, #tpu.memory_space<vmem>>) target_semaphore(%run_scoped3A_192 : memref<!tpu.dma_semaphore, #tpu.memory_space<semaphore_mem>>)
      %dma_wait3A = arith.constant 0 : i32
      %dma_wait3A_201 = tpu.memref_slice %arg11[%run_scoped3A_12, %dma_wait3A] : memref<2x128xi32, #tpu.memory_space<vmem>> -> memref<1x128xi32, #tpu.memory_space<vmem>>
      %dma_wait3A_202 = tpu.memref_squeeze %dma_wait3A_201 : memref<1x128xi32, #tpu.memory_space<vmem>> -> memref<128xi32, #tpu.memory_space<vmem>>
      %dma_wait3A_203 = tpu.memref_slice %arg5[%mul3A_10] : memref<327680xi32, #tpu.memory_space<hbm>> -> memref<128xi32, #tpu.memory_space<hbm>>
      %dma_wait3A_204 = arith.constant 0 : i32
      %dma_wait3A_205 = tpu.memref_slice %arg11[%run_scoped3A_12, %dma_wait3A_204] : memref<2x128xi32, #tpu.memory_space<vmem>> -> memref<1x128xi32, #tpu.memory_space<vmem>>
      %dma_wait3A_206 = tpu.memref_squeeze %dma_wait3A_205 : memref<1x128xi32, #tpu.memory_space<vmem>> -> memref<128xi32, #tpu.memory_space<vmem>>
      %dma_wait3A_207 = tpu.memref_slice %arg5[%mul3A_10] : memref<327680xi32, #tpu.memory_space<hbm>> -> memref<128xi32, #tpu.memory_space<hbm>>
      tpu.wait_dma2 semaphore(%run_scoped3A_192 : memref<!tpu.dma_semaphore, #tpu.memory_space<semaphore_mem>>) src(%dma_wait3A_207 : memref<128xi32, #tpu.memory_space<hbm>>) dst(%dma_wait3A_206 : memref<128xi32, #tpu.memory_space<vmem>>)
      tpu.yield
    }) : () -> ()
    %get3A = arith.constant 0 : i32
    %get3A_13 = arith.index_cast %get3A : i32 to index
    %get3A_14 = arith.constant 0 : index
    %get3A_15 = tpu.vector_load %arg9[%get3A_13, %get3A_14] {strides = array<i32>} : memref<2x128xi32, #tpu.memory_space<vmem>>, vector<1x16xi32>,
    %get3A_16 = vector.shape_cast %get3A_15 : vector<1x16xi32> to vector<16xi32>
    %mul3A_17 = arith.constant 12000 : i32
    %mul3A_18 = vector.broadcast %mul3A_17 : i32 to vector<16xi32>
    %mul3A_19 = arith.muli %get3A_16, %mul3A_18 : vector<16xi32>
    %get3A_20 = arith.constant 0 : i32
    %get3A_21 = arith.index_cast %get3A_20 : i32 to index
    %get3A_22 = arith.constant 0 : index
    %get3A_23 = tpu.vector_load %arg8[%get3A_21, %get3A_22] {strides = array<i32>} : memref<2x128xi32, #tpu.memory_space<vmem>>, vector<1x16xi32>,
    %get3A_24 = vector.shape_cast %get3A_23 : vector<1x16xi32> to vector<16xi32>
    %add3A_25 = arith.addi %mul3A_19, %get3A_24 : vector<16xi32>
    %swap3A = arith.constant 0 : i32
    %swap3A_26 = arith.index_cast %swap3A : i32 to index
    %swap3A_27 = arith.constant 0 : index
    %swap3A_28 = tpu.vector_load %arg10[%swap3A_26, %swap3A_27] {strides = array<i32>} : memref<2x128xi32, #tpu.memory_space<vmem>>, vector<1x16xi32>,
    %swap3A_29 = vector.shape_cast %swap3A_28 : vector<1x16xi32> to vector<16xi32>
    %swap3A_30 = vector.shape_cast %add3A_25 : vector<16xi32> to vector<1x16xi32>
    tpu.vector_store %arg10[%swap3A_26, %swap3A_27], %swap3A_30 {strides = array<i32>} : memref<2x128xi32, #tpu.memory_space<vmem>>, vector<1x16xi32>,
    %get3A_31 = arith.constant 0 : i32
    %get3A_32 = arith.index_cast %get3A_31 : i32 to index
    %get3A_33 = arith.constant 16 : index
    %get3A_34 = tpu.vector_load %arg9[%get3A_32, %get3A_33] {strides = array<i32>} : memref<2x128xi32, #tpu.memory_space<vmem>>, vector<1x16xi32>,
    %get3A_35 = vector.shape_cast %get3A_34 : vector<1x16xi32> to vector<16xi32>
    %mul3A_36 = arith.constant 12000 : i32
    %mul3A_37 = vector.broadcast %mul3A_36 : i32 to vector<16xi32>
    %mul3A_38 = arith.muli %get3A_35, %mul3A_37 : vector<16xi32>
    %get3A_39 = arith.constant 0 : i32
    %get3A_40 = arith.index_cast %get3A_39 : i32 to index
    %get3A_41 = arith.constant 16 : index
    %get3A_42 = tpu.vector_load %arg8[%get3A_40, %get3A_41] {strides = array<i32>} : memref<2x128xi32, #tpu.memory_space<vmem>>, vector<1x16xi32>,
    %get3A_43 = vector.shape_cast %get3A_42 : vector<1x16xi32> to vector<16xi32>
    %add3A_44 = arith.addi %mul3A_38, %get3A_43 : vector<16xi32>
    %swap3A_45 = arith.constant 0 : i32
    %swap3A_46 = arith.index_cast %swap3A_45 : i32 to index
    %swap3A_47 = arith.constant 16 : index
    %swap3A_48 = tpu.vector_load %arg10[%swap3A_46, %swap3A_47] {strides = array<i32>} : memref<2x128xi32, #tpu.memory_space<vmem>>, vector<1x16xi32>,
    %swap3A_49 = vector.shape_cast %swap3A_48 : vector<1x16xi32> to vector<16xi32>
    %swap3A_50 = vector.shape_cast %add3A_44 : vector<16xi32> to vector<1x16xi32>
    tpu.vector_store %arg10[%swap3A_46, %swap3A_47], %swap3A_50 {strides = array<i32>} : memref<2x128xi32, #tpu.memory_space<vmem>>, vector<1x16xi32>,
    %get3A_51 = arith.constant 0 : i32
    %get3A_52 = arith.index_cast %get3A_51 : i32 to index
    %get3A_53 = arith.constant 32 : index
    %get3A_54 = tpu.vector_load %arg9[%get3A_52, %get3A_53] {strides = array<i32>} : memref<2x128xi32, #tpu.memory_space<vmem>>, vector<1x16xi32>,
    %get3A_55 = vector.shape_cast %get3A_54 : vector<1x16xi32> to vector<16xi32>
    %mul3A_56 = arith.constant 12000 : i32
    %mul3A_57 = vector.broadcast %mul3A_56 : i32 to vector<16xi32>
    %mul3A_58 = arith.muli %get3A_55, %mul3A_57 : vector<16xi32>
    %get3A_59 = arith.constant 0 : i32
    %get3A_60 = arith.index_cast %get3A_59 : i32 to index
    %get3A_61 = arith.constant 32 : index
    %get3A_62 = tpu.vector_load %arg8[%get3A_60, %get3A_61] {strides = array<i32>} : memref<2x128xi32, #tpu.memory_space<vmem>>, vector<1x16xi32>,
    %get3A_63 = vector.shape_cast %get3A_62 : vector<1x16xi32> to vector<16xi32>
    %add3A_64 = arith.addi %mul3A_58, %get3A_63 : vector<16xi32>
    %swap3A_65 = arith.constant 0 : i32
    %swap3A_66 = arith.index_cast %swap3A_65 : i32 to index
    %swap3A_67 = arith.constant 32 : index
    %swap3A_68 = tpu.vector_load %arg10[%swap3A_66, %swap3A_67] {strides = array<i32>} : memref<2x128xi32, #tpu.memory_space<vmem>>, vector<1x16xi32>,
    %swap3A_69 = vector.shape_cast %swap3A_68 : vector<1x16xi32> to vector<16xi32>
    %swap3A_70 = vector.shape_cast %add3A_64 : vector<16xi32> to vector<1x16xi32>
    tpu.vector_store %arg10[%swap3A_66, %swap3A_67], %swap3A_70 {strides = array<i32>} : memref<2x128xi32, #tpu.memory_space<vmem>>, vector<1x16xi32>,
    %get3A_71 = arith.constant 0 : i32
    %get3A_72 = arith.index_cast %get3A_71 : i32 to index
    %get3A_73 = arith.constant 48 : index
    %get3A_74 = tpu.vector_load %arg9[%get3A_72, %get3A_73] {strides = array<i32>} : memref<2x128xi32, #tpu.memory_space<vmem>>, vector<1x16xi32>,
    %get3A_75 = vector.shape_cast %get3A_74 : vector<1x16xi32> to vector<16xi32>
    %mul3A_76 = arith.constant 12000 : i32
    %mul3A_77 = vector.broadcast %mul3A_76 : i32 to vector<16xi32>
    %mul3A_78 = arith.muli %get3A_75, %mul3A_77 : vector<16xi32>
    %get3A_79 = arith.constant 0 : i32
    %get3A_80 = arith.index_cast %get3A_79 : i32 to index
    %get3A_81 = arith.constant 48 : index
    %get3A_82 = tpu.vector_load %arg8[%get3A_80, %get3A_81] {strides = array<i32>} : memref<2x128xi32, #tpu.memory_space<vmem>>, vector<1x16xi32>,
    %get3A_83 = vector.shape_cast %get3A_82 : vector<1x16xi32> to vector<16xi32>
    %add3A_84 = arith.addi %mul3A_78, %get3A_83 : vector<16xi32>
    %swap3A_85 = arith.constant 0 : i32
    %swap3A_86 = arith.index_cast %swap3A_85 : i32 to index
    %swap3A_87 = arith.constant 48 : index
    %swap3A_88 = tpu.vector_load %arg10[%swap3A_86, %swap3A_87] {strides = array<i32>} : memref<2x128xi32, #tpu.memory_space<vmem>>, vector<1x16xi32>,
    %swap3A_89 = vector.shape_cast %swap3A_88 : vector<1x16xi32> to vector<16xi32>
    %swap3A_90 = vector.shape_cast %add3A_84 : vector<16xi32> to vector<1x16xi32>
    tpu.vector_store %arg10[%swap3A_86, %swap3A_87], %swap3A_90 {strides = array<i32>} : memref<2x128xi32, #tpu.memory_space<vmem>>, vector<1x16xi32>,
    %get3A_91 = arith.constant 0 : i32
    %get3A_92 = arith.index_cast %get3A_91 : i32 to index
    %get3A_93 = arith.constant 64 : index
    %get3A_94 = tpu.vector_load %arg9[%get3A_92, %get3A_93] {strides = array<i32>} : memref<2x128xi32, #tpu.memory_space<vmem>>, vector<1x16xi32>,
    %get3A_95 = vector.shape_cast %get3A_94 : vector<1x16xi32> to vector<16xi32>
    %mul3A_96 = arith.constant 12000 : i32
    %mul3A_97 = vector.broadcast %mul3A_96 : i32 to vector<16xi32>
    %mul3A_98 = arith.muli %get3A_95, %mul3A_97 : vector<16xi32>
    %get3A_99 = arith.constant 0 : i32
    %get3A_100 = arith.index_cast %get3A_99 : i32 to index
    %get3A_101 = arith.constant 64 : index
    %get3A_102 = tpu.vector_load %arg8[%get3A_100, %get3A_101] {strides = array<i32>} : memref<2x128xi32, #tpu.memory_space<vmem>>, vector<1x16xi32>,
    %get3A_103 = vector.shape_cast %get3A_102 : vector<1x16xi32> to vector<16xi32>
    %add3A_104 = arith.addi %mul3A_98, %get3A_103 : vector<16xi32>
    %swap3A_105 = arith.constant 0 : i32
    %swap3A_106 = arith.index_cast %swap3A_105 : i32 to index
    %swap3A_107 = arith.constant 64 : index
    %swap3A_108 = tpu.vector_load %arg10[%swap3A_106, %swap3A_107] {strides = array<i32>} : memref<2x128xi32, #tpu.memory_space<vmem>>, vector<1x16xi32>,
    %swap3A_109 = vector.shape_cast %swap3A_108 : vector<1x16xi32> to vector<16xi32>
    %swap3A_110 = vector.shape_cast %add3A_104 : vector<16xi32> to vector<1x16xi32>
    tpu.vector_store %arg10[%swap3A_106, %swap3A_107], %swap3A_110 {strides = array<i32>} : memref<2x128xi32, #tpu.memory_space<vmem>>, vector<1x16xi32>,
    %get3A_111 = arith.constant 0 : i32
    %get3A_112 = arith.index_cast %get3A_111 : i32 to index
    %get3A_113 = arith.constant 80 : index
    %get3A_114 = tpu.vector_load %arg9[%get3A_112, %get3A_113] {strides = array<i32>} : memref<2x128xi32, #tpu.memory_space<vmem>>, vector<1x16xi32>,
    %get3A_115 = vector.shape_cast %get3A_114 : vector<1x16xi32> to vector<16xi32>
    %mul3A_116 = arith.constant 12000 : i32
    %mul3A_117 = vector.broadcast %mul3A_116 : i32 to vector<16xi32>
    %mul3A_118 = arith.muli %get3A_115, %mul3A_117 : vector<16xi32>
    %get3A_119 = arith.constant 0 : i32
    %get3A_120 = arith.index_cast %get3A_119 : i32 to index
    %get3A_121 = arith.constant 80 : index
    %get3A_122 = tpu.vector_load %arg8[%get3A_120, %get3A_121] {strides = array<i32>} : memref<2x128xi32, #tpu.memory_space<vmem>>, vector<1x16xi32>,
    %get3A_123 = vector.shape_cast %get3A_122 : vector<1x16xi32> to vector<16xi32>
    %add3A_124 = arith.addi %mul3A_118, %get3A_123 : vector<16xi32>
    %swap3A_125 = arith.constant 0 : i32
    %swap3A_126 = arith.index_cast %swap3A_125 : i32 to index
    %swap3A_127 = arith.constant 80 : index
    %swap3A_128 = tpu.vector_load %arg10[%swap3A_126, %swap3A_127] {strides = array<i32>} : memref<2x128xi32, #tpu.memory_space<vmem>>, vector<1x16xi32>,
    %swap3A_129 = vector.shape_cast %swap3A_128 : vector<1x16xi32> to vector<16xi32>
    %swap3A_130 = vector.shape_cast %add3A_124 : vector<16xi32> to vector<1x16xi32>
    tpu.vector_store %arg10[%swap3A_126, %swap3A_127], %swap3A_130 {strides = array<i32>} : memref<2x128xi32, #tpu.memory_space<vmem>>, vector<1x16xi32>,
    %get3A_131 = arith.constant 0 : i32
    %get3A_132 = arith.index_cast %get3A_131 : i32 to index
    %get3A_133 = arith.constant 96 : index
    %get3A_134 = tpu.vector_load %arg9[%get3A_132, %get3A_133] {strides = array<i32>} : memref<2x128xi32, #tpu.memory_space<vmem>>, vector<1x16xi32>,
    %get3A_135 = vector.shape_cast %get3A_134 : vector<1x16xi32> to vector<16xi32>
    %mul3A_136 = arith.constant 12000 : i32
    %mul3A_137 = vector.broadcast %mul3A_136 : i32 to vector<16xi32>
    %mul3A_138 = arith.muli %get3A_135, %mul3A_137 : vector<16xi32>
    %get3A_139 = arith.constant 0 : i32
    %get3A_140 = arith.index_cast %get3A_139 : i32 to index
    %get3A_141 = arith.constant 96 : index
    %get3A_142 = tpu.vector_load %arg8[%get3A_140, %get3A_141] {strides = array<i32>} : memref<2x128xi32, #tpu.memory_space<vmem>>, vector<1x16xi32>,
    %get3A_143 = vector.shape_cast %get3A_142 : vector<1x16xi32> to vector<16xi32>
    %add3A_144 = arith.addi %mul3A_138, %get3A_143 : vector<16xi32>
    %swap3A_145 = arith.constant 0 : i32
    %swap3A_146 = arith.index_cast %swap3A_145 : i32 to index
    %swap3A_147 = arith.constant 96 : index
    %swap3A_148 = tpu.vector_load %arg10[%swap3A_146, %swap3A_147] {strides = array<i32>} : memref<2x128xi32, #tpu.memory_space<vmem>>, vector<1x16xi32>,
    %swap3A_149 = vector.shape_cast %swap3A_148 : vector<1x16xi32> to vector<16xi32>
    %swap3A_150 = vector.shape_cast %add3A_144 : vector<16xi32> to vector<1x16xi32>
    tpu.vector_store %arg10[%swap3A_146, %swap3A_147], %swap3A_150 {strides = array<i32>} : memref<2x128xi32, #tpu.memory_space<vmem>>, vector<1x16xi32>,
    %get3A_151 = arith.constant 0 : i32
    %get3A_152 = arith.index_cast %get3A_151 : i32 to index
    %get3A_153 = arith.constant 112 : index
    %get3A_154 = tpu.vector_load %arg9[%get3A_152, %get3A_153] {strides = array<i32>} : memref<2x128xi32, #tpu.memory_space<vmem>>, vector<1x16xi32>,
    %get3A_155 = vector.shape_cast %get3A_154 : vector<1x16xi32> to vector<16xi32>
    %mul3A_156 = arith.constant 12000 : i32
    %mul3A_157 = vector.broadcast %mul3A_156 : i32 to vector<16xi32>
    %mul3A_158 = arith.muli %get3A_155, %mul3A_157 : vector<16xi32>
    %get3A_159 = arith.constant 0 : i32
    %get3A_160 = arith.index_cast %get3A_159 : i32 to index
    %get3A_161 = arith.constant 112 : index
    %get3A_162 = tpu.vector_load %arg8[%get3A_160, %get3A_161] {strides = array<i32>} : memref<2x128xi32, #tpu.memory_space<vmem>>, vector<1x16xi32>,
    %get3A_163 = vector.shape_cast %get3A_162 : vector<1x16xi32> to vector<16xi32>
    %add3A_164 = arith.addi %mul3A_158, %get3A_163 : vector<16xi32>
    %swap3A_165 = arith.constant 0 : i32
    %swap3A_166 = arith.index_cast %swap3A_165 : i32 to index
    %swap3A_167 = arith.constant 112 : index
    %swap3A_168 = tpu.vector_load %arg10[%swap3A_166, %swap3A_167] {strides = array<i32>} : memref<2x128xi32, #tpu.memory_space<vmem>>, vector<1x16xi32>,
    %swap3A_169 = vector.shape_cast %swap3A_168 : vector<1x16xi32> to vector<16xi32>
    %swap3A_170 = vector.shape_cast %add3A_164 : vector<16xi32> to vector<1x16xi32>
    tpu.vector_store %arg10[%swap3A_166, %swap3A_167], %swap3A_170 {strides = array<i32>} : memref<2x128xi32, #tpu.memory_space<vmem>>, vector<1x16xi32>,
    %dma_start3A = arith.constant 0 : i32
    %dma_start3A_171 = arith.constant 0 : i32
    %dma_start3A_172 = arith.constant 0 : i32
    %dma_start3A_173 = arith.constant 0 : i32
    %dma_start3A_174 = tpu.memref_slice %arg12[%dma_start3A_171, %dma_start3A_172, %dma_start3A_173] : memref<2x128x128xf32, #tpu.memory_space<vmem>> -> memref<1x128x128xf32, #tpu.memory_space<vmem>>
    %dma_start3A_175 = tpu.memref_squeeze %dma_start3A_174 : memref<1x128x128xf32, #tpu.memory_space<vmem>> -> memref<128x128xf32, #tpu.memory_space<vmem>>
    %dma_start3A_176 = arith.constant 0 : i32
    %dma_start3A_177 = tpu.memref_slice %arg10[%dma_start3A, %dma_start3A_176] : memref<2x128xi32, #tpu.memory_space<vmem>> -> memref<1x128xi32, #tpu.memory_space<vmem>>
    %dma_start3A_178 = tpu.memref_squeeze %dma_start3A_177 : memref<1x128xi32, #tpu.memory_space<vmem>> -> memref<128xi32, #tpu.memory_space<vmem>>
    %dma_start3A_179 = arith.constant 0 : i32
    %dma_start3A_180 = arith.constant 0 : i32
    %dma_start3A_181 = tpu.memref_slice %arg2[%dma_start3A_179, %dma_start3A_180] : memref<96000x128xf32, #tpu.memory_space<hbm>> -> memref<96000x128xf32, #tpu.memory_space<hbm>>
    tpu.enqueue_indirect_dma source(%dma_start3A_181 : memref<96000x128xf32, #tpu.memory_space<hbm>>) target(%dma_start3A_175 : memref<128x128xf32, #tpu.memory_space<vmem>>) offsets(%dma_start3A_178 : memref<128xi32, #tpu.memory_space<vmem>>) semaphore(%arg14 : memref<!tpu.dma_semaphore, #tpu.memory_space<semaphore_mem>>)
    %barrier3A = arith.constant 0 : index
    tpu.barrier barrier_id(%barrier3A)
    %scan3A = arith.constant 0 : i32
    %scan3A_182 = arith.constant 0 : i32
    %scan3A_183 = arith.constant 40 : i32
    %scan3A_184 = arith.addi %scan3A_182, %scan3A_183 : i32
    %scan3A_185 = arith.constant 1 : i32
    scf.for %scan3A_192 = %scan3A_182 to %scan3A_184 step %scan3A_185  : i32 {
      %mul3A_193 = arith.constant 2 : i32
      %mul3A_194 = arith.muli %scan3A_192, %mul3A_193 : i32
      %add3A_195 = arith.constant 0 : i32
      %add3A_196 = arith.addi %mul3A_194, %add3A_195 : i32
      %add3A_197 = arith.constant 1 : i32
      %add3A_198 = arith.addi %add3A_196, %add3A_197 : i32
      %lt3A = arith.constant 80 : i32
      %lt3A_199 = arith.cmpi slt, %add3A_198, %lt3A : i32
      %convert_element_type3A = arith.extui %lt3A_199 : i1 to i32
      %cond3A = arith.constant 0 : i32
      %cond3A_200 = arith.cmpi ne, %convert_element_type3A, %cond3A : i32
      scf.if %cond3A_200 {
        %add3A_237 = arith.constant 1 : i32
        %add3A_238 = arith.addi %add3A_196, %add3A_237 : i32
        %mul3A_239 = arith.constant 80 : i32
        %mul3A_240 = arith.muli %add3A, %mul3A_239 : i32
        %add3A_241 = arith.addi %mul3A_240, %add3A_238 : i32
        %mul3A_242 = arith.constant 128 : i32
        %mul3A_243 = arith.muli %add3A_241, %mul3A_242 : i32
        %run_scoped3A_244 = arith.constant 1 : i32
        "tpu.region"() ({
          %run_scoped3A_419 = tpu.sem_alloc : memref<!tpu.dma_semaphore, #tpu.memory_space<semaphore_mem>>
          %dma_start3A_420 = arith.constant 0 : i32
          %dma_start3A_421 = tpu.memref_slice %arg8[%run_scoped3A_244, %dma_start3A_420] : memref<2x128xi32, #tpu.memory_space<vmem>> -> memref<1x128xi32, #tpu.memory_space<vmem>>
          %dma_start3A_422 = tpu.memref_squeeze %dma_start3A_421 : memref<1x128xi32, #tpu.memory_space<vmem>> -> memref<128xi32, #tpu.memory_space<vmem>>
          %dma_start3A_423 = tpu.memref_slice %arg3[%mul3A_243] : memref<327680xi32, #tpu.memory_space<hbm>> -> memref<128xi32, #tpu.memory_space<hbm>>
          %dma_start3A_424 = arith.constant 0 : i32
          %dma_start3A_425 = tpu.memref_slice %arg8[%run_scoped3A_244, %dma_start3A_424] : memref<2x128xi32, #tpu.memory_space<vmem>> -> memref<1x128xi32, #tpu.memory_space<vmem>>
          %dma_start3A_426 = tpu.memref_squeeze %dma_start3A_425 : memref<1x128xi32, #tpu.memory_space<vmem>> -> memref<128xi32, #tpu.memory_space<vmem>>
          %dma_start3A_427 = tpu.memref_slice %arg3[%mul3A_243] : memref<327680xi32, #tpu.memory_space<hbm>> -> memref<128xi32, #tpu.memory_space<hbm>>
          tpu.enqueue_dma source(%dma_start3A_427 : memref<128xi32, #tpu.memory_space<hbm>>) target(%dma_start3A_426 : memref<128xi32, #tpu.memory_space<vmem>>) target_semaphore(%run_scoped3A_419 : memref<!tpu.dma_semaphore, #tpu.memory_space<semaphore_mem>>)
          %dma_wait3A_428 = arith.constant 0 : i32
          %dma_wait3A_429 = tpu.memref_slice %arg8[%run_scoped3A_244, %dma_wait3A_428] : memref<2x128xi32, #tpu.memory_space<vmem>> -> memref<1x128xi32, #tpu.memory_space<vmem>>
          %dma_wait3A_430 = tpu.memref_squeeze %dma_wait3A_429 : memref<1x128xi32, #tpu.memory_space<vmem>> -> memref<128xi32, #tpu.memory_space<vmem>>
          %dma_wait3A_431 = tpu.memref_slice %arg3[%mul3A_243] : memref<327680xi32, #tpu.memory_space<hbm>> -> memref<128xi32, #tpu.memory_space<hbm>>
          %dma_wait3A_432 = arith.constant 0 : i32
          %dma_wait3A_433 = tpu.memref_slice %arg8[%run_scoped3A_244, %dma_wait3A_432] : memref<2x128xi32, #tpu.memory_space<vmem>> -> memref<1x128xi32, #tpu.memory_space<vmem>>
          %dma_wait3A_434 = tpu.memref_squeeze %dma_wait3A_433 : memref<1x128xi32, #tpu.memory_space<vmem>> -> memref<128xi32, #tpu.memory_space<vmem>>
          %dma_wait3A_435 = tpu.memref_slice %arg3[%mul3A_243] : memref<327680xi32, #tpu.memory_space<hbm>> -> memref<128xi32, #tpu.memory_space<hbm>>
          tpu.wait_dma2 semaphore(%run_scoped3A_419 : memref<!tpu.dma_semaphore, #tpu.memory_space<semaphore_mem>>) src(%dma_wait3A_435 : memref<128xi32, #tpu.memory_space<hbm>>) dst(%dma_wait3A_434 : memref<128xi32, #tpu.memory_space<vmem>>)
          tpu.yield
        }) : () -> ()
        %run_scoped3A_245 = arith.constant 1 : i32
        "tpu.region"() ({
          %run_scoped3A_419 = tpu.sem_alloc : memref<!tpu.dma_semaphore, #tpu.memory_space<semaphore_mem>>
          %dma_start3A_420 = arith.constant 0 : i32
          %dma_start3A_421 = tpu.memref_slice %arg9[%run_scoped3A_245, %dma_start3A_420] : memref<2x128xi32, #tpu.memory_space<vmem>> -> memref<1x128xi32, #tpu.memory_space<vmem>>
          %dma_start3A_422 = tpu.memref_squeeze %dma_start3A_421 : memref<1x128xi32, #tpu.memory_space<vmem>> -> memref<128xi32, #tpu.memory_space<vmem>>
          %dma_start3A_423 = tpu.memref_slice %arg4[%mul3A_243] : memref<327680xi32, #tpu.memory_space<hbm>> -> memref<128xi32, #tpu.memory_space<hbm>>
          %dma_start3A_424 = arith.constant 0 : i32
          %dma_start3A_425 = tpu.memref_slice %arg9[%run_scoped3A_245, %dma_start3A_424] : memref<2x128xi32, #tpu.memory_space<vmem>> -> memref<1x128xi32, #tpu.memory_space<vmem>>
          %dma_start3A_426 = tpu.memref_squeeze %dma_start3A_425 : memref<1x128xi32, #tpu.memory_space<vmem>> -> memref<128xi32, #tpu.memory_space<vmem>>
          %dma_start3A_427 = tpu.memref_slice %arg4[%mul3A_243] : memref<327680xi32, #tpu.memory_space<hbm>> -> memref<128xi32, #tpu.memory_space<hbm>>
          tpu.enqueue_dma source(%dma_start3A_427 : memref<128xi32, #tpu.memory_space<hbm>>) target(%dma_start3A_426 : memref<128xi32, #tpu.memory_space<vmem>>) target_semaphore(%run_scoped3A_419 : memref<!tpu.dma_semaphore, #tpu.memory_space<semaphore_mem>>)
          %dma_wait3A_428 = arith.constant 0 : i32
          %dma_wait3A_429 = tpu.memref_slice %arg9[%run_scoped3A_245, %dma_wait3A_428] : memref<2x128xi32, #tpu.memory_space<vmem>> -> memref<1x128xi32, #tpu.memory_space<vmem>>
          %dma_wait3A_430 = tpu.memref_squeeze %dma_wait3A_429 : memref<1x128xi32, #tpu.memory_space<vmem>> -> memref<128xi32, #tpu.memory_space<vmem>>
          %dma_wait3A_431 = tpu.memref_slice %arg4[%mul3A_243] : memref<327680xi32, #tpu.memory_space<hbm>> -> memref<128xi32, #tpu.memory_space<hbm>>
          %dma_wait3A_432 = arith.constant 0 : i32
          %dma_wait3A_433 = tpu.memref_slice %arg9[%run_scoped3A_245, %dma_wait3A_432] : memref<2x128xi32, #tpu.memory_space<vmem>> -> memref<1x128xi32, #tpu.memory_space<vmem>>
          %dma_wait3A_434 = tpu.memref_squeeze %dma_wait3A_433 : memref<1x128xi32, #tpu.memory_space<vmem>> -> memref<128xi32, #tpu.memory_space<vmem>>
          %dma_wait3A_435 = tpu.memref_slice %arg4[%mul3A_243] : memref<327680xi32, #tpu.memory_space<hbm>> -> memref<128xi32, #tpu.memory_space<hbm>>
          tpu.wait_dma2 semaphore(%run_scoped3A_419 : memref<!tpu.dma_semaphore, #tpu.memory_space<semaphore_mem>>) src(%dma_wait3A_435 : memref<128xi32, #tpu.memory_space<hbm>>) dst(%dma_wait3A_434 : memref<128xi32, #tpu.memory_space<vmem>>)
          tpu.yield
        }) : () -> ()
        %run_scoped3A_246 = arith.constant 1 : i32
        "tpu.region"() ({
          %run_scoped3A_419 = tpu.sem_alloc : memref<!tpu.dma_semaphore, #tpu.memory_space<semaphore_mem>>
          %dma_start3A_420 = arith.constant 0 : i32
          %dma_start3A_421 = tpu.memref_slice %arg11[%run_scoped3A_246, %dma_start3A_420] : memref<2x128xi32, #tpu.memory_space<vmem>> -> memref<1x128xi32, #tpu.memory_space<vmem>>
          %dma_start3A_422 = tpu.memref_squeeze %dma_start3A_421 : memref<1x128xi32, #tpu.memory_space<vmem>> -> memref<128xi32, #tpu.memory_space<vmem>>
          %dma_start3A_423 = tpu.memref_slice %arg5[%mul3A_243] : memref<327680xi32, #tpu.memory_space<hbm>> -> memref<128xi32, #tpu.memory_space<hbm>>
          %dma_start3A_424 = arith.constant 0 : i32
          %dma_start3A_425 = tpu.memref_slice %arg11[%run_scoped3A_246, %dma_start3A_424] : memref<2x128xi32, #tpu.memory_space<vmem>> -> memref<1x128xi32, #tpu.memory_space<vmem>>
          %dma_start3A_426 = tpu.memref_squeeze %dma_start3A_425 : memref<1x128xi32, #tpu.memory_space<vmem>> -> memref<128xi32, #tpu.memory_space<vmem>>
          %dma_start3A_427 = tpu.memref_slice %arg5[%mul3A_243] : memref<327680xi32, #tpu.memory_space<hbm>> -> memref<128xi32, #tpu.memory_space<hbm>>
          tpu.enqueue_dma source(%dma_start3A_427 : memref<128xi32, #tpu.memory_space<hbm>>) target(%dma_start3A_426 : memref<128xi32, #tpu.memory_space<vmem>>) target_semaphore(%run_scoped3A_419 : memref<!tpu.dma_semaphore, #tpu.memory_space<semaphore_mem>>)
          %dma_wait3A_428 = arith.constant 0 : i32
          %dma_wait3A_429 = tpu.memref_slice %arg11[%run_scoped3A_246, %dma_wait3A_428] : memref<2x128xi32, #tpu.memory_space<vmem>> -> memref<1x128xi32, #tpu.memory_space<vmem>>
          %dma_wait3A_430 = tpu.memref_squeeze %dma_wait3A_429 : memref<1x128xi32, #tpu.memory_space<vmem>> -> memref<128xi32, #tpu.memory_space<vmem>>
          %dma_wait3A_431 = tpu.memref_slice %arg5[%mul3A_243] : memref<327680xi32, #tpu.memory_space<hbm>> -> memref<128xi32, #tpu.memory_space<hbm>>
          %dma_wait3A_432 = arith.constant 0 : i32
          %dma_wait3A_433 = tpu.memref_slice %arg11[%run_scoped3A_246, %dma_wait3A_432] : memref<2x128xi32, #tpu.memory_space<vmem>> -> memref<1x128xi32, #tpu.memory_space<vmem>>
          %dma_wait3A_434 = tpu.memref_squeeze %dma_wait3A_433 : memref<1x128xi32, #tpu.memory_space<vmem>> -> memref<128xi32, #tpu.memory_space<vmem>>
          %dma_wait3A_435 = tpu.memref_slice %arg5[%mul3A_243] : memref<327680xi32, #tpu.memory_space<hbm>> -> memref<128xi32, #tpu.memory_space<hbm>>
          tpu.wait_dma2 semaphore(%run_scoped3A_419 : memref<!tpu.dma_semaphore, #tpu.memory_space<semaphore_mem>>) src(%dma_wait3A_435 : memref<128xi32, #tpu.memory_space<hbm>>) dst(%dma_wait3A_434 : memref<128xi32, #tpu.memory_space<vmem>>)
          tpu.yield
        }) : () -> ()
        %get3A_247 = arith.constant 1 : i32
        %get3A_248 = arith.index_cast %get3A_247 : i32 to index
        %get3A_249 = arith.constant 0 : index
        %get3A_250 = tpu.vector_load %arg9[%get3A_248, %get3A_249] {strides = array<i32>} : memref<2x128xi32, #tpu.memory_space<vmem>>, vector<1x16xi32>,
        %get3A_251 = vector.shape_cast %get3A_250 : vector<1x16xi32> to vector<16xi32>
        %mul3A_252 = arith.constant 12000 : i32
        %mul3A_253 = vector.broadcast %mul3A_252 : i32 to vector<16xi32>
        %mul3A_254 = arith.muli %get3A_251, %mul3A_253 : vector<16xi32>
        %get3A_255 = arith.constant 1 : i32
        %get3A_256 = arith.index_cast %get3A_255 : i32 to index
        %get3A_257 = arith.constant 0 : index
        %get3A_258 = tpu.vector_load %arg8[%get3A_256, %get3A_257] {strides = array<i32>} : memref<2x128xi32, #tpu.memory_space<vmem>>, vector<1x16xi32>,
        %get3A_259 = vector.shape_cast %get3A_258 : vector<1x16xi32> to vector<16xi32>
        %add3A_260 = arith.addi %mul3A_254, %get3A_259 : vector<16xi32>
        %swap3A_261 = arith.constant 1 : i32
        %swap3A_262 = arith.index_cast %swap3A_261 : i32 to index
        %swap3A_263 = arith.constant 0 : index
        %swap3A_264 = tpu.vector_load %arg10[%swap3A_262, %swap3A_263] {strides = array<i32>} : memref<2x128xi32, #tpu.memory_space<vmem>>, vector<1x16xi32>,
        %swap3A_265 = vector.shape_cast %swap3A_264 : vector<1x16xi32> to vector<16xi32>
        %swap3A_266 = vector.shape_cast %add3A_260 : vector<16xi32> to vector<1x16xi32>
        tpu.vector_store %arg10[%swap3A_262, %swap3A_263], %swap3A_266 {strides = array<i32>} : memref<2x128xi32, #tpu.memory_space<vmem>>, vector<1x16xi32>,
        %get3A_267 = arith.constant 1 : i32
        %get3A_268 = arith.index_cast %get3A_267 : i32 to index
        %get3A_269 = arith.constant 16 : index
        %get3A_270 = tpu.vector_load %arg9[%get3A_268, %get3A_269] {strides = array<i32>} : memref<2x128xi32, #tpu.memory_space<vmem>>, vector<1x16xi32>,
        %get3A_271 = vector.shape_cast %get3A_270 : vector<1x16xi32> to vector<16xi32>
        %mul3A_272 = arith.constant 12000 : i32
        %mul3A_273 = vector.broadcast %mul3A_272 : i32 to vector<16xi32>
        %mul3A_274 = arith.muli %get3A_271, %mul3A_273 : vector<16xi32>
        %get3A_275 = arith.constant 1 : i32
        %get3A_276 = arith.index_cast %get3A_275 : i32 to index
        %get3A_277 = arith.constant 16 : index
        %get3A_278 = tpu.vector_load %arg8[%get3A_276, %get3A_277] {strides = array<i32>} : memref<2x128xi32, #tpu.memory_space<vmem>>, vector<1x16xi32>,
        %get3A_279 = vector.shape_cast %get3A_278 : vector<1x16xi32> to vector<16xi32>
        %add3A_280 = arith.addi %mul3A_274, %get3A_279 : vector<16xi32>
        %swap3A_281 = arith.constant 1 : i32
        %swap3A_282 = arith.index_cast %swap3A_281 : i32 to index
        %swap3A_283 = arith.constant 16 : index
        %swap3A_284 = tpu.vector_load %arg10[%swap3A_282, %swap3A_283] {strides = array<i32>} : memref<2x128xi32, #tpu.memory_space<vmem>>, vector<1x16xi32>,
        %swap3A_285 = vector.shape_cast %swap3A_284 : vector<1x16xi32> to vector<16xi32>
        %swap3A_286 = vector.shape_cast %add3A_280 : vector<16xi32> to vector<1x16xi32>
        tpu.vector_store %arg10[%swap3A_282, %swap3A_283], %swap3A_286 {strides = array<i32>} : memref<2x128xi32, #tpu.memory_space<vmem>>, vector<1x16xi32>,
        %get3A_287 = arith.constant 1 : i32
        %get3A_288 = arith.index_cast %get3A_287 : i32 to index
        %get3A_289 = arith.constant 32 : index
        %get3A_290 = tpu.vector_load %arg9[%get3A_288, %get3A_289] {strides = array<i32>} : memref<2x128xi32, #tpu.memory_space<vmem>>, vector<1x16xi32>,
        %get3A_291 = vector.shape_cast %get3A_290 : vector<1x16xi32> to vector<16xi32>
        %mul3A_292 = arith.constant 12000 : i32
        %mul3A_293 = vector.broadcast %mul3A_292 : i32 to vector<16xi32>
        %mul3A_294 = arith.muli %get3A_291, %mul3A_293 : vector<16xi32>
        %get3A_295 = arith.constant 1 : i32
        %get3A_296 = arith.index_cast %get3A_295 : i32 to index
        %get3A_297 = arith.constant 32 : index
        %get3A_298 = tpu.vector_load %arg8[%get3A_296, %get3A_297] {strides = array<i32>} : memref<2x128xi32, #tpu.memory_space<vmem>>, vector<1x16xi32>,
        %get3A_299 = vector.shape_cast %get3A_298 : vector<1x16xi32> to vector<16xi32>
        %add3A_300 = arith.addi %mul3A_294, %get3A_299 : vector<16xi32>
        %swap3A_301 = arith.constant 1 : i32
        %swap3A_302 = arith.index_cast %swap3A_301 : i32 to index
        %swap3A_303 = arith.constant 32 : index
        %swap3A_304 = tpu.vector_load %arg10[%swap3A_302, %swap3A_303] {strides = array<i32>} : memref<2x128xi32, #tpu.memory_space<vmem>>, vector<1x16xi32>,
        %swap3A_305 = vector.shape_cast %swap3A_304 : vector<1x16xi32> to vector<16xi32>
        %swap3A_306 = vector.shape_cast %add3A_300 : vector<16xi32> to vector<1x16xi32>
        tpu.vector_store %arg10[%swap3A_302, %swap3A_303], %swap3A_306 {strides = array<i32>} : memref<2x128xi32, #tpu.memory_space<vmem>>, vector<1x16xi32>,
        %get3A_307 = arith.constant 1 : i32
        %get3A_308 = arith.index_cast %get3A_307 : i32 to index
        %get3A_309 = arith.constant 48 : index
        %get3A_310 = tpu.vector_load %arg9[%get3A_308, %get3A_309] {strides = array<i32>} : memref<2x128xi32, #tpu.memory_space<vmem>>, vector<1x16xi32>,
        %get3A_311 = vector.shape_cast %get3A_310 : vector<1x16xi32> to vector<16xi32>
        %mul3A_312 = arith.constant 12000 : i32
        %mul3A_313 = vector.broadcast %mul3A_312 : i32 to vector<16xi32>
        %mul3A_314 = arith.muli %get3A_311, %mul3A_313 : vector<16xi32>
        %get3A_315 = arith.constant 1 : i32
        %get3A_316 = arith.index_cast %get3A_315 : i32 to index
        %get3A_317 = arith.constant 48 : index
        %get3A_318 = tpu.vector_load %arg8[%get3A_316, %get3A_317] {strides = array<i32>} : memref<2x128xi32, #tpu.memory_space<vmem>>, vector<1x16xi32>,
        %get3A_319 = vector.shape_cast %get3A_318 : vector<1x16xi32> to vector<16xi32>
        %add3A_320 = arith.addi %mul3A_314, %get3A_319 : vector<16xi32>
        %swap3A_321 = arith.constant 1 : i32
        %swap3A_322 = arith.index_cast %swap3A_321 : i32 to index
        %swap3A_323 = arith.constant 48 : index
        %swap3A_324 = tpu.vector_load %arg10[%swap3A_322, %swap3A_323] {strides = array<i32>} : memref<2x128xi32, #tpu.memory_space<vmem>>, vector<1x16xi32>,
        %swap3A_325 = vector.shape_cast %swap3A_324 : vector<1x16xi32> to vector<16xi32>
        %swap3A_326 = vector.shape_cast %add3A_320 : vector<16xi32> to vector<1x16xi32>
        tpu.vector_store %arg10[%swap3A_322, %swap3A_323], %swap3A_326 {strides = array<i32>} : memref<2x128xi32, #tpu.memory_space<vmem>>, vector<1x16xi32>,
        %get3A_327 = arith.constant 1 : i32
        %get3A_328 = arith.index_cast %get3A_327 : i32 to index
        %get3A_329 = arith.constant 64 : index
        %get3A_330 = tpu.vector_load %arg9[%get3A_328, %get3A_329] {strides = array<i32>} : memref<2x128xi32, #tpu.memory_space<vmem>>, vector<1x16xi32>,
        %get3A_331 = vector.shape_cast %get3A_330 : vector<1x16xi32> to vector<16xi32>
        %mul3A_332 = arith.constant 12000 : i32
        %mul3A_333 = vector.broadcast %mul3A_332 : i32 to vector<16xi32>
        %mul3A_334 = arith.muli %get3A_331, %mul3A_333 : vector<16xi32>
        %get3A_335 = arith.constant 1 : i32
        %get3A_336 = arith.index_cast %get3A_335 : i32 to index
        %get3A_337 = arith.constant 64 : index
        %get3A_338 = tpu.vector_load %arg8[%get3A_336, %get3A_337] {strides = array<i32>} : memref<2x128xi32, #tpu.memory_space<vmem>>, vector<1x16xi32>,
        %get3A_339 = vector.shape_cast %get3A_338 : vector<1x16xi32> to vector<16xi32>
        %add3A_340 = arith.addi %mul3A_334, %get3A_339 : vector<16xi32>
        %swap3A_341 = arith.constant 1 : i32
        %swap3A_342 = arith.index_cast %swap3A_341 : i32 to index
        %swap3A_343 = arith.constant 64 : index
        %swap3A_344 = tpu.vector_load %arg10[%swap3A_342, %swap3A_343] {strides = array<i32>} : memref<2x128xi32, #tpu.memory_space<vmem>>, vector<1x16xi32>,
        %swap3A_345 = vector.shape_cast %swap3A_344 : vector<1x16xi32> to vector<16xi32>
        %swap3A_346 = vector.shape_cast %add3A_340 : vector<16xi32> to vector<1x16xi32>
        tpu.vector_store %arg10[%swap3A_342, %swap3A_343], %swap3A_346 {strides = array<i32>} : memref<2x128xi32, #tpu.memory_space<vmem>>, vector<1x16xi32>,
        %get3A_347 = arith.constant 1 : i32
        %get3A_348 = arith.index_cast %get3A_347 : i32 to index
        %get3A_349 = arith.constant 80 : index
        %get3A_350 = tpu.vector_load %arg9[%get3A_348, %get3A_349] {strides = array<i32>} : memref<2x128xi32, #tpu.memory_space<vmem>>, vector<1x16xi32>,
        %get3A_351 = vector.shape_cast %get3A_350 : vector<1x16xi32> to vector<16xi32>
        %mul3A_352 = arith.constant 12000 : i32
        %mul3A_353 = vector.broadcast %mul3A_352 : i32 to vector<16xi32>
        %mul3A_354 = arith.muli %get3A_351, %mul3A_353 : vector<16xi32>
        %get3A_355 = arith.constant 1 : i32
        %get3A_356 = arith.index_cast %get3A_355 : i32 to index
        %get3A_357 = arith.constant 80 : index
        %get3A_358 = tpu.vector_load %arg8[%get3A_356, %get3A_357] {strides = array<i32>} : memref<2x128xi32, #tpu.memory_space<vmem>>, vector<1x16xi32>,
        %get3A_359 = vector.shape_cast %get3A_358 : vector<1x16xi32> to vector<16xi32>
        %add3A_360 = arith.addi %mul3A_354, %get3A_359 : vector<16xi32>
        %swap3A_361 = arith.constant 1 : i32
        %swap3A_362 = arith.index_cast %swap3A_361 : i32 to index
        %swap3A_363 = arith.constant 80 : index
        %swap3A_364 = tpu.vector_load %arg10[%swap3A_362, %swap3A_363] {strides = array<i32>} : memref<2x128xi32, #tpu.memory_space<vmem>>, vector<1x16xi32>,
        %swap3A_365 = vector.shape_cast %swap3A_364 : vector<1x16xi32> to vector<16xi32>
        %swap3A_366 = vector.shape_cast %add3A_360 : vector<16xi32> to vector<1x16xi32>
        tpu.vector_store %arg10[%swap3A_362, %swap3A_363], %swap3A_366 {strides = array<i32>} : memref<2x128xi32, #tpu.memory_space<vmem>>, vector<1x16xi32>,
        %get3A_367 = arith.constant 1 : i32
        %get3A_368 = arith.index_cast %get3A_367 : i32 to index
        %get3A_369 = arith.constant 96 : index
        %get3A_370 = tpu.vector_load %arg9[%get3A_368, %get3A_369] {strides = array<i32>} : memref<2x128xi32, #tpu.memory_space<vmem>>, vector<1x16xi32>,
        %get3A_371 = vector.shape_cast %get3A_370 : vector<1x16xi32> to vector<16xi32>
        %mul3A_372 = arith.constant 12000 : i32
        %mul3A_373 = vector.broadcast %mul3A_372 : i32 to vector<16xi32>
        %mul3A_374 = arith.muli %get3A_371, %mul3A_373 : vector<16xi32>
        %get3A_375 = arith.constant 1 : i32
        %get3A_376 = arith.index_cast %get3A_375 : i32 to index
        %get3A_377 = arith.constant 96 : index
        %get3A_378 = tpu.vector_load %arg8[%get3A_376, %get3A_377] {strides = array<i32>} : memref<2x128xi32, #tpu.memory_space<vmem>>, vector<1x16xi32>,
        %get3A_379 = vector.shape_cast %get3A_378 : vector<1x16xi32> to vector<16xi32>
        %add3A_380 = arith.addi %mul3A_374, %get3A_379 : vector<16xi32>
        %swap3A_381 = arith.constant 1 : i32
        %swap3A_382 = arith.index_cast %swap3A_381 : i32 to index
        %swap3A_383 = arith.constant 96 : index
        %swap3A_384 = tpu.vector_load %arg10[%swap3A_382, %swap3A_383] {strides = array<i32>} : memref<2x128xi32, #tpu.memory_space<vmem>>, vector<1x16xi32>,
        %swap3A_385 = vector.shape_cast %swap3A_384 : vector<1x16xi32> to vector<16xi32>
        %swap3A_386 = vector.shape_cast %add3A_380 : vector<16xi32> to vector<1x16xi32>
        tpu.vector_store %arg10[%swap3A_382, %swap3A_383], %swap3A_386 {strides = array<i32>} : memref<2x128xi32, #tpu.memory_space<vmem>>, vector<1x16xi32>,
        %get3A_387 = arith.constant 1 : i32
        %get3A_388 = arith.index_cast %get3A_387 : i32 to index
        %get3A_389 = arith.constant 112 : index
        %get3A_390 = tpu.vector_load %arg9[%get3A_388, %get3A_389] {strides = array<i32>} : memref<2x128xi32, #tpu.memory_space<vmem>>, vector<1x16xi32>,
        %get3A_391 = vector.shape_cast %get3A_390 : vector<1x16xi32> to vector<16xi32>
        %mul3A_392 = arith.constant 12000 : i32
        %mul3A_393 = vector.broadcast %mul3A_392 : i32 to vector<16xi32>
        %mul3A_394 = arith.muli %get3A_391, %mul3A_393 : vector<16xi32>
        %get3A_395 = arith.constant 1 : i32
        %get3A_396 = arith.index_cast %get3A_395 : i32 to index
        %get3A_397 = arith.constant 112 : index
        %get3A_398 = tpu.vector_load %arg8[%get3A_396, %get3A_397] {strides = array<i32>} : memref<2x128xi32, #tpu.memory_space<vmem>>, vector<1x16xi32>,
        %get3A_399 = vector.shape_cast %get3A_398 : vector<1x16xi32> to vector<16xi32>
        %add3A_400 = arith.addi %mul3A_394, %get3A_399 : vector<16xi32>
        %swap3A_401 = arith.constant 1 : i32
        %swap3A_402 = arith.index_cast %swap3A_401 : i32 to index
        %swap3A_403 = arith.constant 112 : index
        %swap3A_404 = tpu.vector_load %arg10[%swap3A_402, %swap3A_403] {strides = array<i32>} : memref<2x128xi32, #tpu.memory_space<vmem>>, vector<1x16xi32>,
        %swap3A_405 = vector.shape_cast %swap3A_404 : vector<1x16xi32> to vector<16xi32>
        %swap3A_406 = vector.shape_cast %add3A_400 : vector<16xi32> to vector<1x16xi32>
        tpu.vector_store %arg10[%swap3A_402, %swap3A_403], %swap3A_406 {strides = array<i32>} : memref<2x128xi32, #tpu.memory_space<vmem>>, vector<1x16xi32>,
        %dma_start3A_407 = arith.constant 1 : i32
        %dma_start3A_408 = arith.constant 1 : i32
        %dma_start3A_409 = arith.constant 0 : i32
        %dma_start3A_410 = arith.constant 0 : i32
        %dma_start3A_411 = tpu.memref_slice %arg12[%dma_start3A_408, %dma_start3A_409, %dma_start3A_410] : memref<2x128x128xf32, #tpu.memory_space<vmem>> -> memref<1x128x128xf32, #tpu.memory_space<vmem>>
        %dma_start3A_412 = tpu.memref_squeeze %dma_start3A_411 : memref<1x128x128xf32, #tpu.memory_space<vmem>> -> memref<128x128xf32, #tpu.memory_space<vmem>>
        %dma_start3A_413 = arith.constant 0 : i32
        %dma_start3A_414 = tpu.memref_slice %arg10[%dma_start3A_407, %dma_start3A_413] : memref<2x128xi32, #tpu.memory_space<vmem>> -> memref<1x128xi32, #tpu.memory_space<vmem>>
        %dma_start3A_415 = tpu.memref_squeeze %dma_start3A_414 : memref<1x128xi32, #tpu.memory_space<vmem>> -> memref<128xi32, #tpu.memory_space<vmem>>
        %dma_start3A_416 = arith.constant 0 : i32
        %dma_start3A_417 = arith.constant 0 : i32
        %dma_start3A_418 = tpu.memref_slice %arg2[%dma_start3A_416, %dma_start3A_417] : memref<96000x128xf32, #tpu.memory_space<hbm>> -> memref<96000x128xf32, #tpu.memory_space<hbm>>
        tpu.enqueue_indirect_dma source(%dma_start3A_418 : memref<96000x128xf32, #tpu.memory_space<hbm>>) target(%dma_start3A_412 : memref<128x128xf32, #tpu.memory_space<vmem>>) offsets(%dma_start3A_415 : memref<128xi32, #tpu.memory_space<vmem>>) semaphore(%arg15 : memref<!tpu.dma_semaphore, #tpu.memory_space<semaphore_mem>>)
      } else {
      }
      %dma_wait3A = arith.constant 0 : i32
      %dma_wait3A_201 = arith.constant 0 : i32
      %dma_wait3A_202 = arith.constant 0 : i32
      %dma_wait3A_203 = arith.constant 0 : i32
      %dma_wait3A_204 = tpu.memref_slice %arg12[%dma_wait3A_201, %dma_wait3A_202, %dma_wait3A_203] : memref<2x128x128xf32, #tpu.memory_space<vmem>> -> memref<1x128x128xf32, #tpu.memory_space<vmem>>
      %dma_wait3A_205 = tpu.memref_squeeze %dma_wait3A_204 : memref<1x128x128xf32, #tpu.memory_space<vmem>> -> memref<128x128xf32, #tpu.memory_space<vmem>>
      %dma_wait3A_206 = arith.constant 0 : i32
      %dma_wait3A_207 = tpu.memref_slice %arg10[%dma_wait3A, %dma_wait3A_206] : memref<2x128xi32, #tpu.memory_space<vmem>> -> memref<1x128xi32, #tpu.memory_space<vmem>>
      %dma_wait3A_208 = tpu.memref_squeeze %dma_wait3A_207 : memref<1x128xi32, #tpu.memory_space<vmem>> -> memref<128xi32, #tpu.memory_space<vmem>>
      %dma_wait3A_209 = arith.constant 0 : i32
      %dma_wait3A_210 = arith.constant 0 : i32
      %dma_wait3A_211 = tpu.memref_slice %arg2[%dma_wait3A_209, %dma_wait3A_210] : memref<96000x128xf32, #tpu.memory_space<hbm>> -> memref<96000x128xf32, #tpu.memory_space<hbm>>
      tpu.wait_indirect_dma semaphore(%arg14 : memref<!tpu.dma_semaphore, #tpu.memory_space<semaphore_mem>>) src(%dma_wait3A_211 : memref<96000x128xf32, #tpu.memory_space<hbm>>) dst(%dma_wait3A_205 : memref<128x128xf32, #tpu.memory_space<vmem>>)
      %run_scoped3A_212 = arith.constant 0 : i32
      %run_scoped3A_213 = arith.constant 0 : i32
      "tpu.region"() ({
        %run_scoped3A_237 = tpu.sem_alloc : memref<!tpu.dma_semaphore, #tpu.memory_space<semaphore_mem>>
        %dma_start3A_238 = arith.constant 0 : i32
        %dma_start3A_239 = arith.constant 0 : i32
        %dma_start3A_240 = tpu.memref_slice %arg12[%run_scoped3A_212, %dma_start3A_238, %dma_start3A_239] : memref<2x128x128xf32, #tpu.memory_space<vmem>> -> memref<1x128x128xf32, #tpu.memory_space<vmem>>
        %dma_start3A_241 = tpu.memref_squeeze %dma_start3A_240 : memref<1x128x128xf32, #tpu.memory_space<vmem>> -> memref<128x128xf32, #tpu.memory_space<vmem>>
        %dma_start3A_242 = arith.constant 0 : i32
        %dma_start3A_243 = tpu.memref_slice %arg11[%run_scoped3A_213, %dma_start3A_242] : memref<2x128xi32, #tpu.memory_space<vmem>> -> memref<1x128xi32, #tpu.memory_space<vmem>>
        %dma_start3A_244 = tpu.memref_squeeze %dma_start3A_243 : memref<1x128xi32, #tpu.memory_space<vmem>> -> memref<128xi32, #tpu.memory_space<vmem>>
        %dma_start3A_245 = arith.constant 0 : i32
        %dma_start3A_246 = arith.constant 0 : i32
        %dma_start3A_247 = tpu.memref_slice %arg13[%dma_start3A_245, %dma_start3A_246] : memref<10112x128xf32, #tpu.memory_space<vmem_shared>> -> memref<10112x128xf32, #tpu.memory_space<vmem_shared>>
        tpu.enqueue_indirect_dma source(%dma_start3A_241 : memref<128x128xf32, #tpu.memory_space<vmem>>) target(%dma_start3A_247 : memref<10112x128xf32, #tpu.memory_space<vmem_shared>>) offsets(%dma_start3A_244 : memref<128xi32, #tpu.memory_space<vmem>>) semaphore(%run_scoped3A_237 : memref<!tpu.dma_semaphore, #tpu.memory_space<semaphore_mem>>) {add = true}
        %dma_wait3A_248 = arith.constant 0 : i32
        %dma_wait3A_249 = arith.constant 0 : i32
        %dma_wait3A_250 = tpu.memref_slice %arg12[%run_scoped3A_212, %dma_wait3A_248, %dma_wait3A_249] : memref<2x128x128xf32, #tpu.memory_space<vmem>> -> memref<1x128x128xf32, #tpu.memory_space<vmem>>
        %dma_wait3A_251 = tpu.memref_squeeze %dma_wait3A_250 : memref<1x128x128xf32, #tpu.memory_space<vmem>> -> memref<128x128xf32, #tpu.memory_space<vmem>>
        %dma_wait3A_252 = arith.constant 0 : i32
        %dma_wait3A_253 = tpu.memref_slice %arg11[%run_scoped3A_213, %dma_wait3A_252] : memref<2x128xi32, #tpu.memory_space<vmem>> -> memref<1x128xi32, #tpu.memory_space<vmem>>
        %dma_wait3A_254 = tpu.memref_squeeze %dma_wait3A_253 : memref<1x128xi32, #tpu.memory_space<vmem>> -> memref<128xi32, #tpu.memory_space<vmem>>
        %dma_wait3A_255 = arith.constant 0 : i32
        %dma_wait3A_256 = arith.constant 0 : i32
        %dma_wait3A_257 = tpu.memref_slice %arg13[%dma_wait3A_255, %dma_wait3A_256] : memref<10112x128xf32, #tpu.memory_space<vmem_shared>> -> memref<10112x128xf32, #tpu.memory_space<vmem_shared>>
        tpu.wait_indirect_dma semaphore(%run_scoped3A_237 : memref<!tpu.dma_semaphore, #tpu.memory_space<semaphore_mem>>) src(%dma_wait3A_251 : memref<128x128xf32, #tpu.memory_space<vmem>>) dst(%dma_wait3A_257 : memref<10112x128xf32, #tpu.memory_space<vmem_shared>>)
        tpu.yield
      }) : () -> ()
      %add3A_214 = arith.constant 1 : i32
      %add3A_215 = arith.addi %mul3A_194, %add3A_214 : i32
      %add3A_216 = arith.constant 1 : i32
      %add3A_217 = arith.addi %add3A_215, %add3A_216 : i32
      %lt3A_218 = arith.constant 80 : i32
      %lt3A_219 = arith.cmpi slt, %add3A_217, %lt3A_218 : i32
      %convert_element_type3A_220 = arith.extui %lt3A_219 : i1 to i32
      %cond3A_221 = arith.constant 0 : i32
      %cond3A_222 = arith.cmpi ne, %convert_element_type3A_220, %cond3A_221 : i32
      scf.if %cond3A_222 {
        %add3A_237 = arith.constant 1 : i32
        %add3A_238 = arith.addi %add3A_215, %add3A_237 : i32
        %mul3A_239 = arith.constant 80 : i32
        %mul3A_240 = arith.muli %add3A, %mul3A_239 : i32
        %add3A_241 = arith.addi %mul3A_240, %add3A_238 : i32
        %mul3A_242 = arith.constant 128 : i32
        %mul3A_243 = arith.muli %add3A_241, %mul3A_242 : i32
        %run_scoped3A_244 = arith.constant 0 : i32
        "tpu.region"() ({
          %run_scoped3A_419 = tpu.sem_alloc : memref<!tpu.dma_semaphore, #tpu.memory_space<semaphore_mem>>
          %dma_start3A_420 = arith.constant 0 : i32
          %dma_start3A_421 = tpu.memref_slice %arg8[%run_scoped3A_244, %dma_start3A_420] : memref<2x128xi32, #tpu.memory_space<vmem>> -> memref<1x128xi32, #tpu.memory_space<vmem>>
          %dma_start3A_422 = tpu.memref_squeeze %dma_start3A_421 : memref<1x128xi32, #tpu.memory_space<vmem>> -> memref<128xi32, #tpu.memory_space<vmem>>
          %dma_start3A_423 = tpu.memref_slice %arg3[%mul3A_243] : memref<327680xi32, #tpu.memory_space<hbm>> -> memref<128xi32, #tpu.memory_space<hbm>>
          %dma_start3A_424 = arith.constant 0 : i32
          %dma_start3A_425 = tpu.memref_slice %arg8[%run_scoped3A_244, %dma_start3A_424] : memref<2x128xi32, #tpu.memory_space<vmem>> -> memref<1x128xi32, #tpu.memory_space<vmem>>
          %dma_start3A_426 = tpu.memref_squeeze %dma_start3A_425 : memref<1x128xi32, #tpu.memory_space<vmem>> -> memref<128xi32, #tpu.memory_space<vmem>>
          %dma_start3A_427 = tpu.memref_slice %arg3[%mul3A_243] : memref<327680xi32, #tpu.memory_space<hbm>> -> memref<128xi32, #tpu.memory_space<hbm>>
          tpu.enqueue_dma source(%dma_start3A_427 : memref<128xi32, #tpu.memory_space<hbm>>) target(%dma_start3A_426 : memref<128xi32, #tpu.memory_space<vmem>>) target_semaphore(%run_scoped3A_419 : memref<!tpu.dma_semaphore, #tpu.memory_space<semaphore_mem>>)
          %dma_wait3A_428 = arith.constant 0 : i32
          %dma_wait3A_429 = tpu.memref_slice %arg8[%run_scoped3A_244, %dma_wait3A_428] : memref<2x128xi32, #tpu.memory_space<vmem>> -> memref<1x128xi32, #tpu.memory_space<vmem>>
          %dma_wait3A_430 = tpu.memref_squeeze %dma_wait3A_429 : memref<1x128xi32, #tpu.memory_space<vmem>> -> memref<128xi32, #tpu.memory_space<vmem>>
          %dma_wait3A_431 = tpu.memref_slice %arg3[%mul3A_243] : memref<327680xi32, #tpu.memory_space<hbm>> -> memref<128xi32, #tpu.memory_space<hbm>>
          %dma_wait3A_432 = arith.constant 0 : i32
          %dma_wait3A_433 = tpu.memref_slice %arg8[%run_scoped3A_244, %dma_wait3A_432] : memref<2x128xi32, #tpu.memory_space<vmem>> -> memref<1x128xi32, #tpu.memory_space<vmem>>
          %dma_wait3A_434 = tpu.memref_squeeze %dma_wait3A_433 : memref<1x128xi32, #tpu.memory_space<vmem>> -> memref<128xi32, #tpu.memory_space<vmem>>
          %dma_wait3A_435 = tpu.memref_slice %arg3[%mul3A_243] : memref<327680xi32, #tpu.memory_space<hbm>> -> memref<128xi32, #tpu.memory_space<hbm>>
          tpu.wait_dma2 semaphore(%run_scoped3A_419 : memref<!tpu.dma_semaphore, #tpu.memory_space<semaphore_mem>>) src(%dma_wait3A_435 : memref<128xi32, #tpu.memory_space<hbm>>) dst(%dma_wait3A_434 : memref<128xi32, #tpu.memory_space<vmem>>)
          tpu.yield
        }) : () -> ()
        %run_scoped3A_245 = arith.constant 0 : i32
        "tpu.region"() ({
          %run_scoped3A_419 = tpu.sem_alloc : memref<!tpu.dma_semaphore, #tpu.memory_space<semaphore_mem>>
          %dma_start3A_420 = arith.constant 0 : i32
          %dma_start3A_421 = tpu.memref_slice %arg9[%run_scoped3A_245, %dma_start3A_420] : memref<2x128xi32, #tpu.memory_space<vmem>> -> memref<1x128xi32, #tpu.memory_space<vmem>>
          %dma_start3A_422 = tpu.memref_squeeze %dma_start3A_421 : memref<1x128xi32, #tpu.memory_space<vmem>> -> memref<128xi32, #tpu.memory_space<vmem>>
          %dma_start3A_423 = tpu.memref_slice %arg4[%mul3A_243] : memref<327680xi32, #tpu.memory_space<hbm>> -> memref<128xi32, #tpu.memory_space<hbm>>
          %dma_start3A_424 = arith.constant 0 : i32
          %dma_start3A_425 = tpu.memref_slice %arg9[%run_scoped3A_245, %dma_start3A_424] : memref<2x128xi32, #tpu.memory_space<vmem>> -> memref<1x128xi32, #tpu.memory_space<vmem>>
          %dma_start3A_426 = tpu.memref_squeeze %dma_start3A_425 : memref<1x128xi32, #tpu.memory_space<vmem>> -> memref<128xi32, #tpu.memory_space<vmem>>
          %dma_start3A_427 = tpu.memref_slice %arg4[%mul3A_243] : memref<327680xi32, #tpu.memory_space<hbm>> -> memref<128xi32, #tpu.memory_space<hbm>>
          tpu.enqueue_dma source(%dma_start3A_427 : memref<128xi32, #tpu.memory_space<hbm>>) target(%dma_start3A_426 : memref<128xi32, #tpu.memory_space<vmem>>) target_semaphore(%run_scoped3A_419 : memref<!tpu.dma_semaphore, #tpu.memory_space<semaphore_mem>>)
          %dma_wait3A_428 = arith.constant 0 : i32
          %dma_wait3A_429 = tpu.memref_slice %arg9[%run_scoped3A_245, %dma_wait3A_428] : memref<2x128xi32, #tpu.memory_space<vmem>> -> memref<1x128xi32, #tpu.memory_space<vmem>>
          %dma_wait3A_430 = tpu.memref_squeeze %dma_wait3A_429 : memref<1x128xi32, #tpu.memory_space<vmem>> -> memref<128xi32, #tpu.memory_space<vmem>>
          %dma_wait3A_431 = tpu.memref_slice %arg4[%mul3A_243] : memref<327680xi32, #tpu.memory_space<hbm>> -> memref<128xi32, #tpu.memory_space<hbm>>
          %dma_wait3A_432 = arith.constant 0 : i32
          %dma_wait3A_433 = tpu.memref_slice %arg9[%run_scoped3A_245, %dma_wait3A_432] : memref<2x128xi32, #tpu.memory_space<vmem>> -> memref<1x128xi32, #tpu.memory_space<vmem>>
          %dma_wait3A_434 = tpu.memref_squeeze %dma_wait3A_433 : memref<1x128xi32, #tpu.memory_space<vmem>> -> memref<128xi32, #tpu.memory_space<vmem>>
          %dma_wait3A_435 = tpu.memref_slice %arg4[%mul3A_243] : memref<327680xi32, #tpu.memory_space<hbm>> -> memref<128xi32, #tpu.memory_space<hbm>>
          tpu.wait_dma2 semaphore(%run_scoped3A_419 : memref<!tpu.dma_semaphore, #tpu.memory_space<semaphore_mem>>) src(%dma_wait3A_435 : memref<128xi32, #tpu.memory_space<hbm>>) dst(%dma_wait3A_434 : memref<128xi32, #tpu.memory_space<vmem>>)
          tpu.yield
        }) : () -> ()
        %run_scoped3A_246 = arith.constant 0 : i32
        "tpu.region"() ({
          %run_scoped3A_419 = tpu.sem_alloc : memref<!tpu.dma_semaphore, #tpu.memory_space<semaphore_mem>>
          %dma_start3A_420 = arith.constant 0 : i32
          %dma_start3A_421 = tpu.memref_slice %arg11[%run_scoped3A_246, %dma_start3A_420] : memref<2x128xi32, #tpu.memory_space<vmem>> -> memref<1x128xi32, #tpu.memory_space<vmem>>
          %dma_start3A_422 = tpu.memref_squeeze %dma_start3A_421 : memref<1x128xi32, #tpu.memory_space<vmem>> -> memref<128xi32, #tpu.memory_space<vmem>>
          %dma_start3A_423 = tpu.memref_slice %arg5[%mul3A_243] : memref<327680xi32, #tpu.memory_space<hbm>> -> memref<128xi32, #tpu.memory_space<hbm>>
          %dma_start3A_424 = arith.constant 0 : i32
          %dma_start3A_425 = tpu.memref_slice %arg11[%run_scoped3A_246, %dma_start3A_424] : memref<2x128xi32, #tpu.memory_space<vmem>> -> memref<1x128xi32, #tpu.memory_space<vmem>>
          %dma_start3A_426 = tpu.memref_squeeze %dma_start3A_425 : memref<1x128xi32, #tpu.memory_space<vmem>> -> memref<128xi32, #tpu.memory_space<vmem>>
          %dma_start3A_427 = tpu.memref_slice %arg5[%mul3A_243] : memref<327680xi32, #tpu.memory_space<hbm>> -> memref<128xi32, #tpu.memory_space<hbm>>
          tpu.enqueue_dma source(%dma_start3A_427 : memref<128xi32, #tpu.memory_space<hbm>>) target(%dma_start3A_426 : memref<128xi32, #tpu.memory_space<vmem>>) target_semaphore(%run_scoped3A_419 : memref<!tpu.dma_semaphore, #tpu.memory_space<semaphore_mem>>)
          %dma_wait3A_428 = arith.constant 0 : i32
          %dma_wait3A_429 = tpu.memref_slice %arg11[%run_scoped3A_246, %dma_wait3A_428] : memref<2x128xi32, #tpu.memory_space<vmem>> -> memref<1x128xi32, #tpu.memory_space<vmem>>
          %dma_wait3A_430 = tpu.memref_squeeze %dma_wait3A_429 : memref<1x128xi32, #tpu.memory_space<vmem>> -> memref<128xi32, #tpu.memory_space<vmem>>
          %dma_wait3A_431 = tpu.memref_slice %arg5[%mul3A_243] : memref<327680xi32, #tpu.memory_space<hbm>> -> memref<128xi32, #tpu.memory_space<hbm>>
          %dma_wait3A_432 = arith.constant 0 : i32
          %dma_wait3A_433 = tpu.memref_slice %arg11[%run_scoped3A_246, %dma_wait3A_432] : memref<2x128xi32, #tpu.memory_space<vmem>> -> memref<1x128xi32, #tpu.memory_space<vmem>>
          %dma_wait3A_434 = tpu.memref_squeeze %dma_wait3A_433 : memref<1x128xi32, #tpu.memory_space<vmem>> -> memref<128xi32, #tpu.memory_space<vmem>>
          %dma_wait3A_435 = tpu.memref_slice %arg5[%mul3A_243] : memref<327680xi32, #tpu.memory_space<hbm>> -> memref<128xi32, #tpu.memory_space<hbm>>
          tpu.wait_dma2 semaphore(%run_scoped3A_419 : memref<!tpu.dma_semaphore, #tpu.memory_space<semaphore_mem>>) src(%dma_wait3A_435 : memref<128xi32, #tpu.memory_space<hbm>>) dst(%dma_wait3A_434 : memref<128xi32, #tpu.memory_space<vmem>>)
          tpu.yield
        }) : () -> ()
        %get3A_247 = arith.constant 0 : i32
        %get3A_248 = arith.index_cast %get3A_247 : i32 to index
        %get3A_249 = arith.constant 0 : index
        %get3A_250 = tpu.vector_load %arg9[%get3A_248, %get3A_249] {strides = array<i32>} : memref<2x128xi32, #tpu.memory_space<vmem>>, vector<1x16xi32>,
        %get3A_251 = vector.shape_cast %get3A_250 : vector<1x16xi32> to vector<16xi32>
        %mul3A_252 = arith.constant 12000 : i32
        %mul3A_253 = vector.broadcast %mul3A_252 : i32 to vector<16xi32>
        %mul3A_254 = arith.muli %get3A_251, %mul3A_253 : vector<16xi32>
        %get3A_255 = arith.constant 0 : i32
        %get3A_256 = arith.index_cast %get3A_255 : i32 to index
        %get3A_257 = arith.constant 0 : index
        %get3A_258 = tpu.vector_load %arg8[%get3A_256, %get3A_257] {strides = array<i32>} : memref<2x128xi32, #tpu.memory_space<vmem>>, vector<1x16xi32>,
        %get3A_259 = vector.shape_cast %get3A_258 : vector<1x16xi32> to vector<16xi32>
        %add3A_260 = arith.addi %mul3A_254, %get3A_259 : vector<16xi32>
        %swap3A_261 = arith.constant 0 : i32
        %swap3A_262 = arith.index_cast %swap3A_261 : i32 to index
        %swap3A_263 = arith.constant 0 : index
        %swap3A_264 = tpu.vector_load %arg10[%swap3A_262, %swap3A_263] {strides = array<i32>} : memref<2x128xi32, #tpu.memory_space<vmem>>, vector<1x16xi32>,
        %swap3A_265 = vector.shape_cast %swap3A_264 : vector<1x16xi32> to vector<16xi32>
        %swap3A_266 = vector.shape_cast %add3A_260 : vector<16xi32> to vector<1x16xi32>
        tpu.vector_store %arg10[%swap3A_262, %swap3A_263], %swap3A_266 {strides = array<i32>} : memref<2x128xi32, #tpu.memory_space<vmem>>, vector<1x16xi32>,
        %get3A_267 = arith.constant 0 : i32
        %get3A_268 = arith.index_cast %get3A_267 : i32 to index
        %get3A_269 = arith.constant 16 : index
        %get3A_270 = tpu.vector_load %arg9[%get3A_268, %get3A_269] {strides = array<i32>} : memref<2x128xi32, #tpu.memory_space<vmem>>, vector<1x16xi32>,
        %get3A_271 = vector.shape_cast %get3A_270 : vector<1x16xi32> to vector<16xi32>
        %mul3A_272 = arith.constant 12000 : i32
        %mul3A_273 = vector.broadcast %mul3A_272 : i32 to vector<16xi32>
        %mul3A_274 = arith.muli %get3A_271, %mul3A_273 : vector<16xi32>
        %get3A_275 = arith.constant 0 : i32
        %get3A_276 = arith.index_cast %get3A_275 : i32 to index
        %get3A_277 = arith.constant 16 : index
        %get3A_278 = tpu.vector_load %arg8[%get3A_276, %get3A_277] {strides = array<i32>} : memref<2x128xi32, #tpu.memory_space<vmem>>, vector<1x16xi32>,
        %get3A_279 = vector.shape_cast %get3A_278 : vector<1x16xi32> to vector<16xi32>
        %add3A_280 = arith.addi %mul3A_274, %get3A_279 : vector<16xi32>
        %swap3A_281 = arith.constant 0 : i32
        %swap3A_282 = arith.index_cast %swap3A_281 : i32 to index
        %swap3A_283 = arith.constant 16 : index
        %swap3A_284 = tpu.vector_load %arg10[%swap3A_282, %swap3A_283] {strides = array<i32>} : memref<2x128xi32, #tpu.memory_space<vmem>>, vector<1x16xi32>,
        %swap3A_285 = vector.shape_cast %swap3A_284 : vector<1x16xi32> to vector<16xi32>
        %swap3A_286 = vector.shape_cast %add3A_280 : vector<16xi32> to vector<1x16xi32>
        tpu.vector_store %arg10[%swap3A_282, %swap3A_283], %swap3A_286 {strides = array<i32>} : memref<2x128xi32, #tpu.memory_space<vmem>>, vector<1x16xi32>,
        %get3A_287 = arith.constant 0 : i32
        %get3A_288 = arith.index_cast %get3A_287 : i32 to index
        %get3A_289 = arith.constant 32 : index
        %get3A_290 = tpu.vector_load %arg9[%get3A_288, %get3A_289] {strides = array<i32>} : memref<2x128xi32, #tpu.memory_space<vmem>>, vector<1x16xi32>,
        %get3A_291 = vector.shape_cast %get3A_290 : vector<1x16xi32> to vector<16xi32>
        %mul3A_292 = arith.constant 12000 : i32
        %mul3A_293 = vector.broadcast %mul3A_292 : i32 to vector<16xi32>
        %mul3A_294 = arith.muli %get3A_291, %mul3A_293 : vector<16xi32>
        %get3A_295 = arith.constant 0 : i32
        %get3A_296 = arith.index_cast %get3A_295 : i32 to index
        %get3A_297 = arith.constant 32 : index
        %get3A_298 = tpu.vector_load %arg8[%get3A_296, %get3A_297] {strides = array<i32>} : memref<2x128xi32, #tpu.memory_space<vmem>>, vector<1x16xi32>,
        %get3A_299 = vector.shape_cast %get3A_298 : vector<1x16xi32> to vector<16xi32>
        %add3A_300 = arith.addi %mul3A_294, %get3A_299 : vector<16xi32>
        %swap3A_301 = arith.constant 0 : i32
        %swap3A_302 = arith.index_cast %swap3A_301 : i32 to index
        %swap3A_303 = arith.constant 32 : index
        %swap3A_304 = tpu.vector_load %arg10[%swap3A_302, %swap3A_303] {strides = array<i32>} : memref<2x128xi32, #tpu.memory_space<vmem>>, vector<1x16xi32>,
        %swap3A_305 = vector.shape_cast %swap3A_304 : vector<1x16xi32> to vector<16xi32>
        %swap3A_306 = vector.shape_cast %add3A_300 : vector<16xi32> to vector<1x16xi32>
        tpu.vector_store %arg10[%swap3A_302, %swap3A_303], %swap3A_306 {strides = array<i32>} : memref<2x128xi32, #tpu.memory_space<vmem>>, vector<1x16xi32>,
        %get3A_307 = arith.constant 0 : i32
        %get3A_308 = arith.index_cast %get3A_307 : i32 to index
        %get3A_309 = arith.constant 48 : index
        %get3A_310 = tpu.vector_load %arg9[%get3A_308, %get3A_309] {strides = array<i32>} : memref<2x128xi32, #tpu.memory_space<vmem>>, vector<1x16xi32>,
        %get3A_311 = vector.shape_cast %get3A_310 : vector<1x16xi32> to vector<16xi32>
        %mul3A_312 = arith.constant 12000 : i32
        %mul3A_313 = vector.broadcast %mul3A_312 : i32 to vector<16xi32>
        %mul3A_314 = arith.muli %get3A_311, %mul3A_313 : vector<16xi32>
        %get3A_315 = arith.constant 0 : i32
        %get3A_316 = arith.index_cast %get3A_315 : i32 to index
        %get3A_317 = arith.constant 48 : index
        %get3A_318 = tpu.vector_load %arg8[%get3A_316, %get3A_317] {strides = array<i32>} : memref<2x128xi32, #tpu.memory_space<vmem>>, vector<1x16xi32>,
        %get3A_319 = vector.shape_cast %get3A_318 : vector<1x16xi32> to vector<16xi32>
        %add3A_320 = arith.addi %mul3A_314, %get3A_319 : vector<16xi32>
        %swap3A_321 = arith.constant 0 : i32
        %swap3A_322 = arith.index_cast %swap3A_321 : i32 to index
        %swap3A_323 = arith.constant 48 : index
        %swap3A_324 = tpu.vector_load %arg10[%swap3A_322, %swap3A_323] {strides = array<i32>} : memref<2x128xi32, #tpu.memory_space<vmem>>, vector<1x16xi32>,
        %swap3A_325 = vector.shape_cast %swap3A_324 : vector<1x16xi32> to vector<16xi32>
        %swap3A_326 = vector.shape_cast %add3A_320 : vector<16xi32> to vector<1x16xi32>
        tpu.vector_store %arg10[%swap3A_322, %swap3A_323], %swap3A_326 {strides = array<i32>} : memref<2x128xi32, #tpu.memory_space<vmem>>, vector<1x16xi32>,
        %get3A_327 = arith.constant 0 : i32
        %get3A_328 = arith.index_cast %get3A_327 : i32 to index
        %get3A_329 = arith.constant 64 : index
        %get3A_330 = tpu.vector_load %arg9[%get3A_328, %get3A_329] {strides = array<i32>} : memref<2x128xi32, #tpu.memory_space<vmem>>, vector<1x16xi32>,
        %get3A_331 = vector.shape_cast %get3A_330 : vector<1x16xi32> to vector<16xi32>
        %mul3A_332 = arith.constant 12000 : i32
        %mul3A_333 = vector.broadcast %mul3A_332 : i32 to vector<16xi32>
        %mul3A_334 = arith.muli %get3A_331, %mul3A_333 : vector<16xi32>
        %get3A_335 = arith.constant 0 : i32
        %get3A_336 = arith.index_cast %get3A_335 : i32 to index
        %get3A_337 = arith.constant 64 : index
        %get3A_338 = tpu.vector_load %arg8[%get3A_336, %get3A_337] {strides = array<i32>} : memref<2x128xi32, #tpu.memory_space<vmem>>, vector<1x16xi32>,
        %get3A_339 = vector.shape_cast %get3A_338 : vector<1x16xi32> to vector<16xi32>
        %add3A_340 = arith.addi %mul3A_334, %get3A_339 : vector<16xi32>
        %swap3A_341 = arith.constant 0 : i32
        %swap3A_342 = arith.index_cast %swap3A_341 : i32 to index
        %swap3A_343 = arith.constant 64 : index
        %swap3A_344 = tpu.vector_load %arg10[%swap3A_342, %swap3A_343] {strides = array<i32>} : memref<2x128xi32, #tpu.memory_space<vmem>>, vector<1x16xi32>,
        %swap3A_345 = vector.shape_cast %swap3A_344 : vector<1x16xi32> to vector<16xi32>
        %swap3A_346 = vector.shape_cast %add3A_340 : vector<16xi32> to vector<1x16xi32>
        tpu.vector_store %arg10[%swap3A_342, %swap3A_343], %swap3A_346 {strides = array<i32>} : memref<2x128xi32, #tpu.memory_space<vmem>>, vector<1x16xi32>,
        %get3A_347 = arith.constant 0 : i32
        %get3A_348 = arith.index_cast %get3A_347 : i32 to index
        %get3A_349 = arith.constant 80 : index
        %get3A_350 = tpu.vector_load %arg9[%get3A_348, %get3A_349] {strides = array<i32>} : memref<2x128xi32, #tpu.memory_space<vmem>>, vector<1x16xi32>,
        %get3A_351 = vector.shape_cast %get3A_350 : vector<1x16xi32> to vector<16xi32>
        %mul3A_352 = arith.constant 12000 : i32
        %mul3A_353 = vector.broadcast %mul3A_352 : i32 to vector<16xi32>
        %mul3A_354 = arith.muli %get3A_351, %mul3A_353 : vector<16xi32>
        %get3A_355 = arith.constant 0 : i32
        %get3A_356 = arith.index_cast %get3A_355 : i32 to index
        %get3A_357 = arith.constant 80 : index
        %get3A_358 = tpu.vector_load %arg8[%get3A_356, %get3A_357] {strides = array<i32>} : memref<2x128xi32, #tpu.memory_space<vmem>>, vector<1x16xi32>,
        %get3A_359 = vector.shape_cast %get3A_358 : vector<1x16xi32> to vector<16xi32>
        %add3A_360 = arith.addi %mul3A_354, %get3A_359 : vector<16xi32>
        %swap3A_361 = arith.constant 0 : i32
        %swap3A_362 = arith.index_cast %swap3A_361 : i32 to index
        %swap3A_363 = arith.constant 80 : index
        %swap3A_364 = tpu.vector_load %arg10[%swap3A_362, %swap3A_363] {strides = array<i32>} : memref<2x128xi32, #tpu.memory_space<vmem>>, vector<1x16xi32>,
        %swap3A_365 = vector.shape_cast %swap3A_364 : vector<1x16xi32> to vector<16xi32>
        %swap3A_366 = vector.shape_cast %add3A_360 : vector<16xi32> to vector<1x16xi32>
        tpu.vector_store %arg10[%swap3A_362, %swap3A_363], %swap3A_366 {strides = array<i32>} : memref<2x128xi32, #tpu.memory_space<vmem>>, vector<1x16xi32>,
        %get3A_367 = arith.constant 0 : i32
        %get3A_368 = arith.index_cast %get3A_367 : i32 to index
        %get3A_369 = arith.constant 96 : index
        %get3A_370 = tpu.vector_load %arg9[%get3A_368, %get3A_369] {strides = array<i32>} : memref<2x128xi32, #tpu.memory_space<vmem>>, vector<1x16xi32>,
        %get3A_371 = vector.shape_cast %get3A_370 : vector<1x16xi32> to vector<16xi32>
        %mul3A_372 = arith.constant 12000 : i32
        %mul3A_373 = vector.broadcast %mul3A_372 : i32 to vector<16xi32>
        %mul3A_374 = arith.muli %get3A_371, %mul3A_373 : vector<16xi32>
        %get3A_375 = arith.constant 0 : i32
        %get3A_376 = arith.index_cast %get3A_375 : i32 to index
        %get3A_377 = arith.constant 96 : index
        %get3A_378 = tpu.vector_load %arg8[%get3A_376, %get3A_377] {strides = array<i32>} : memref<2x128xi32, #tpu.memory_space<vmem>>, vector<1x16xi32>,
        %get3A_379 = vector.shape_cast %get3A_378 : vector<1x16xi32> to vector<16xi32>
        %add3A_380 = arith.addi %mul3A_374, %get3A_379 : vector<16xi32>
        %swap3A_381 = arith.constant 0 : i32
        %swap3A_382 = arith.index_cast %swap3A_381 : i32 to index
        %swap3A_383 = arith.constant 96 : index
        %swap3A_384 = tpu.vector_load %arg10[%swap3A_382, %swap3A_383] {strides = array<i32>} : memref<2x128xi32, #tpu.memory_space<vmem>>, vector<1x16xi32>,
        %swap3A_385 = vector.shape_cast %swap3A_384 : vector<1x16xi32> to vector<16xi32>
        %swap3A_386 = vector.shape_cast %add3A_380 : vector<16xi32> to vector<1x16xi32>
        tpu.vector_store %arg10[%swap3A_382, %swap3A_383], %swap3A_386 {strides = array<i32>} : memref<2x128xi32, #tpu.memory_space<vmem>>, vector<1x16xi32>,
        %get3A_387 = arith.constant 0 : i32
        %get3A_388 = arith.index_cast %get3A_387 : i32 to index
        %get3A_389 = arith.constant 112 : index
        %get3A_390 = tpu.vector_load %arg9[%get3A_388, %get3A_389] {strides = array<i32>} : memref<2x128xi32, #tpu.memory_space<vmem>>, vector<1x16xi32>,
        %get3A_391 = vector.shape_cast %get3A_390 : vector<1x16xi32> to vector<16xi32>
        %mul3A_392 = arith.constant 12000 : i32
        %mul3A_393 = vector.broadcast %mul3A_392 : i32 to vector<16xi32>
        %mul3A_394 = arith.muli %get3A_391, %mul3A_393 : vector<16xi32>
        %get3A_395 = arith.constant 0 : i32
        %get3A_396 = arith.index_cast %get3A_395 : i32 to index
        %get3A_397 = arith.constant 112 : index
        %get3A_398 = tpu.vector_load %arg8[%get3A_396, %get3A_397] {strides = array<i32>} : memref<2x128xi32, #tpu.memory_space<vmem>>, vector<1x16xi32>,
        %get3A_399 = vector.shape_cast %get3A_398 : vector<1x16xi32> to vector<16xi32>
        %add3A_400 = arith.addi %mul3A_394, %get3A_399 : vector<16xi32>
        %swap3A_401 = arith.constant 0 : i32
        %swap3A_402 = arith.index_cast %swap3A_401 : i32 to index
        %swap3A_403 = arith.constant 112 : index
        %swap3A_404 = tpu.vector_load %arg10[%swap3A_402, %swap3A_403] {strides = array<i32>} : memref<2x128xi32, #tpu.memory_space<vmem>>, vector<1x16xi32>,
        %swap3A_405 = vector.shape_cast %swap3A_404 : vector<1x16xi32> to vector<16xi32>
        %swap3A_406 = vector.shape_cast %add3A_400 : vector<16xi32> to vector<1x16xi32>
        tpu.vector_store %arg10[%swap3A_402, %swap3A_403], %swap3A_406 {strides = array<i32>} : memref<2x128xi32, #tpu.memory_space<vmem>>, vector<1x16xi32>,
        %dma_start3A_407 = arith.constant 0 : i32
        %dma_start3A_408 = arith.constant 0 : i32
        %dma_start3A_409 = arith.constant 0 : i32
        %dma_start3A_410 = arith.constant 0 : i32
        %dma_start3A_411 = tpu.memref_slice %arg12[%dma_start3A_408, %dma_start3A_409, %dma_start3A_410] : memref<2x128x128xf32, #tpu.memory_space<vmem>> -> memref<1x128x128xf32, #tpu.memory_space<vmem>>
        %dma_start3A_412 = tpu.memref_squeeze %dma_start3A_411 : memref<1x128x128xf32, #tpu.memory_space<vmem>> -> memref<128x128xf32, #tpu.memory_space<vmem>>
        %dma_start3A_413 = arith.constant 0 : i32
        %dma_start3A_414 = tpu.memref_slice %arg10[%dma_start3A_407, %dma_start3A_413] : memref<2x128xi32, #tpu.memory_space<vmem>> -> memref<1x128xi32, #tpu.memory_space<vmem>>
        %dma_start3A_415 = tpu.memref_squeeze %dma_start3A_414 : memref<1x128xi32, #tpu.memory_space<vmem>> -> memref<128xi32, #tpu.memory_space<vmem>>
        %dma_start3A_416 = arith.constant 0 : i32
        %dma_start3A_417 = arith.constant 0 : i32
        %dma_start3A_418 = tpu.memref_slice %arg2[%dma_start3A_416, %dma_start3A_417] : memref<96000x128xf32, #tpu.memory_space<hbm>> -> memref<96000x128xf32, #tpu.memory_space<hbm>>
        tpu.enqueue_indirect_dma source(%dma_start3A_418 : memref<96000x128xf32, #tpu.memory_space<hbm>>) target(%dma_start3A_412 : memref<128x128xf32, #tpu.memory_space<vmem>>) offsets(%dma_start3A_415 : memref<128xi32, #tpu.memory_space<vmem>>) semaphore(%arg14 : memref<!tpu.dma_semaphore, #tpu.memory_space<semaphore_mem>>)
      } else {
      }
      %dma_wait3A_223 = arith.constant 1 : i32
      %dma_wait3A_224 = arith.constant 1 : i32
      %dma_wait3A_225 = arith.constant 0 : i32
      %dma_wait3A_226 = arith.constant 0 : i32
      %dma_wait3A_227 = tpu.memref_slice %arg12[%dma_wait3A_224, %dma_wait3A_225, %dma_wait3A_226] : memref<2x128x128xf32, #tpu.memory_space<vmem>> -> memref<1x128x128xf32, #tpu.memory_space<vmem>>
      %dma_wait3A_228 = tpu.memref_squeeze %dma_wait3A_227 : memref<1x128x128xf32, #tpu.memory_space<vmem>> -> memref<128x128xf32, #tpu.memory_space<vmem>>
      %dma_wait3A_229 = arith.constant 0 : i32
      %dma_wait3A_230 = tpu.memref_slice %arg10[%dma_wait3A_223, %dma_wait3A_229] : memref<2x128xi32, #tpu.memory_space<vmem>> -> memref<1x128xi32, #tpu.memory_space<vmem>>
      %dma_wait3A_231 = tpu.memref_squeeze %dma_wait3A_230 : memref<1x128xi32, #tpu.memory_space<vmem>> -> memref<128xi32, #tpu.memory_space<vmem>>
      %dma_wait3A_232 = arith.constant 0 : i32
      %dma_wait3A_233 = arith.constant 0 : i32
      %dma_wait3A_234 = tpu.memref_slice %arg2[%dma_wait3A_232, %dma_wait3A_233] : memref<96000x128xf32, #tpu.memory_space<hbm>> -> memref<96000x128xf32, #tpu.memory_space<hbm>>
      tpu.wait_indirect_dma semaphore(%arg15 : memref<!tpu.dma_semaphore, #tpu.memory_space<semaphore_mem>>) src(%dma_wait3A_234 : memref<96000x128xf32, #tpu.memory_space<hbm>>) dst(%dma_wait3A_228 : memref<128x128xf32, #tpu.memory_space<vmem>>)
      %run_scoped3A_235 = arith.constant 1 : i32
      %run_scoped3A_236 = arith.constant 1 : i32
      "tpu.region"() ({
        %run_scoped3A_237 = tpu.sem_alloc : memref<!tpu.dma_semaphore, #tpu.memory_space<semaphore_mem>>
        %dma_start3A_238 = arith.constant 0 : i32
        %dma_start3A_239 = arith.constant 0 : i32
        %dma_start3A_240 = tpu.memref_slice %arg12[%run_scoped3A_235, %dma_start3A_238, %dma_start3A_239] : memref<2x128x128xf32, #tpu.memory_space<vmem>> -> memref<1x128x128xf32, #tpu.memory_space<vmem>>
        %dma_start3A_241 = tpu.memref_squeeze %dma_start3A_240 : memref<1x128x128xf32, #tpu.memory_space<vmem>> -> memref<128x128xf32, #tpu.memory_space<vmem>>
        %dma_start3A_242 = arith.constant 0 : i32
        %dma_start3A_243 = tpu.memref_slice %arg11[%run_scoped3A_236, %dma_start3A_242] : memref<2x128xi32, #tpu.memory_space<vmem>> -> memref<1x128xi32, #tpu.memory_space<vmem>>
        %dma_start3A_244 = tpu.memref_squeeze %dma_start3A_243 : memref<1x128xi32, #tpu.memory_space<vmem>> -> memref<128xi32, #tpu.memory_space<vmem>>
        %dma_start3A_245 = arith.constant 0 : i32
        %dma_start3A_246 = arith.constant 0 : i32
        %dma_start3A_247 = tpu.memref_slice %arg13[%dma_start3A_245, %dma_start3A_246] : memref<10112x128xf32, #tpu.memory_space<vmem_shared>> -> memref<10112x128xf32, #tpu.memory_space<vmem_shared>>
        tpu.enqueue_indirect_dma source(%dma_start3A_241 : memref<128x128xf32, #tpu.memory_space<vmem>>) target(%dma_start3A_247 : memref<10112x128xf32, #tpu.memory_space<vmem_shared>>) offsets(%dma_start3A_244 : memref<128xi32, #tpu.memory_space<vmem>>) semaphore(%run_scoped3A_237 : memref<!tpu.dma_semaphore, #tpu.memory_space<semaphore_mem>>) {add = true}
        %dma_wait3A_248 = arith.constant 0 : i32
        %dma_wait3A_249 = arith.constant 0 : i32
        %dma_wait3A_250 = tpu.memref_slice %arg12[%run_scoped3A_235, %dma_wait3A_248, %dma_wait3A_249] : memref<2x128x128xf32, #tpu.memory_space<vmem>> -> memref<1x128x128xf32, #tpu.memory_space<vmem>>
        %dma_wait3A_251 = tpu.memref_squeeze %dma_wait3A_250 : memref<1x128x128xf32, #tpu.memory_space<vmem>> -> memref<128x128xf32, #tpu.memory_space<vmem>>
        %dma_wait3A_252 = arith.constant 0 : i32
        %dma_wait3A_253 = tpu.memref_slice %arg11[%run_scoped3A_236, %dma_wait3A_252] : memref<2x128xi32, #tpu.memory_space<vmem>> -> memref<1x128xi32, #tpu.memory_space<vmem>>
        %dma_wait3A_254 = tpu.memref_squeeze %dma_wait3A_253 : memref<1x128xi32, #tpu.memory_space<vmem>> -> memref<128xi32, #tpu.memory_space<vmem>>
        %dma_wait3A_255 = arith.constant 0 : i32
        %dma_wait3A_256 = arith.constant 0 : i32
        %dma_wait3A_257 = tpu.memref_slice %arg13[%dma_wait3A_255, %dma_wait3A_256] : memref<10112x128xf32, #tpu.memory_space<vmem_shared>> -> memref<10112x128xf32, #tpu.memory_space<vmem_shared>>
        tpu.wait_indirect_dma semaphore(%run_scoped3A_237 : memref<!tpu.dma_semaphore, #tpu.memory_space<semaphore_mem>>) src(%dma_wait3A_251 : memref<128x128xf32, #tpu.memory_space<vmem>>) dst(%dma_wait3A_257 : memref<10112x128xf32, #tpu.memory_space<vmem_shared>>)
        tpu.yield
      }) : () -> ()
    }
    %scan3A_186 = arith.constant 40 : i32
    %barrier3A_187 = arith.constant 0 : index
    tpu.barrier barrier_id(%barrier3A_187)
    %mul3A_188 = arith.constant 632 : i32
    %mul3A_189 = arith.muli %arg1, %mul3A_188 : i32
    %mul3A_190 = arith.constant 632 : i32
    %mul3A_191 = arith.muli %arg1, %mul3A_190 : i32
    "tpu.region"() ({
      %run_scoped3A_192 = tpu.sem_alloc : memref<!tpu.dma_semaphore, #tpu.memory_space<semaphore_mem>>
      %dma_start3A_193 = arith.constant 0 : i32
      %dma_start3A_194 = tpu.memref_slice %arg7[%arg0, %mul3A_191, %dma_start3A_193] : memref<2x10112x128xf32, #tpu.memory_space<hbm>> -> memref<1x632x128xf32, #tpu.memory_space<hbm>>
      %dma_start3A_195 = tpu.memref_squeeze %dma_start3A_194 : memref<1x632x128xf32, #tpu.memory_space<hbm>> -> memref<632x128xf32, #tpu.memory_space<hbm>>
      %dma_start3A_196 = arith.constant 0 : i32
      %dma_start3A_197 = tpu.memref_slice %arg13[%mul3A_189, %dma_start3A_196] : memref<10112x128xf32, #tpu.memory_space<vmem_shared>> -> memref<632x128xf32, #tpu.memory_space<vmem_shared>>
      tpu.enqueue_dma source(%dma_start3A_197 : memref<632x128xf32, #tpu.memory_space<vmem_shared>>) target(%dma_start3A_195 : memref<632x128xf32, #tpu.memory_space<hbm>>) target_semaphore(%run_scoped3A_192 : memref<!tpu.dma_semaphore, #tpu.memory_space<semaphore_mem>>)
      %dma_wait3A = arith.constant 0 : i32
      %dma_wait3A_198 = tpu.memref_slice %arg7[%arg0, %mul3A_191, %dma_wait3A] : memref<2x10112x128xf32, #tpu.memory_space<hbm>> -> memref<1x632x128xf32, #tpu.memory_space<hbm>>
      %dma_wait3A_199 = tpu.memref_squeeze %dma_wait3A_198 : memref<1x632x128xf32, #tpu.memory_space<hbm>> -> memref<632x128xf32, #tpu.memory_space<hbm>>
      %dma_wait3A_200 = arith.constant 0 : i32
      %dma_wait3A_201 = tpu.memref_slice %arg13[%mul3A_189, %dma_wait3A_200] : memref<10112x128xf32, #tpu.memory_space<vmem_shared>> -> memref<632x128xf32, #tpu.memory_space<vmem_shared>>
      tpu.wait_dma2 semaphore(%run_scoped3A_192 : memref<!tpu.dma_semaphore, #tpu.memory_space<semaphore_mem>>) src(%dma_wait3A_201 : memref<632x128xf32, #tpu.memory_space<vmem_shared>>) dst(%dma_wait3A_199 : memref<632x128xf32, #tpu.memory_space<hbm>>)
      tpu.yield
    }) : () -> ()
    return
  }
}

module attributes {stable_mosaic.version = 14 : i64} {
  func.func @_kt1x_body(%arg0: i32, %arg1: i32, %arg2: memref<2x400x128xf32, #tpu.memory_space<vmem>>, %arg3: memref<1x1x4xf32, #tpu.memory_space<vmem>>, %arg4: memref<4x64x128xf32, #tpu.memory_space<vmem>>, %arg5: memref<400x128xf32, #tpu.memory_space<vmem>>, %arg6: memref<400x128xf32, #tpu.memory_space<vmem>>) attributes {dimension_semantics = [#tpu.dimension_semantics<arbitrary>, #tpu.dimension_semantics<arbitrary>], iteration_bounds = array<i64: 8, 30>, scalar_prefetch = 0 : i64, scratch_operands = 0 : i64, tpu.core_type = #tpu.core_type<tc>, window_params = [{transform_indices = @transform_0, window_bounds = array<i64: 2, 400, 128>}, {transform_indices = @transform_1, window_bounds = array<i64: 1, 1, 4>}, {pipeline_mode = #tpu.pipeline_mode<synchronous>, transform_indices = @transform_2, window_bounds = array<i64: 4, 64, 128>}, {transform_indices = @transform_3, window_bounds = array<i64: 400, 128>}, {transform_indices = @transform_4, window_bounds = array<i64: 400, 128>}]} {
    %get3A = arith.constant 0 : index
    %get3A_0 = arith.constant 0 : index
    %get3A_1 = arith.constant 0 : index
    %get3A_2 = vector.load %arg2[%get3A, %get3A_0, %get3A_1] : memref<2x400x128xf32, #tpu.memory_space<vmem>>, vector<1x400x128xf32>
    %get3A_3 = vector.shape_cast %get3A_2 : vector<1x400x128xf32> to vector<400x128xf32>
    %get3A_4 = arith.constant 1 : index
    %get3A_5 = arith.constant 0 : index
    %get3A_6 = arith.constant 0 : index
    %get3A_7 = vector.load %arg2[%get3A_4, %get3A_5, %get3A_6] : memref<2x400x128xf32, #tpu.memory_space<vmem>>, vector<1x400x128xf32>
    %get3A_8 = vector.shape_cast %get3A_7 : vector<1x400x128xf32> to vector<400x128xf32>
    %add3A = arith.addf %get3A_3, %get3A_8 : vector<400x128xf32>
    %slice3A = vector.extract_strided_slice %add3A {offsets = [0, 64], sizes = [400, 1], strides = [1, 1]} : vector<400x128xf32> to vector<400x1xf32>
    %max3A = arith.constant 1.000000e+00 : f32
    %max3A_9 = vector.broadcast %max3A : f32 to vector<400x1xf32>
    %max3A_10 = arith.maximumf %slice3A, %max3A_9 : vector<400x1xf32>
    %slice3A_11 = vector.extract_strided_slice %add3A {offsets = [0, 0], sizes = [400, 64], strides = [1, 1]} : vector<400x128xf32> to vector<400x64xf32>
    %div3A = vector.broadcast %max3A_10 : vector<400x1xf32> to vector<400x64xf32>
    %div3A_12 = arith.divf %slice3A_11, %div3A : vector<400x64xf32>
    %max3A_13 = arith.constant 0.000000e+00 : f32
    %max3A_14 = vector.broadcast %max3A_13 : f32 to vector<400x64xf32>
    %max3A_15 = arith.maximumf %div3A_12, %max3A_14 : vector<400x64xf32>
    %broadcast_in_dim3A = arith.constant 0.000000e+00 : f32
    %broadcast_in_dim3A_16 = vector.broadcast %broadcast_in_dim3A : f32 to vector<400x64xf32>
    %concatenate3A = tpu.concatenate %max3A_15, %broadcast_in_dim3A_16 in 1 : vector<400x64xf32>, vector<400x64xf32> -> vector<400x128xf32>
    %swap3A = arith.constant 0 : index
    %swap3A_17 = arith.constant 0 : index
    %swap3A_18 = vector.load %arg6[%swap3A, %swap3A_17] : memref<400x128xf32, #tpu.memory_space<vmem>>, vector<400x128xf32>
    tpu.vector_store %arg6[%swap3A, %swap3A_17], %concatenate3A {strides = array<i32>} : memref<400x128xf32, #tpu.memory_space<vmem>>, vector<400x128xf32>,
    %get3A_19 = arith.constant 0 : index
    %get3A_20 = arith.constant 0 : index
    %get3A_21 = arith.constant 0 : index
    %get3A_22 = vector.load %arg4[%get3A_19, %get3A_20, %get3A_21] : memref<4x64x128xf32, #tpu.memory_space<vmem>>, vector<1x64x128xf32>
    %get3A_23 = vector.shape_cast %get3A_22 : vector<1x64x128xf32> to vector<64x128xf32>
    %get3A_24 = arith.constant 0 : index
    %get3A_25 = arith.constant 0 : index
    %get3A_26 = arith.constant 0 : index
    %get3A_27 = vector.load %arg3[%get3A_24, %get3A_25, %get3A_26] : memref<1x1x4xf32, #tpu.memory_space<vmem>>, vector<1x1x1xf32>
    %get3A_28 = vector.extract %get3A_27[0, 0, 0] : f32 from vector<1x1x1xf32>
    %mul3A = vector.broadcast %get3A_28 : f32 to vector<64x128xf32>
    %mul3A_29 = arith.mulf %get3A_23, %mul3A : vector<64x128xf32>
    %get3A_30 = arith.constant 1 : index
    %get3A_31 = arith.constant 0 : index
    %get3A_32 = arith.constant 0 : index
    %get3A_33 = vector.load %arg4[%get3A_30, %get3A_31, %get3A_32] : memref<4x64x128xf32, #tpu.memory_space<vmem>>, vector<1x64x128xf32>
    %get3A_34 = vector.shape_cast %get3A_33 : vector<1x64x128xf32> to vector<64x128xf32>
    %get3A_35 = arith.constant 0 : index
    %get3A_36 = arith.constant 0 : index
    %get3A_37 = arith.constant 1 : index
    %get3A_38 = vector.load %arg3[%get3A_35, %get3A_36, %get3A_37] : memref<1x1x4xf32, #tpu.memory_space<vmem>>, vector<1x1x1xf32>
    %get3A_39 = vector.extract %get3A_38[0, 0, 0] : f32 from vector<1x1x1xf32>
    %mul3A_40 = vector.broadcast %get3A_39 : f32 to vector<64x128xf32>
    %mul3A_41 = arith.mulf %get3A_34, %mul3A_40 : vector<64x128xf32>
    %add3A_42 = arith.addf %mul3A_29, %mul3A_41 : vector<64x128xf32>
    %get3A_43 = arith.constant 2 : index
    %get3A_44 = arith.constant 0 : index
    %get3A_45 = arith.constant 0 : index
    %get3A_46 = vector.load %arg4[%get3A_43, %get3A_44, %get3A_45] : memref<4x64x128xf32, #tpu.memory_space<vmem>>, vector<1x64x128xf32>
    %get3A_47 = vector.shape_cast %get3A_46 : vector<1x64x128xf32> to vector<64x128xf32>
    %get3A_48 = arith.constant 0 : index
    %get3A_49 = arith.constant 0 : index
    %get3A_50 = arith.constant 2 : index
    %get3A_51 = vector.load %arg3[%get3A_48, %get3A_49, %get3A_50] : memref<1x1x4xf32, #tpu.memory_space<vmem>>, vector<1x1x1xf32>
    %get3A_52 = vector.extract %get3A_51[0, 0, 0] : f32 from vector<1x1x1xf32>
    %mul3A_53 = vector.broadcast %get3A_52 : f32 to vector<64x128xf32>
    %mul3A_54 = arith.mulf %get3A_47, %mul3A_53 : vector<64x128xf32>
    %add3A_55 = arith.addf %add3A_42, %mul3A_54 : vector<64x128xf32>
    %get3A_56 = arith.constant 3 : index
    %get3A_57 = arith.constant 0 : index
    %get3A_58 = arith.constant 0 : index
    %get3A_59 = vector.load %arg4[%get3A_56, %get3A_57, %get3A_58] : memref<4x64x128xf32, #tpu.memory_space<vmem>>, vector<1x64x128xf32>
    %get3A_60 = vector.shape_cast %get3A_59 : vector<1x64x128xf32> to vector<64x128xf32>
    %get3A_61 = arith.constant 0 : index
    %get3A_62 = arith.constant 0 : index
    %get3A_63 = arith.constant 3 : index
    %get3A_64 = vector.load %arg3[%get3A_61, %get3A_62, %get3A_63] : memref<1x1x4xf32, #tpu.memory_space<vmem>>, vector<1x1x1xf32>
    %get3A_65 = vector.extract %get3A_64[0, 0, 0] : f32 from vector<1x1x1xf32>
    %mul3A_66 = vector.broadcast %get3A_65 : f32 to vector<64x128xf32>
    %mul3A_67 = arith.mulf %get3A_60, %mul3A_66 : vector<64x128xf32>
    %add3A_68 = arith.addf %add3A_55, %mul3A_67 : vector<64x128xf32>
    %dot_general3A = arith.constant dense<0.000000e+00> : vector<400x128xf32>
    %dot_general3A_69 = tpu.matmul %max3A_15, %add3A_68, %dot_general3A {dimension_numbers = #tpu.dot_dimension_numbers<[1], [0], [0], [1], [0, 0, 1, 1], [], []>, transpose_lhs_hint = false} : vector<400x64xf32>, vector<64x128xf32>, vector<400x128xf32> -> vector<400x128xf32>
    %swap3A_70 = arith.constant 0 : index
    %swap3A_71 = arith.constant 0 : index
    %swap3A_72 = vector.load %arg5[%swap3A_70, %swap3A_71] : memref<400x128xf32, #tpu.memory_space<vmem>>, vector<400x128xf32>
    tpu.vector_store %arg5[%swap3A_70, %swap3A_71], %dot_general3A_69 {strides = array<i32>} : memref<400x128xf32, #tpu.memory_space<vmem>>, vector<400x128xf32>,
    return
  }
  func.func @transform_0(%arg0: i32, %arg1: i32) -> (i32, i32, i32) {
    %c0_i32 = arith.constant 0 : i32
    %c0_i32_0 = arith.constant 0 : i32
    %c0_i32_1 = arith.constant 0 : i32
    return %c0_i32, %arg1, %c0_i32_0 : i32, i32, i32
  }
  func.func @transform_1(%arg0: i32, %arg1: i32) -> (i32, i32, i32) {
    %c0_i32 = arith.constant 0 : i32
    %c0_i32_0 = arith.constant 0 : i32
    %c0_i32_1 = arith.constant 0 : i32
    return %arg0, %c0_i32, %c0_i32_0 : i32, i32, i32
  }
  func.func @transform_2(%arg0: i32, %arg1: i32) -> (i32, i32, i32) {
    %c0_i32 = arith.constant 0 : i32
    %c0_i32_0 = arith.constant 0 : i32
    %c0_i32_1 = arith.constant 0 : i32
    %c0_i32_2 = arith.constant 0 : i32
    return %c0_i32, %c0_i32_0, %c0_i32_1 : i32, i32, i32
  }
  func.func @transform_3(%arg0: i32, %arg1: i32) -> (i32, i32) {
    %mul3A = arith.constant 30 : i32
    %mul3A_0 = arith.muli %arg0, %mul3A : i32
    %add3A = arith.addi %mul3A_0, %arg1 : i32
    %c0_i32 = arith.constant 0 : i32
    %c0_i32_1 = arith.constant 0 : i32
    return %add3A, %c0_i32 : i32, i32
  }
  func.func @transform_4(%arg0: i32, %arg1: i32) -> (i32, i32) {
    %c0_i32 = arith.constant 0 : i32
    %c0_i32_0 = arith.constant 0 : i32
    return %arg1, %c0_i32 : i32, i32
  }
}

module attributes {stable_mosaic.version = 14 : i64} {
  func.func @_kht2_body(%arg0: i32, %arg1: i32, %arg2: memref<2x400x128xf32, #tpu.memory_space<vmem>>, %arg3: memref<2x400x128xf32, #tpu.memory_space<vmem>>, %arg4: memref<400x128xf32, #tpu.memory_space<vmem>>, %arg5: memref<64x128xf32, #tpu.memory_space<vmem>>, %arg6: memref<1x128xf32, #tpu.memory_space<vmem>>, %arg7: memref<1x1x4xf32, #tpu.memory_space<vmem>>, %arg8: memref<4x128x64xf32, #tpu.memory_space<vmem>>, %arg9: memref<400x128xf32, #tpu.memory_space<vmem>>, %arg10: memref<400x128xf32, #tpu.memory_space<vmem>>, %arg11: memref<400x1xf32, #tpu.memory_space<vmem>>) attributes {dimension_semantics = [#tpu.dimension_semantics<arbitrary>, #tpu.dimension_semantics<arbitrary>], iteration_bounds = array<i64: 8, 25>, scalar_prefetch = 0 : i64, scratch_operands = 0 : i64, tpu.core_type = #tpu.core_type<tc>, window_params = [{transform_indices = @transform_0, window_bounds = array<i64: 2, 400, 128>}, {transform_indices = @transform_1, window_bounds = array<i64: 2, 400, 128>}, {transform_indices = @transform_2, window_bounds = array<i64: 400, 128>}, {pipeline_mode = #tpu.pipeline_mode<synchronous>, transform_indices = @transform_3, window_bounds = array<i64: 64, 128>}, {pipeline_mode = #tpu.pipeline_mode<synchronous>, transform_indices = @transform_4, window_bounds = array<i64: 1, 128>}, {transform_indices = @transform_5, window_bounds = array<i64: 1, 1, 4>}, {pipeline_mode = #tpu.pipeline_mode<synchronous>, transform_indices = @transform_6, window_bounds = array<i64: 4, 128, 64>}, {transform_indices = @transform_7, window_bounds = array<i64: 400, 128>}, {transform_indices = @transform_8, window_bounds = array<i64: 400, 128>}, {transform_indices = @transform_9, window_bounds = array<i64: 400, 1>}]} {
    %get3A = arith.constant 0 : index
    %get3A_0 = arith.constant 0 : index
    %get3A_1 = arith.constant 0 : index
    %get3A_2 = vector.load %arg2[%get3A, %get3A_0, %get3A_1] : memref<2x400x128xf32, #tpu.memory_space<vmem>>, vector<1x400x128xf32>
    %get3A_3 = vector.shape_cast %get3A_2 : vector<1x400x128xf32> to vector<400x128xf32>
    %get3A_4 = arith.constant 1 : index
    %get3A_5 = arith.constant 0 : index
    %get3A_6 = arith.constant 0 : index
    %get3A_7 = vector.load %arg2[%get3A_4, %get3A_5, %get3A_6] : memref<2x400x128xf32, #tpu.memory_space<vmem>>, vector<1x400x128xf32>
    %get3A_8 = vector.shape_cast %get3A_7 : vector<1x400x128xf32> to vector<400x128xf32>
    %add3A = arith.addf %get3A_3, %get3A_8 : vector<400x128xf32>
    %get3A_9 = arith.constant 0 : index
    %get3A_10 = arith.constant 0 : index
    %get3A_11 = arith.constant 0 : index
    %get3A_12 = vector.load %arg3[%get3A_9, %get3A_10, %get3A_11] : memref<2x400x128xf32, #tpu.memory_space<vmem>>, vector<1x400x1xf32>
    %get3A_13 = vector.shape_cast %get3A_12 : vector<1x400x1xf32> to vector<400x1xf32>
    %get3A_14 = arith.constant 1 : index
    %get3A_15 = arith.constant 0 : index
    %get3A_16 = arith.constant 0 : index
    %get3A_17 = vector.load %arg3[%get3A_14, %get3A_15, %get3A_16] : memref<2x400x128xf32, #tpu.memory_space<vmem>>, vector<1x400x1xf32>
    %get3A_18 = vector.shape_cast %get3A_17 : vector<1x400x1xf32> to vector<400x1xf32>
    %add3A_19 = arith.addf %get3A_13, %get3A_18 : vector<400x1xf32>
    %max3A = arith.constant 1.000000e+00 : f32
    %max3A_20 = vector.broadcast %max3A : f32 to vector<400x1xf32>
    %max3A_21 = arith.maximumf %add3A_19, %max3A_20 : vector<400x1xf32>
    %swap3A = arith.constant 0 : index
    %swap3A_22 = arith.constant 0 : index
    %swap3A_23 = vector.load %arg11[%swap3A, %swap3A_22] : memref<400x1xf32, #tpu.memory_space<vmem>>, vector<400x1xf32>
    tpu.vector_store %arg11[%swap3A, %swap3A_22], %max3A_21 {strides = array<i32>} : memref<400x1xf32, #tpu.memory_space<vmem>>, vector<400x1xf32>,
    %div3A = vector.broadcast %max3A_21 : vector<400x1xf32> to vector<400x128xf32>
    %div3A_24 = arith.divf %add3A, %div3A : vector<400x128xf32>
    %get3A_25 = arith.constant 0 : index
    %get3A_26 = arith.constant 0 : index
    %get3A_27 = vector.load %arg4[%get3A_25, %get3A_26] : memref<400x128xf32, #tpu.memory_space<vmem>>, vector<400x64xf32>
    %get3A_28 = arith.constant 0 : index
    %get3A_29 = arith.constant 0 : index
    %get3A_30 = vector.load %arg5[%get3A_28, %get3A_29] : memref<64x128xf32, #tpu.memory_space<vmem>>, vector<64x128xf32>
    %dot_general3A = arith.constant dense<0.000000e+00> : vector<400x128xf32>
    %dot_general3A_31 = tpu.matmul %get3A_27, %get3A_30, %dot_general3A {dimension_numbers = #tpu.dot_dimension_numbers<[1], [0], [0], [1], [0, 0, 1, 1], [], []>, transpose_lhs_hint = false} : vector<400x64xf32>, vector<64x128xf32>, vector<400x128xf32> -> vector<400x128xf32>
    %add3A_32 = arith.addf %div3A_24, %dot_general3A_31 : vector<400x128xf32>
    %get3A_33 = arith.constant 0 : index
    %get3A_34 = arith.constant 0 : index
    %get3A_35 = vector.load %arg6[%get3A_33, %get3A_34] : memref<1x128xf32, #tpu.memory_space<vmem>>, vector<1x128xf32>
    %add3A_36 = vector.broadcast %get3A_35 : vector<1x128xf32> to vector<400x128xf32>
    %add3A_37 = arith.addf %add3A_32, %add3A_36 : vector<400x128xf32>
    %max3A_38 = arith.constant 0.000000e+00 : f32
    %max3A_39 = vector.broadcast %max3A_38 : f32 to vector<400x128xf32>
    %max3A_40 = arith.maximumf %add3A_37, %max3A_39 : vector<400x128xf32>
    %swap3A_41 = arith.constant 0 : index
    %swap3A_42 = arith.constant 0 : index
    %swap3A_43 = vector.load %arg10[%swap3A_41, %swap3A_42] : memref<400x128xf32, #tpu.memory_space<vmem>>, vector<400x128xf32>
    tpu.vector_store %arg10[%swap3A_41, %swap3A_42], %max3A_40 {strides = array<i32>} : memref<400x128xf32, #tpu.memory_space<vmem>>, vector<400x128xf32>,
    %get3A_44 = arith.constant 0 : index
    %get3A_45 = arith.constant 0 : index
    %get3A_46 = arith.constant 0 : index
    %get3A_47 = vector.load %arg8[%get3A_44, %get3A_45, %get3A_46] : memref<4x128x64xf32, #tpu.memory_space<vmem>>, vector<1x128x64xf32>
    %get3A_48 = vector.shape_cast %get3A_47 : vector<1x128x64xf32> to vector<128x64xf32>
    %get3A_49 = arith.constant 0 : index
    %get3A_50 = arith.constant 0 : index
    %get3A_51 = arith.constant 0 : index
    %get3A_52 = vector.load %arg7[%get3A_49, %get3A_50, %get3A_51] : memref<1x1x4xf32, #tpu.memory_space<vmem>>, vector<1x1x1xf32>
    %get3A_53 = vector.extract %get3A_52[0, 0, 0] : f32 from vector<1x1x1xf32>
    %mul3A = vector.broadcast %get3A_53 : f32 to vector<128x64xf32>
    %mul3A_54 = arith.mulf %get3A_48, %mul3A : vector<128x64xf32>
    %get3A_55 = arith.constant 1 : index
    %get3A_56 = arith.constant 0 : index
    %get3A_57 = arith.constant 0 : index
    %get3A_58 = vector.load %arg8[%get3A_55, %get3A_56, %get3A_57] : memref<4x128x64xf32, #tpu.memory_space<vmem>>, vector<1x128x64xf32>
    %get3A_59 = vector.shape_cast %get3A_58 : vector<1x128x64xf32> to vector<128x64xf32>
    %get3A_60 = arith.constant 0 : index
    %get3A_61 = arith.constant 0 : index
    %get3A_62 = arith.constant 1 : index
    %get3A_63 = vector.load %arg7[%get3A_60, %get3A_61, %get3A_62] : memref<1x1x4xf32, #tpu.memory_space<vmem>>, vector<1x1x1xf32>
    %get3A_64 = vector.extract %get3A_63[0, 0, 0] : f32 from vector<1x1x1xf32>
    %mul3A_65 = vector.broadcast %get3A_64 : f32 to vector<128x64xf32>
    %mul3A_66 = arith.mulf %get3A_59, %mul3A_65 : vector<128x64xf32>
    %add3A_67 = arith.addf %mul3A_54, %mul3A_66 : vector<128x64xf32>
    %get3A_68 = arith.constant 2 : index
    %get3A_69 = arith.constant 0 : index
    %get3A_70 = arith.constant 0 : index
    %get3A_71 = vector.load %arg8[%get3A_68, %get3A_69, %get3A_70] : memref<4x128x64xf32, #tpu.memory_space<vmem>>, vector<1x128x64xf32>
    %get3A_72 = vector.shape_cast %get3A_71 : vector<1x128x64xf32> to vector<128x64xf32>
    %get3A_73 = arith.constant 0 : index
    %get3A_74 = arith.constant 0 : index
    %get3A_75 = arith.constant 2 : index
    %get3A_76 = vector.load %arg7[%get3A_73, %get3A_74, %get3A_75] : memref<1x1x4xf32, #tpu.memory_space<vmem>>, vector<1x1x1xf32>
    %get3A_77 = vector.extract %get3A_76[0, 0, 0] : f32 from vector<1x1x1xf32>
    %mul3A_78 = vector.broadcast %get3A_77 : f32 to vector<128x64xf32>
    %mul3A_79 = arith.mulf %get3A_72, %mul3A_78 : vector<128x64xf32>
    %add3A_80 = arith.addf %add3A_67, %mul3A_79 : vector<128x64xf32>
    %get3A_81 = arith.constant 3 : index
    %get3A_82 = arith.constant 0 : index
    %get3A_83 = arith.constant 0 : index
    %get3A_84 = vector.load %arg8[%get3A_81, %get3A_82, %get3A_83] : memref<4x128x64xf32, #tpu.memory_space<vmem>>, vector<1x128x64xf32>
    %get3A_85 = vector.shape_cast %get3A_84 : vector<1x128x64xf32> to vector<128x64xf32>
    %get3A_86 = arith.constant 0 : index
    %get3A_87 = arith.constant 0 : index
    %get3A_88 = arith.constant 3 : index
    %get3A_89 = vector.load %arg7[%get3A_86, %get3A_87, %get3A_88] : memref<1x1x4xf32, #tpu.memory_space<vmem>>, vector<1x1x1xf32>
    %get3A_90 = vector.extract %get3A_89[0, 0, 0] : f32 from vector<1x1x1xf32>
    %mul3A_91 = vector.broadcast %get3A_90 : f32 to vector<128x64xf32>
    %mul3A_92 = arith.mulf %get3A_85, %mul3A_91 : vector<128x64xf32>
    %add3A_93 = arith.addf %add3A_80, %mul3A_92 : vector<128x64xf32>
    %dot_general3A_94 = arith.constant dense<0.000000e+00> : vector<400x64xf32>
    %dot_general3A_95 = tpu.matmul %max3A_40, %add3A_93, %dot_general3A_94 {dimension_numbers = #tpu.dot_dimension_numbers<[1], [0], [0], [1], [0, 0, 1, 1], [], []>, transpose_lhs_hint = false} : vector<400x128xf32>, vector<128x64xf32>, vector<400x64xf32> -> vector<400x64xf32>
    %broadcast_in_dim3A = arith.constant 0.000000e+00 : f32
    %broadcast_in_dim3A_96 = vector.broadcast %broadcast_in_dim3A : f32 to vector<400x64xf32>
    %concatenate3A = tpu.concatenate %dot_general3A_95, %broadcast_in_dim3A_96 in 1 : vector<400x64xf32>, vector<400x64xf32> -> vector<400x128xf32>
    %swap3A_97 = arith.constant 0 : index
    %swap3A_98 = arith.constant 0 : index
    %swap3A_99 = vector.load %arg9[%swap3A_97, %swap3A_98] : memref<400x128xf32, #tpu.memory_space<vmem>>, vector<400x128xf32>
    tpu.vector_store %arg9[%swap3A_97, %swap3A_98], %concatenate3A {strides = array<i32>} : memref<400x128xf32, #tpu.memory_space<vmem>>, vector<400x128xf32>,
    return
  }
  func.func @transform_0(%arg0: i32, %arg1: i32) -> (i32, i32, i32) {
    %c0_i32 = arith.constant 0 : i32
    %c0_i32_0 = arith.constant 0 : i32
    %c0_i32_1 = arith.constant 0 : i32
    return %c0_i32, %arg1, %c0_i32_0 : i32, i32, i32
  }
  func.func @transform_1(%arg0: i32, %arg1: i32) -> (i32, i32, i32) {
    %c0_i32 = arith.constant 0 : i32
    %c0_i32_0 = arith.constant 0 : i32
    %c0_i32_1 = arith.constant 0 : i32
    return %c0_i32, %arg1, %c0_i32_0 : i32, i32, i32
  }
  func.func @transform_2(%arg0: i32, %arg1: i32) -> (i32, i32) {
    %c0_i32 = arith.constant 0 : i32
    %c0_i32_0 = arith.constant 0 : i32
    return %arg1, %c0_i32 : i32, i32
  }
  func.func @transform_3(%arg0: i32, %arg1: i32) -> (i32, i32) {
    %c0_i32 = arith.constant 0 : i32
    %c0_i32_0 = arith.constant 0 : i32
    %c0_i32_1 = arith.constant 0 : i32
    return %c0_i32, %c0_i32_0 : i32, i32
  }
  func.func @transform_4(%arg0: i32, %arg1: i32) -> (i32, i32) {
    %c0_i32 = arith.constant 0 : i32
    %c0_i32_0 = arith.constant 0 : i32
    %c0_i32_1 = arith.constant 0 : i32
    return %c0_i32, %c0_i32_0 : i32, i32
  }
  func.func @transform_5(%arg0: i32, %arg1: i32) -> (i32, i32, i32) {
    %c0_i32 = arith.constant 0 : i32
    %c0_i32_0 = arith.constant 0 : i32
    %c0_i32_1 = arith.constant 0 : i32
    return %arg0, %c0_i32, %c0_i32_0 : i32, i32, i32
  }
  func.func @transform_6(%arg0: i32, %arg1: i32) -> (i32, i32, i32) {
    %c0_i32 = arith.constant 0 : i32
    %c0_i32_0 = arith.constant 0 : i32
    %c0_i32_1 = arith.constant 0 : i32
    %c0_i32_2 = arith.constant 0 : i32
    return %c0_i32, %c0_i32_0, %c0_i32_1 : i32, i32, i32
  }
  func.func @transform_7(%arg0: i32, %arg1: i32) -> (i32, i32) {
    %mul3A = arith.constant 25 : i32
    %mul3A_0 = arith.muli %arg0, %mul3A : i32
    %add3A = arith.addi %mul3A_0, %arg1 : i32
    %c0_i32 = arith.constant 0 : i32
    %c0_i32_1 = arith.constant 0 : i32
    return %add3A, %c0_i32 : i32, i32
  }
  func.func @transform_8(%arg0: i32, %arg1: i32) -> (i32, i32) {
    %c0_i32 = arith.constant 0 : i32
    %c0_i32_0 = arith.constant 0 : i32
    return %arg1, %c0_i32 : i32, i32
  }
  func.func @transform_9(%arg0: i32, %arg1: i32) -> (i32, i32) {
    %c0_i32 = arith.constant 0 : i32
    %c0_i32_0 = arith.constant 0 : i32
    return %arg1, %c0_i32 : i32, i32
  }
}

module attributes {stable_mosaic.version = 14 : i64} {
  func.func @_kf_body(%arg0: i32, %arg1: memref<2x400x128xf32, #tpu.memory_space<vmem>>, %arg2: memref<400x1xf32, #tpu.memory_space<vmem>>, %arg3: memref<400x128xf32, #tpu.memory_space<vmem>>, %arg4: memref<128x64xf32, #tpu.memory_space<vmem>>, %arg5: memref<1x64xf32, #tpu.memory_space<vmem>>, %arg6: memref<64x128xf32, #tpu.memory_space<vmem>>, %arg7: memref<1x64xf32, #tpu.memory_space<vmem>>, %arg8: memref<400x64xf32, #tpu.memory_space<vmem>>) attributes {dimension_semantics = [#tpu.dimension_semantics<arbitrary>], iteration_bounds = array<i64: 25>, scalar_prefetch = 0 : i64, scratch_operands = 0 : i64, tpu.core_type = #tpu.core_type<tc>, window_params = [{transform_indices = @transform_0, window_bounds = array<i64: 2, 400, 128>}, {transform_indices = @transform_1, window_bounds = array<i64: 400, 1>}, {transform_indices = @transform_2, window_bounds = array<i64: 400, 128>}, {pipeline_mode = #tpu.pipeline_mode<synchronous>, transform_indices = @transform_3, window_bounds = array<i64: 128, 64>}, {pipeline_mode = #tpu.pipeline_mode<synchronous>, transform_indices = @transform_4, window_bounds = array<i64: 1, 64>}, {pipeline_mode = #tpu.pipeline_mode<synchronous>, transform_indices = @transform_5, window_bounds = array<i64: 64, 128>}, {pipeline_mode = #tpu.pipeline_mode<synchronous>, transform_indices = @transform_6, window_bounds = array<i64: 1, 64>}, {transform_indices = @transform_7, window_bounds = array<i64: 400, 64>}]} {
    %get3A = arith.constant 0 : index
    %get3A_0 = arith.constant 0 : index
    %get3A_1 = arith.constant 0 : index
    %get3A_2 = vector.load %arg1[%get3A, %get3A_0, %get3A_1] : memref<2x400x128xf32, #tpu.memory_space<vmem>>, vector<1x400x64xf32>
    %get3A_3 = vector.shape_cast %get3A_2 : vector<1x400x64xf32> to vector<400x64xf32>
    %get3A_4 = arith.constant 1 : index
    %get3A_5 = arith.constant 0 : index
    %get3A_6 = arith.constant 0 : index
    %get3A_7 = vector.load %arg1[%get3A_4, %get3A_5, %get3A_6] : memref<2x400x128xf32, #tpu.memory_space<vmem>>, vector<1x400x64xf32>
    %get3A_8 = vector.shape_cast %get3A_7 : vector<1x400x64xf32> to vector<400x64xf32>
    %add3A = arith.addf %get3A_3, %get3A_8 : vector<400x64xf32>
    %get3A_9 = arith.constant 0 : index
    %get3A_10 = arith.constant 0 : index
    %get3A_11 = vector.load %arg2[%get3A_9, %get3A_10] : memref<400x1xf32, #tpu.memory_space<vmem>>, vector<400x1xf32>
    %div3A = vector.broadcast %get3A_11 : vector<400x1xf32> to vector<400x64xf32>
    %div3A_12 = arith.divf %add3A, %div3A : vector<400x64xf32>
    %get3A_13 = arith.constant 0 : index
    %get3A_14 = arith.constant 0 : index
    %get3A_15 = vector.load %arg3[%get3A_13, %get3A_14] : memref<400x128xf32, #tpu.memory_space<vmem>>, vector<400x128xf32>
    %get3A_16 = arith.constant 0 : index
    %get3A_17 = arith.constant 0 : index
    %get3A_18 = vector.load %arg4[%get3A_16, %get3A_17] : memref<128x64xf32, #tpu.memory_space<vmem>>, vector<128x64xf32>
    %dot_general3A = arith.constant dense<0.000000e+00> : vector<400x64xf32>
    %dot_general3A_19 = tpu.matmul %get3A_15, %get3A_18, %dot_general3A {dimension_numbers = #tpu.dot_dimension_numbers<[1], [0], [0], [1], [0, 0, 1, 1], [], []>, transpose_lhs_hint = false} : vector<400x128xf32>, vector<128x64xf32>, vector<400x64xf32> -> vector<400x64xf32>
    %add3A_20 = arith.addf %div3A_12, %dot_general3A_19 : vector<400x64xf32>
    %get3A_21 = arith.constant 0 : index
    %get3A_22 = arith.constant 0 : index
    %get3A_23 = vector.load %arg5[%get3A_21, %get3A_22] : memref<1x64xf32, #tpu.memory_space<vmem>>, vector<1x64xf32>
    %add3A_24 = vector.broadcast %get3A_23 : vector<1x64xf32> to vector<400x64xf32>
    %add3A_25 = arith.addf %add3A_20, %add3A_24 : vector<400x64xf32>
    %get3A_26 = arith.constant 0 : index
    %get3A_27 = arith.constant 0 : index
    %get3A_28 = vector.load %arg6[%get3A_26, %get3A_27] : memref<64x128xf32, #tpu.memory_space<vmem>>, vector<64x64xf32>
    %get3A_29 = arith.constant 0 : index
    %get3A_30 = arith.constant 0 : index
    %get3A_31 = vector.load %arg7[%get3A_29, %get3A_30] : memref<1x64xf32, #tpu.memory_space<vmem>>, vector<1x64xf32>
    %mul3A = vector.broadcast %get3A_31 : vector<1x64xf32> to vector<64x64xf32>
    %mul3A_32 = arith.mulf %get3A_28, %mul3A : vector<64x64xf32>
    %transpose3A = tpu.transpose %mul3A_32, [1, 0] : vector<64x64xf32> -> vector<64x64xf32>
    %dot_general3A_33 = arith.constant dense<0.000000e+00> : vector<400x64xf32>
    %dot_general3A_34 = tpu.matmul %add3A_25, %transpose3A, %dot_general3A_33 {dimension_numbers = #tpu.dot_dimension_numbers<[1], [0], [0], [1], [0, 0, 1, 1], [], []>, transpose_lhs_hint = false} : vector<400x64xf32>, vector<64x64xf32>, vector<400x64xf32> -> vector<400x64xf32>
    %reduce_max3A = arith.constant dense<0xFF800000> : vector<400xf32>
    %reduce_max3A_35 = vector.multi_reduction <maximumf>, %dot_general3A_34, %reduce_max3A [1] : vector<400x64xf32> to vector<400xf32>
    %broadcast_in_dim3A = vector.shape_cast %reduce_max3A_35 : vector<400xf32> to vector<400x1xf32>
    %sub3A = vector.broadcast %broadcast_in_dim3A : vector<400x1xf32> to vector<400x64xf32>
    %sub3A_36 = arith.subf %dot_general3A_34, %sub3A : vector<400x64xf32>
    %exp3A = math.exp %sub3A_36 : vector<400x64xf32>
    %reduce_sum3A = arith.constant dense<0.000000e+00> : vector<400xf32>
    %reduce_sum3A_37 = vector.multi_reduction <add>, %exp3A, %reduce_sum3A [1] : vector<400x64xf32> to vector<400xf32>
    %broadcast_in_dim3A_38 = vector.shape_cast %reduce_sum3A_37 : vector<400xf32> to vector<400x1xf32>
    %div3A_39 = vector.broadcast %broadcast_in_dim3A_38 : vector<400x1xf32> to vector<400x64xf32>
    %div3A_40 = arith.divf %exp3A, %div3A_39 : vector<400x64xf32>
    %swap3A = arith.constant 0 : index
    %swap3A_41 = arith.constant 0 : index
    %swap3A_42 = vector.load %arg8[%swap3A, %swap3A_41] : memref<400x64xf32, #tpu.memory_space<vmem>>, vector<400x64xf32>
    tpu.vector_store %arg8[%swap3A, %swap3A_41], %div3A_40 {strides = array<i32>} : memref<400x64xf32, #tpu.memory_space<vmem>>, vector<400x64xf32>,
    return
  }
  func.func @transform_0(%arg0: i32) -> (i32, i32, i32) {
    %c0_i32 = arith.constant 0 : i32
    %c0_i32_0 = arith.constant 0 : i32
    %c0_i32_1 = arith.constant 0 : i32
    return %c0_i32, %arg0, %c0_i32_0 : i32, i32, i32
  }
  func.func @transform_1(%arg0: i32) -> (i32, i32) {
    %c0_i32 = arith.constant 0 : i32
    %c0_i32_0 = arith.constant 0 : i32
    return %arg0, %c0_i32 : i32, i32
  }
  func.func @transform_2(%arg0: i32) -> (i32, i32) {
    %c0_i32 = arith.constant 0 : i32
    %c0_i32_0 = arith.constant 0 : i32
    return %arg0, %c0_i32 : i32, i32
  }
  func.func @transform_3(%arg0: i32) -> (i32, i32) {
    %c0_i32 = arith.constant 0 : i32
    %c0_i32_0 = arith.constant 0 : i32
    %c0_i32_1 = arith.constant 0 : i32
    return %c0_i32, %c0_i32_0 : i32, i32
  }
  func.func @transform_4(%arg0: i32) -> (i32, i32) {
    %c0_i32 = arith.constant 0 : i32
    %c0_i32_0 = arith.constant 0 : i32
    %c0_i32_1 = arith.constant 0 : i32
    return %c0_i32, %c0_i32_0 : i32, i32
  }
  func.func @transform_5(%arg0: i32) -> (i32, i32) {
    %c0_i32 = arith.constant 0 : i32
    %c0_i32_0 = arith.constant 0 : i32
    %c0_i32_1 = arith.constant 0 : i32
    return %c0_i32, %c0_i32_0 : i32, i32
  }
  func.func @transform_6(%arg0: i32) -> (i32, i32) {
    %c0_i32 = arith.constant 0 : i32
    %c0_i32_0 = arith.constant 0 : i32
    %c0_i32_1 = arith.constant 0 : i32
    return %c0_i32, %c0_i32_0 : i32, i32
  }
  func.func @transform_7(%arg0: i32) -> (i32, i32) {
    %c0_i32 = arith.constant 0 : i32
    %c0_i32_0 = arith.constant 0 : i32
    return %arg0, %c0_i32 : i32, i32
  }
}

</mosaic_0001>

<sc_bundles>
// kernel: kernel.12.cloned.1.call-start
scs
__scs_entry_jumppad:
0x0: {  	(pc) =	sbr.rel $0x88, $3  }
0x1: {  	(tag) =	ssettag $0x0;
	lr =	simm.s32 $0x1  }
0x2: {  	[smem:$0x3F93] =	sst lr;
	_ =	strace $0xD0000000  }
0x3: {  	_ = 	snop  }
0x4: {  	_ = 	snop  }
0x5: {  	_ = 	snop  }
0x6: {  	_ = 	snop  }
0x7: {  	_ = 	snop  }
__scs_overlays_trampoline_lowered:
0x8: {  	[smem:$0x3FA2] =	sst s0  }
0x9: {  	[smem:$0x3FA3] =	sst s1  }
0xa: {  	[smem:$0x3FA4] =	sst s2  }
0xb: {  	[smem:$0x3FA5] =	sst s3  }
0xc: {  	[smem:$0x3FA6] =	sst s4  }
0xd: {  	[smem:$0x3FA7] =	sst s5  }
0xe: {  	[smem:$0x3FA8] =	sst s6  }
0xf: {  	[smem:$0x3FA9] =	sst s7  }
0x10: {  	[smem:$0x3FAA] =	sst s8  }
0x11: {  	[smem:$0x3FAB] =	sst s9;
	s0 =	simm.s32 @!p0 $0x0  }
0x12: {  	s1 =	sld [smem:$0x3F91];
	s0 =	simm.s32 @p0 $0x1  }
0x13: {  	[smem:$0x3FAC] =	sst s0;
	s0 =	simm.s32 @!p1 $0x0  }
0x14: {  	s2 =	sld [smem:$0x3F90];
	s0 =	simm.s32 @p1 $0x1  }
0x15: {  	[smem:$0x3FAD] =	sst s0;
	s0 =	simm.s32 @!p2 $0x0  }
0x16: {  	s3 =	sld [smem:$0x3FDB];
	s0 =	simm.s32 @p2 $0x1  }
0x17: {  	s4 =	simm.s32 $0x1BF5;
	[smem:$0x3FAF] =	sst s0  }
0x18: {  	s0 =	sld [smem:$0x3F92];
	_ =	swait.ge [sflag:s4], $0x0  }
0x19: {  	s7 =	sld [smem:$0x3F93]  }
0x1a: {  	s8 =	sadd.s32 $0xFFFFE003, lr  }
0x1b: {  	s9 =	sadd.s32 $0xFFFFFEF7, lr;
	s5 =	simm.s32 $0xFFFFFFFF;
	p2 =	slt.u32 s8, $0xFFFFF086  }
0x1c: {  	p1 =	slt.u32 s9, $0xF7A;
	s5 =	simm.s32 @!p2 $0x0  }
0x1d: {  	s5 =	simm.s32 @p1 $0x1;
	p0 =	seq.s32 s7, s2  }
0x1e: {  	s7 =	smul.u32 @!p0 $0xF7A, s2;
	p2 =	seq.s32 @!p0 s5, $0x0  }
0x1f: {  	s9 =	smul.u32 $0xF7A, s1;
	s8 =	simm.s32 @!p0 $0x1BF5;
	p2 =	por !p2, p0  }
0x20: {  	[sflag:s8] =	ssyncset.s32 @!p0 $0xFFFFF086;
	s6 =	sadd.s32 @!p0 s3, s7;
	s7 =	simm.s32 @!p0 $0x108  }
0x21: {  	s3 =	sadd.s32 s3, s9;
	s6 =	sadd.s32 @!p0 $0x88, s6;
	s7 =	simm.s32 @p2 $0x1082  }
0x22: {  	[simem:s7], [sflag:s8] =	dma.local @!p0 [hbm:s6], $0xF7A  }
0x23: {  	s9 =	sor.u32 $0xD0000000, s2;
	s6 =	simm.s32 $0x108;
	_ =	swait.ge @!p0 [sflag:s8], $0x0  }
0x24: {  	s3 =	sadd.s32 $0x88, s3;
	s6 =	simm.s32 @!p1 $0x1082;
	[sflag:s4] =	ssyncset.s32 $0xFFFFF086  }
0x25: {  	[simem:s6], [sflag:s4] =	dma.local [hbm:s3], $0xF7A  }
0x26: {  	[smem:$0x3F93] =	sst s1;
	(tag) =	ssettag s2;
	_ =	strace s9  }
0x27: {  	s1 =	sld [smem:$0x3FA3]  }
0x28: {  	s2 =	sld [smem:$0x3FA4]  }
0x29: {  	s4 =	sld [smem:$0x3FA6]  }
0x2a: {  	p0 =	seq.s32 s5, $0x0;
	s5 =	sld [smem:$0x3FA7]  }
0x2b: {  	s6 =	sld [smem:$0x3FA8]  }
0x2c: {  	s7 =	sld [smem:$0x3FA9]  }
0x2d: {  	s3 =	simm.s32 $0x108;
	s8 =	sld [smem:$0x3FAA]  }
0x2e: {  	s3 =	simm.s32 @!p0 $0x1082;
	s9 =	sld [smem:$0x3FAB]  }
0x2f: {  	lr =	sadd.s32 s0, s3;
	s0 =	sld [smem:$0x3FA2]  }
0x30: {  	s3 =	sld [smem:$0x3FA5]  }
0x31: {  	[smem:$0x3FAE] =	sst s10  }
0x32: {  	s10 =	sld [smem:$0x3FAC];
	_ =	sdelay $0x3  }
0x33: {  	p0 =	seq.s32 s10, $0x1;
	s10 =	sld [smem:$0x3FAE];
	_ =	sdelay $0x3  }
0x34: {  	[smem:$0x3FAE] =	sst s10  }
0x35: {  	s10 =	sld [smem:$0x3FAD];
	_ =	sdelay $0x3  }
0x36: {  	p1 =	seq.s32 s10, $0x1;
	s10 =	sld [smem:$0x3FAE];
	_ =	sdelay $0x3  }
0x37: {  	[smem:$0x3FAE] =	sst s10  }
0x38: {  	s10 =	sld [smem:$0x3FAF]  }
0x39: {  	_ = 	snop;
	(pc) =	sbr.ind lr, $3  }
0x3a: {  	_ = 	snop  }
0x3b: {  	_ = 	snop  }
0x3c: {  	p2 =	seq.s32 s10, $0x1;
	s10 =	sld [smem:$0x3FAE]  }
0x3d: {  	_ =	shalt  }
0x3e: {  	_ =	shalt  }
0x3f: {  	_ =	shalt  }
0x40: {  	_ =	shalt  }
0x41: {  	_ =	shalt  }
0x42: {  	_ =	shalt  }
0x43: {  	_ =	shalt  }
0x44: {  	_ =	shalt  }
0x45: {  	_ =	shalt  }
0x46: {  	_ =	shalt  }
0x47: {  	_ =	shalt  }
0x48: {  	_ =	shalt  }
0x49: {  	_ =	shalt  }
0x4a: {  	_ =	shalt  }
0x4b: {  	_ =	shalt  }
0x4c: {  	_ =	shalt  }
0x4d: {  	_ =	shalt  }
0x4e: {  	_ =	shalt  }
0x4f: {  	_ =	shalt  }
0x50: {  	_ =	shalt  }
0x51: {  	_ =	shalt  }
0x52: {  	_ =	shalt  }
0x53: {  	_ =	shalt  }
0x54: {  	_ =	shalt  }
0x55: {  	_ =	shalt  }
0x56: {  	_ =	shalt  }
0x57: {  	_ =	shalt  }
0x58: {  	_ =	shalt  }
0x59: {  	_ =	shalt  }
0x5a: {  	_ =	shalt  }
0x5b: {  	_ =	shalt  }
0x5c: {  	_ =	shalt  }
0x5d: {  	_ =	shalt  }
0x5e: {  	_ =	shalt  }
0x5f: {  	_ =	shalt  }
0x60: {  	_ =	shalt  }
0x61: {  	_ =	shalt  }
0x62: {  	_ =	shalt  }
0x63: {  	_ =	shalt  }
0x64: {  	_ =	shalt  }
0x65: {  	_ =	shalt  }
0x66: {  	_ =	shalt  }
0x67: {  	_ =	shalt  }
0x68: {  	_ =	shalt  }
0x69: {  	_ =	shalt  }
0x6a: {  	_ =	shalt  }
0x6b: {  	_ =	shalt  }
0x6c: {  	_ =	shalt  }
0x6d: {  	_ =	shalt  }
0x6e: {  	_ =	shalt  }
0x6f: {  	_ =	shalt  }
0x70: {  	_ =	shalt  }
0x71: {  	_ =	shalt  }
0x72: {  	_ =	shalt  }
0x73: {  	_ =	shalt  }
0x74: {  	_ =	shalt  }
0x75: {  	_ =	shalt  }
0x76: {  	_ =	shalt  }
0x77: {  	_ =	shalt  }
0x78: {  	_ =	shalt  }
0x79: {  	_ =	shalt  }
0x7a: {  	_ =	shalt  }
0x7b: {  	_ =	shalt  }
0x7c: {  	_ =	shalt  }
0x7d: {  	_ =	shalt  }
0x7e: {  	_ =	shalt  }
0x7f: {  	_ =	shalt  }
0x80: {  	_ =	shalt  }
0x81: {  	_ =	shalt  }
0x82: {  	_ =	shalt  }
0x83: {  	_ =	shalt  }
0x84: {  	_ =	shalt  }
0x85: {  	_ =	shalt  }
0x86: {  	_ =	shalt  }
0x87: {  	_ =	shalt  }
.Lfunc_end0:
.L_simem_size_0:
called_computation.1_lowered:
.L_overlay_start_0:
0x88: {  	s2 =	sld [smem:$0x3FD9]  }
0x89: {  	s3 =	sld [smem:$0x3FFE];
	_ =	sdelay $0x1  }
0x8a: {  	s1 =	srdreg.scid  }
0x8b: {  	s0 =	sand.u32 $0x1, s1  }
0x8c: {  	s17 =	sshll.u32 s0, $0xA;
	s2 =	sadd.s32 s3, s2  }
0x8d: {  	s2 =	sadd.s32 s2, s17  }
0x8e: {  	[smem:$0x3FBA] =	sst s2  }
0x8f: {  	_ = 	snop  }
0x90: {  	(tm) =	ssettm $0x1  }
0x91: {  	s18 =	sld [smem:$0x3FFB];
	_ =	sdelay $0x3  }
0x92: {  	_ =	strace s18  }
0x93: {  	s2 =	sld [smem:$0x3FFC];
	_ =	sdelay $0x3  }
0x94: {  	_ =	strace s2  }
0x95: {  	s2 =	sld [smem:$0x3FFD];
	_ =	sdelay $0x3  }
0x96: {  	_ =	strace s2  }
0x97: {  	_ =	strace $0x8FFFFFFF  }
0x98: {  	s19 =	sld [smem:$0x3FDB];
	_ =	sdelay $0x1  }
0x99: {  	s20 =	simm.s32 $_scs_section_size  }
0x9a: {  	s4 =	simm.s32 $_size__tile_overlayer_lowered;
	s5 =	simm.s32 $_tile_overlayer_lowered  }
0x9b: {  	s6 =	simm.s32 $0x1BFF;
	s21 =	sshll.u32 s5, $0x1;
	s3 =	sadd.s32 s20, s19  }
0x9c: {  	s22 =	simm.s32 $0x0;
	s4 =	sshll.u32 s4, $0x1;
	s5 =	sadd.s32 s21, s3  }
0x9d: {  	[timem:s22], [sflag:s6] =	dma.local [hbm:s5], s4  }
0x9e: {  	_ =	swait.ge [sflag:s6], s4  }
0x9f: {  	s4 =	ssub.s32 $0x0, s4;
	[sflag:s6] =	ssyncset.done $0x0  }
0xa0: {  	[sflag:s6] =	ssyncadd.s32 s4;
	_ =	sdelay $0x1  }
0xa1: {  	s23 =	simm.s32 $0x1B8B  }
0xa2: {  	_ =	swait.ge [sflag:s23], $0x1  }
0xa3: {  	[sflag:s23] =	ssyncset.done $0x0  }
0xa4: {  	[sflag:s23] =	ssyncadd.s32 $0xFFFFFFFF  }
0xa5: {  	s4 =	sld [smem:$0x0]  }
0xa6: {  	s5 =	sand.u32 $0xFFFFFFFE, s1  }
0xa7: {  	p0 =	sne.s32 s1, s5  }
0xa8: {  	s5 =	sshll.u32 @p0 s5, $0xE  }
0xa9: {  	s5 =	sadd.s32 @p0 $0x11B8D, s5;
	s6 =	sshll.u32 @p0 s4, $0x11  }
0xaa: {  	s5 =	sor.u32 @p0 s6, s5  }
0xab: {  	[sflag:s5] =	ssyncadd.remote.s32 @p0 $0x1;
	_ =	sdelay $0x1  }
0xac: {  	s5 =	simm.s32 @p0 $0x1B8D  }
0xad: {  	_ =	swait.eq @p0 [sflag:s5], $0x1  }
0xae: {  	[sflag:s5] =	ssyncadd.s32 @p0 $0xFFFFFFFF  }
0xaf: {  	s6 =	sshll.u32 @!p0 s1, $0xE  }
0xb0: {  	s6 =	sor.u32 @!p0 $0x4000, s6;
	s5 =	simm.s32 @!p0 $0x1B8D  }
0xb1: {  	s4 =	sshll.u32 @!p0 s4, $0x11;
	s6 =	sadd.s32 @!p0 $0x11B8D, s6;
	_ =	swait.eq @!p0 [sflag:s5], $0x1  }
0xb2: {  	s4 =	sor.u32 @!p0 s4, s6;
	[sflag:s5] =	ssyncadd.s32 @!p0 $0xFFFFFFFF  }
0xb3: {  	s25 =	simm.s32 $0x1B8E;
	s24 =	sld [smem:$0x3FFE];
	[sflag:s4] =	ssyncadd.remote.s32 @!p0 $0x1  }
0xb4: {  	s26 =	simm.s32 $execute0_lowered;
	[smem:$0x3FD2] =	sst s25  }
0xb5: {  	s5 =	sshll.u32 s26, $0x1;
	_ =	strace $0x80000049;
	[dreg:$0x1] =	wrdreg $0xFFFFFFFF  }
0xb6: {  	s28 =	simm.s32 $_size_execute0_lowered;
	s3 =	sadd.s32 s3, s5;
	[dreg:$0x0] =	wrdreg $0x0  }
0xb7: {  	s5 =	sshll.u32 s28, $0x1;
	[dreg:$0x2] =	wrdreg s3  }
0xb8: {  	[dreg:$0x3] =	wrdreg s5  }
0xb9: {  	[dreg:$0x4] =	wrdreg $0xC0  }
0xba: {  	_ =	task [dreg:s22], $0x5FFFF  }
0xbb: {  	[dreg:$0x1] =	wrdreg $0xFFFFFFFF  }
0xbc: {  	[dreg:$0x0] =	wrdreg $0x60  }
0xbd: {  	[dreg:$0x2] =	wrdreg s24  }
0xbe: {  	[dreg:$0x3] =	wrdreg $0x41000  }
0xbf: {  	[dreg:$0x4] =	wrdreg $0x9  }
0xc0: {  	_ =	task.clear_ibuf [dreg:s22], $0x5FFFF;
	_ =	strace $0x90000049  }
0xc1: {  	s29 =	simm.s32 $0x9;
	_ =	strace $0x8000004B  }
0xc2: {  	_ =	swait.ge [sflag:s29], $0x1  }
0xc3: {  	[sflag:s29] =	ssyncadd.s32 $0xFFFFFFFF  }
0xc4: {  	_ =	strace $0x9000004B  }
0xc5: {  	_ =	sfence  }
0xc6: {  	s30 =	sld [smem:$0x0];
	_ =	sdelay $0x2  }
0xc7: {  	s31 =	sshll.u32 s1, $0xD;
	s1 =	sshrl.u32 s1, $0x2  }
0xc8: {  	s4 =	sand.u32 $0x4000, s31;
	s1 =	sadd.s32 s1, s30  }
0xc9: {  	s0 =	sor.u32 s4, s0;
	s1 =	sshll.u32 s1, $0x11  }
0xca: {  	s0 =	sor.u32 s1, s0  }
0xcb: {  	s0 =	sadd.s32 $0x8F2B, s0  }
0xcc: {  	[sflag:s0] =	ssyncadd.remote.s32 $0x1  }
0xcd: {  	_ =	sfence.sel $0xFFFF  }
0xce: {  	[dreg:$0x0] =	wrdreg $0xFFFFFFFF;
	(pc) =	sbr.abs _section_cstart, $3  }
0xcf: {  	[dreg:$0x1] =	wrdreg $0xFFFFFFFF  }
0xd0: {  	_ =	task.clear_ibuf [dreg:s22], $0x2FFFF;
	_ =	strace $0x9FFFFFFF  }
0xd1: {  	(tm) =	ssettm $0x7FFFFFFF  }
tec
execute0_lowered:
.L_overlay_start_1:
0x0: {  	(tag) =	ssettag $0x1  }
0x1: {  	s5 =	rddreg [dreg:$0x0]  }
0x2: {  	s2 =	rddreg [dreg:$0x1]  }
0x3: {  	s0 =	rddreg [dreg:$0x2]  }
0x4: {  	s1 =	stileid.u32;
	s4 =	srdreg.scid;
	s3 =	simm.s32 $0x0  }
0x5: {  	s15 =	simm.s32 $0x100;
	s16 =	simm.s32 $0x80;
	s17 =	simm.s32 $0x1  }
0x6: {  	s18 =	simm.s32 $0x2;
	s19 =	simm.s32 $0x0;
	s6 =	smul.u32 $0x13C00, s1  }
0x7: {  	s7 =	sand.u32 $0x1, s4;
	[smem:$0x7FF] =	sst s3;
	s29 =	smul.u32 $0x4F000, s1  }
0x8: {  	s11 =	sadd.s32 $0xCAA00, s5;
	s4 =	sadd.s32 $0xFC200, s5;
	s8 =	smul.u32 $0x13C000, s7  }
0x9: {  	s30 =	sshll.u32 s1, $0x1;
	s12 =	smul.u32 $0xA0, s1;
	s31 =	sshll.u32 s1, $0x6  }
0xa: {  	s26 =	ssub.s32 $0x2, s7;
	s9 =	sshrl.u32 s6, $0x3;
	s6 =	sadd.s32 s6, s8  }
0xb: {  	_ =	strace $0x8000004A;
	s28 =	sshrl.u32 s26, $0x1;
	s6 =	sshrl.u32 s6, $0x3  }
0xc: {  	s25 =	sadd.s32 s9, s5;
	s9 =	ssub.s32 s26, s28;
	s10 =	sadd.s32 s6, s5  }
0xd: {  	s5 =	sor.u32 s7, s30;
	s6 =	sshrl.u32 s29, $0x2;
	s7 =	smul.u32 $0x50, s7  }
0xe: {  	s9 =	smax.u32 s9, $0x1;
	s13 =	sadd.s32 s6, s2;
	s14 =	smul.u32 $0x500, s5  }
0xf: {  	s5 =	sadd.s32 $0xD4A00, s25;
	s6 =	sor.u32 $0x1C03, s31;
	s12 =	sadd.s32 s7, s12  }
0x10: {  	s8 =	sadd.s32 $0xFCA00, s10;
	s13 =	sshrl.u32 s13, $0x3;
	s12 =	sshll.u32 s12, $0x4  }
0x11: {  	s7 =	sadd.s32 s11, s14;
	s14 =	simm.s32 $0x3;
	s12 =	sadd.s32 s12, s11  }
0x12: {  	s10 =	sadd.s32 $0x4F0, s7;
	s11 =	sadd.s32 $0x20, s12;
	s12 =	sadd.s32 $0x10, s12  }
.LBB2_1:
0x13: {  	[spmem:s13], [sflag:s6] =	dma.local [hbm:s5], $0x2780  }
0x14: {  	_ =	swait.ge [sflag:s14], $0x2780  }
0x15: {  	[sflag:s14] =	ssyncset.done $0x0  }
0x16: {  	[sflag:s14] =	ssyncadd.s32 $0xFFFFD880  }
0x17: {  	[tilespmem:s15], [sflag:$0x3] =	stream.linear.gather [hbm4b:s4+s3], $0x4000, $0x38;
	[tilespmem:$0x17D00] =	vst v63  }
0x18: {  	_ =	swait.ge [sflag:s14], $0x4000  }
0x19: {  	[sflag:s14] =	ssyncset.done $0x0  }
0x1a: {  	[sflag:s14] =	ssyncadd.s32 $0xFFFFC000  }
0x1b: {  	[tilespmem:s3], [sflag:$0x1] =	stream.linear.gather [hbm4b:s7+s3], $0x80, $0x38;
	[tilespmem:$0x17D00] =	vst v63  }
0x1c: {  	s20 =	sadd.s32 $0x0, s12;
	[bflag:$0x0] =	sbarrier.arrive $0xFFFF  }
0x1d: {  	[tilespmem:s16], [sflag:$0x2] =	stream.linear.gather [hbm4b:s20+s3], $0x80, $0x38;
	[tilespmem:$0x17D00] =	vst v63  }
0x1e: {  	_ =	swait.ge [sflag:s17], $0x80  }
0x1f: {  	[sflag:s17] =	ssyncset.done $0x0  }
0x20: {  	[sflag:s17] =	ssyncadd.s32 $0xFFFFFF80  }
0x21: {  	[spmem:s2] =	stream.indirect.scatter.add.f32 [tilespmem:s15], [sflag:$0x3], $0x80, s3, s16, $0xb8;
	[tilespmem:$0x17D00] =	vst v63  }
0x22: {  	_ =	swait.ge [sflag:s14], $0x4000  }
0x23: {  	[sflag:s14] =	ssyncset.done $0x0  }
0x24: {  	s31 =	sadd.s32 $0x0, s11;
	[sflag:s14] =	ssyncadd.s32 $0xFFFFC000  }
0x25: {  	[tilespmem:s3], [sflag:$0x1] =	stream.linear.gather [hbm4b:s31+s3], $0x80, $0x38;
	[tilespmem:$0x17D00] =	vst v63  }
0x26: {  	_ =	swait.ge [sflag:s18], $0x80  }
0x27: {  	[sflag:s18] =	ssyncset.done $0x0  }
0x28: {  	[sflag:s18] =	ssyncadd.s32 $0xFFFFFF80  }
0x29: {  	[spmem:s2] =	stream.indirect.scatter.add.f32 [tilespmem:s15], [sflag:$0x3], $0x80, s16, s16, $0xb8;
	[tilespmem:$0x17D00] =	vst v63  }
0x2a: {  	_ =	swait.ge [sflag:s14], $0x4000  }
0x2b: {  	s21 =	simm.s32 $0x40;
	s20 =	simm.s32 $0x20;
	[sflag:s14] =	ssyncset.done $0x0  }
.LBB2_2:
0x2c: {  	s22 =	sadd.s32 s20, s12  }
0x2d: {  	[sflag:s14] =	ssyncadd.s32 $0xFFFFC000;
	s23 =	smov.u32 s21;
	s24 =	sadd.s32 $0x20, s21  }
0x2e: {  	[tilespmem:s16], [sflag:$0x2] =	stream.linear.gather [hbm4b:s22+s3], $0x80, $0x38;
	[tilespmem:$0x17D00] =	vst v63  }
0x2f: {  	p0 =	sne.s32 s21, $0x4C0;
	_ =	swait.ge [sflag:s17], $0x80  }
0x30: {  	[sflag:s17] =	ssyncset.done $0x0  }
0x31: {  	[sflag:s17] =	ssyncadd.s32 $0xFFFFFF80  }
0x32: {  	[spmem:s2] =	stream.indirect.scatter.add.f32 [tilespmem:s15], [sflag:$0x3], $0x80, s3, s16, $0xb8;
	[tilespmem:$0x17D00] =	vst v63  }
0x33: {  	_ =	swait.ge [sflag:s14], $0x4000  }
0x34: {  	[sflag:s14] =	ssyncset.done $0x0  }
0x35: {  	s21 =	sadd.s32 s20, s11;
	s20 =	smov.u32 s23;
	[sflag:s14] =	ssyncadd.s32 $0xFFFFC000  }
0x36: {  	[tilespmem:s3], [sflag:$0x1] =	stream.linear.gather [hbm4b:s21+s3], $0x80, $0x38;
	[tilespmem:$0x17D00] =	vst v63  }
0x37: {  	_ =	swait.ge [sflag:s18], $0x80  }
.Ltmp0:
0x38: {  	[sflag:s18] =	ssyncset.done $0x0;
	(pc) =	sbr.rel @p0 .LBB2_2-.Ltmp0, $4  }
0x39: {  	[sflag:s18] =	ssyncadd.s32 $0xFFFFFF80  }
0x3a: {  	[spmem:s2] =	stream.indirect.scatter.add.f32 [tilespmem:s15], [sflag:$0x3], $0x80, s16, s16, $0xb8;
	[tilespmem:$0x17D00] =	vst v63  }
0x3b: {  	_ =	swait.ge [sflag:s14], $0x4000  }
0x3c: {  	s21 =	smov.u32 s24;
	[sflag:s14] =	ssyncset.done $0x0  }
0x3d: {  	s21 =	sadd.s32 s20, s12;
	[sflag:s14] =	ssyncadd.s32 $0xFFFFC000  }
0x3e: {  	[tilespmem:s16], [sflag:$0x2] =	stream.linear.gather [hbm4b:s21+s3], $0x80, $0x38;
	[tilespmem:$0x17D00] =	vst v63  }
0x3f: {  	_ =	swait.ge [sflag:s17], $0x80  }
0x40: {  	[sflag:s17] =	ssyncset.done $0x0  }
0x41: {  	[sflag:s17] =	ssyncadd.s32 $0xFFFFFF80  }
0x42: {  	[spmem:s2] =	stream.indirect.scatter.add.f32 [tilespmem:s15], [sflag:$0x3], $0x80, s3, s16, $0xb8;
	[tilespmem:$0x17D00] =	vst v63  }
0x43: {  	_ =	swait.ge [sflag:s14], $0x4000  }
0x44: {  	[sflag:s14] =	ssyncset.done $0x0  }
0x45: {  	s31 =	sadd.s32 s20, s11;
	[sflag:s14] =	ssyncadd.s32 $0xFFFFC000  }
0x46: {  	[tilespmem:s3], [sflag:$0x1] =	stream.linear.gather [hbm4b:s31+s3], $0x80, $0x38;
	[tilespmem:$0x17D00] =	vst v63  }
0x47: {  	_ =	swait.ge [sflag:s18], $0x80  }
0x48: {  	[sflag:s18] =	ssyncset.done $0x0  }
0x49: {  	[sflag:s18] =	ssyncadd.s32 $0xFFFFFF80  }
0x4a: {  	[spmem:s2] =	stream.indirect.scatter.add.f32 [tilespmem:s15], [sflag:$0x3], $0x80, s16, s16, $0xb8;
	[tilespmem:$0x17D00] =	vst v63  }
0x4b: {  	_ =	swait.ge [sflag:s14], $0x4000  }
0x4c: {  	[sflag:s14] =	ssyncset.done $0x0  }
0x4d: {  	[sflag:s14] =	ssyncadd.s32 $0xFFFFC000  }
0x4e: {  	[tilespmem:s16], [sflag:$0x2] =	stream.linear.gather [hbm4b:s10+s3], $0x80, $0x38;
	[tilespmem:$0x17D00] =	vst v63  }
0x4f: {  	_ =	swait.ge [sflag:s17], $0x80  }
0x50: {  	[sflag:s17] =	ssyncset.done $0x0  }
0x51: {  	[sflag:s17] =	ssyncadd.s32 $0xFFFFFF80  }
0x52: {  	[spmem:s2] =	stream.indirect.scatter.add.f32 [tilespmem:s15], [sflag:$0x3], $0x80, s3, s16, $0xb8;
	[tilespmem:$0x17D00] =	vst v63  }
0x53: {  	_ =	swait.ge [sflag:s14], $0x4000  }
0x54: {  	[sflag:s14] =	ssyncset.done $0x0  }
0x55: {  	[sflag:s14] =	ssyncadd.s32 $0xFFFFC000  }
0x56: {  	_ =	swait.ge [sflag:s18], $0x80  }
0x57: {  	[sflag:s18] =	ssyncset.done $0x0  }
0x58: {  	[sflag:s18] =	ssyncadd.s32 $0xFFFFFF80  }
0x59: {  	[spmem:s2] =	stream.indirect.scatter.add.f32 [tilespmem:s15], [sflag:$0x3], $0x80, s16, s16, $0xb8;
	[tilespmem:$0x17D00] =	vst v63  }
0x5a: {  	_ =	swait.ge [sflag:s14], $0x4000  }
0x5b: {  	s19 =	sadd.s32 $0x1, s19;
	[sflag:s14] =	ssyncset.done $0x0  }
0x5c: {  	p0 =	sne.s32 s19, s9;
	[sflag:s14] =	ssyncadd.s32 $0xFFFFC000  }
.Ltmp1:
0x5d: {  	[bflag:$0x0] =	sbarrier.arrive $0xFFFF;
	(pc) =	sbr.rel @p0 .LBB2_1-.Ltmp1, $4  }
0x5e: {  	[hbm:s8], [sflag:s6] =	dma.local [spmem:s13], $0x2780  }
0x5f: {  	_ =	swait.ge [sflag:s14], $0x2780  }
0x60: {  	[sflag:s14] =	ssyncset.done $0x0  }
0x61: {  	[sflag:s14] =	ssyncadd.s32 $0xFFFFD880  }
0x62: {  	_ =	sfence.sel $0x180000  }
0x63: {  	[bflag:$0x0] =	sbarrier.arrive $0xFFFF  }
0x64: {  	p0 =	sne.s32 s1, $0x0;
	_ =	strace $0x9000004A  }
0x65: {  	s0 =	sadd.s32 @!p0 $0x100000, s0;
	[bflag:$0x2] =	sbarrier.arrive $0xFFFF  }
0x66: {  	[sflag:s0] =	ssyncadd.tile.s32 @!p0 $0x1;
	_ =	shalt  }
.Lfunc_end2:
_tile_overlayer_lowered:
.L_overlay_start_2:
0x67: {  	(tag) =	ssettag $0x2  }
0x68: {  	s0 =	rddreg [dreg:$0x0];
	s2 =	stileid.u32  }
0x69: {  	s1 =	rddreg [dreg:$0x1];
	p0 =	sne.s32 s2, $0x0  }
0x6a: {  	s3 =	rddreg [dreg:$0x2];
	[bflag:$0x3] =	sbarrier.arrive $0xFFFF;
	s2 =	simm.s32 @!p0 $0x1C03  }
0x6b: {  	[timem:s3], [sflag:s2] =	dma.local @!p0 [hbm:s0], s1  }
0x6c: {  	s0 =	simm.s32 @!p0 $0x3  }
0x6d: {  	_ =	swait.ge @!p0 [sflag:s0], s1  }
0x6e: {  	s1 =	ssub.s32 @!p0 $0x0, s1;
	[sflag:s0] =	ssyncset.done @!p0 $0x0  }
0x6f: {  	[sflag:s0] =	ssyncadd.s32 @!p0 s1  }
0x70: {  	[bflag:$0x3] =	sbarrier.arrive $0xFFFF  }
0x71: {  	_ =	shalt  }

// kernel: kernel.15.cloned.1.call-start
scs
__scs_entry_jumppad:
0x0: {  	(pc) =	sbr.rel $0x88, $3  }
0x1: {  	(tag) =	ssettag $0x0;
	lr =	simm.s32 $0x1  }
0x2: {  	[smem:$0x3F93] =	sst lr;
	_ =	strace $0xD0000000  }
0x3: {  	_ = 	snop  }
0x4: {  	_ = 	snop  }
0x5: {  	_ = 	snop  }
0x6: {  	_ = 	snop  }
0x7: {  	_ = 	snop  }
__scs_overlays_trampoline_lowered:
0x8: {  	[smem:$0x3FA2] =	sst s0  }
0x9: {  	[smem:$0x3FA3] =	sst s1  }
0xa: {  	[smem:$0x3FA4] =	sst s2  }
0xb: {  	[smem:$0x3FA5] =	sst s3  }
0xc: {  	[smem:$0x3FA6] =	sst s4  }
0xd: {  	[smem:$0x3FA7] =	sst s5  }
0xe: {  	[smem:$0x3FA8] =	sst s6  }
0xf: {  	[smem:$0x3FA9] =	sst s7  }
0x10: {  	[smem:$0x3FAA] =	sst s8  }
0x11: {  	[smem:$0x3FAB] =	sst s9;
	s0 =	simm.s32 @!p0 $0x0  }
0x12: {  	s1 =	sld [smem:$0x3F91];
	s0 =	simm.s32 @p0 $0x1  }
0x13: {  	[smem:$0x3FAC] =	sst s0;
	s0 =	simm.s32 @!p1 $0x0  }
0x14: {  	s2 =	sld [smem:$0x3F90];
	s0 =	simm.s32 @p1 $0x1  }
0x15: {  	[smem:$0x3FAD] =	sst s0;
	s0 =	simm.s32 @!p2 $0x0  }
0x16: {  	s3 =	sld [smem:$0x3FDB];
	s0 =	simm.s32 @p2 $0x1  }
0x17: {  	s4 =	simm.s32 $0x1BF5;
	[smem:$0x3FAF] =	sst s0  }
0x18: {  	s0 =	sld [smem:$0x3F92];
	_ =	swait.ge [sflag:s4], $0x0  }
0x19: {  	s7 =	sld [smem:$0x3F93]  }
0x1a: {  	s8 =	sadd.s32 $0xFFFFE003, lr  }
0x1b: {  	s9 =	sadd.s32 $0xFFFFFEF7, lr;
	s5 =	simm.s32 $0xFFFFFFFF;
	p2 =	slt.u32 s8, $0xFFFFF086  }
0x1c: {  	p1 =	slt.u32 s9, $0xF7A;
	s5 =	simm.s32 @!p2 $0x0  }
0x1d: {  	s5 =	simm.s32 @p1 $0x1;
	p0 =	seq.s32 s7, s2  }
0x1e: {  	s7 =	smul.u32 @!p0 $0xF7A, s2;
	p2 =	seq.s32 @!p0 s5, $0x0  }
0x1f: {  	s9 =	smul.u32 $0xF7A, s1;
	s8 =	simm.s32 @!p0 $0x1BF5;
	p2 =	por !p2, p0  }
0x20: {  	[sflag:s8] =	ssyncset.s32 @!p0 $0xFFFFF086;
	s6 =	sadd.s32 @!p0 s3, s7;
	s7 =	simm.s32 @!p0 $0x108  }
0x21: {  	s3 =	sadd.s32 s3, s9;
	s6 =	sadd.s32 @!p0 $0x88, s6;
	s7 =	simm.s32 @p2 $0x1082  }
0x22: {  	[simem:s7], [sflag:s8] =	dma.local @!p0 [hbm:s6], $0xF7A  }
0x23: {  	s9 =	sor.u32 $0xD0000000, s2;
	s6 =	simm.s32 $0x108;
	_ =	swait.ge @!p0 [sflag:s8], $0x0  }
0x24: {  	s3 =	sadd.s32 $0x88, s3;
	s6 =	simm.s32 @!p1 $0x1082;
	[sflag:s4] =	ssyncset.s32 $0xFFFFF086  }
0x25: {  	[simem:s6], [sflag:s4] =	dma.local [hbm:s3], $0xF7A  }
0x26: {  	[smem:$0x3F93] =	sst s1;
	(tag) =	ssettag s2;
	_ =	strace s9  }
0x27: {  	s1 =	sld [smem:$0x3FA3]  }
0x28: {  	s2 =	sld [smem:$0x3FA4]  }
0x29: {  	s4 =	sld [smem:$0x3FA6]  }
0x2a: {  	p0 =	seq.s32 s5, $0x0;
	s5 =	sld [smem:$0x3FA7]  }
0x2b: {  	s6 =	sld [smem:$0x3FA8]  }
0x2c: {  	s7 =	sld [smem:$0x3FA9]  }
0x2d: {  	s3 =	simm.s32 $0x108;
	s8 =	sld [smem:$0x3FAA]  }
0x2e: {  	s3 =	simm.s32 @!p0 $0x1082;
	s9 =	sld [smem:$0x3FAB]  }
0x2f: {  	lr =	sadd.s32 s0, s3;
	s0 =	sld [smem:$0x3FA2]  }
0x30: {  	s3 =	sld [smem:$0x3FA5]  }
0x31: {  	[smem:$0x3FAE] =	sst s10  }
0x32: {  	s10 =	sld [smem:$0x3FAC];
	_ =	sdelay $0x3  }
0x33: {  	p0 =	seq.s32 s10, $0x1;
	s10 =	sld [smem:$0x3FAE];
	_ =	sdelay $0x3  }
0x34: {  	[smem:$0x3FAE] =	sst s10  }
0x35: {  	s10 =	sld [smem:$0x3FAD];
	_ =	sdelay $0x3  }
0x36: {  	p1 =	seq.s32 s10, $0x1;
	s10 =	sld [smem:$0x3FAE];
	_ =	sdelay $0x3  }
0x37: {  	[smem:$0x3FAE] =	sst s10  }
0x38: {  	s10 =	sld [smem:$0x3FAF]  }
0x39: {  	_ = 	snop;
	(pc) =	sbr.ind lr, $3  }
0x3a: {  	_ = 	snop  }
0x3b: {  	_ = 	snop  }
0x3c: {  	p2 =	seq.s32 s10, $0x1;
	s10 =	sld [smem:$0x3FAE]  }
0x3d: {  	_ =	shalt  }
0x3e: {  	_ =	shalt  }
0x3f: {  	_ =	shalt  }
0x40: {  	_ =	shalt  }
0x41: {  	_ =	shalt  }
0x42: {  	_ =	shalt  }
0x43: {  	_ =	shalt  }
0x44: {  	_ =	shalt  }
0x45: {  	_ =	shalt  }
0x46: {  	_ =	shalt  }
0x47: {  	_ =	shalt  }
0x48: {  	_ =	shalt  }
0x49: {  	_ =	shalt  }
0x4a: {  	_ =	shalt  }
0x4b: {  	_ =	shalt  }
0x4c: {  	_ =	shalt  }
0x4d: {  	_ =	shalt  }
0x4e: {  	_ =	shalt  }
0x4f: {  	_ =	shalt  }
0x50: {  	_ =	shalt  }
0x51: {  	_ =	shalt  }
0x52: {  	_ =	shalt  }
0x53: {  	_ =	shalt  }
0x54: {  	_ =	shalt  }
0x55: {  	_ =	shalt  }
0x56: {  	_ =	shalt  }
0x57: {  	_ =	shalt  }
0x58: {  	_ =	shalt  }
0x59: {  	_ =	shalt  }
0x5a: {  	_ =	shalt  }
0x5b: {  	_ =	shalt  }
0x5c: {  	_ =	shalt  }
0x5d: {  	_ =	shalt  }
0x5e: {  	_ =	shalt  }
0x5f: {  	_ =	shalt  }
0x60: {  	_ =	shalt  }
0x61: {  	_ =	shalt  }
0x62: {  	_ =	shalt  }
0x63: {  	_ =	shalt  }
0x64: {  	_ =	shalt  }
0x65: {  	_ =	shalt  }
0x66: {  	_ =	shalt  }
0x67: {  	_ =	shalt  }
0x68: {  	_ =	shalt  }
0x69: {  	_ =	shalt  }
0x6a: {  	_ =	shalt  }
0x6b: {  	_ =	shalt  }
0x6c: {  	_ =	shalt  }
0x6d: {  	_ =	shalt  }
0x6e: {  	_ =	shalt  }
0x6f: {  	_ =	shalt  }
0x70: {  	_ =	shalt  }
0x71: {  	_ =	shalt  }
0x72: {  	_ =	shalt  }
0x73: {  	_ =	shalt  }
0x74: {  	_ =	shalt  }
0x75: {  	_ =	shalt  }
0x76: {  	_ =	shalt  }
0x77: {  	_ =	shalt  }
0x78: {  	_ =	shalt  }
0x79: {  	_ =	shalt  }
0x7a: {  	_ =	shalt  }
0x7b: {  	_ =	shalt  }
0x7c: {  	_ =	shalt  }
0x7d: {  	_ =	shalt  }
0x7e: {  	_ =	shalt  }
0x7f: {  	_ =	shalt  }
0x80: {  	_ =	shalt  }
0x81: {  	_ =	shalt  }
0x82: {  	_ =	shalt  }
0x83: {  	_ =	shalt  }
0x84: {  	_ =	shalt  }
0x85: {  	_ =	shalt  }
0x86: {  	_ =	shalt  }
0x87: {  	_ =	shalt  }
.Lfunc_end0:
.L_simem_size_0:
called_computation.2_lowered:
.L_overlay_start_0:
0x88: {  	s2 =	sld [smem:$0x3FD9]  }
0x89: {  	s3 =	sld [smem:$0x3FFE];
	_ =	sdelay $0x1  }
0x8a: {  	s1 =	srdreg.scid  }
0x8b: {  	s0 =	sand.u32 $0x1, s1  }
0x8c: {  	s17 =	sshll.u32 s0, $0xA;
	s2 =	sadd.s32 s3, s2  }
0x8d: {  	s2 =	sadd.s32 s2, s17  }
0x8e: {  	[smem:$0x3FBA] =	sst s2  }
0x8f: {  	_ = 	snop  }
0x90: {  	(tm) =	ssettm $0x1  }
0x91: {  	s18 =	sld [smem:$0x3FFB];
	_ =	sdelay $0x3  }
0x92: {  	_ =	strace s18  }
0x93: {  	s2 =	sld [smem:$0x3FFC];
	_ =	sdelay $0x3  }
0x94: {  	_ =	strace s2  }
0x95: {  	s2 =	sld [smem:$0x3FFD];
	_ =	sdelay $0x3  }
0x96: {  	_ =	strace s2  }
0x97: {  	_ =	strace $0x8FFFFFFF  }
0x98: {  	s19 =	sld [smem:$0x3FDB];
	_ =	sdelay $0x1  }
0x99: {  	s20 =	simm.s32 $_scs_section_size  }
0x9a: {  	s4 =	simm.s32 $_size__tile_overlayer_lowered;
	s5 =	simm.s32 $_tile_overlayer_lowered  }
0x9b: {  	s6 =	simm.s32 $0x1BFF;
	s21 =	sshll.u32 s5, $0x1;
	s3 =	sadd.s32 s20, s19  }
0x9c: {  	s22 =	simm.s32 $0x0;
	s4 =	sshll.u32 s4, $0x1;
	s5 =	sadd.s32 s21, s3  }
0x9d: {  	[timem:s22], [sflag:s6] =	dma.local [hbm:s5], s4  }
0x9e: {  	_ =	swait.ge [sflag:s6], s4  }
0x9f: {  	s4 =	ssub.s32 $0x0, s4;
	[sflag:s6] =	ssyncset.done $0x0  }
0xa0: {  	[sflag:s6] =	ssyncadd.s32 s4;
	_ =	sdelay $0x1  }
0xa1: {  	s23 =	simm.s32 $0x1B8B  }
0xa2: {  	_ =	swait.ge [sflag:s23], $0x1  }
0xa3: {  	[sflag:s23] =	ssyncset.done $0x0  }
0xa4: {  	[sflag:s23] =	ssyncadd.s32 $0xFFFFFFFF  }
0xa5: {  	s4 =	sld [smem:$0x0]  }
0xa6: {  	s5 =	sand.u32 $0xFFFFFFFE, s1  }
0xa7: {  	p0 =	sne.s32 s1, s5  }
0xa8: {  	s5 =	sshll.u32 @p0 s5, $0xE  }
0xa9: {  	s5 =	sadd.s32 @p0 $0x11B8D, s5;
	s6 =	sshll.u32 @p0 s4, $0x11  }
0xaa: {  	s5 =	sor.u32 @p0 s6, s5  }
0xab: {  	[sflag:s5] =	ssyncadd.remote.s32 @p0 $0x1;
	_ =	sdelay $0x1  }
0xac: {  	s5 =	simm.s32 @p0 $0x1B8D  }
0xad: {  	_ =	swait.eq @p0 [sflag:s5], $0x1  }
0xae: {  	[sflag:s5] =	ssyncadd.s32 @p0 $0xFFFFFFFF  }
0xaf: {  	s6 =	sshll.u32 @!p0 s1, $0xE  }
0xb0: {  	s6 =	sor.u32 @!p0 $0x4000, s6;
	s5 =	simm.s32 @!p0 $0x1B8D  }
0xb1: {  	s4 =	sshll.u32 @!p0 s4, $0x11;
	s6 =	sadd.s32 @!p0 $0x11B8D, s6;
	_ =	swait.eq @!p0 [sflag:s5], $0x1  }
0xb2: {  	s4 =	sor.u32 @!p0 s4, s6;
	[sflag:s5] =	ssyncadd.s32 @!p0 $0xFFFFFFFF  }
0xb3: {  	s25 =	simm.s32 $0x1B8E;
	s24 =	sld [smem:$0x3FFE];
	[sflag:s4] =	ssyncadd.remote.s32 @!p0 $0x1  }
0xb4: {  	s26 =	simm.s32 $execute0_lowered;
	[smem:$0x3FD2] =	sst s25  }
0xb5: {  	s5 =	sshll.u32 s26, $0x1;
	_ =	strace $0x8000004C;
	[dreg:$0x1] =	wrdreg $0xFFFFFFFF  }
0xb6: {  	s28 =	simm.s32 $_size_execute0_lowered;
	s3 =	sadd.s32 s3, s5;
	[dreg:$0x0] =	wrdreg $0x0  }
0xb7: {  	s5 =	sshll.u32 s28, $0x1;
	[dreg:$0x2] =	wrdreg s3  }
0xb8: {  	[dreg:$0x3] =	wrdreg s5  }
0xb9: {  	[dreg:$0x4] =	wrdreg $0xC0  }
0xba: {  	_ =	task [dreg:s22], $0x5FFFF  }
0xbb: {  	[dreg:$0x1] =	wrdreg $0xFFFFFFFF  }
0xbc: {  	[dreg:$0x0] =	wrdreg $0x60  }
0xbd: {  	[dreg:$0x2] =	wrdreg s24  }
0xbe: {  	[dreg:$0x3] =	wrdreg $0x84000  }
0xbf: {  	[dreg:$0x4] =	wrdreg $0xA  }
0xc0: {  	_ =	task.clear_ibuf [dreg:s22], $0x5FFFF;
	_ =	strace $0x9000004C  }
0xc1: {  	s29 =	simm.s32 $0xA;
	_ =	strace $0x8000004E  }
0xc2: {  	_ =	swait.ge [sflag:s29], $0x1  }
0xc3: {  	[sflag:s29] =	ssyncadd.s32 $0xFFFFFFFF  }
0xc4: {  	_ =	strace $0x9000004E  }
0xc5: {  	_ =	sfence  }
0xc6: {  	s30 =	sld [smem:$0x0];
	_ =	sdelay $0x2  }
0xc7: {  	s31 =	sshll.u32 s1, $0xD;
	s1 =	sshrl.u32 s1, $0x2  }
0xc8: {  	s4 =	sand.u32 $0x4000, s31;
	s1 =	sadd.s32 s1, s30  }
0xc9: {  	s0 =	sor.u32 s4, s0;
	s1 =	sshll.u32 s1, $0x11  }
0xca: {  	s0 =	sor.u32 s1, s0  }
0xcb: {  	s0 =	sadd.s32 $0x8F2B, s0  }
0xcc: {  	[sflag:s0] =	ssyncadd.remote.s32 $0x1  }
0xcd: {  	_ =	sfence.sel $0xFFFF  }
0xce: {  	[dreg:$0x0] =	wrdreg $0xFFFFFFFF;
	(pc) =	sbr.abs _section_cstart, $3  }
0xcf: {  	[dreg:$0x1] =	wrdreg $0xFFFFFFFF  }
0xd0: {  	_ =	task.clear_ibuf [dreg:s22], $0x2FFFF;
	_ =	strace $0x9FFFFFFF  }
0xd1: {  	(tm) =	ssettm $0x7FFFFFFF  }
tec
execute0_lowered:
.L_overlay_start_1:
0x0: {  	(tag) =	ssettag $0x1  }
0x1: {  	s0 =	rddreg [dreg:$0x0]  }
0x2: {  	s2 =	rddreg [dreg:$0x1]  }
0x3: {  	s3 =	simm.s32 $0x0;
	s13 =	stileid.u32;
	s1 =	srdreg.scid  }
0x4: {  	s28 =	simm.s32 $0x4400;
	s29 =	simm.s32 $0x1;
	s30 =	simm.s32 $0x2  }
0x5: {  	s31 =	simm.s32 $0x0;
	[smem:$0x7FF] =	sst s3;
	s5 =	smul.u32 $0x13C00, s13  }
0x6: {  	s1 =	sand.u32 $0x1, s1;
	s4 =	sadd.s32 $0x15FA00, s0;
	s14 =	sadd.s32 $0x14BA00, s0  }
0x7: {  	s15 =	sadd.s32 $0x155A00, s0;
	s16 =	sadd.s32 $0xCAA00, s0;
	s8 =	smul.u32 $0x4F000, s13  }
0x8: {  	s9 =	smul.u32 $0xA0, s13;
	s10 =	sshll.u32 s13, $0x1;
	s18 =	sshll.u32 s13, $0x6  }
0x9: {  	_ =	strace $0x8000004D;
	s6 =	smul.u32 $0x13C000, s1;
	s12 =	ssub.s32 $0x2, s1  }
0xa: {  	s11 =	smul.u32 $0x50, s1;
	s1 =	sor.u32 s1, s10;
	s7 =	sshrl.u32 s5, $0x3  }
0xb: {  	s17 =	sshrl.u32 s12, $0x1;
	s8 =	sshrl.u32 s8, $0x2;
	s1 =	smul.u32 $0x500, s1  }
0xc: {  	s7 =	sadd.s32 s7, s0;
	s5 =	sadd.s32 s5, s6;
	s12 =	ssub.s32 s12, s17  }
0xd: {  	s17 =	sadd.s32 s8, s2;
	s19 =	sadd.s32 s11, s9;
	s6 =	sor.u32 $0x1C03, s18  }
0xe: {  	s5 =	sshrl.u32 s5, $0x3;
	s20 =	sadd.s32 $0xD4A00, s7;
	s18 =	sshll.u32 s19, $0x4  }
0xf: {  	s21 =	sadd.s32 s14, s1;
	s8 =	sadd.s32 s15, s1;
	s9 =	sadd.s32 s16, s1  }
0x10: {  	s11 =	smax.u32 s12, $0x1;
	s17 =	sshrl.u32 s17, $0x3;
	[dreg:$0x4] =	wrdreg s20  }
0x11: {  	s0 =	sadd.s32 s5, s0;
	[dreg:$0x5] =	wrdreg s21;
	s22 =	sor.u32 $0x20, s18  }
0x12: {  	s24 =	sadd.s32 s18, s14;
	s25 =	sadd.s32 s18, s15;
	s26 =	sadd.s32 s18, s16  }
0x13: {  	s18 =	simm.s32 $0x3;
	s20 =	simm.s32 $0x300;
	s21 =	simm.s32 $0x80  }
0x14: {  	s10 =	sadd.s32 $0x31E00, s0;
	s23 =	sadd.s32 s22, s14;
	s12 =	sadd.s32 s22, s15  }
0x15: {  	s13 =	sadd.s32 s22, s16;
	s14 =	sadd.s32 $0x10, s24;
	s15 =	sadd.s32 $0x10, s25  }
0x16: {  	s16 =	sadd.s32 $0x10, s26;
	s24 =	simm.s32 $0x180;
	s25 =	simm.s32 $0x380  }
0x17: {  	s26 =	simm.s32 $0x280;
	[dreg:$0x3] =	wrdreg s23;
	s23 =	simm.s32 $0x400  }
.LBB2_1:
0x18: {  	s0 =	rddreg [dreg:$0x4]  }
0x19: {  	[spmem:s17], [sflag:s6] =	dma.local [hbm:s0], $0x2780  }
0x1a: {  	_ =	swait.ge [sflag:s18], $0x2780  }
0x1b: {  	[sflag:s18] =	ssyncset.done $0x0  }
0x1c: {  	s22 =	rddreg [dreg:$0x5];
	[sflag:s18] =	ssyncadd.s32 $0xFFFFD880  }
0x1d: {  	[tilespmem:s3], [sflag:$0x3] =	stream.linear.gather [hbm4b:s22+s3], $0x80, $0x38;
	[tilespmem:$0x1C000] =	vst v63  }
0x1e: {  	_ =	swait.ge [sflag:s18], $0x80  }
0x1f: {  	[sflag:s18] =	ssyncset.done $0x0  }
0x20: {  	s1 =	simm.s32 $0x100;
	[sflag:s18] =	ssyncadd.s32 $0xFFFFFF80  }
0x21: {  	[tilespmem:s1], [sflag:$0x3] =	stream.linear.gather [hbm4b:s8+s3], $0x80, $0x38;
	[tilespmem:$0x1C000] =	vst v63  }
0x22: {  	_ =	swait.ge [sflag:s18], $0x80  }
0x23: {  	[sflag:s18] =	ssyncset.done $0x0  }
0x24: {  	[sflag:s18] =	ssyncadd.s32 $0xFFFFFF80  }
0x25: {  	[tilespmem:s20], [sflag:$0x3] =	stream.linear.gather [hbm4b:s9+s3], $0x80, $0x38;
	[tilespmem:$0x1C000] =	vst v63  }
0x26: {  	_ =	swait.ge [sflag:s18], $0x80  }
0x27: {  	[sflag:s18] =	ssyncset.done $0x0  }
0x28: {  	[sflag:s18] =	ssyncadd.s32 $0xFFFFFF80  }
0x29: {  	v0 =	vld [tilespmem:$0x100]  }
0x2a: {  	v1 =	vld [tilespmem:$0x0]  }
0x2b: {  	v2 =	vld [tilespmem:$0x110]  }
0x2c: {  	v3 =	vld [tilespmem:$0x10]  }
0x2d: {  	v4 =	vld [tilespmem:$0x120]  }
0x2e: {  	v5 =	vld [tilespmem:$0x20]  }
0x2f: {  	v6 =	vld [tilespmem:$0x130]  }
0x30: {  	v7 =	vld [tilespmem:$0x30]  }
0x31: {  	v8 =	vld [tilespmem:$0x140]  }
0x32: {  	v9 =	vld [tilespmem:$0x40]  }
0x33: {  	v10 =	vld [tilespmem:$0x150]  }
0x34: {  	v11 =	vld [tilespmem:$0x50];
	v0 =	vmul.u32 $0x2EE0, v0  }
0x35: {  	v12 =	vld [tilespmem:$0x160];
	v2 =	vmul.u32 $0x2EE0, v2  }
0x36: {  	v24 =	vld [tilespmem:$0x170];
	v23 =	vmul.u32 $0x2EE0, v4;
	v0 =	vadd.s32 v1, v0  }
0x37: {  	v27 =	vld [tilespmem:$0x60];
	v26 =	vmul.u32 $0x2EE0, v6;
	v25 =	vadd.s32 v3, v2;
	[tilespmem:$0x200] =	vst v0  }
0x38: {  	v30 =	vld [tilespmem:$0x70];
	v29 =	vmul.u32 $0x2EE0, v8;
	v28 =	vadd.s32 v5, v23;
	[tilespmem:$0x210] =	vst v25  }
0x39: {  	v32 =	vmul.u32 $0x2EE0, v10;
	v31 =	vadd.s32 v7, v26;
	[tilespmem:$0x220] =	vst v28  }
0x3a: {  	v34 =	vmul.u32 $0x2EE0, v12;
	v33 =	vadd.s32 v9, v29;
	[tilespmem:$0x230] =	vst v31  }
0x3b: {  	v36 =	vmul.u32 $0x2EE0, v24;
	v35 =	vadd.s32 v11, v32;
	[tilespmem:$0x240] =	vst v33  }
0x3c: {  	v37 =	vadd.s32 v27, v34;
	[tilespmem:$0x250] =	vst v35  }
0x3d: {  	v38 =	vadd.s32 v30, v36;
	[tilespmem:$0x260] =	vst v37  }
0x3e: {  	s5 =	simm.s32 $0x200;
	[tilespmem:$0x270] =	vst v38  }
0x3f: {  	[tilespmem:s23], [sflag:$0x1] =	stream.indirect.gather [hbm4b:s4+s21], $0x80, s5, s21, $0xb8;
	[tilespmem:$0x1C000] =	vst v63  }
0x40: {  	s7 =	sadd.s32 $0x0, s14;
	[bflag:$0x0] =	sbarrier.arrive $0xFFFF  }
0x41: {  	[tilespmem:s21], [sflag:$0x3] =	stream.linear.gather [hbm4b:s7+s3], $0x80, $0x38;
	[tilespmem:$0x1C000] =	vst v63  }
0x42: {  	_ =	swait.ge [sflag:s18], $0x80  }
0x43: {  	[sflag:s18] =	ssyncset.done $0x0  }
0x44: {  	s19 =	sadd.s32 $0x0, s15;
	[sflag:s18] =	ssyncadd.s32 $0xFFFFFF80  }
0x45: {  	[tilespmem:s24], [sflag:$0x3] =	stream.linear.gather [hbm4b:s19+s3], $0x80, $0x38;
	[tilespmem:$0x1C000] =	vst v63  }
0x46: {  	_ =	swait.ge [sflag:s18], $0x80  }
0x47: {  	[sflag:s18] =	ssyncset.done $0x0  }
0x48: {  	s22 =	sadd.s32 $0x0, s16;
	[sflag:s18] =	ssyncadd.s32 $0xFFFFFF80  }
0x49: {  	[tilespmem:s25], [sflag:$0x3] =	stream.linear.gather [hbm4b:s22+s3], $0x80, $0x38;
	[tilespmem:$0x1C000] =	vst v63  }
0x4a: {  	_ =	swait.ge [sflag:s18], $0x80  }
0x4b: {  	[sflag:s18] =	ssyncset.done $0x0  }
0x4c: {  	[sflag:s18] =	ssyncadd.s32 $0xFFFFFF80  }
0x4d: {  	v39 =	vld [tilespmem:$0xC0]  }
0x4e: {  	v40 =	vld [tilespmem:$0xB0]  }
0x4f: {  	v42 =	vld [tilespmem:$0xA0]  }
0x50: {  	v43 =	vld [tilespmem:$0x90]  }
0x51: {  	v44 =	vld [tilespmem:$0x1C0]  }
0x52: {  	v45 =	vld [tilespmem:$0x1B0]  }
0x53: {  	v46 =	vld [tilespmem:$0xF0]  }
0x54: {  	v47 =	vld [tilespmem:$0x1A0]  }
0x55: {  	v48 =	vld [tilespmem:$0x190]  }
0x56: {  	v49 =	vld [tilespmem:$0x1F0]  }
0x57: {  	v50 =	vld [tilespmem:$0x1D0]  }
0x58: {  	v53 =	vld [tilespmem:$0x1E0];
	v5 =	vmul.u32 $0x2EE0, v44  }
0x59: {  	v51 =	vld [tilespmem:$0x180];
	v6 =	vmul.u32 $0x2EE0, v45  }
0x5a: {  	v57 =	vld [tilespmem:$0xE0];
	v52 =	vmul.u32 $0x2EE0, v47;
	v0 =	vadd.s32 v39, v5  }
0x5b: {  	v41 =	vld [tilespmem:$0xD0];
	v55 =	vmul.u32 $0x2EE0, v48;
	v1 =	vadd.s32 v40, v6;
	[tilespmem:$0x2C0] =	vst v0  }
0x5c: {  	v54 =	vld [tilespmem:$0x80];
	v58 =	vmul.u32 $0x2EE0, v49;
	v56 =	vadd.s32 v42, v52;
	[tilespmem:$0x2B0] =	vst v1  }
0x5d: {  	v62 =	vmul.u32 $0x2EE0, v53;
	v4 =	vadd.s32 v43, v55;
	[tilespmem:$0x2A0] =	vst v56  }
0x5e: {  	v59 =	vmul.u32 $0x2EE0, v50;
	v61 =	vadd.s32 v46, v58;
	[tilespmem:$0x290] =	vst v4  }
0x5f: {  	v60 =	vmul.u32 $0x2EE0, v51;
	v63 =	vadd.s32 v57, v62;
	[tilespmem:$0x2F0] =	vst v61  }
0x60: {  	v1 =	vadd.s32 v41, v59;
	[tilespmem:$0x2E0] =	vst v63  }
0x61: {  	v0 =	vadd.s32 v54, v60;
	[tilespmem:$0x2D0] =	vst v1  }
0x62: {  	[tilespmem:$0x280] =	vst v0  }
0x63: {  	[tilespmem:s28], [sflag:$0x2] =	stream.indirect.gather [hbm4b:s4+s21], $0x80, s26, s21, $0xb8;
	[tilespmem:$0x1C000] =	vst v63  }
0x64: {  	_ =	swait.ge [sflag:s29], $0x4000  }
0x65: {  	[sflag:s29] =	ssyncset.done $0x0  }
0x66: {  	[sflag:s29] =	ssyncadd.s32 $0xFFFFC000  }
0x67: {  	[spmem:s2] =	stream.indirect.scatter.add.f32 [tilespmem:s23], [sflag:$0x3], $0x80, s20, s21, $0xb8;
	[tilespmem:$0x1C000] =	vst v63  }
0x68: {  	_ =	swait.ge [sflag:s18], $0x4000  }
0x69: {  	p1 =	por $0x0, $0x0;
	s0 =	rddreg [dreg:$0x3];
	[sflag:s18] =	ssyncset.done $0x0  }
0x6a: {  	s1 =	simm.s32 @!p1 $0x0;
	[sflag:s18] =	ssyncadd.s32 $0xFFFFC000;
	s0 =	sadd.s32 @!p1 $0x0, s0  }
0x6b: {  	[tilespmem:s1], [sflag:$0x3] =	stream.linear.gather @!p1 [hbm4b:s0+s1], $0x80, $0x38;
	[tilespmem:$0x1C000] =	vst v63  }
0x6c: {  	s0 =	simm.s32 @!p1 $0x3  }
0x6d: {  	_ =	swait.ge @!p1 [sflag:s0], $0x80  }
0x6e: {  	[sflag:s0] =	ssyncset.done @!p1 $0x0  }
0x6f: {  	s19 =	sadd.s32 @!p1 $0x0, s12;
	s22 =	simm.s32 @!p1 $0x100;
	[sflag:s0] =	ssyncadd.s32 @!p1 $0xFFFFFF80  }
0x70: {  	[tilespmem:s22], [sflag:$0x3] =	stream.linear.gather @!p1 [hbm4b:s19+s1], $0x80, $0x38;
	[tilespmem:$0x1C000] =	vst v63  }
0x71: {  	_ =	swait.ge @!p1 [sflag:s0], $0x80  }
0x72: {  	[sflag:s0] =	ssyncset.done @!p1 $0x0  }
0x73: {  	s19 =	sadd.s32 @!p1 $0x0, s13;
	s22 =	simm.s32 @!p1 $0x300;
	[sflag:s0] =	ssyncadd.s32 @!p1 $0xFFFFFF80  }
0x74: {  	[tilespmem:s22], [sflag:$0x3] =	stream.linear.gather @!p1 [hbm4b:s19+s1], $0x80, $0x38;
	[tilespmem:$0x1C000] =	vst v63  }
0x75: {  	_ =	swait.ge @!p1 [sflag:s0], $0x80  }
0x76: {  	[sflag:s0] =	ssyncset.done @!p1 $0x0  }
0x77: {  	[sflag:s0] =	ssyncadd.s32 @!p1 $0xFFFFFF80;
	s0 =	simm.s32 $0x20  }
.LBB2_2:
0x78: {  	v0 =	vld @!p1 [tilespmem:$0x60]  }
0x79: {  	v1 =	vld @!p1 [tilespmem:$0x70]  }
0x7a: {  	v2 =	vld @!p1 [tilespmem:$0x30]  }
0x7b: {  	v3 =	vld @!p1 [tilespmem:$0x40]  }
0x7c: {  	v4 =	vld @!p1 [tilespmem:$0x170]  }
0x7d: {  	v5 =	vld @!p1 [tilespmem:$0x20]  }
0x7e: {  	v6 =	vld @!p1 [tilespmem:$0x50]  }
0x7f: {  	v7 =	vld @!p1 [tilespmem:$0x160]  }
0x80: {  	v8 =	vld @!p1 [tilespmem:$0x150]  }
0x81: {  	v9 =	vld @!p1 [tilespmem:$0x140]  }
0x82: {  	v10 =	vld @!p1 [tilespmem:$0x130];
	v4 =	vmul.u32 @!p1 $0x2EE0, v4  }
0x83: {  	v11 =	vld @!p1 [tilespmem:$0x120]  }
0x84: {  	v7 =	vmul.u32 @!p1 $0x2EE0, v7;
	v1 =	vadd.s32 @!p1 v1, v4;
	v4 =	vld @!p1 [tilespmem:$0x110]  }
0x85: {  	v8 =	vmul.u32 @!p1 $0x2EE0, v8;
	[tilespmem:$0x270] =	vst @!p1 v1;
	v1 =	vld @!p1 [tilespmem:$0x100]  }
0x86: {  	v12 =	vld @!p1 [tilespmem:$0x10];
	v9 =	vmul.u32 @!p1 $0x2EE0, v9;
	v0 =	vadd.s32 @!p1 v0, v7  }
0x87: {  	v10 =	vmul.u32 @!p1 $0x2EE0, v10;
	v7 =	vld @!p1 [tilespmem:$0x0];
	v6 =	vadd.s32 @!p1 v6, v8;
	[tilespmem:$0x260] =	vst @!p1 v0  }
0x88: {  	v3 =	vadd.s32 @!p1 v3, v9;
	v0 =	vmul.u32 @!p1 $0x2EE0, v11;
	[tilespmem:$0x250] =	vst @!p1 v6  }
0x89: {  	v2 =	vadd.s32 @!p1 v2, v10;
	[tilespmem:$0x240] =	vst @!p1 v3;
	v4 =	vmul.u32 @!p1 $0x2EE0, v4  }
0x8a: {  	[tilespmem:$0x230] =	vst @!p1 v2;
	v0 =	vadd.s32 @!p1 v5, v0;
	v1 =	vmul.u32 @!p1 $0x2EE0, v1  }
0x8b: {  	[tilespmem:$0x220] =	vst @!p1 v0;
	v2 =	vadd.s32 @!p1 v12, v4  }
0x8c: {  	v0 =	vadd.s32 @!p1 v7, v1;
	[tilespmem:$0x210] =	vst @!p1 v2  }
0x8d: {  	s19 =	simm.s32 @!p1 $0x80;
	s22 =	simm.s32 @!p1 $0x200;
	s5 =	simm.s32 @!p1 $0x400;
	[tilespmem:$0x200] =	vst @!p1 v0  }
0x8e: {  	[tilespmem:s5], [sflag:$0x1] =	stream.indirect.gather @!p1 [hbm4b:s4+s19], $0x80, s22, s19, $0xb8;
	[tilespmem:$0x1C000] =	vst v63  }
0x8f: {  	_ =	swait.ge [sflag:s30], $0x4000  }
0x90: {  	[sflag:s30] =	ssyncset.done $0x0  }
0x91: {  	[sflag:s30] =	ssyncadd.s32 $0xFFFFC000  }
0x92: {  	[spmem:s2] =	stream.indirect.scatter.add.f32 [tilespmem:s28], [sflag:$0x3], $0x80, s25, s21, $0xb8;
	[tilespmem:$0x1C000] =	vst v63  }
0x93: {  	_ =	swait.ge [sflag:s18], $0x4000  }
0x94: {  	s1 =	smov.u32 s0;
	[sflag:s18] =	ssyncset.done $0x0  }
0x95: {  	s7 =	sadd.s32 s1, s14;
	[sflag:s18] =	ssyncadd.s32 $0xFFFFC000  }
0x96: {  	[tilespmem:s21], [sflag:$0x3] =	stream.linear.gather [hbm4b:s7+s3], $0x80, $0x38;
	[tilespmem:$0x1C000] =	vst v63  }
0x97: {  	_ =	swait.ge [sflag:s18], $0x80  }
0x98: {  	[sflag:s18] =	ssyncset.done $0x0  }
0x99: {  	s19 =	sadd.s32 s1, s15;
	[sflag:s18] =	ssyncadd.s32 $0xFFFFFF80  }
0x9a: {  	[tilespmem:s24], [sflag:$0x3] =	stream.linear.gather [hbm4b:s19+s3], $0x80, $0x38;
	[tilespmem:$0x1C000] =	vst v63  }
0x9b: {  	_ =	swait.ge [sflag:s18], $0x80  }
0x9c: {  	[sflag:s18] =	ssyncset.done $0x0  }
0x9d: {  	s22 =	sadd.s32 s1, s16;
	[sflag:s18] =	ssyncadd.s32 $0xFFFFFF80  }
0x9e: {  	[tilespmem:s25], [sflag:$0x3] =	stream.linear.gather [hbm4b:s22+s3], $0x80, $0x38;
	[tilespmem:$0x1C000] =	vst v63  }
0x9f: {  	_ =	swait.ge [sflag:s18], $0x80  }
0xa0: {  	[sflag:s18] =	ssyncset.done $0x0  }
0xa1: {  	[sflag:s18] =	ssyncadd.s32 $0xFFFFFF80  }
0xa2: {  	v40 =	vld [tilespmem:$0xC0]  }
0xa3: {  	v41 =	vld [tilespmem:$0xB0]  }
0xa4: {  	v43 =	vld [tilespmem:$0xA0]  }
0xa5: {  	v44 =	vld [tilespmem:$0x90]  }
0xa6: {  	v45 =	vld [tilespmem:$0x1C0]  }
0xa7: {  	v46 =	vld [tilespmem:$0x1B0]  }
0xa8: {  	v47 =	vld [tilespmem:$0xF0]  }
0xa9: {  	v48 =	vld [tilespmem:$0x1A0]  }
0xaa: {  	v49 =	vld [tilespmem:$0x190]  }
0xab: {  	v50 =	vld [tilespmem:$0x1F0]  }
0xac: {  	v51 =	vld [tilespmem:$0x1D0]  }
0xad: {  	v52 =	vld [tilespmem:$0x180];
	v5 =	vmul.u32 $0x2EE0, v45  }
0xae: {  	v54 =	vld [tilespmem:$0x1E0];
	v6 =	vmul.u32 $0x2EE0, v46  }
0xaf: {  	v55 =	vld [tilespmem:$0x80];
	v53 =	vmul.u32 $0x2EE0, v48;
	v0 =	vadd.s32 v40, v5  }
0xb0: {  	v42 =	vld [tilespmem:$0xD0];
	v56 =	vmul.u32 $0x2EE0, v49;
	v1 =	vadd.s32 v41, v6;
	[tilespmem:$0x2C0] =	vst v0  }
0xb1: {  	v58 =	vld [tilespmem:$0xE0];
	v59 =	vmul.u32 $0x2EE0, v50;
	v57 =	vadd.s32 v43, v53;
	[tilespmem:$0x2B0] =	vst v1  }
0xb2: {  	v61 =	vmul.u32 $0x2EE0, v52;
	v4 =	vadd.s32 v44, v56;
	[tilespmem:$0x2A0] =	vst v57  }
0xb3: {  	v60 =	vmul.u32 $0x2EE0, v51;
	v62 =	vadd.s32 v47, v59;
	[tilespmem:$0x290] =	vst v4  }
0xb4: {  	v63 =	vadd.s32 v55, v61;
	v0 =	vmul.u32 $0x2EE0, v54;
	[tilespmem:$0x2F0] =	vst v62  }
0xb5: {  	v1 =	vadd.s32 v42, v60;
	[tilespmem:$0x280] =	vst v63  }
0xb6: {  	[tilespmem:$0x2D0] =	vst v1;
	v0 =	vadd.s32 v58, v0  }
0xb7: {  	[tilespmem:$0x2E0] =	vst v0  }
0xb8: {  	[tilespmem:s28], [sflag:$0x2] =	stream.indirect.gather [hbm4b:s4+s21], $0x80, s26, s21, $0xb8;
	[tilespmem:$0x1C000] =	vst v63  }
0xb9: {  	_ =	swait.ge [sflag:s29], $0x4000  }
0xba: {  	[sflag:s29] =	ssyncset.done $0x0  }
0xbb: {  	[sflag:s29] =	ssyncadd.s32 $0xFFFFC000  }
0xbc: {  	[spmem:s2] =	stream.indirect.scatter.add.f32 [tilespmem:s23], [sflag:$0x3], $0x80, s20, s21, $0xb8;
	[tilespmem:$0x1C000] =	vst v63  }
0xbd: {  	_ =	swait.ge [sflag:s18], $0x4000  }
0xbe: {  	p1 =	seq.s32 s1, $0x4E0;
	s5 =	rddreg [dreg:$0x3];
	[sflag:s18] =	ssyncset.done $0x0  }
0xbf: {  	s19 =	simm.s32 @!p1 $0x0;
	[sflag:s18] =	ssyncadd.s32 $0xFFFFC000;
	s5 =	sadd.s32 @!p1 s1, s5  }
0xc0: {  	[tilespmem:s19], [sflag:$0x3] =	stream.linear.gather @!p1 [hbm4b:s5+s19], $0x80, $0x38;
	[tilespmem:$0x1C000] =	vst v63  }
0xc1: {  	s5 =	simm.s32 @!p1 $0x3  }
0xc2: {  	_ =	swait.ge @!p1 [sflag:s5], $0x80  }
0xc3: {  	[sflag:s5] =	ssyncset.done @!p1 $0x0  }
0xc4: {  	s7 =	simm.s32 @!p1 $0x100;
	s22 =	sadd.s32 @!p1 s1, s12;
	[sflag:s5] =	ssyncadd.s32 @!p1 $0xFFFFFF80  }
0xc5: {  	[tilespmem:s7], [sflag:$0x3] =	stream.linear.gather @!p1 [hbm4b:s22+s19], $0x80, $0x38;
	[tilespmem:$0x1C000] =	vst v63  }
0xc6: {  	s0 =	sadd.s32 $0x20, s0;
	_ =	swait.ge @!p1 [sflag:s5], $0x80  }
0xc7: {  	p0 =	sne.s32 s0, $0x500;
	s1 =	sadd.s32 @!p1 s1, s13;
	[sflag:s5] =	ssyncset.done @!p1 $0x0  }
.Ltmp0:
0xc8: {  	s7 =	simm.s32 @!p1 $0x300;
	[sflag:s5] =	ssyncadd.s32 @!p1 $0xFFFFFF80;
	(pc) =	sbr.rel @p0 .LBB2_2-.Ltmp0, $4  }
0xc9: {  	[tilespmem:s7], [sflag:$0x3] =	stream.linear.gather @!p1 [hbm4b:s1+s19], $0x80, $0x38;
	[tilespmem:$0x1C000] =	vst v63  }
0xca: {  	_ =	swait.ge @!p1 [sflag:s5], $0x80  }
0xcb: {  	[sflag:s5] =	ssyncset.done @!p1 $0x0  }
0xcc: {  	[sflag:s5] =	ssyncadd.s32 @!p1 $0xFFFFFF80  }
0xcd: {  	v0 =	vld @!p1 [tilespmem:$0x60]  }
0xce: {  	v1 =	vld @!p1 [tilespmem:$0x70]  }
0xcf: {  	v2 =	vld @!p1 [tilespmem:$0x30]  }
0xd0: {  	v3 =	vld @!p1 [tilespmem:$0x40]  }
0xd1: {  	v4 =	vld @!p1 [tilespmem:$0x170]  }
0xd2: {  	v5 =	vld @!p1 [tilespmem:$0x20]  }
0xd3: {  	v6 =	vld @!p1 [tilespmem:$0x50]  }
0xd4: {  	v7 =	vld @!p1 [tilespmem:$0x160]  }
0xd5: {  	v8 =	vld @!p1 [tilespmem:$0x150]  }
0xd6: {  	v9 =	vld @!p1 [tilespmem:$0x140]  }
0xd7: {  	v10 =	vld @!p1 [tilespmem:$0x130]  }
0xd8: {  	v11 =	vld @!p1 [tilespmem:$0x120];
	v4 =	vmul.u32 @!p1 $0x2EE0, v4  }
0xd9: {  	v12 =	vld @!p1 [tilespmem:$0x110];
	v7 =	vmul.u32 @!p1 $0x2EE0, v7  }
0xda: {  	v8 =	vmul.u32 @!p1 $0x2EE0, v8;
	v1 =	vadd.s32 @!p1 v1, v4;
	v4 =	vld @!p1 [tilespmem:$0x100]  }
0xdb: {  	v9 =	vmul.u32 @!p1 $0x2EE0, v9;
	v0 =	vadd.s32 @!p1 v0, v7;
	[tilespmem:$0x270] =	vst @!p1 v1;
	v1 =	vld @!p1 [tilespmem:$0x10]  }
0xdc: {  	v10 =	vmul.u32 @!p1 $0x2EE0, v10;
	v7 =	vld @!p1 [tilespmem:$0x0];
	v6 =	vadd.s32 @!p1 v6, v8;
	[tilespmem:$0x260] =	vst @!p1 v0  }
0xdd: {  	v3 =	vadd.s32 @!p1 v3, v9;
	v0 =	vmul.u32 @!p1 $0x2EE0, v11;
	[tilespmem:$0x250] =	vst @!p1 v6  }
0xde: {  	v2 =	vadd.s32 @!p1 v2, v10;
	v6 =	vmul.u32 @!p1 $0x2EE0, v12;
	[tilespmem:$0x240] =	vst @!p1 v3  }
0xdf: {  	[tilespmem:$0x230] =	vst @!p1 v2;
	v0 =	vadd.s32 @!p1 v5, v0;
	v3 =	vmul.u32 @!p1 $0x2EE0, v4  }
0xe0: {  	[tilespmem:$0x220] =	vst @!p1 v0;
	v1 =	vadd.s32 @!p1 v1, v6  }
0xe1: {  	v0 =	vadd.s32 @!p1 v7, v3;
	[tilespmem:$0x210] =	vst @!p1 v1  }
0xe2: {  	s0 =	simm.s32 @!p1 $0x80;
	s1 =	simm.s32 @!p1 $0x200;
	s5 =	simm.s32 @!p1 $0x400;
	[tilespmem:$0x200] =	vst @!p1 v0  }
0xe3: {  	[tilespmem:s5], [sflag:$0x1] =	stream.indirect.gather @!p1 [hbm4b:s4+s0], $0x80, s1, s0, $0xb8;
	[tilespmem:$0x1C000] =	vst v63  }
0xe4: {  	_ =	swait.ge [sflag:s30], $0x4000  }
0xe5: {  	[sflag:s30] =	ssyncset.done $0x0  }
0xe6: {  	[sflag:s30] =	ssyncadd.s32 $0xFFFFC000  }
0xe7: {  	[spmem:s2] =	stream.indirect.scatter.add.f32 [tilespmem:s28], [sflag:$0x3], $0x80, s25, s21, $0xb8;
	[tilespmem:$0x1C000] =	vst v63  }
0xe8: {  	_ =	swait.ge [sflag:s18], $0x4000  }
0xe9: {  	s31 =	sadd.s32 $0x1, s31;
	[sflag:s18] =	ssyncset.done $0x0  }
0xea: {  	p0 =	sne.s32 s31, s11;
	[sflag:s18] =	ssyncadd.s32 $0xFFFFC000  }
.Ltmp1:
0xeb: {  	[bflag:$0x0] =	sbarrier.arrive $0xFFFF;
	(pc) =	sbr.rel @p0 .LBB2_1-.Ltmp1, $4  }
0xec: {  	[hbm:s10], [sflag:s6] =	dma.local [spmem:s17], $0x2780  }
0xed: {  	_ =	swait.ge [sflag:s18], $0x2780  }
0xee: {  	[sflag:s18] =	ssyncset.done $0x0  }
0xef: {  	[sflag:s18] =	ssyncadd.s32 $0xFFFFD880  }
0xf0: {  	_ =	sfence.sel $0x180000  }
0xf1: {  	[bflag:$0x0] =	sbarrier.arrive $0xFFFF  }
0xf2: {  	_ =	strace $0x9000004D  }
0xf3: {  	s0 =	stileid.u32;
	[bflag:$0x2] =	sbarrier.arrive $0xFFFF  }
0xf4: {  	p0 =	sne.s32 s0, $0x0;
	s0 =	rddreg [dreg:$0x2]  }
0xf5: {  	s0 =	sadd.s32 @!p0 $0x100000, s0  }
0xf6: {  	[sflag:s0] =	ssyncadd.tile.s32 @!p0 $0x1;
	_ =	shalt  }
.Lfunc_end2:
_tile_overlayer_lowered:
.L_overlay_start_2:
0xf7: {  	(tag) =	ssettag $0x2  }
0xf8: {  	s0 =	rddreg [dreg:$0x0];
	s2 =	stileid.u32  }
0xf9: {  	s1 =	rddreg [dreg:$0x1];
	p0 =	sne.s32 s2, $0x0  }
0xfa: {  	s3 =	rddreg [dreg:$0x2];
	[bflag:$0x3] =	sbarrier.arrive $0xFFFF;
	s2 =	simm.s32 @!p0 $0x1C03  }
0xfb: {  	[timem:s3], [sflag:s2] =	dma.local @!p0 [hbm:s0], s1  }
0xfc: {  	s0 =	simm.s32 @!p0 $0x3  }
0xfd: {  	_ =	swait.ge @!p0 [sflag:s0], s1  }
0xfe: {  	s1 =	ssub.s32 @!p0 $0x0, s1;
	[sflag:s0] =	ssyncset.done @!p0 $0x0  }
0xff: {  	[sflag:s0] =	ssyncadd.s32 @!p0 s1  }
0x100: {  	[bflag:$0x3] =	sbarrier.arrive $0xFFFF  }
0x101: {  	_ =	shalt  }

// kernel: kernel.18.cloned.1.call-start
scs
__scs_entry_jumppad:
0x0: {  	(pc) =	sbr.rel $0x88, $3  }
0x1: {  	(tag) =	ssettag $0x0;
	lr =	simm.s32 $0x1  }
0x2: {  	[smem:$0x3F93] =	sst lr;
	_ =	strace $0xD0000000  }
0x3: {  	_ = 	snop  }
0x4: {  	_ = 	snop  }
0x5: {  	_ = 	snop  }
0x6: {  	_ = 	snop  }
0x7: {  	_ = 	snop  }
__scs_overlays_trampoline_lowered:
0x8: {  	[smem:$0x3FA2] =	sst s0  }
0x9: {  	[smem:$0x3FA3] =	sst s1  }
0xa: {  	[smem:$0x3FA4] =	sst s2  }
0xb: {  	[smem:$0x3FA5] =	sst s3  }
0xc: {  	[smem:$0x3FA6] =	sst s4  }
0xd: {  	[smem:$0x3FA7] =	sst s5  }
0xe: {  	[smem:$0x3FA8] =	sst s6  }
0xf: {  	[smem:$0x3FA9] =	sst s7  }
0x10: {  	[smem:$0x3FAA] =	sst s8  }
0x11: {  	[smem:$0x3FAB] =	sst s9;
	s0 =	simm.s32 @!p0 $0x0  }
0x12: {  	s1 =	sld [smem:$0x3F91];
	s0 =	simm.s32 @p0 $0x1  }
0x13: {  	[smem:$0x3FAC] =	sst s0;
	s0 =	simm.s32 @!p1 $0x0  }
0x14: {  	s2 =	sld [smem:$0x3F90];
	s0 =	simm.s32 @p1 $0x1  }
0x15: {  	[smem:$0x3FAD] =	sst s0;
	s0 =	simm.s32 @!p2 $0x0  }
0x16: {  	s3 =	sld [smem:$0x3FDB];
	s0 =	simm.s32 @p2 $0x1  }
0x17: {  	s4 =	simm.s32 $0x1BF5;
	[smem:$0x3FAF] =	sst s0  }
0x18: {  	s0 =	sld [smem:$0x3F92];
	_ =	swait.ge [sflag:s4], $0x0  }
0x19: {  	s7 =	sld [smem:$0x3F93]  }
0x1a: {  	s8 =	sadd.s32 $0xFFFFE003, lr  }
0x1b: {  	s9 =	sadd.s32 $0xFFFFFEF7, lr;
	s5 =	simm.s32 $0xFFFFFFFF;
	p2 =	slt.u32 s8, $0xFFFFF086  }
0x1c: {  	p1 =	slt.u32 s9, $0xF7A;
	s5 =	simm.s32 @!p2 $0x0  }
0x1d: {  	s5 =	simm.s32 @p1 $0x1;
	p0 =	seq.s32 s7, s2  }
0x1e: {  	s7 =	smul.u32 @!p0 $0xF7A, s2;
	p2 =	seq.s32 @!p0 s5, $0x0  }
0x1f: {  	s9 =	smul.u32 $0xF7A, s1;
	s8 =	simm.s32 @!p0 $0x1BF5;
	p2 =	por !p2, p0  }
0x20: {  	[sflag:s8] =	ssyncset.s32 @!p0 $0xFFFFF086;
	s6 =	sadd.s32 @!p0 s3, s7;
	s7 =	simm.s32 @!p0 $0x108  }
0x21: {  	s3 =	sadd.s32 s3, s9;
	s6 =	sadd.s32 @!p0 $0x88, s6;
	s7 =	simm.s32 @p2 $0x1082  }
0x22: {  	[simem:s7], [sflag:s8] =	dma.local @!p0 [hbm:s6], $0xF7A  }
0x23: {  	s9 =	sor.u32 $0xD0000000, s2;
	s6 =	simm.s32 $0x108;
	_ =	swait.ge @!p0 [sflag:s8], $0x0  }
0x24: {  	s3 =	sadd.s32 $0x88, s3;
	s6 =	simm.s32 @!p1 $0x1082;
	[sflag:s4] =	ssyncset.s32 $0xFFFFF086  }
0x25: {  	[simem:s6], [sflag:s4] =	dma.local [hbm:s3], $0xF7A  }
0x26: {  	[smem:$0x3F93] =	sst s1;
	(tag) =	ssettag s2;
	_ =	strace s9  }
0x27: {  	s1 =	sld [smem:$0x3FA3]  }
0x28: {  	s2 =	sld [smem:$0x3FA4]  }
0x29: {  	s4 =	sld [smem:$0x3FA6]  }
0x2a: {  	p0 =	seq.s32 s5, $0x0;
	s5 =	sld [smem:$0x3FA7]  }
0x2b: {  	s6 =	sld [smem:$0x3FA8]  }
0x2c: {  	s7 =	sld [smem:$0x3FA9]  }
0x2d: {  	s3 =	simm.s32 $0x108;
	s8 =	sld [smem:$0x3FAA]  }
0x2e: {  	s3 =	simm.s32 @!p0 $0x1082;
	s9 =	sld [smem:$0x3FAB]  }
0x2f: {  	lr =	sadd.s32 s0, s3;
	s0 =	sld [smem:$0x3FA2]  }
0x30: {  	s3 =	sld [smem:$0x3FA5]  }
0x31: {  	[smem:$0x3FAE] =	sst s10  }
0x32: {  	s10 =	sld [smem:$0x3FAC];
	_ =	sdelay $0x3  }
0x33: {  	p0 =	seq.s32 s10, $0x1;
	s10 =	sld [smem:$0x3FAE];
	_ =	sdelay $0x3  }
0x34: {  	[smem:$0x3FAE] =	sst s10  }
0x35: {  	s10 =	sld [smem:$0x3FAD];
	_ =	sdelay $0x3  }
0x36: {  	p1 =	seq.s32 s10, $0x1;
	s10 =	sld [smem:$0x3FAE];
	_ =	sdelay $0x3  }
0x37: {  	[smem:$0x3FAE] =	sst s10  }
0x38: {  	s10 =	sld [smem:$0x3FAF]  }
0x39: {  	_ = 	snop;
	(pc) =	sbr.ind lr, $3  }
0x3a: {  	_ = 	snop  }
0x3b: {  	_ = 	snop  }
0x3c: {  	p2 =	seq.s32 s10, $0x1;
	s10 =	sld [smem:$0x3FAE]  }
0x3d: {  	_ =	shalt  }
0x3e: {  	_ =	shalt  }
0x3f: {  	_ =	shalt  }
0x40: {  	_ =	shalt  }
0x41: {  	_ =	shalt  }
0x42: {  	_ =	shalt  }
0x43: {  	_ =	shalt  }
0x44: {  	_ =	shalt  }
0x45: {  	_ =	shalt  }
0x46: {  	_ =	shalt  }
0x47: {  	_ =	shalt  }
0x48: {  	_ =	shalt  }
0x49: {  	_ =	shalt  }
0x4a: {  	_ =	shalt  }
0x4b: {  	_ =	shalt  }
0x4c: {  	_ =	shalt  }
0x4d: {  	_ =	shalt  }
0x4e: {  	_ =	shalt  }
0x4f: {  	_ =	shalt  }
0x50: {  	_ =	shalt  }
0x51: {  	_ =	shalt  }
0x52: {  	_ =	shalt  }
0x53: {  	_ =	shalt  }
0x54: {  	_ =	shalt  }
0x55: {  	_ =	shalt  }
0x56: {  	_ =	shalt  }
0x57: {  	_ =	shalt  }
0x58: {  	_ =	shalt  }
0x59: {  	_ =	shalt  }
0x5a: {  	_ =	shalt  }
0x5b: {  	_ =	shalt  }
0x5c: {  	_ =	shalt  }
0x5d: {  	_ =	shalt  }
0x5e: {  	_ =	shalt  }
0x5f: {  	_ =	shalt  }
0x60: {  	_ =	shalt  }
0x61: {  	_ =	shalt  }
0x62: {  	_ =	shalt  }
0x63: {  	_ =	shalt  }
0x64: {  	_ =	shalt  }
0x65: {  	_ =	shalt  }
0x66: {  	_ =	shalt  }
0x67: {  	_ =	shalt  }
0x68: {  	_ =	shalt  }
0x69: {  	_ =	shalt  }
0x6a: {  	_ =	shalt  }
0x6b: {  	_ =	shalt  }
0x6c: {  	_ =	shalt  }
0x6d: {  	_ =	shalt  }
0x6e: {  	_ =	shalt  }
0x6f: {  	_ =	shalt  }
0x70: {  	_ =	shalt  }
0x71: {  	_ =	shalt  }
0x72: {  	_ =	shalt  }
0x73: {  	_ =	shalt  }
0x74: {  	_ =	shalt  }
0x75: {  	_ =	shalt  }
0x76: {  	_ =	shalt  }
0x77: {  	_ =	shalt  }
0x78: {  	_ =	shalt  }
0x79: {  	_ =	shalt  }
0x7a: {  	_ =	shalt  }
0x7b: {  	_ =	shalt  }
0x7c: {  	_ =	shalt  }
0x7d: {  	_ =	shalt  }
0x7e: {  	_ =	shalt  }
0x7f: {  	_ =	shalt  }
0x80: {  	_ =	shalt  }
0x81: {  	_ =	shalt  }
0x82: {  	_ =	shalt  }
0x83: {  	_ =	shalt  }
0x84: {  	_ =	shalt  }
0x85: {  	_ =	shalt  }
0x86: {  	_ =	shalt  }
0x87: {  	_ =	shalt  }
.Lfunc_end0:
.L_simem_size_0:
called_computation.3_lowered:
.L_overlay_start_0:
0x88: {  	s2 =	sld [smem:$0x3FD9]  }
0x89: {  	s3 =	sld [smem:$0x3FFE];
	_ =	sdelay $0x1  }
0x8a: {  	s1 =	srdreg.scid  }
0x8b: {  	s0 =	sand.u32 $0x1, s1  }
0x8c: {  	s17 =	sshll.u32 s0, $0xA;
	s2 =	sadd.s32 s3, s2  }
0x8d: {  	s2 =	sadd.s32 s2, s17  }
0x8e: {  	[smem:$0x3FBA] =	sst s2  }
0x8f: {  	_ = 	snop  }
0x90: {  	s2 =	sld [smem:$0x3FBC]  }
0x91: {  	s18 =	sld [smem:$0x3FD0];
	(tm) =	ssettm $0x1  }
0x92: {  	s4 =	sld [smem:$0x3FFB];
	_ =	sdelay $0x3  }
0x93: {  	_ =	strace s4  }
0x94: {  	s4 =	sld [smem:$0x3FFC];
	_ =	sdelay $0x3  }
0x95: {  	_ =	strace s4  }
0x96: {  	s4 =	sld [smem:$0x3FFD];
	_ =	sdelay $0x3  }
0x97: {  	_ =	strace s4  }
0x98: {  	_ =	strace $0x8FFFFFFF  }
0x99: {  	s19 =	sld [smem:$0x3FDB];
	_ =	sdelay $0x1  }
0x9a: {  	s5 =	simm.s32 $_scs_section_size  }
0x9b: {  	s6 =	simm.s32 $_size__tile_overlayer_lowered;
	s7 =	simm.s32 $_tile_overlayer_lowered  }
0x9c: {  	s22 =	simm.s32 $0x1BFF;
	s21 =	sshll.u32 s7, $0x1;
	s4 =	sadd.s32 s5, s19  }
0x9d: {  	s8 =	simm.s32 $0x0;
	s20 =	sshll.u32 s6, $0x1;
	s6 =	sadd.s32 s21, s4  }
0x9e: {  	[timem:s8], [sflag:s22] =	dma.local [hbm:s6], s20  }
0x9f: {  	_ =	swait.ge [sflag:s22], s20  }
0xa0: {  	s5 =	ssub.s32 $0x0, s20;
	[sflag:s22] =	ssyncset.done $0x0  }
0xa1: {  	[sflag:s22] =	ssyncadd.s32 s5;
	_ =	sdelay $0x1  }
0xa2: {  	s23 =	simm.s32 $0x1B8B  }
0xa3: {  	_ =	swait.ge [sflag:s23], $0x1  }
0xa4: {  	[sflag:s23] =	ssyncset.done $0x0  }
0xa5: {  	s25 =	simm.s32 $0x1B8E;
	s24 =	sld [smem:$0x3FFE];
	[sflag:s23] =	ssyncadd.s32 $0xFFFFFFFF  }
0xa6: {  	s26 =	simm.s32 $execute0_lowered;
	[smem:$0x3FD2] =	sst s25  }
0xa7: {  	s6 =	sshll.u32 s26, $0x1;
	_ =	strace $0x8000004F;
	[dreg:$0x1] =	wrdreg $0xFFFFFFFF  }
0xa8: {  	s28 =	simm.s32 $_size_execute0_lowered;
	s4 =	sadd.s32 s4, s6;
	[dreg:$0x0] =	wrdreg $0x0  }
0xa9: {  	s6 =	sshll.u32 s28, $0x1;
	[dreg:$0x2] =	wrdreg s4  }
0xaa: {  	[dreg:$0x3] =	wrdreg s6  }
0xab: {  	[dreg:$0x4] =	wrdreg $0xC0  }
0xac: {  	_ =	task [dreg:s8], $0x5FFFF  }
0xad: {  	[dreg:$0x1] =	wrdreg $0xFFFFFFFF  }
0xae: {  	[dreg:$0x0] =	wrdreg $0x60  }
0xaf: {  	[dreg:$0x2] =	wrdreg s24  }
0xb0: {  	[dreg:$0x3] =	wrdreg s2  }
0xb1: {  	[dreg:$0x4] =	wrdreg s18  }
0xb2: {  	[dreg:$0x5] =	wrdreg $0x84000  }
0xb3: {  	[dreg:$0x6] =	wrdreg $0x9  }
0xb4: {  	_ =	task.clear_ibuf [dreg:s8], $0x7FFFF;
	_ =	strace $0x9000004F  }
0xb5: {  	s29 =	simm.s32 $0x9;
	_ =	strace $0x80000051  }
0xb6: {  	_ =	swait.ge [sflag:s29], $0x1  }
0xb7: {  	[sflag:s29] =	ssyncadd.s32 $0xFFFFFFFF  }
0xb8: {  	_ =	strace $0x90000051  }
0xb9: {  	_ =	sfence  }
0xba: {  	s30 =	sld [smem:$0x0];
	_ =	sdelay $0x2  }
0xbb: {  	s31 =	sshll.u32 s1, $0xD;
	s1 =	sshrl.u32 s1, $0x2  }
0xbc: {  	s3 =	sand.u32 $0x4000, s31;
	s1 =	sadd.s32 s1, s30  }
0xbd: {  	s0 =	sor.u32 s3, s0;
	s1 =	sshll.u32 s1, $0x11  }
0xbe: {  	s0 =	sor.u32 s1, s0  }
0xbf: {  	s0 =	sadd.s32 $0x8F2B, s0  }
0xc0: {  	[sflag:s0] =	ssyncadd.remote.s32 $0x1  }
0xc1: {  	_ =	sfence.sel $0xFFFF  }
0xc2: {  	[dreg:$0x0] =	wrdreg $0xFFFFFFFF;
	(pc) =	sbr.abs _section_cstart, $3  }
0xc3: {  	[dreg:$0x1] =	wrdreg $0xFFFFFFFF  }
0xc4: {  	_ =	task.clear_ibuf [dreg:s8], $0x2FFFF;
	_ =	strace $0x9FFFFFFF  }
0xc5: {  	(tm) =	ssettm $0x7FFFFFFF  }
tec
execute0_lowered:
.L_overlay_start_1:
0x0: {  	(tag) =	ssettag $0x1  }
0x1: {  	s0 =	rddreg [dreg:$0x0]  }
0x2: {  	s3 =	rddreg [dreg:$0x3]  }
0x3: {  	s5 =	simm.s32 $0x0;
	s14 =	stileid.u32;
	s1 =	srdreg.scid  }
0x4: {  	s28 =	simm.s32 $0x180;
	s29 =	simm.s32 $0x380;
	s30 =	simm.s32 $0x280  }
0x5: {  	s31 =	simm.s32 $0x4400;
	[smem:$0x7FF] =	sst s5;
	s6 =	sadd.s32 $0x15FA00, s0  }
0x6: {  	s2 =	smul.u32 $0x13C00, s14;
	s1 =	sand.u32 $0x1, s1;
	s4 =	sadd.s32 $0x14BA00, s0  }
0x7: {  	s18 =	sadd.s32 $0x155A00, s0;
	s20 =	sadd.s32 $0xCAA00, s0;
	s10 =	smul.u32 $0x4F000, s14  }
0x8: {  	s26 =	sadd.s32 $0x3000, s0;
	s11 =	smul.u32 $0xA0, s14;
	s12 =	sshll.u32 s14, $0x1  }
0x9: {  	s17 =	sshll.u32 s14, $0x6;
	_ =	strace $0x80000050;
	s8 =	smul.u32 $0x13C000, s1  }
0xa: {  	[dreg:$0x6] =	wrdreg s26;
	s13 =	smul.u32 $0x50, s1;
	s7 =	sshrl.u32 s2, $0x3  }
0xb: {  	s10 =	sshrl.u32 s10, $0x2;
	s9 =	sadd.s32 s7, s0;
	s2 =	sadd.s32 s2, s8  }
0xc: {  	s7 =	ssub.s32 $0x2, s1;
	s1 =	sor.u32 s1, s12;
	s16 =	sadd.s32 s10, s3  }
0xd: {  	s11 =	sadd.s32 s13, s11;
	s10 =	sor.u32 $0x1C03, s17;
	s2 =	sshrl.u32 s2, $0x3  }
0xe: {  	s15 =	sshrl.u32 s7, $0x1;
	[dreg:$0x7] =	wrdreg s16;
	s19 =	smul.u32 $0x500, s1  }
0xf: {  	s21 =	sadd.s32 $0xD4A00, s9;
	p0 =	sne.s32 s1, $0x0;
	s1 =	simm.s32 $0x0  }
0x10: {  	s0 =	sadd.s32 s2, s0;
	s2 =	ssub.s32 s7, s15;
	[dreg:$0x8] =	wrdreg s21  }
0x11: {  	s21 =	sshll.u32 s11, $0x4;
	s22 =	sadd.s32 s4, s19;
	s12 =	sadd.s32 s18, s19  }
0x12: {  	s17 =	sor.u32 $0x20, s21;
	s13 =	sadd.s32 s20, s19;
	s14 =	sadd.s32 $0xFC200, s0  }
0x13: {  	s15 =	smax.u32 s2, $0x1;
	s24 =	sadd.s32 s21, s4;
	s25 =	sadd.s32 s21, s18  }
0x14: {  	s26 =	sadd.s32 s21, s20;
	s21 =	simm.s32 $0x3;
	s0 =	simm.s32 $0x1  }
0x15: {  	[dreg:$0x9] =	wrdreg s22;
	s23 =	sadd.s32 s17, s4;
	s16 =	sadd.s32 s17, s18  }
0x16: {  	s17 =	sadd.s32 s17, s20;
	s18 =	sadd.s32 $0x10, s24;
	s19 =	sadd.s32 $0x10, s25  }
0x17: {  	s20 =	sadd.s32 $0x10, s26;
	s24 =	simm.s32 $0x80;
	s26 =	simm.s32 $0x400  }
0x18: {  	s4 =	simm.s32 $0x2;
	[dreg:$0x5] =	wrdreg s23;
	s23 =	simm.s32 $0x300  }
.LBB2_1:
0x19: {  	s2 =	rddreg [dreg:$0x7]  }
0x1a: {  	s7 =	rddreg [dreg:$0x8];
	s2 =	sshrl.u32 s2, $0x3  }
0x1b: {  	[spmem:s2], [sflag:s10] =	dma.local [hbm:s7], $0x2780  }
0x1c: {  	_ =	swait.ge [sflag:s21], $0x2780  }
0x1d: {  	[sflag:s21] =	ssyncset.done $0x0  }
0x1e: {  	[sflag:s21] =	ssyncadd.s32 $0xFFFFD880  }
0x1f: {  	s22 =	simm.s32 @!p0 $0x0;
	s25 =	simm.s32 @!p0 $0x1C000;
	s7 =	rddreg [dreg:$0x1]  }
0x20: {  	[tilespmem:s25], [sflag:$0x3] =	stream.linear.gather @!p0 [hbm4b:s7+s22], $0x80, $0x38;
	[tilespmem:$0x1E080] =	vst v63  }
0x21: {  	s7 =	simm.s32 @!p0 $0x3  }
0x22: {  	_ =	swait.ge @!p0 [sflag:s7], $0x80  }
0x23: {  	s8 =	simm.s32 @!p0 $0x40;
	[sflag:s7] =	ssyncset.done @!p0 $0x0  }
0x24: {  	s9 =	simm.s32 @!p0 $0x1C080;
	s11 =	rddreg [dreg:$0x6];
	[sflag:s7] =	ssyncadd.s32 @!p0 $0xFFFFFF80  }
0x25: {  	[tilespmem:s9], [sflag:$0x1] =	stream.indirect.gather @!p0 [hbm4b:s11+s8], $0x80, s25, s8, $0xb8;
	[tilespmem:$0x1E080] =	vst v63  }
0x26: {  	s8 =	simm.s32 @!p0 $0x1  }
0x27: {  	_ =	swait.ge @!p0 [sflag:s8], $0x2000  }
0x28: {  	[sflag:s8] =	ssyncset.done @!p0 $0x0  }
0x29: {  	[sflag:s8] =	ssyncadd.s32 @!p0 $0xFFFFE000  }
0x2a: {  	s8 =	rddreg [dreg:$0x2]  }
0x2b: {  	[hbm4b:s8+s22] =	stream.linear.scatter @!p0 [tilespmem:s9], [sflag:$0x3], $0x2000, $0x38;
	[tilespmem:$0x1E080] =	vst v63  }
0x2c: {  	_ =	swait.ge @!p0 [sflag:s7], $0x2000  }
0x2d: {  	[sflag:s7] =	ssyncset.done @!p0 $0x0  }
0x2e: {  	s25 =	rddreg [dreg:$0x9];
	[sflag:s7] =	ssyncadd.s32 @!p0 $0xFFFFE000  }
0x2f: {  	[tilespmem:s5], [sflag:$0x3] =	stream.linear.gather [hbm4b:s25+s5], $0x80, $0x38;
	[tilespmem:$0x1E080] =	vst v63  }
0x30: {  	_ =	swait.ge [sflag:s21], $0x80  }
0x31: {  	[sflag:s21] =	ssyncset.done $0x0  }
0x32: {  	s8 =	simm.s32 $0x100;
	[sflag:s21] =	ssyncadd.s32 $0xFFFFFF80  }
0x33: {  	[tilespmem:s8], [sflag:$0x3] =	stream.linear.gather [hbm4b:s12+s5], $0x80, $0x38;
	[tilespmem:$0x1E080] =	vst v63  }
0x34: {  	_ =	swait.ge [sflag:s21], $0x80  }
0x35: {  	[sflag:s21] =	ssyncset.done $0x0  }
0x36: {  	[sflag:s21] =	ssyncadd.s32 $0xFFFFFF80  }
0x37: {  	[tilespmem:s23], [sflag:$0x3] =	stream.linear.gather [hbm4b:s13+s5], $0x80, $0x38;
	[tilespmem:$0x1E080] =	vst v63  }
0x38: {  	_ =	swait.ge [sflag:s21], $0x80  }
0x39: {  	[sflag:s21] =	ssyncset.done $0x0  }
0x3a: {  	[sflag:s21] =	ssyncadd.s32 $0xFFFFFF80  }
0x3b: {  	v0 =	vld [tilespmem:$0x100]  }
0x3c: {  	v1 =	vld [tilespmem:$0x0]  }
0x3d: {  	v2 =	vld [tilespmem:$0x110]  }
0x3e: {  	v3 =	vld [tilespmem:$0x10]  }
0x3f: {  	v4 =	vld [tilespmem:$0x120]  }
0x40: {  	v5 =	vld [tilespmem:$0x20]  }
0x41: {  	v6 =	vld [tilespmem:$0x130]  }
0x42: {  	v7 =	vld [tilespmem:$0x30]  }
0x43: {  	v8 =	vld [tilespmem:$0x140]  }
0x44: {  	v9 =	vld [tilespmem:$0x40]  }
0x45: {  	v10 =	vld [tilespmem:$0x150]  }
0x46: {  	v11 =	vld [tilespmem:$0x50];
	v0 =	vmul.u32 $0x2710, v0  }
0x47: {  	v12 =	vld [tilespmem:$0x160];
	v2 =	vmul.u32 $0x2710, v2  }
0x48: {  	v24 =	vld [tilespmem:$0x170];
	v23 =	vmul.u32 $0x2710, v4;
	v0 =	vadd.s32 v1, v0  }
0x49: {  	v27 =	vld [tilespmem:$0x60];
	v26 =	vmul.u32 $0x2710, v6;
	v25 =	vadd.s32 v3, v2;
	[tilespmem:$0x200] =	vst v0  }
0x4a: {  	v30 =	vld [tilespmem:$0x70];
	v29 =	vmul.u32 $0x2710, v8;
	v28 =	vadd.s32 v5, v23;
	[tilespmem:$0x210] =	vst v25  }
0x4b: {  	v32 =	vmul.u32 $0x2710, v10;
	v31 =	vadd.s32 v7, v26;
	[tilespmem:$0x220] =	vst v28  }
0x4c: {  	v34 =	vmul.u32 $0x2710, v12;
	v33 =	vadd.s32 v9, v29;
	[tilespmem:$0x230] =	vst v31  }
0x4d: {  	v36 =	vmul.u32 $0x2710, v24;
	v35 =	vadd.s32 v11, v32;
	[tilespmem:$0x240] =	vst v33  }
0x4e: {  	v37 =	vadd.s32 v27, v34;
	[tilespmem:$0x250] =	vst v35  }
0x4f: {  	v38 =	vadd.s32 v30, v36;
	[tilespmem:$0x260] =	vst v37  }
0x50: {  	s9 =	simm.s32 $0x200;
	[tilespmem:$0x270] =	vst v38  }
0x51: {  	[tilespmem:s26], [sflag:$0x1] =	stream.indirect.gather [hbm4b:s6+s24], $0x80, s9, s24, $0xb8;
	[tilespmem:$0x1E080] =	vst v63  }
0x52: {  	s11 =	sadd.s32 $0x0, s18;
	[bflag:$0x0] =	sbarrier.arrive $0xFFFF  }
0x53: {  	[tilespmem:s24], [sflag:$0x3] =	stream.linear.gather [hbm4b:s11+s5], $0x80, $0x38;
	[tilespmem:$0x1E080] =	vst v63  }
0x54: {  	_ =	swait.ge [sflag:s21], $0x80  }
0x55: {  	[sflag:s21] =	ssyncset.done $0x0  }
0x56: {  	s22 =	sadd.s32 $0x0, s19;
	[sflag:s21] =	ssyncadd.s32 $0xFFFFFF80  }
0x57: {  	[tilespmem:s28], [sflag:$0x3] =	stream.linear.gather [hbm4b:s22+s5], $0x80, $0x38;
	[tilespmem:$0x1E080] =	vst v63  }
0x58: {  	_ =	swait.ge [sflag:s21], $0x80  }
0x59: {  	[sflag:s21] =	ssyncset.done $0x0  }
0x5a: {  	s25 =	sadd.s32 $0x0, s20;
	[sflag:s21] =	ssyncadd.s32 $0xFFFFFF80  }
0x5b: {  	[tilespmem:s29], [sflag:$0x3] =	stream.linear.gather [hbm4b:s25+s5], $0x80, $0x38;
	[tilespmem:$0x1E080] =	vst v63  }
0x5c: {  	_ =	swait.ge [sflag:s21], $0x80  }
0x5d: {  	[sflag:s21] =	ssyncset.done $0x0  }
0x5e: {  	[sflag:s21] =	ssyncadd.s32 $0xFFFFFF80  }
0x5f: {  	v39 =	vld [tilespmem:$0xC0]  }
0x60: {  	v40 =	vld [tilespmem:$0xB0]  }
0x61: {  	v42 =	vld [tilespmem:$0xA0]  }
0x62: {  	v43 =	vld [tilespmem:$0x90]  }
0x63: {  	v44 =	vld [tilespmem:$0x1C0]  }
0x64: {  	v45 =	vld [tilespmem:$0x1B0]  }
0x65: {  	v46 =	vld [tilespmem:$0xF0]  }
0x66: {  	v47 =	vld [tilespmem:$0x1A0]  }
0x67: {  	v48 =	vld [tilespmem:$0x190]  }
0x68: {  	v49 =	vld [tilespmem:$0x1F0]  }
0x69: {  	v50 =	vld [tilespmem:$0x1D0]  }
0x6a: {  	v53 =	vld [tilespmem:$0x1E0];
	v5 =	vmul.u32 $0x2710, v44  }
0x6b: {  	v51 =	vld [tilespmem:$0x180];
	v6 =	vmul.u32 $0x2710, v45  }
0x6c: {  	v57 =	vld [tilespmem:$0xE0];
	v52 =	vmul.u32 $0x2710, v47;
	v0 =	vadd.s32 v39, v5  }
0x6d: {  	v41 =	vld [tilespmem:$0xD0];
	v55 =	vmul.u32 $0x2710, v48;
	v1 =	vadd.s32 v40, v6;
	[tilespmem:$0x2C0] =	vst v0  }
0x6e: {  	v54 =	vld [tilespmem:$0x80];
	v58 =	vmul.u32 $0x2710, v49;
	v56 =	vadd.s32 v42, v52;
	[tilespmem:$0x2B0] =	vst v1  }
0x6f: {  	v62 =	vmul.u32 $0x2710, v53;
	v4 =	vadd.s32 v43, v55;
	[tilespmem:$0x2A0] =	vst v56  }
0x70: {  	v59 =	vmul.u32 $0x2710, v50;
	v61 =	vadd.s32 v46, v58;
	[tilespmem:$0x290] =	vst v4  }
0x71: {  	v60 =	vmul.u32 $0x2710, v51;
	v63 =	vadd.s32 v57, v62;
	[tilespmem:$0x2F0] =	vst v61  }
0x72: {  	v1 =	vadd.s32 v41, v59;
	[tilespmem:$0x2E0] =	vst v63  }
0x73: {  	v0 =	vadd.s32 v54, v60;
	[tilespmem:$0x2D0] =	vst v1  }
0x74: {  	[tilespmem:$0x280] =	vst v0  }
0x75: {  	[tilespmem:s31], [sflag:$0x2] =	stream.indirect.gather [hbm4b:s6+s24], $0x80, s30, s24, $0xb8;
	[tilespmem:$0x1E080] =	vst v63  }
0x76: {  	_ =	swait.ge [sflag:s0], $0x4000  }
0x77: {  	[sflag:s0] =	ssyncset.done $0x0  }
0x78: {  	[sflag:s0] =	ssyncadd.s32 $0xFFFFC000  }
0x79: {  	[spmem:s3] =	stream.indirect.scatter.add.f32 [tilespmem:s26], [sflag:$0x3], $0x80, s23, s24, $0xb8;
	[tilespmem:$0x1E080] =	vst v63  }
0x7a: {  	_ =	swait.ge [sflag:s21], $0x4000  }
0x7b: {  	p2 =	por $0x0, $0x0;
	s7 =	rddreg [dreg:$0x5];
	[sflag:s21] =	ssyncset.done $0x0  }
0x7c: {  	s8 =	simm.s32 @!p2 $0x0;
	[sflag:s21] =	ssyncadd.s32 $0xFFFFC000;
	s7 =	sadd.s32 @!p2 $0x0, s7  }
0x7d: {  	[tilespmem:s8], [sflag:$0x3] =	stream.linear.gather @!p2 [hbm4b:s7+s8], $0x80, $0x38;
	[tilespmem:$0x1E080] =	vst v63  }
0x7e: {  	s7 =	simm.s32 @!p2 $0x3  }
0x7f: {  	_ =	swait.ge @!p2 [sflag:s7], $0x80  }
0x80: {  	[sflag:s7] =	ssyncset.done @!p2 $0x0  }
0x81: {  	s9 =	sadd.s32 @!p2 $0x0, s16;
	s22 =	simm.s32 @!p2 $0x100;
	[sflag:s7] =	ssyncadd.s32 @!p2 $0xFFFFFF80  }
0x82: {  	[tilespmem:s22], [sflag:$0x3] =	stream.linear.gather @!p2 [hbm4b:s9+s8], $0x80, $0x38;
	[tilespmem:$0x1E080] =	vst v63  }
0x83: {  	_ =	swait.ge @!p2 [sflag:s7], $0x80  }
0x84: {  	[sflag:s7] =	ssyncset.done @!p2 $0x0  }
0x85: {  	s9 =	sadd.s32 @!p2 $0x0, s17;
	s22 =	simm.s32 @!p2 $0x300;
	[sflag:s7] =	ssyncadd.s32 @!p2 $0xFFFFFF80  }
0x86: {  	[tilespmem:s22], [sflag:$0x3] =	stream.linear.gather @!p2 [hbm4b:s9+s8], $0x80, $0x38;
	[tilespmem:$0x1E080] =	vst v63  }
0x87: {  	_ =	swait.ge @!p2 [sflag:s7], $0x80  }
0x88: {  	[sflag:s7] =	ssyncset.done @!p2 $0x0  }
0x89: {  	s22 =	simm.s32 $0x20;
	[sflag:s7] =	ssyncadd.s32 @!p2 $0xFFFFFF80  }
.LBB2_2:
0x8a: {  	v0 =	vld @!p2 [tilespmem:$0x60]  }
0x8b: {  	v1 =	vld @!p2 [tilespmem:$0x70]  }
0x8c: {  	v2 =	vld @!p2 [tilespmem:$0x30]  }
0x8d: {  	v3 =	vld @!p2 [tilespmem:$0x40]  }
0x8e: {  	v4 =	vld @!p2 [tilespmem:$0x170]  }
0x8f: {  	v5 =	vld @!p2 [tilespmem:$0x20]  }
0x90: {  	v6 =	vld @!p2 [tilespmem:$0x50]  }
0x91: {  	v7 =	vld @!p2 [tilespmem:$0x160]  }
0x92: {  	v8 =	vld @!p2 [tilespmem:$0x150]  }
0x93: {  	v9 =	vld @!p2 [tilespmem:$0x140]  }
0x94: {  	v10 =	vld @!p2 [tilespmem:$0x130];
	v4 =	vmul.u32 @!p2 $0x2710, v4  }
0x95: {  	v11 =	vld @!p2 [tilespmem:$0x120]  }
0x96: {  	v7 =	vmul.u32 @!p2 $0x2710, v7;
	v1 =	vadd.s32 @!p2 v1, v4;
	v4 =	vld @!p2 [tilespmem:$0x110]  }
0x97: {  	v8 =	vmul.u32 @!p2 $0x2710, v8;
	[tilespmem:$0x270] =	vst @!p2 v1;
	v1 =	vld @!p2 [tilespmem:$0x100]  }
0x98: {  	v12 =	vld @!p2 [tilespmem:$0x10];
	v9 =	vmul.u32 @!p2 $0x2710, v9;
	v0 =	vadd.s32 @!p2 v0, v7  }
0x99: {  	v10 =	vmul.u32 @!p2 $0x2710, v10;
	v7 =	vld @!p2 [tilespmem:$0x0];
	v6 =	vadd.s32 @!p2 v6, v8;
	[tilespmem:$0x260] =	vst @!p2 v0  }
0x9a: {  	v3 =	vadd.s32 @!p2 v3, v9;
	v0 =	vmul.u32 @!p2 $0x2710, v11;
	[tilespmem:$0x250] =	vst @!p2 v6  }
0x9b: {  	v2 =	vadd.s32 @!p2 v2, v10;
	[tilespmem:$0x240] =	vst @!p2 v3;
	v4 =	vmul.u32 @!p2 $0x2710, v4  }
0x9c: {  	[tilespmem:$0x230] =	vst @!p2 v2;
	v0 =	vadd.s32 @!p2 v5, v0;
	v1 =	vmul.u32 @!p2 $0x2710, v1  }
0x9d: {  	[tilespmem:$0x220] =	vst @!p2 v0;
	v2 =	vadd.s32 @!p2 v12, v4  }
0x9e: {  	v0 =	vadd.s32 @!p2 v7, v1;
	[tilespmem:$0x210] =	vst @!p2 v2  }
0x9f: {  	s7 =	simm.s32 @!p2 $0x80;
	s8 =	simm.s32 @!p2 $0x200;
	s9 =	simm.s32 @!p2 $0x400;
	[tilespmem:$0x200] =	vst @!p2 v0  }
0xa0: {  	[tilespmem:s9], [sflag:$0x1] =	stream.indirect.gather @!p2 [hbm4b:s6+s7], $0x80, s8, s7, $0xb8;
	[tilespmem:$0x1E080] =	vst v63  }
0xa1: {  	_ =	swait.ge [sflag:s4], $0x4000  }
0xa2: {  	[sflag:s4] =	ssyncset.done $0x0  }
0xa3: {  	[sflag:s4] =	ssyncadd.s32 $0xFFFFC000  }
0xa4: {  	[spmem:s3] =	stream.indirect.scatter.add.f32 [tilespmem:s31], [sflag:$0x3], $0x80, s29, s24, $0xb8;
	[tilespmem:$0x1E080] =	vst v63  }
0xa5: {  	_ =	swait.ge [sflag:s21], $0x4000  }
0xa6: {  	s25 =	smov.u32 s22;
	[sflag:s21] =	ssyncset.done $0x0  }
0xa7: {  	s8 =	sadd.s32 s25, s18;
	[sflag:s21] =	ssyncadd.s32 $0xFFFFC000  }
0xa8: {  	[tilespmem:s24], [sflag:$0x3] =	stream.linear.gather [hbm4b:s8+s5], $0x80, $0x38;
	[tilespmem:$0x1E080] =	vst v63  }
0xa9: {  	_ =	swait.ge [sflag:s21], $0x80  }
0xaa: {  	[sflag:s21] =	ssyncset.done $0x0  }
0xab: {  	s9 =	sadd.s32 s25, s19;
	[sflag:s21] =	ssyncadd.s32 $0xFFFFFF80  }
0xac: {  	[tilespmem:s28], [sflag:$0x3] =	stream.linear.gather [hbm4b:s9+s5], $0x80, $0x38;
	[tilespmem:$0x1E080] =	vst v63  }
0xad: {  	_ =	swait.ge [sflag:s21], $0x80  }
0xae: {  	[sflag:s21] =	ssyncset.done $0x0  }
0xaf: {  	s11 =	sadd.s32 s25, s20;
	[sflag:s21] =	ssyncadd.s32 $0xFFFFFF80  }
0xb0: {  	[tilespmem:s29], [sflag:$0x3] =	stream.linear.gather [hbm4b:s11+s5], $0x80, $0x38;
	[tilespmem:$0x1E080] =	vst v63  }
0xb1: {  	_ =	swait.ge [sflag:s21], $0x80  }
0xb2: {  	[sflag:s21] =	ssyncset.done $0x0  }
0xb3: {  	[sflag:s21] =	ssyncadd.s32 $0xFFFFFF80  }
0xb4: {  	v40 =	vld [tilespmem:$0xC0]  }
0xb5: {  	v41 =	vld [tilespmem:$0xB0]  }
0xb6: {  	v43 =	vld [tilespmem:$0xA0]  }
0xb7: {  	v44 =	vld [tilespmem:$0x90]  }
0xb8: {  	v45 =	vld [tilespmem:$0x1C0]  }
0xb9: {  	v46 =	vld [tilespmem:$0x1B0]  }
0xba: {  	v47 =	vld [tilespmem:$0xF0]  }
0xbb: {  	v48 =	vld [tilespmem:$0x1A0]  }
0xbc: {  	v49 =	vld [tilespmem:$0x190]  }
0xbd: {  	v50 =	vld [tilespmem:$0x1F0]  }
0xbe: {  	v51 =	vld [tilespmem:$0x1D0]  }
0xbf: {  	v52 =	vld [tilespmem:$0x180];
	v5 =	vmul.u32 $0x2710, v45  }
0xc0: {  	v54 =	vld [tilespmem:$0x1E0];
	v6 =	vmul.u32 $0x2710, v46  }
0xc1: {  	v55 =	vld [tilespmem:$0x80];
	v53 =	vmul.u32 $0x2710, v48;
	v0 =	vadd.s32 v40, v5  }
0xc2: {  	v42 =	vld [tilespmem:$0xD0];
	v56 =	vmul.u32 $0x2710, v49;
	v1 =	vadd.s32 v41, v6;
	[tilespmem:$0x2C0] =	vst v0  }
0xc3: {  	v58 =	vld [tilespmem:$0xE0];
	v59 =	vmul.u32 $0x2710, v50;
	v57 =	vadd.s32 v43, v53;
	[tilespmem:$0x2B0] =	vst v1  }
0xc4: {  	v61 =	vmul.u32 $0x2710, v52;
	v4 =	vadd.s32 v44, v56;
	[tilespmem:$0x2A0] =	vst v57  }
0xc5: {  	v60 =	vmul.u32 $0x2710, v51;
	v62 =	vadd.s32 v47, v59;
	[tilespmem:$0x290] =	vst v4  }
0xc6: {  	v63 =	vadd.s32 v55, v61;
	v0 =	vmul.u32 $0x2710, v54;
	[tilespmem:$0x2F0] =	vst v62  }
0xc7: {  	v1 =	vadd.s32 v42, v60;
	[tilespmem:$0x280] =	vst v63  }
0xc8: {  	[tilespmem:$0x2D0] =	vst v1;
	v0 =	vadd.s32 v58, v0  }
0xc9: {  	[tilespmem:$0x2E0] =	vst v0  }
0xca: {  	[tilespmem:s31], [sflag:$0x2] =	stream.indirect.gather [hbm4b:s6+s24], $0x80, s30, s24, $0xb8;
	[tilespmem:$0x1E080] =	vst v63  }
0xcb: {  	_ =	swait.ge [sflag:s0], $0x4000  }
0xcc: {  	[sflag:s0] =	ssyncset.done $0x0  }
0xcd: {  	[sflag:s0] =	ssyncadd.s32 $0xFFFFC000  }
0xce: {  	[spmem:s3] =	stream.indirect.scatter.add.f32 [tilespmem:s26], [sflag:$0x3], $0x80, s23, s24, $0xb8;
	[tilespmem:$0x1E080] =	vst v63  }
0xcf: {  	_ =	swait.ge [sflag:s21], $0x4000  }
0xd0: {  	p2 =	seq.s32 s25, $0x4E0;
	s7 =	rddreg [dreg:$0x5];
	[sflag:s21] =	ssyncset.done $0x0  }
0xd1: {  	s8 =	simm.s32 @!p2 $0x0;
	[sflag:s21] =	ssyncadd.s32 $0xFFFFC000;
	s7 =	sadd.s32 @!p2 s25, s7  }
0xd2: {  	[tilespmem:s8], [sflag:$0x3] =	stream.linear.gather @!p2 [hbm4b:s7+s8], $0x80, $0x38;
	[tilespmem:$0x1E080] =	vst v63  }
0xd3: {  	s7 =	simm.s32 @!p2 $0x3  }
0xd4: {  	_ =	swait.ge @!p2 [sflag:s7], $0x80  }
0xd5: {  	[sflag:s7] =	ssyncset.done @!p2 $0x0  }
0xd6: {  	s9 =	sadd.s32 @!p2 s25, s16;
	s11 =	simm.s32 @!p2 $0x100;
	[sflag:s7] =	ssyncadd.s32 @!p2 $0xFFFFFF80  }
0xd7: {  	[tilespmem:s11], [sflag:$0x3] =	stream.linear.gather @!p2 [hbm4b:s9+s8], $0x80, $0x38;
	[tilespmem:$0x1E080] =	vst v63  }
0xd8: {  	s22 =	sadd.s32 $0x20, s22;
	_ =	swait.ge @!p2 [sflag:s7], $0x80  }
0xd9: {  	p1 =	sne.s32 s22, $0x500;
	s9 =	sadd.s32 @!p2 s25, s17;
	[sflag:s7] =	ssyncset.done @!p2 $0x0  }
.Ltmp0:
0xda: {  	s11 =	simm.s32 @!p2 $0x300;
	[sflag:s7] =	ssyncadd.s32 @!p2 $0xFFFFFF80;
	(pc) =	sbr.rel @p1 .LBB2_2-.Ltmp0, $4  }
0xdb: {  	[tilespmem:s11], [sflag:$0x3] =	stream.linear.gather @!p2 [hbm4b:s9+s8], $0x80, $0x38;
	[tilespmem:$0x1E080] =	vst v63  }
0xdc: {  	_ =	swait.ge @!p2 [sflag:s7], $0x80  }
0xdd: {  	[sflag:s7] =	ssyncset.done @!p2 $0x0  }
0xde: {  	[sflag:s7] =	ssyncadd.s32 @!p2 $0xFFFFFF80  }
0xdf: {  	v0 =	vld @!p2 [tilespmem:$0x60]  }
0xe0: {  	v1 =	vld @!p2 [tilespmem:$0x70]  }
0xe1: {  	v2 =	vld @!p2 [tilespmem:$0x30]  }
0xe2: {  	v3 =	vld @!p2 [tilespmem:$0x40]  }
0xe3: {  	v4 =	vld @!p2 [tilespmem:$0x170]  }
0xe4: {  	v5 =	vld @!p2 [tilespmem:$0x20]  }
0xe5: {  	v6 =	vld @!p2 [tilespmem:$0x50]  }
0xe6: {  	v7 =	vld @!p2 [tilespmem:$0x160]  }
0xe7: {  	v8 =	vld @!p2 [tilespmem:$0x150]  }
0xe8: {  	v9 =	vld @!p2 [tilespmem:$0x140]  }
0xe9: {  	v10 =	vld @!p2 [tilespmem:$0x130]  }
0xea: {  	v11 =	vld @!p2 [tilespmem:$0x120];
	v4 =	vmul.u32 @!p2 $0x2710, v4  }
0xeb: {  	v12 =	vld @!p2 [tilespmem:$0x110];
	v7 =	vmul.u32 @!p2 $0x2710, v7  }
0xec: {  	v8 =	vmul.u32 @!p2 $0x2710, v8;
	v1 =	vadd.s32 @!p2 v1, v4;
	v4 =	vld @!p2 [tilespmem:$0x100]  }
0xed: {  	v9 =	vmul.u32 @!p2 $0x2710, v9;
	v0 =	vadd.s32 @!p2 v0, v7;
	[tilespmem:$0x270] =	vst @!p2 v1;
	v1 =	vld @!p2 [tilespmem:$0x10]  }
0xee: {  	v10 =	vmul.u32 @!p2 $0x2710, v10;
	v7 =	vld @!p2 [tilespmem:$0x0];
	v6 =	vadd.s32 @!p2 v6, v8;
	[tilespmem:$0x260] =	vst @!p2 v0  }
0xef: {  	v3 =	vadd.s32 @!p2 v3, v9;
	v0 =	vmul.u32 @!p2 $0x2710, v11;
	[tilespmem:$0x250] =	vst @!p2 v6  }
0xf0: {  	v2 =	vadd.s32 @!p2 v2, v10;
	v6 =	vmul.u32 @!p2 $0x2710, v12;
	[tilespmem:$0x240] =	vst @!p2 v3  }
0xf1: {  	[tilespmem:$0x230] =	vst @!p2 v2;
	v0 =	vadd.s32 @!p2 v5, v0;
	v3 =	vmul.u32 @!p2 $0x2710, v4  }
0xf2: {  	[tilespmem:$0x220] =	vst @!p2 v0;
	v1 =	vadd.s32 @!p2 v1, v6  }
0xf3: {  	v0 =	vadd.s32 @!p2 v7, v3;
	[tilespmem:$0x210] =	vst @!p2 v1  }
0xf4: {  	s7 =	simm.s32 @!p2 $0x80;
	s8 =	simm.s32 @!p2 $0x200;
	s9 =	simm.s32 @!p2 $0x400;
	[tilespmem:$0x200] =	vst @!p2 v0  }
0xf5: {  	[tilespmem:s9], [sflag:$0x1] =	stream.indirect.gather @!p2 [hbm4b:s6+s7], $0x80, s8, s7, $0xb8;
	[tilespmem:$0x1E080] =	vst v63  }
0xf6: {  	_ =	swait.ge [sflag:s4], $0x4000  }
0xf7: {  	[sflag:s4] =	ssyncset.done $0x0  }
0xf8: {  	[sflag:s4] =	ssyncadd.s32 $0xFFFFC000  }
0xf9: {  	[spmem:s3] =	stream.indirect.scatter.add.f32 [tilespmem:s31], [sflag:$0x3], $0x80, s29, s24, $0xb8;
	[tilespmem:$0x1E080] =	vst v63  }
0xfa: {  	_ =	swait.ge [sflag:s21], $0x4000  }
0xfb: {  	s1 =	sadd.s32 $0x1, s1;
	[sflag:s21] =	ssyncset.done $0x0  }
0xfc: {  	p1 =	sne.s32 s1, s15;
	[sflag:s21] =	ssyncadd.s32 $0xFFFFC000  }
.Ltmp1:
0xfd: {  	[bflag:$0x0] =	sbarrier.arrive $0xFFFF;
	(pc) =	sbr.rel @p1 .LBB2_1-.Ltmp1, $4  }
0xfe: {  	[hbm:s14], [sflag:s10] =	dma.local [spmem:s2], $0x2780  }
0xff: {  	_ =	swait.ge [sflag:s21], $0x2780  }
0x100: {  	[sflag:s21] =	ssyncset.done $0x0  }
0x101: {  	[sflag:s21] =	ssyncadd.s32 $0xFFFFD880  }
0x102: {  	_ =	sfence.sel $0x180000  }
0x103: {  	[bflag:$0x0] =	sbarrier.arrive $0xFFFF  }
0x104: {  	_ =	strace $0x90000050  }
0x105: {  	s0 =	stileid.u32;
	[bflag:$0x2] =	sbarrier.arrive $0xFFFF  }
0x106: {  	p0 =	sne.s32 s0, $0x0;
	s0 =	rddreg [dreg:$0x4]  }
0x107: {  	s0 =	sadd.s32 @!p0 $0x100000, s0  }
0x108: {  	[sflag:s0] =	ssyncadd.tile.s32 @!p0 $0x1;
	_ =	shalt  }
.Lfunc_end2:
_tile_overlayer_lowered:
.L_overlay_start_2:
0x109: {  	(tag) =	ssettag $0x2  }
0x10a: {  	s0 =	rddreg [dreg:$0x0];
	s2 =	stileid.u32  }
0x10b: {  	s1 =	rddreg [dreg:$0x1];
	p0 =	sne.s32 s2, $0x0  }
0x10c: {  	s3 =	rddreg [dreg:$0x2];
	[bflag:$0x3] =	sbarrier.arrive $0xFFFF;
	s2 =	simm.s32 @!p0 $0x1C03  }
0x10d: {  	[timem:s3], [sflag:s2] =	dma.local @!p0 [hbm:s0], s1  }
0x10e: {  	s0 =	simm.s32 @!p0 $0x3  }
0x10f: {  	_ =	swait.ge @!p0 [sflag:s0], s1  }
0x110: {  	s1 =	ssub.s32 @!p0 $0x0, s1;
	[sflag:s0] =	ssyncset.done @!p0 $0x0  }
0x111: {  	[sflag:s0] =	ssyncadd.s32 @!p0 s1  }
0x112: {  	[bflag:$0x3] =	sbarrier.arrive $0xFFFF  }
0x113: {  	_ =	shalt  }

// kernel: kernel.9.cloned.1.call-start
scs
__scs_entry_jumppad:
0x0: {  	(pc) =	sbr.rel $0x88, $3  }
0x1: {  	(tag) =	ssettag $0x0;
	lr =	simm.s32 $0x1  }
0x2: {  	[smem:$0x3F93] =	sst lr;
	_ =	strace $0xD0000000  }
0x3: {  	_ = 	snop  }
0x4: {  	_ = 	snop  }
0x5: {  	_ = 	snop  }
0x6: {  	_ = 	snop  }
0x7: {  	_ = 	snop  }
__scs_overlays_trampoline_lowered:
0x8: {  	[smem:$0x3FA2] =	sst s0  }
0x9: {  	[smem:$0x3FA3] =	sst s1  }
0xa: {  	[smem:$0x3FA4] =	sst s2  }
0xb: {  	[smem:$0x3FA5] =	sst s3  }
0xc: {  	[smem:$0x3FA6] =	sst s4  }
0xd: {  	[smem:$0x3FA7] =	sst s5  }
0xe: {  	[smem:$0x3FA8] =	sst s6  }
0xf: {  	[smem:$0x3FA9] =	sst s7  }
0x10: {  	[smem:$0x3FAA] =	sst s8  }
0x11: {  	[smem:$0x3FAB] =	sst s9;
	s0 =	simm.s32 @!p0 $0x0  }
0x12: {  	s1 =	sld [smem:$0x3F91];
	s0 =	simm.s32 @p0 $0x1  }
0x13: {  	[smem:$0x3FAC] =	sst s0;
	s0 =	simm.s32 @!p1 $0x0  }
0x14: {  	s2 =	sld [smem:$0x3F90];
	s0 =	simm.s32 @p1 $0x1  }
0x15: {  	[smem:$0x3FAD] =	sst s0;
	s0 =	simm.s32 @!p2 $0x0  }
0x16: {  	s3 =	sld [smem:$0x3FDB];
	s0 =	simm.s32 @p2 $0x1  }
0x17: {  	s4 =	simm.s32 $0x1BF5;
	[smem:$0x3FAF] =	sst s0  }
0x18: {  	s0 =	sld [smem:$0x3F92];
	_ =	swait.ge [sflag:s4], $0x0  }
0x19: {  	s7 =	sld [smem:$0x3F93]  }
0x1a: {  	s8 =	sadd.s32 $0xFFFFE003, lr  }
0x1b: {  	s9 =	sadd.s32 $0xFFFFFEF7, lr;
	s5 =	simm.s32 $0xFFFFFFFF;
	p2 =	slt.u32 s8, $0xFFFFF086  }
0x1c: {  	p1 =	slt.u32 s9, $0xF7A;
	s5 =	simm.s32 @!p2 $0x0  }
0x1d: {  	s5 =	simm.s32 @p1 $0x1;
	p0 =	seq.s32 s7, s2  }
0x1e: {  	s7 =	smul.u32 @!p0 $0xF7A, s2;
	p2 =	seq.s32 @!p0 s5, $0x0  }
0x1f: {  	s9 =	smul.u32 $0xF7A, s1;
	s8 =	simm.s32 @!p0 $0x1BF5;
	p2 =	por !p2, p0  }
0x20: {  	[sflag:s8] =	ssyncset.s32 @!p0 $0xFFFFF086;
	s6 =	sadd.s32 @!p0 s3, s7;
	s7 =	simm.s32 @!p0 $0x108  }
0x21: {  	s3 =	sadd.s32 s3, s9;
	s6 =	sadd.s32 @!p0 $0x88, s6;
	s7 =	simm.s32 @p2 $0x1082  }
0x22: {  	[simem:s7], [sflag:s8] =	dma.local @!p0 [hbm:s6], $0xF7A  }
0x23: {  	s9 =	sor.u32 $0xD0000000, s2;
	s6 =	simm.s32 $0x108;
	_ =	swait.ge @!p0 [sflag:s8], $0x0  }
0x24: {  	s3 =	sadd.s32 $0x88, s3;
	s6 =	simm.s32 @!p1 $0x1082;
	[sflag:s4] =	ssyncset.s32 $0xFFFFF086  }
0x25: {  	[simem:s6], [sflag:s4] =	dma.local [hbm:s3], $0xF7A  }
0x26: {  	[smem:$0x3F93] =	sst s1;
	(tag) =	ssettag s2;
	_ =	strace s9  }
0x27: {  	s1 =	sld [smem:$0x3FA3]  }
0x28: {  	s2 =	sld [smem:$0x3FA4]  }
0x29: {  	s4 =	sld [smem:$0x3FA6]  }
0x2a: {  	p0 =	seq.s32 s5, $0x0;
	s5 =	sld [smem:$0x3FA7]  }
0x2b: {  	s6 =	sld [smem:$0x3FA8]  }
0x2c: {  	s7 =	sld [smem:$0x3FA9]  }
0x2d: {  	s3 =	simm.s32 $0x108;
	s8 =	sld [smem:$0x3FAA]  }
0x2e: {  	s3 =	simm.s32 @!p0 $0x1082;
	s9 =	sld [smem:$0x3FAB]  }
0x2f: {  	lr =	sadd.s32 s0, s3;
	s0 =	sld [smem:$0x3FA2]  }
0x30: {  	s3 =	sld [smem:$0x3FA5]  }
0x31: {  	[smem:$0x3FAE] =	sst s10  }
0x32: {  	s10 =	sld [smem:$0x3FAC];
	_ =	sdelay $0x3  }
0x33: {  	p0 =	seq.s32 s10, $0x1;
	s10 =	sld [smem:$0x3FAE];
	_ =	sdelay $0x3  }
0x34: {  	[smem:$0x3FAE] =	sst s10  }
0x35: {  	s10 =	sld [smem:$0x3FAD];
	_ =	sdelay $0x3  }
0x36: {  	p1 =	seq.s32 s10, $0x1;
	s10 =	sld [smem:$0x3FAE];
	_ =	sdelay $0x3  }
0x37: {  	[smem:$0x3FAE] =	sst s10  }
0x38: {  	s10 =	sld [smem:$0x3FAF]  }
0x39: {  	_ = 	snop;
	(pc) =	sbr.ind lr, $3  }
0x3a: {  	_ = 	snop  }
0x3b: {  	_ = 	snop  }
0x3c: {  	p2 =	seq.s32 s10, $0x1;
	s10 =	sld [smem:$0x3FAE]  }
0x3d: {  	_ =	shalt  }
0x3e: {  	_ =	shalt  }
0x3f: {  	_ =	shalt  }
0x40: {  	_ =	shalt  }
0x41: {  	_ =	shalt  }
0x42: {  	_ =	shalt  }
0x43: {  	_ =	shalt  }
0x44: {  	_ =	shalt  }
0x45: {  	_ =	shalt  }
0x46: {  	_ =	shalt  }
0x47: {  	_ =	shalt  }
0x48: {  	_ =	shalt  }
0x49: {  	_ =	shalt  }
0x4a: {  	_ =	shalt  }
0x4b: {  	_ =	shalt  }
0x4c: {  	_ =	shalt  }
0x4d: {  	_ =	shalt  }
0x4e: {  	_ =	shalt  }
0x4f: {  	_ =	shalt  }
0x50: {  	_ =	shalt  }
0x51: {  	_ =	shalt  }
0x52: {  	_ =	shalt  }
0x53: {  	_ =	shalt  }
0x54: {  	_ =	shalt  }
0x55: {  	_ =	shalt  }
0x56: {  	_ =	shalt  }
0x57: {  	_ =	shalt  }
0x58: {  	_ =	shalt  }
0x59: {  	_ =	shalt  }
0x5a: {  	_ =	shalt  }
0x5b: {  	_ =	shalt  }
0x5c: {  	_ =	shalt  }
0x5d: {  	_ =	shalt  }
0x5e: {  	_ =	shalt  }
0x5f: {  	_ =	shalt  }
0x60: {  	_ =	shalt  }
0x61: {  	_ =	shalt  }
0x62: {  	_ =	shalt  }
0x63: {  	_ =	shalt  }
0x64: {  	_ =	shalt  }
0x65: {  	_ =	shalt  }
0x66: {  	_ =	shalt  }
0x67: {  	_ =	shalt  }
0x68: {  	_ =	shalt  }
0x69: {  	_ =	shalt  }
0x6a: {  	_ =	shalt  }
0x6b: {  	_ =	shalt  }
0x6c: {  	_ =	shalt  }
0x6d: {  	_ =	shalt  }
0x6e: {  	_ =	shalt  }
0x6f: {  	_ =	shalt  }
0x70: {  	_ =	shalt  }
0x71: {  	_ =	shalt  }
0x72: {  	_ =	shalt  }
0x73: {  	_ =	shalt  }
0x74: {  	_ =	shalt  }
0x75: {  	_ =	shalt  }
0x76: {  	_ =	shalt  }
0x77: {  	_ =	shalt  }
0x78: {  	_ =	shalt  }
0x79: {  	_ =	shalt  }
0x7a: {  	_ =	shalt  }
0x7b: {  	_ =	shalt  }
0x7c: {  	_ =	shalt  }
0x7d: {  	_ =	shalt  }
0x7e: {  	_ =	shalt  }
0x7f: {  	_ =	shalt  }
0x80: {  	_ =	shalt  }
0x81: {  	_ =	shalt  }
0x82: {  	_ =	shalt  }
0x83: {  	_ =	shalt  }
0x84: {  	_ =	shalt  }
0x85: {  	_ =	shalt  }
0x86: {  	_ =	shalt  }
0x87: {  	_ =	shalt  }
.Lfunc_end0:
.L_simem_size_0:
called_computation_lowered:
.L_overlay_start_0:
0x88: {  	s2 =	sld [smem:$0x3FD9]  }
0x89: {  	s3 =	sld [smem:$0x3FFE];
	_ =	sdelay $0x1  }
0x8a: {  	s1 =	srdreg.scid  }
0x8b: {  	s0 =	sand.u32 $0x1, s1  }
0x8c: {  	s17 =	sshll.u32 s0, $0xA;
	s2 =	sadd.s32 s3, s2  }
0x8d: {  	s2 =	sadd.s32 s2, s17  }
0x8e: {  	[smem:$0x3FBA] =	sst s2  }
0x8f: {  	_ = 	snop  }
0x90: {  	s2 =	sld [smem:$0x3FD0];
	(tm) =	ssettm $0x1  }
0x91: {  	s18 =	sld [smem:$0x3FFB];
	_ =	sdelay $0x3  }
0x92: {  	_ =	strace s18  }
0x93: {  	s3 =	sld [smem:$0x3FFC];
	_ =	sdelay $0x3  }
0x94: {  	_ =	strace s3  }
0x95: {  	s3 =	sld [smem:$0x3FFD];
	_ =	sdelay $0x3  }
0x96: {  	_ =	strace s3  }
0x97: {  	_ =	strace $0x8FFFFFFF  }
0x98: {  	s19 =	sld [smem:$0x3FDB];
	_ =	sdelay $0x1  }
0x99: {  	s4 =	simm.s32 $_scs_section_size  }
0x9a: {  	s5 =	simm.s32 $_size__tile_overlayer_lowered;
	s6 =	simm.s32 $_tile_overlayer_lowered  }
0x9b: {  	s22 =	simm.s32 $0x1BFF;
	s21 =	sshll.u32 s6, $0x1;
	s3 =	sadd.s32 s4, s19  }
0x9c: {  	s7 =	simm.s32 $0x0;
	s20 =	sshll.u32 s5, $0x1;
	s5 =	sadd.s32 s21, s3  }
0x9d: {  	[timem:s7], [sflag:s22] =	dma.local [hbm:s5], s20  }
0x9e: {  	_ =	swait.ge [sflag:s22], s20  }
0x9f: {  	s4 =	ssub.s32 $0x0, s20;
	[sflag:s22] =	ssyncset.done $0x0  }
0xa0: {  	[sflag:s22] =	ssyncadd.s32 s4;
	_ =	sdelay $0x1  }
0xa1: {  	s23 =	simm.s32 $0x1B8B  }
0xa2: {  	_ =	swait.ge [sflag:s23], $0x1  }
0xa3: {  	[sflag:s23] =	ssyncset.done $0x0  }
0xa4: {  	s25 =	simm.s32 $0x1B8E;
	s24 =	sld [smem:$0x3FFE];
	[sflag:s23] =	ssyncadd.s32 $0xFFFFFFFF  }
0xa5: {  	s26 =	simm.s32 $execute0_lowered;
	[smem:$0x3FD2] =	sst s25  }
0xa6: {  	s5 =	sshll.u32 s26, $0x1;
	_ =	strace $0x80000046;
	[dreg:$0x1] =	wrdreg $0xFFFFFFFF  }
0xa7: {  	s28 =	simm.s32 $_size_execute0_lowered;
	s3 =	sadd.s32 s3, s5;
	[dreg:$0x0] =	wrdreg $0x0  }
0xa8: {  	s5 =	sshll.u32 s28, $0x1;
	[dreg:$0x2] =	wrdreg s3  }
0xa9: {  	[dreg:$0x3] =	wrdreg s5  }
0xaa: {  	[dreg:$0x4] =	wrdreg $0xC0  }
0xab: {  	_ =	task [dreg:s7], $0x5FFFF  }
0xac: {  	[dreg:$0x1] =	wrdreg $0xFFFFFFFF  }
0xad: {  	[dreg:$0x0] =	wrdreg $0x60  }
0xae: {  	[dreg:$0x2] =	wrdreg s24  }
0xaf: {  	[dreg:$0x3] =	wrdreg s2  }
0xb0: {  	[dreg:$0x4] =	wrdreg $0x82000  }
0xb1: {  	[dreg:$0x5] =	wrdreg $0xA  }
0xb2: {  	_ =	task.clear_ibuf [dreg:s7], $0x6FFFF;
	_ =	strace $0x90000046  }
0xb3: {  	s29 =	simm.s32 $0xA;
	_ =	strace $0x80000048  }
0xb4: {  	_ =	swait.ge [sflag:s29], $0x1  }
0xb5: {  	[sflag:s29] =	ssyncadd.s32 $0xFFFFFFFF  }
0xb6: {  	_ =	strace $0x90000048  }
0xb7: {  	_ =	sfence  }
0xb8: {  	s30 =	sld [smem:$0x0];
	_ =	sdelay $0x2  }
0xb9: {  	s31 =	sshll.u32 s1, $0xD;
	s1 =	sshrl.u32 s1, $0x2  }
0xba: {  	s3 =	sand.u32 $0x4000, s31;
	s1 =	sadd.s32 s1, s30  }
0xbb: {  	s0 =	sor.u32 s3, s0;
	s1 =	sshll.u32 s1, $0x11  }
0xbc: {  	s0 =	sor.u32 s1, s0  }
0xbd: {  	s0 =	sadd.s32 $0x8F2B, s0  }
0xbe: {  	[sflag:s0] =	ssyncadd.remote.s32 $0x1  }
0xbf: {  	_ =	sfence.sel $0xFFFF  }
0xc0: {  	[dreg:$0x0] =	wrdreg $0xFFFFFFFF;
	(pc) =	sbr.abs _section_cstart, $3  }
0xc1: {  	[dreg:$0x1] =	wrdreg $0xFFFFFFFF  }
0xc2: {  	_ =	task.clear_ibuf [dreg:s7], $0x2FFFF;
	_ =	strace $0x9FFFFFFF  }
0xc3: {  	(tm) =	ssettm $0x7FFFFFFF  }
tec
execute0_lowered:
.L_overlay_start_1:
0x0: {  	(tag) =	ssettag $0x1  }
0x1: {  	s5 =	rddreg [dreg:$0x0]  }
0x2: {  	s15 =	rddreg [dreg:$0x1]  }
0x3: {  	s2 =	rddreg [dreg:$0x2];
	s3 =	simm.s32 $0x0  }
0x4: {  	s1 =	stileid.u32;
	s4 =	srdreg.scid;
	s19 =	simm.s32 $0x100  }
0x5: {  	s20 =	simm.s32 $0x80;
	s21 =	simm.s32 $0x200;
	s22 =	simm.s32 $0x180  }
0x6: {  	s23 =	simm.s32 $0x4200;
	[smem:$0x7FF] =	sst s3;
	s6 =	smul.u32 $0x17800, s1  }
0x7: {  	s7 =	sand.u32 $0x1, s4;
	s4 =	sadd.s32 $0xEC00, s5;
	s25 =	smul.u32 $0x5E000, s1  }
0x8: {  	s16 =	sadd.s32 $0x3000, s5;
	s10 =	sshll.u32 s1, $0x1;
	s13 =	smul.u32 $0xBC, s1  }
0x9: {  	s31 =	sshll.u32 s1, $0x6;
	_ =	strace $0x80000047;
	s9 =	smul.u32 $0x178000, s7  }
0xa: {  	s24 =	sor.u32 s7, s10;
	s11 =	ssub.s32 $0x2, s7;
	s30 =	smul.u32 $0x5E, s7  }
0xb: {  	s8 =	sshrl.u32 s6, $0x3;
	s12 =	smul.u32 $0x5E0, s24;
	s28 =	sshrl.u32 s11, $0x1  }
0xc: {  	s29 =	sshrl.u32 s25, $0x2;
	s24 =	simm.s32 $0x1;
	s25 =	simm.s32 $0x2  }
0xd: {  	s8 =	sadd.s32 s8, s5;
	s6 =	sadd.s32 s6, s9;
	s11 =	ssub.s32 s11, s28  }
0xe: {  	s17 =	sadd.s32 s29, s2;
	s10 =	sadd.s32 s30, s13;
	s6 =	sshrl.u32 s6, $0x3  }
0xf: {  	s7 =	sadd.s32 s15, s12;
	s18 =	sshll.u32 s10, $0x4;
	s10 =	smax.u32 s11, $0x1  }
0x10: {  	s17 =	sshrl.u32 s17, $0x3;
	s26 =	sadd.s32 s6, s5;
	s5 =	sadd.s32 $0x3DA00, s8  }
0x11: {  	s6 =	sor.u32 $0x1C03, s31;
	s8 =	sadd.s32 s16, s12;
	s12 =	sadd.s32 $0x5D0, s12  }
0x12: {  	s14 =	sadd.s32 $0x20, s18;
	s9 =	sadd.s32 $0x6CA00, s26;
	s11 =	sadd.s32 s15, s12  }
0x13: {  	s12 =	sadd.s32 s16, s12;
	s13 =	sadd.s32 s14, s15;
	s14 =	sadd.s32 s14, s16  }
0x14: {  	s15 =	sadd.s32 s18, s15;
	s16 =	sadd.s32 s18, s16;
	s18 =	simm.s32 $0x3  }
0x15: {  	s26 =	simm.s32 $0x0;
	s15 =	sadd.s32 $0x10, s15;
	s16 =	sadd.s32 $0x10, s16  }
.LBB2_1:
0x16: {  	[spmem:s17], [sflag:s6] =	dma.local [hbm:s5], $0x2F00  }
0x17: {  	_ =	swait.ge [sflag:s18], $0x2F00  }
0x18: {  	[sflag:s18] =	ssyncset.done $0x0  }
0x19: {  	[sflag:s18] =	ssyncadd.s32 $0xFFFFD100  }
0x1a: {  	[tilespmem:s3], [sflag:$0x3] =	stream.linear.gather [hbm4b:s7+s3], $0x80, $0x38;
	[tilespmem:$0x1FA00] =	vst v63  }
0x1b: {  	_ =	swait.ge [sflag:s18], $0x80  }
0x1c: {  	[sflag:s18] =	ssyncset.done $0x0  }
0x1d: {  	[sflag:s18] =	ssyncadd.s32 $0xFFFFFF80  }
0x1e: {  	[tilespmem:s19], [sflag:$0x3] =	stream.linear.gather [hbm4b:s8+s3], $0x80, $0x38;
	[tilespmem:$0x1FA00] =	vst v63  }
0x1f: {  	_ =	swait.ge [sflag:s18], $0x80  }
0x20: {  	[sflag:s18] =	ssyncset.done $0x0  }
0x21: {  	[sflag:s18] =	ssyncadd.s32 $0xFFFFFF80  }
0x22: {  	[tilespmem:s21], [sflag:$0x1] =	stream.indirect.gather [hbm4b:s4+s20], $0x80, s3, s20, $0xb8;
	[tilespmem:$0x1FA00] =	vst v63  }
0x23: {  	s28 =	sadd.s32 $0x0, s15;
	[bflag:$0x0] =	sbarrier.arrive $0xFFFF  }
0x24: {  	[tilespmem:s20], [sflag:$0x3] =	stream.linear.gather [hbm4b:s28+s3], $0x80, $0x38;
	[tilespmem:$0x1FA00] =	vst v63  }
0x25: {  	_ =	swait.ge [sflag:s18], $0x80  }
0x26: {  	[sflag:s18] =	ssyncset.done $0x0  }
0x27: {  	s28 =	sadd.s32 $0x0, s16;
	[sflag:s18] =	ssyncadd.s32 $0xFFFFFF80  }
0x28: {  	[tilespmem:s22], [sflag:$0x3] =	stream.linear.gather [hbm4b:s28+s3], $0x80, $0x38;
	[tilespmem:$0x1FA00] =	vst v63  }
0x29: {  	_ =	swait.ge [sflag:s18], $0x80  }
0x2a: {  	[sflag:s18] =	ssyncset.done $0x0  }
0x2b: {  	[sflag:s18] =	ssyncadd.s32 $0xFFFFFF80  }
0x2c: {  	[tilespmem:s23], [sflag:$0x2] =	stream.indirect.gather [hbm4b:s4+s20], $0x80, s20, s20, $0xb8;
	[tilespmem:$0x1FA00] =	vst v63  }
0x2d: {  	_ =	swait.ge [sflag:s24], $0x4000  }
0x2e: {  	[sflag:s24] =	ssyncset.done $0x0  }
0x2f: {  	[sflag:s24] =	ssyncadd.s32 $0xFFFFC000  }
0x30: {  	[spmem:s2] =	stream.indirect.scatter.add.f32 [tilespmem:s21], [sflag:$0x3], $0x80, s19, s20, $0xb8;
	[tilespmem:$0x1FA00] =	vst v63  }
0x31: {  	_ =	swait.ge [sflag:s18], $0x4000  }
0x32: {  	[sflag:s18] =	ssyncset.done $0x0  }
0x33: {  	s28 =	sadd.s32 $0x0, s13;
	[sflag:s18] =	ssyncadd.s32 $0xFFFFC000  }
0x34: {  	[tilespmem:s3], [sflag:$0x3] =	stream.linear.gather [hbm4b:s28+s3], $0x80, $0x38;
	[tilespmem:$0x1FA00] =	vst v63  }
0x35: {  	_ =	swait.ge [sflag:s18], $0x80  }
0x36: {  	[sflag:s18] =	ssyncset.done $0x0  }
0x37: {  	s28 =	sadd.s32 $0x0, s14;
	[sflag:s18] =	ssyncadd.s32 $0xFFFFFF80  }
0x38: {  	[tilespmem:s19], [sflag:$0x3] =	stream.linear.gather [hbm4b:s28+s3], $0x80, $0x38;
	[tilespmem:$0x1FA00] =	vst v63  }
0x39: {  	_ =	swait.ge [sflag:s18], $0x80  }
0x3a: {  	[sflag:s18] =	ssyncset.done $0x0  }
0x3b: {  	[sflag:s18] =	ssyncadd.s32 $0xFFFFFF80  }
0x3c: {  	[tilespmem:s21], [sflag:$0x1] =	stream.indirect.gather [hbm4b:s4+s20], $0x80, s3, s20, $0xb8;
	[tilespmem:$0x1FA00] =	vst v63  }
0x3d: {  	_ =	swait.ge [sflag:s25], $0x4000  }
0x3e: {  	[sflag:s25] =	ssyncset.done $0x0  }
0x3f: {  	[sflag:s25] =	ssyncadd.s32 $0xFFFFC000  }
0x40: {  	[spmem:s2] =	stream.indirect.scatter.add.f32 [tilespmem:s23], [sflag:$0x3], $0x80, s22, s20, $0xb8;
	[tilespmem:$0x1FA00] =	vst v63  }
0x41: {  	_ =	swait.ge [sflag:s18], $0x4000  }
0x42: {  	s30 =	simm.s32 $0x40;
	s28 =	simm.s32 $0x20;
	[sflag:s18] =	ssyncset.done $0x0  }
.LBB2_2:
0x43: {  	s31 =	sadd.s32 s28, s15  }
0x44: {  	[sflag:s18] =	ssyncadd.s32 $0xFFFFC000;
	s0 =	smov.u32 s30;
	s29 =	sadd.s32 $0x20, s30  }
0x45: {  	[tilespmem:s20], [sflag:$0x3] =	stream.linear.gather [hbm4b:s31+s3], $0x80, $0x38;
	[tilespmem:$0x1FA00] =	vst v63  }
0x46: {  	p0 =	sne.s32 s30, $0x5A0;
	_ =	swait.ge [sflag:s18], $0x80  }
0x47: {  	[sflag:s18] =	ssyncset.done $0x0  }
0x48: {  	s30 =	sadd.s32 s28, s16;
	[sflag:s18] =	ssyncadd.s32 $0xFFFFFF80  }
0x49: {  	[tilespmem:s22], [sflag:$0x3] =	stream.linear.gather [hbm4b:s30+s3], $0x80, $0x38;
	[tilespmem:$0x1FA00] =	vst v63  }
0x4a: {  	_ =	swait.ge [sflag:s18], $0x80  }
0x4b: {  	[sflag:s18] =	ssyncset.done $0x0  }
0x4c: {  	[sflag:s18] =	ssyncadd.s32 $0xFFFFFF80  }
0x4d: {  	[tilespmem:s23], [sflag:$0x2] =	stream.indirect.gather [hbm4b:s4+s20], $0x80, s20, s20, $0xb8;
	[tilespmem:$0x1FA00] =	vst v63  }
0x4e: {  	_ =	swait.ge [sflag:s24], $0x4000  }
0x4f: {  	[sflag:s24] =	ssyncset.done $0x0  }
0x50: {  	[sflag:s24] =	ssyncadd.s32 $0xFFFFC000  }
0x51: {  	[spmem:s2] =	stream.indirect.scatter.add.f32 [tilespmem:s21], [sflag:$0x3], $0x80, s19, s20, $0xb8;
	[tilespmem:$0x1FA00] =	vst v63  }
0x52: {  	_ =	swait.ge [sflag:s18], $0x4000  }
0x53: {  	[sflag:s18] =	ssyncset.done $0x0  }
0x54: {  	s30 =	sadd.s32 s28, s13;
	[sflag:s18] =	ssyncadd.s32 $0xFFFFC000  }
0x55: {  	[tilespmem:s3], [sflag:$0x3] =	stream.linear.gather [hbm4b:s30+s3], $0x80, $0x38;
	[tilespmem:$0x1FA00] =	vst v63  }
0x56: {  	_ =	swait.ge [sflag:s18], $0x80  }
0x57: {  	[sflag:s18] =	ssyncset.done $0x0  }
0x58: {  	s30 =	sadd.s32 s28, s14;
	s28 =	smov.u32 s0;
	[sflag:s18] =	ssyncadd.s32 $0xFFFFFF80  }
0x59: {  	[tilespmem:s19], [sflag:$0x3] =	stream.linear.gather [hbm4b:s30+s3], $0x80, $0x38;
	[tilespmem:$0x1FA00] =	vst v63  }
0x5a: {  	_ =	swait.ge [sflag:s18], $0x80  }
0x5b: {  	[sflag:s18] =	ssyncset.done $0x0  }
0x5c: {  	[sflag:s18] =	ssyncadd.s32 $0xFFFFFF80  }
0x5d: {  	[tilespmem:s21], [sflag:$0x1] =	stream.indirect.gather [hbm4b:s4+s20], $0x80, s3, s20, $0xb8;
	[tilespmem:$0x1FA00] =	vst v63  }
0x5e: {  	_ =	swait.ge [sflag:s25], $0x4000  }
.Ltmp0:
0x5f: {  	[sflag:s25] =	ssyncset.done $0x0;
	(pc) =	sbr.rel @p0 .LBB2_2-.Ltmp0, $4  }
0x60: {  	[sflag:s25] =	ssyncadd.s32 $0xFFFFC000  }
0x61: {  	[spmem:s2] =	stream.indirect.scatter.add.f32 [tilespmem:s23], [sflag:$0x3], $0x80, s22, s20, $0xb8;
	[tilespmem:$0x1FA00] =	vst v63  }
0x62: {  	_ =	swait.ge [sflag:s18], $0x4000  }
0x63: {  	s30 =	smov.u32 s29;
	[sflag:s18] =	ssyncset.done $0x0  }
0x64: {  	s0 =	sadd.s32 s28, s15;
	[sflag:s18] =	ssyncadd.s32 $0xFFFFC000  }
0x65: {  	[tilespmem:s20], [sflag:$0x3] =	stream.linear.gather [hbm4b:s0+s3], $0x80, $0x38;
	[tilespmem:$0x1FA00] =	vst v63  }
0x66: {  	_ =	swait.ge [sflag:s18], $0x80  }
0x67: {  	[sflag:s18] =	ssyncset.done $0x0  }
0x68: {  	s29 =	sadd.s32 s28, s16;
	[sflag:s18] =	ssyncadd.s32 $0xFFFFFF80  }
0x69: {  	[tilespmem:s22], [sflag:$0x3] =	stream.linear.gather [hbm4b:s29+s3], $0x80, $0x38;
	[tilespmem:$0x1FA00] =	vst v63  }
0x6a: {  	_ =	swait.ge [sflag:s18], $0x80  }
0x6b: {  	[sflag:s18] =	ssyncset.done $0x0  }
0x6c: {  	[sflag:s18] =	ssyncadd.s32 $0xFFFFFF80  }
0x6d: {  	[tilespmem:s23], [sflag:$0x2] =	stream.indirect.gather [hbm4b:s4+s20], $0x80, s20, s20, $0xb8;
	[tilespmem:$0x1FA00] =	vst v63  }
0x6e: {  	_ =	swait.ge [sflag:s24], $0x4000  }
0x6f: {  	[sflag:s24] =	ssyncset.done $0x0  }
0x70: {  	[sflag:s24] =	ssyncadd.s32 $0xFFFFC000  }
0x71: {  	[spmem:s2] =	stream.indirect.scatter.add.f32 [tilespmem:s21], [sflag:$0x3], $0x80, s19, s20, $0xb8;
	[tilespmem:$0x1FA00] =	vst v63  }
0x72: {  	_ =	swait.ge [sflag:s18], $0x4000  }
0x73: {  	[sflag:s18] =	ssyncset.done $0x0  }
0x74: {  	s30 =	sadd.s32 s28, s13;
	[sflag:s18] =	ssyncadd.s32 $0xFFFFC000  }
0x75: {  	[tilespmem:s3], [sflag:$0x3] =	stream.linear.gather [hbm4b:s30+s3], $0x80, $0x38;
	[tilespmem:$0x1FA00] =	vst v63  }
0x76: {  	_ =	swait.ge [sflag:s18], $0x80  }
0x77: {  	[sflag:s18] =	ssyncset.done $0x0  }
0x78: {  	s31 =	sadd.s32 s28, s14;
	[sflag:s18] =	ssyncadd.s32 $0xFFFFFF80  }
0x79: {  	[tilespmem:s19], [sflag:$0x3] =	stream.linear.gather [hbm4b:s31+s3], $0x80, $0x38;
	[tilespmem:$0x1FA00] =	vst v63  }
0x7a: {  	_ =	swait.ge [sflag:s18], $0x80  }
0x7b: {  	[sflag:s18] =	ssyncset.done $0x0  }
0x7c: {  	[sflag:s18] =	ssyncadd.s32 $0xFFFFFF80  }
0x7d: {  	[tilespmem:s21], [sflag:$0x1] =	stream.indirect.gather [hbm4b:s4+s20], $0x80, s3, s20, $0xb8;
	[tilespmem:$0x1FA00] =	vst v63  }
0x7e: {  	_ =	swait.ge [sflag:s25], $0x4000  }
0x7f: {  	[sflag:s25] =	ssyncset.done $0x0  }
0x80: {  	[sflag:s25] =	ssyncadd.s32 $0xFFFFC000  }
0x81: {  	[spmem:s2] =	stream.indirect.scatter.add.f32 [tilespmem:s23], [sflag:$0x3], $0x80, s22, s20, $0xb8;
	[tilespmem:$0x1FA00] =	vst v63  }
0x82: {  	_ =	swait.ge [sflag:s18], $0x4000  }
0x83: {  	[sflag:s18] =	ssyncset.done $0x0  }
0x84: {  	[sflag:s18] =	ssyncadd.s32 $0xFFFFC000  }
0x85: {  	[tilespmem:s20], [sflag:$0x3] =	stream.linear.gather [hbm4b:s11+s3], $0x80, $0x38;
	[tilespmem:$0x1FA00] =	vst v63  }
0x86: {  	_ =	swait.ge [sflag:s18], $0x80  }
0x87: {  	[sflag:s18] =	ssyncset.done $0x0  }
0x88: {  	[sflag:s18] =	ssyncadd.s32 $0xFFFFFF80  }
0x89: {  	[tilespmem:s22], [sflag:$0x3] =	stream.linear.gather [hbm4b:s12+s3], $0x80, $0x38;
	[tilespmem:$0x1FA00] =	vst v63  }
0x8a: {  	_ =	swait.ge [sflag:s18], $0x80  }
0x8b: {  	[sflag:s18] =	ssyncset.done $0x0  }
0x8c: {  	[sflag:s18] =	ssyncadd.s32 $0xFFFFFF80  }
0x8d: {  	[tilespmem:s23], [sflag:$0x2] =	stream.indirect.gather [hbm4b:s4+s20], $0x80, s20, s20, $0xb8;
	[tilespmem:$0x1FA00] =	vst v63  }
0x8e: {  	_ =	swait.ge [sflag:s24], $0x4000  }
0x8f: {  	[sflag:s24] =	ssyncset.done $0x0  }
0x90: {  	[sflag:s24] =	ssyncadd.s32 $0xFFFFC000  }
0x91: {  	[spmem:s2] =	stream.indirect.scatter.add.f32 [tilespmem:s21], [sflag:$0x3], $0x80, s19, s20, $0xb8;
	[tilespmem:$0x1FA00] =	vst v63  }
0x92: {  	_ =	swait.ge [sflag:s18], $0x4000  }
0x93: {  	[sflag:s18] =	ssyncset.done $0x0  }
0x94: {  	[sflag:s18] =	ssyncadd.s32 $0xFFFFC000  }
0x95: {  	_ =	swait.ge [sflag:s25], $0x4000  }
0x96: {  	[sflag:s25] =	ssyncset.done $0x0  }
0x97: {  	[sflag:s25] =	ssyncadd.s32 $0xFFFFC000  }
0x98: {  	[spmem:s2] =	stream.indirect.scatter.add.f32 [tilespmem:s23], [sflag:$0x3], $0x80, s22, s20, $0xb8;
	[tilespmem:$0x1FA00] =	vst v63  }
0x99: {  	_ =	swait.ge [sflag:s18], $0x4000  }
0x9a: {  	s26 =	sadd.s32 $0x1, s26;
	[sflag:s18] =	ssyncset.done $0x0  }
0x9b: {  	p0 =	sne.s32 s26, s10;
	[sflag:s18] =	ssyncadd.s32 $0xFFFFC000  }
.Ltmp1:
0x9c: {  	[bflag:$0x0] =	sbarrier.arrive $0xFFFF;
	(pc) =	sbr.rel @p0 .LBB2_1-.Ltmp1, $4  }
0x9d: {  	[hbm:s9], [sflag:s6] =	dma.local [spmem:s17], $0x2F00  }
0x9e: {  	_ =	swait.ge [sflag:s18], $0x2F00  }
0x9f: {  	[sflag:s18] =	ssyncset.done $0x0  }
0xa0: {  	[sflag:s18] =	ssyncadd.s32 $0xFFFFD100  }
0xa1: {  	_ =	sfence.sel $0x180000  }
0xa2: {  	[bflag:$0x0] =	sbarrier.arrive $0xFFFF  }
0xa3: {  	_ =	strace $0x90000047  }
0xa4: {  	[bflag:$0x2] =	sbarrier.arrive $0xFFFF  }
0xa5: {  	p0 =	sne.s32 s1, $0x0;
	s0 =	rddreg [dreg:$0x3]  }
0xa6: {  	s0 =	sadd.s32 @!p0 $0x100000, s0  }
0xa7: {  	[sflag:s0] =	ssyncadd.tile.s32 @!p0 $0x1;
	_ =	shalt  }
.Lfunc_end2:
_tile_overlayer_lowered:
.L_overlay_start_2:
0xa8: {  	(tag) =	ssettag $0x2  }
0xa9: {  	s0 =	rddreg [dreg:$0x0];
	s2 =	stileid.u32  }
0xaa: {  	s1 =	rddreg [dreg:$0x1];
	p0 =	sne.s32 s2, $0x0  }
0xab: {  	s3 =	rddreg [dreg:$0x2];
	[bflag:$0x3] =	sbarrier.arrive $0xFFFF;
	s2 =	simm.s32 @!p0 $0x1C03  }
0xac: {  	[timem:s3], [sflag:s2] =	dma.local @!p0 [hbm:s0], s1  }
0xad: {  	s0 =	simm.s32 @!p0 $0x3  }
0xae: {  	_ =	swait.ge @!p0 [sflag:s0], s1  }
0xaf: {  	s1 =	ssub.s32 @!p0 $0x0, s1;
	[sflag:s0] =	ssyncset.done @!p0 $0x0  }
0xb0: {  	[sflag:s0] =	ssyncadd.s32 @!p0 s1  }
0xb1: {  	[bflag:$0x3] =	sbarrier.arrive $0xFFFF  }
0xb2: {  	_ =	shalt  }

</sc_bundles>
